<compile_context>
chip_gen: v7x
topology: tpu7x:2x2x1
jax: 0.10.2.dev20260603
libtpu: 0.0.44.dev20260713+nightly
codegen_flags: <defaults>
</compile_context>

<pallas_src>
import functools

import jax
import jax.numpy as jnp
from jax import lax
from jax.experimental import pallas as pl
from jax.experimental.pallas import tpu as pltpu
import jax.experimental.pallas.tpu_sc as plsc

N_NODES = 10000
N_PAD = 10240
E_EDGES = 320000
D_IN = 128
HC = 128
NB = 1000
NBP = 1024
GRID1 = 10

NW = 32
EPW = E_EDGES // NW
KCH = 400
NCH = EPW // KCH
ROWS_PER_TILE = N_NODES // 16
ZROWS = 25


def _tc_prepass(xs_blk, xst_blk, xtt_blk, wpad, asp, adp, h_out, att_out):
    h = jnp.dot(xs_blk[...], wpad[...], preferred_element_type=jnp.float32)
    col = lax.broadcasted_iota(jnp.int32, (NB, HC), 1)
    h_out[...] = jnp.where((col == 50) | (col == 114), 1.0, h)
    att_out[...] = (
        jnp.dot(asp[...], xst_blk[...], preferred_element_type=jnp.float32)
        + jnp.dot(adp[...], xtt_blk[...], preferred_element_type=jnp.float32)
    )


def _sc_att_kernel(edge_hbm, distt_hbm, att_hbm, ae_hbm, ex_hbm,
                   tab_s0, tab_s1, tab_d0, tab_d1, aev,
                   src_v, dst_v, dist0, dist1, dist2, dist3,
                   ex0_v, ex1_v):
    cid = lax.axis_index("c")
    sid = lax.axis_index("s")
    wid = sid * 2 + cid
    ebase = wid * EPW

    pltpu.sync_copy(att_hbm.at[pl.ds(0 * N_PAD, N_NODES)], tab_s0)
    pltpu.sync_copy(att_hbm.at[pl.ds(1 * N_PAD, N_NODES)], tab_s1)
    pltpu.sync_copy(att_hbm.at[pl.ds(2 * N_PAD, N_NODES)], tab_d0)
    pltpu.sync_copy(att_hbm.at[pl.ds(3 * N_PAD, N_NODES)], tab_d1)
    pltpu.sync_copy(ae_hbm, aev)

    aevv = aev[...]
    a00 = aevv[0]
    a10 = aevv[1]
    a20 = aevv[2]
    a30 = aevv[3]
    a01 = aevv[4]
    a11 = aevv[5]
    a21 = aevv[6]
    a31 = aevv[7]

    def chunk_body(t):
        base = ebase + t * KCH
        pltpu.sync_copy(edge_hbm.at[pl.ds(base, KCH)], src_v)
        pltpu.sync_copy(edge_hbm.at[pl.ds(E_EDGES + base, KCH)], dst_v)
        pltpu.sync_copy(distt_hbm.at[pl.ds(0 * E_EDGES + base, KCH)], dist0)
        pltpu.sync_copy(distt_hbm.at[pl.ds(1 * E_EDGES + base, KCH)], dist1)
        pltpu.sync_copy(distt_hbm.at[pl.ds(2 * E_EDGES + base, KCH)], dist2)
        pltpu.sync_copy(distt_hbm.at[pl.ds(3 * E_EDGES + base, KCH)], dist3)

        for g in range(KCH // 16):
            sl = pl.ds(g * 16, 16)
            isrc = src_v[sl]
            idst = dst_v[sl]
            as0 = plsc.load_gather(tab_s0, [isrc])
            as1 = plsc.load_gather(tab_s1, [isrc])
            ad0 = plsc.load_gather(tab_d0, [idst])
            ad1 = plsc.load_gather(tab_d1, [idst])
            d0 = dist0[sl]
            d1 = dist1[sl]
            d2 = dist2[sl]
            d3 = dist3[sl]
            al0 = as0 + ad0 + (d0 * a00 + d1 * a10 + d2 * a20 + d3 * a30)
            al1 = as1 + ad1 + (d0 * a01 + d1 * a11 + d2 * a21 + d3 * a31)
            al0 = jnp.where(al0 >= 0.0, al0, 0.2 * al0)
            al1 = jnp.where(al1 >= 0.0, al1, 0.2 * al1)
            ex0_v[sl] = jnp.exp(al0)
            ex1_v[sl] = jnp.exp(al1)

        pltpu.sync_copy(ex0_v, ex_hbm.at[pl.ds(base, KCH)])
        pltpu.sync_copy(ex1_v, ex_hbm.at[pl.ds(E_EDGES + base, KCH)])

    pl.loop(0, NCH)(chunk_body)


KB = 80
SSE = 2000
NMICRO = SSE // KB
NSS = EPW // SSE


def _sc_agg_kernel(edge_hbm, ex_hbm, hsrc_hbm, out_hbm, snap_hbm,
                   agg_sh, src_sb, ex0_sb, ex1_sb, dst_mc, rows_v, sem):
    cid = lax.axis_index("c")
    sid = lax.axis_index("s")
    wid = sid * 2 + cid
    ebase = wid * EPW

    zrow = jnp.zeros((16,), jnp.float32)

    def zero_fill(i):
        for j in range(8):
            rows_v[i, pl.ds(j * 16, 16)] = zrow

    pl.loop(0, KB)(zero_fill)

    rbase = sid * 624

    def zero_agg(i):
        pltpu.sync_copy(rows_v, agg_sh.at[pl.ds(rbase + i * KB, KB)])

    pl.loop(0, 640 // KB)(zero_agg)

    plsc.subcore_barrier()

    def super_chunk(s):
        sbase = ebase + s * SSE
        pltpu.sync_copy(edge_hbm.at[pl.ds(sbase, SSE)], src_sb)
        pltpu.sync_copy(ex_hbm.at[pl.ds(sbase, SSE)], ex0_sb)
        pltpu.sync_copy(ex_hbm.at[pl.ds(E_EDGES + sbase, SSE)], ex1_sb)

        def micro(j):
            pltpu.sync_copy(edge_hbm.at[pl.ds(E_EDGES + sbase + j * KB, KB)],
                            dst_mc)
            pltpu.async_copy(
                hsrc_hbm.at[src_sb.at[pl.ds(j * KB, KB)]], rows_v, sem
            ).wait()

            def scale_group(g):
                off = j * KB + g * 16
                ex0vec = ex0_sb[pl.ds(off, 16)]
                ex1vec = ex1_sb[pl.ds(off, 16)]
                for l in range(16):
                    e = g * 16 + l
                    e0 = ex0vec[l]
                    e1 = ex1vec[l]
                    for q in range(4):
                        sl = pl.ds(q * 16, 16)
                        rows_v[e, sl] = rows_v[e, sl] * e0
                    for q in range(4, 8):
                        sl = pl.ds(q * 16, 16)
                        rows_v[e, sl] = rows_v[e, sl] * e1

            pl.loop(0, KB // 16)(scale_group)

            @pl.when((wid == 0) & (s == 0) & (j == 0))
            def _():
                pltpu.sync_copy(rows_v, snap_hbm)

            pltpu.async_copy(rows_v, agg_sh.at[dst_mc], sem,
                             add=True).wait()

        pl.loop(0, NMICRO)(micro)

    pl.loop(0, NSS)(super_chunk)

    plsc.subcore_barrier()

    def dump(i):
        r0 = rbase + i * KB
        pltpu.sync_copy(agg_sh.at[pl.ds(r0, KB)], rows_v)
        pltpu.sync_copy(rows_v, out_hbm.at[pl.ds(cid * N_NODES + r0, KB)])

    pl.loop(0, 640 // KB)(dump)


def kernel(x_s, x_t, edge_index, distances, x_s_batch, x_t_batch,
           W_src, W_dst, att_src, att_dst, W_edge, att_edge, b_conv,
           W_fc, b_fc):
    f32 = jnp.float32
    wpad = jnp.zeros((D_IN, HC), f32)
    wpad = wpad.at[:, 0:50].set(W_src[:, 0:50])
    wpad = wpad.at[:, 64:114].set(W_src[:, 50:100])
    a_src_w = jnp.einsum("dhc,hc->dh", W_src.reshape(D_IN, 2, 50), att_src)
    a_dst_w = jnp.einsum("dhc,hc->dh", W_dst.reshape(D_IN, 2, 50), att_dst)
    asp = jnp.zeros((8, D_IN), f32).at[0:2, :].set(a_src_w.T)
    adp = jnp.zeros((8, D_IN), f32).at[2:4, :].set(a_dst_w.T)
    a_e_w = jnp.einsum("dhc,hc->dh", W_edge.reshape(4, 2, 50), att_edge)
    ae_vec = jnp.zeros((16,), f32).at[0:4].set(a_e_w[:, 0]).at[4:8].set(a_e_w[:, 1])
    bcp = jnp.zeros((1, HC), f32)
    bcp = bcp.at[0, 0:50].set(b_conv[0:50]).at[0, 64:114].set(b_conv[50:100])
    wfcp = jnp.zeros((HC, 1), f32)
    wfcp = wfcp.at[0:50, 0].set(W_fc[0:50, 0]).at[64:114, 0].set(W_fc[50:100, 0])

    xst = jnp.pad(x_s.T, ((0, 0), (0, N_PAD - N_NODES)))
    xtt = jnp.pad(x_t.T, ((0, 0), (0, N_PAD - N_NODES)))

    h_src_pad, att_nodes = pl.pallas_call(
        _tc_prepass,
        grid=(GRID1,),
        in_specs=[
            pl.BlockSpec((NB, D_IN), lambda i: (i, 0)),
            pl.BlockSpec((D_IN, NBP), lambda i: (0, i)),
            pl.BlockSpec((D_IN, NBP), lambda i: (0, i)),
            pl.BlockSpec((D_IN, HC), lambda i: (0, 0)),
            pl.BlockSpec((8, D_IN), lambda i: (0, 0)),
            pl.BlockSpec((8, D_IN), lambda i: (0, 0)),
        ],
        out_specs=[
            pl.BlockSpec((NB, HC), lambda i: (i, 0)),
            pl.BlockSpec((8, NBP), lambda i: (0, i)),
        ],
        out_shape=[
            jax.ShapeDtypeStruct((N_NODES, HC), f32),
            jax.ShapeDtypeStruct((8, N_PAD), f32),
        ],
    )(x_s, xst, xtt, wpad, asp, adp)

    edge_flat = jnp.concatenate([edge_index[0], edge_index[1]])
    distt_flat = jnp.concatenate([distances[:, 0], distances[:, 1],
                                  distances[:, 2], distances[:, 3]])

    mesh = plsc.VectorSubcoreMesh(core_axis_name="c", subcore_axis_name="s")
    scp = pltpu.CompilerParams(needs_layout_passes=False)
    exflat = pl.kernel(
        _sc_att_kernel,
        out_type=jax.ShapeDtypeStruct((2 * E_EDGES,), f32),
        mesh=mesh,
        compiler_params=scp,
        scratch_types=[
            pltpu.VMEM((N_NODES,), f32),
            pltpu.VMEM((N_NODES,), f32),
            pltpu.VMEM((N_NODES,), f32),
            pltpu.VMEM((N_NODES,), f32),
            pltpu.VMEM((16,), f32),
            pltpu.VMEM((KCH,), jnp.int32),
            pltpu.VMEM((KCH,), jnp.int32),
            pltpu.VMEM((KCH,), f32),
            pltpu.VMEM((KCH,), f32),
            pltpu.VMEM((KCH,), f32),
            pltpu.VMEM((KCH,), f32),
            pltpu.VMEM((KCH,), f32),
            pltpu.VMEM((KCH,), f32),
        ],
    )(edge_flat, distt_flat, att_nodes.reshape(-1), ae_vec)

    aggs = pl.kernel(
        _sc_agg_kernel,
        out_type=[jax.ShapeDtypeStruct((2 * N_NODES, HC), f32),
                  jax.ShapeDtypeStruct((KB, HC), f32)],
        mesh=mesh,
        scratch_types=[
            pltpu.VMEM_SHARED((N_NODES, HC), f32),
            pltpu.VMEM((SSE,), jnp.int32),
            pltpu.VMEM((SSE,), f32),
            pltpu.VMEM((SSE,), f32),
            pltpu.VMEM((KB,), jnp.int32),
            pltpu.VMEM((KB, HC), f32),
            pltpu.SemaphoreType.DMA,
        ],
    )(edge_flat, exflat, h_src_pad)
    agg = aggs[0]

    s = agg[:N_NODES] + agg[N_NODES:]
    d0 = s[:, 50:51] + 1e-16
    d1 = s[:, 114:115] + 1e-16
    col = lax.broadcasted_iota(jnp.int32, (1, HC), 1)
    div = jnp.where(col < 64, d0, d1)
    x = jnp.maximum(s / div + bcp, 0.0)
    oh = (x_s_batch[:, None] == jnp.arange(64, dtype=x_s_batch.dtype)[None, :]
          ).astype(f32)
    pooled = jnp.einsum("nb,nc->bc", oh, x,
                        preferred_element_type=f32)
    cnts = jnp.maximum(oh.sum(axis=0)[:, None], 1.0)
    y = (pooled / cnts) @ wfcp[:, 0]
    return y + b_fc[0]


kernel.__name__ = "kernel_gat_sc_r9"
kernel.__qualname__ = "kernel_gat_sc_r9"

# --- scband reference (transcript-rebuilt; emitter-appended) ---
"""Pipeline reference for scband-gatmodel-51908974739987 (READ-ONLY COPY).

The authoritative reference and input builder live on the scoring server;
editing this copy changes nothing except your own understanding.
"""

import jax, jax.numpy as jnp
import numpy as np

N_S = 10000
N_T = 10000
E = 320000
D = 128
H = 2
C = 50
B = 64
DE = 4


def setup_inputs(seed: int = 0) -> dict:
    key = jax.random.key(seed)
    ks = jax.random.split(key, 16)
    x_s = jax.random.normal(ks[0], (N_S, D), dtype=jnp.float32)
    x_t = jax.random.normal(ks[1], (N_T, D), dtype=jnp.float32)
    edge_index = jax.random.randint(ks[2], (2, E), 0, N_S, dtype=jnp.int32)
    distances = jax.random.uniform(ks[3], (E, DE), dtype=jnp.float32)
    x_s_batch = jnp.sort(jax.random.randint(ks[4], (N_S,), 0, B, dtype=jnp.int32))
    x_t_batch = jnp.sort(jax.random.randint(ks[5], (N_T,), 0, B, dtype=jnp.int32))
    # GATConv parameters (in=128, out=50, heads=2, edge_dim=4)
    W_src = jax.random.normal(ks[6], (D, H * C), dtype=jnp.float32) / np.sqrt(D)
    W_dst = jax.random.normal(ks[7], (D, H * C), dtype=jnp.float32) / np.sqrt(D)
    att_src = jax.random.normal(ks[8], (H, C), dtype=jnp.float32) / np.sqrt(C)
    att_dst = jax.random.normal(ks[9], (H, C), dtype=jnp.float32) / np.sqrt(C)
    W_edge = jax.random.normal(ks[10], (DE, H * C), dtype=jnp.float32) / np.sqrt(DE)
    att_edge = jax.random.normal(ks[11], (H, C), dtype=jnp.float32) / np.sqrt(C)
    b_conv = jnp.zeros((H * C,), dtype=jnp.float32)
    W_fc = jax.random.normal(ks[12], (H * C, 1), dtype=jnp.float32) / np.sqrt(H * C)
    b_fc = jnp.zeros((1,), dtype=jnp.float32)
    return {"x_s": x_s, "x_t": x_t, "edge_index": edge_index, "distances": distances,
            "x_s_batch": x_s_batch, "x_t_batch": x_t_batch,
            "W_src": W_src, "W_dst": W_dst, "att_src": att_src, "att_dst": att_dst,
            "W_edge": W_edge, "att_edge": att_edge, "b_conv": b_conv,
            "W_fc": W_fc, "b_fc": b_fc}


def reference(x_s, x_t, edge_index, distances, x_s_batch, x_t_batch,
              W_src, W_dst, att_src, att_dst, W_edge, att_edge, b_conv, W_fc, b_fc):
    src = edge_index[0]
    dst = edge_index[1]
    # bipartite GATConv: linear projections
    h_src = (x_s @ W_src).reshape(N_S, H, C)
    h_dst = (x_t @ W_dst).reshape(N_T, H, C)
    a_src = jnp.sum(h_src * att_src[None, :, :], axis=-1)  # [N_S, H]
    a_dst = jnp.sum(h_dst * att_dst[None, :, :], axis=-1)  # [N_T, H]
    h_e = (distances @ W_edge).reshape(E, H, C)
    a_e = jnp.sum(h_e * att_edge[None, :, :], axis=-1)     # [E, H]
    # per-edge attention logits (gather on SparseCore)
    alpha = a_src[src] + a_dst[dst] + a_e                  # [E, H]
    alpha = jax.nn.leaky_relu(alpha, negative_slope=0.2)
    # segment softmax over incoming edges of each dst node
    amax = jax.ops.segment_max(alpha, dst, num_segments=N_T)
    amax = jnp.where(jnp.isfinite(amax), amax, 0.0)
    ex = jnp.exp(alpha - amax[dst])
    denom = jax.ops.segment_sum(ex, dst, num_segments=N_T)
    coef = ex / (denom[dst] + 1e-16)                       # [E, H]
    # weighted message aggregation (scatter-add)
    msgs = h_src[src] * coef[:, :, None]                   # [E, H, C]
    agg = jax.ops.segment_sum(msgs, dst, num_segments=N_T)  # [N_T, H, C]
    x_new_t = agg.reshape(N_T, H * C) + b_conv             # concat heads + bias
    x = jax.nn.relu(x_new_t)
    # global_mean_pool(x, x_s_batch) as in original code (N_S == N_T)
    sums = jax.ops.segment_sum(x, x_s_batch, num_segments=B)
    cnts = jax.ops.segment_sum(jnp.ones((N_S, 1), dtype=x.dtype), x_s_batch, num_segments=B)
    pooled = sums / jnp.clip(cnts, 1.0)                    # [B, H*C]
    y = pooled @ W_fc + b_fc                               # [B, 1]
    return jnp.squeeze(y)

if __name__ == "__main__":
    import jax
    _d = setup_inputs()
    print(jax.jit(kernel)(*tuple(_d.values())))

</pallas_src>

<mosaic_0001>
#map = affine_map<(d0, d1) -> (0)>
module attributes {stable_mosaic.version = 14 : i64} {
  func.func @_sc_att_kernel(%arg0: i32, %arg1: i32, %arg2: memref<640000xi32, #tpu.memory_space<hbm>>, %arg3: memref<1280000xf32, #tpu.memory_space<hbm>>, %arg4: memref<81920xf32, #tpu.memory_space<hbm>>, %arg5: memref<16xf32, #tpu.memory_space<hbm>>, %arg6: memref<640000xf32, #tpu.memory_space<hbm>>, %arg7: memref<10000xf32, #tpu.memory_space<vmem>>, %arg8: memref<10000xf32, #tpu.memory_space<vmem>>, %arg9: memref<10000xf32, #tpu.memory_space<vmem>>, %arg10: memref<10000xf32, #tpu.memory_space<vmem>>, %arg11: memref<16xf32, #tpu.memory_space<vmem>>, %arg12: memref<400xi32, #tpu.memory_space<vmem>>, %arg13: memref<400xi32, #tpu.memory_space<vmem>>, %arg14: memref<400xf32, #tpu.memory_space<vmem>>, %arg15: memref<400xf32, #tpu.memory_space<vmem>>, %arg16: memref<400xf32, #tpu.memory_space<vmem>>, %arg17: memref<400xf32, #tpu.memory_space<vmem>>, %arg18: memref<400xf32, #tpu.memory_space<vmem>>, %arg19: memref<400xf32, #tpu.memory_space<vmem>>) attributes {dimension_semantics = [#tpu.dimension_semantics<core_parallel>, #tpu.dimension_semantics<subcore_parallel>], iteration_bounds = array<i64: 2, 16>, scalar_prefetch = 0 : i64, scratch_operands = 13 : i64, tpu.core_type = #tpu.core_type<sc_vector_subcore>, window_params = [{transform_indices = #map}, {transform_indices = #map}, {transform_indices = #map}, {transform_indices = #map}, {transform_indices = #map}]} {
    %mul3A = arith.constant 2 : i32
    %mul3A_0 = arith.muli %arg1, %mul3A : i32
    %add3A = arith.addi %mul3A_0, %arg0 : i32
    %mul3A_1 = arith.constant 10000 : i32
    %mul3A_2 = arith.muli %add3A, %mul3A_1 : i32
    "tpu.region"() ({
      %run_scoped3A = tpu.sem_alloc : memref<!tpu.dma_semaphore, #tpu.memory_space<semaphore_mem>>
      %dma_start3A = arith.constant 0 : i32
      %dma_start3A_22 = tpu.memref_slice %arg4[%dma_start3A] : memref<81920xf32, #tpu.memory_space<hbm>> -> memref<10000xf32, #tpu.memory_space<hbm>>
      %dma_start3A_23 = arith.constant 0 : i32
      %dma_start3A_24 = tpu.memref_slice %arg4[%dma_start3A_23] : memref<81920xf32, #tpu.memory_space<hbm>> -> memref<10000xf32, #tpu.memory_space<hbm>>
      tpu.enqueue_dma source(%dma_start3A_24 : memref<10000xf32, #tpu.memory_space<hbm>>) target(%arg7 : memref<10000xf32, #tpu.memory_space<vmem>>) target_semaphore(%run_scoped3A : memref<!tpu.dma_semaphore, #tpu.memory_space<semaphore_mem>>)
      %dma_wait3A = arith.constant 0 : i32
      %dma_wait3A_25 = tpu.memref_slice %arg4[%dma_wait3A] : memref<81920xf32, #tpu.memory_space<hbm>> -> memref<10000xf32, #tpu.memory_space<hbm>>
      %dma_wait3A_26 = arith.constant 0 : i32
      %dma_wait3A_27 = tpu.memref_slice %arg4[%dma_wait3A_26] : memref<81920xf32, #tpu.memory_space<hbm>> -> memref<10000xf32, #tpu.memory_space<hbm>>
      tpu.wait_dma2 semaphore(%run_scoped3A : memref<!tpu.dma_semaphore, #tpu.memory_space<semaphore_mem>>) src(%dma_wait3A_27 : memref<10000xf32, #tpu.memory_space<hbm>>) dst(%arg7 : memref<10000xf32, #tpu.memory_space<vmem>>)
      tpu.yield
    }) : () -> ()
    "tpu.region"() ({
      %run_scoped3A = tpu.sem_alloc : memref<!tpu.dma_semaphore, #tpu.memory_space<semaphore_mem>>
      %dma_start3A = arith.constant 10240 : i32
      %dma_start3A_22 = tpu.memref_slice %arg4[%dma_start3A] : memref<81920xf32, #tpu.memory_space<hbm>> -> memref<10000xf32, #tpu.memory_space<hbm>>
      %dma_start3A_23 = arith.constant 10240 : i32
      %dma_start3A_24 = tpu.memref_slice %arg4[%dma_start3A_23] : memref<81920xf32, #tpu.memory_space<hbm>> -> memref<10000xf32, #tpu.memory_space<hbm>>
      tpu.enqueue_dma source(%dma_start3A_24 : memref<10000xf32, #tpu.memory_space<hbm>>) target(%arg8 : memref<10000xf32, #tpu.memory_space<vmem>>) target_semaphore(%run_scoped3A : memref<!tpu.dma_semaphore, #tpu.memory_space<semaphore_mem>>)
      %dma_wait3A = arith.constant 10240 : i32
      %dma_wait3A_25 = tpu.memref_slice %arg4[%dma_wait3A] : memref<81920xf32, #tpu.memory_space<hbm>> -> memref<10000xf32, #tpu.memory_space<hbm>>
      %dma_wait3A_26 = arith.constant 10240 : i32
      %dma_wait3A_27 = tpu.memref_slice %arg4[%dma_wait3A_26] : memref<81920xf32, #tpu.memory_space<hbm>> -> memref<10000xf32, #tpu.memory_space<hbm>>
      tpu.wait_dma2 semaphore(%run_scoped3A : memref<!tpu.dma_semaphore, #tpu.memory_space<semaphore_mem>>) src(%dma_wait3A_27 : memref<10000xf32, #tpu.memory_space<hbm>>) dst(%arg8 : memref<10000xf32, #tpu.memory_space<vmem>>)
      tpu.yield
    }) : () -> ()
    "tpu.region"() ({
      %run_scoped3A = tpu.sem_alloc : memref<!tpu.dma_semaphore, #tpu.memory_space<semaphore_mem>>
      %dma_start3A = arith.constant 20480 : i32
      %dma_start3A_22 = tpu.memref_slice %arg4[%dma_start3A] : memref<81920xf32, #tpu.memory_space<hbm>> -> memref<10000xf32, #tpu.memory_space<hbm>>
      %dma_start3A_23 = arith.constant 20480 : i32
      %dma_start3A_24 = tpu.memref_slice %arg4[%dma_start3A_23] : memref<81920xf32, #tpu.memory_space<hbm>> -> memref<10000xf32, #tpu.memory_space<hbm>>
      tpu.enqueue_dma source(%dma_start3A_24 : memref<10000xf32, #tpu.memory_space<hbm>>) target(%arg9 : memref<10000xf32, #tpu.memory_space<vmem>>) target_semaphore(%run_scoped3A : memref<!tpu.dma_semaphore, #tpu.memory_space<semaphore_mem>>)
      %dma_wait3A = arith.constant 20480 : i32
      %dma_wait3A_25 = tpu.memref_slice %arg4[%dma_wait3A] : memref<81920xf32, #tpu.memory_space<hbm>> -> memref<10000xf32, #tpu.memory_space<hbm>>
      %dma_wait3A_26 = arith.constant 20480 : i32
      %dma_wait3A_27 = tpu.memref_slice %arg4[%dma_wait3A_26] : memref<81920xf32, #tpu.memory_space<hbm>> -> memref<10000xf32, #tpu.memory_space<hbm>>
      tpu.wait_dma2 semaphore(%run_scoped3A : memref<!tpu.dma_semaphore, #tpu.memory_space<semaphore_mem>>) src(%dma_wait3A_27 : memref<10000xf32, #tpu.memory_space<hbm>>) dst(%arg9 : memref<10000xf32, #tpu.memory_space<vmem>>)
      tpu.yield
    }) : () -> ()
    "tpu.region"() ({
      %run_scoped3A = tpu.sem_alloc : memref<!tpu.dma_semaphore, #tpu.memory_space<semaphore_mem>>
      %dma_start3A = arith.constant 30720 : i32
      %dma_start3A_22 = tpu.memref_slice %arg4[%dma_start3A] : memref<81920xf32, #tpu.memory_space<hbm>> -> memref<10000xf32, #tpu.memory_space<hbm>>
      %dma_start3A_23 = arith.constant 30720 : i32
      %dma_start3A_24 = tpu.memref_slice %arg4[%dma_start3A_23] : memref<81920xf32, #tpu.memory_space<hbm>> -> memref<10000xf32, #tpu.memory_space<hbm>>
      tpu.enqueue_dma source(%dma_start3A_24 : memref<10000xf32, #tpu.memory_space<hbm>>) target(%arg10 : memref<10000xf32, #tpu.memory_space<vmem>>) target_semaphore(%run_scoped3A : memref<!tpu.dma_semaphore, #tpu.memory_space<semaphore_mem>>)
      %dma_wait3A = arith.constant 30720 : i32
      %dma_wait3A_25 = tpu.memref_slice %arg4[%dma_wait3A] : memref<81920xf32, #tpu.memory_space<hbm>> -> memref<10000xf32, #tpu.memory_space<hbm>>
      %dma_wait3A_26 = arith.constant 30720 : i32
      %dma_wait3A_27 = tpu.memref_slice %arg4[%dma_wait3A_26] : memref<81920xf32, #tpu.memory_space<hbm>> -> memref<10000xf32, #tpu.memory_space<hbm>>
      tpu.wait_dma2 semaphore(%run_scoped3A : memref<!tpu.dma_semaphore, #tpu.memory_space<semaphore_mem>>) src(%dma_wait3A_27 : memref<10000xf32, #tpu.memory_space<hbm>>) dst(%arg10 : memref<10000xf32, #tpu.memory_space<vmem>>)
      tpu.yield
    }) : () -> ()
    "tpu.region"() ({
      %run_scoped3A = tpu.sem_alloc : memref<!tpu.dma_semaphore, #tpu.memory_space<semaphore_mem>>
      tpu.enqueue_dma source(%arg5 : memref<16xf32, #tpu.memory_space<hbm>>) target(%arg11 : memref<16xf32, #tpu.memory_space<vmem>>) target_semaphore(%run_scoped3A : memref<!tpu.dma_semaphore, #tpu.memory_space<semaphore_mem>>)
      tpu.wait_dma2 semaphore(%run_scoped3A : memref<!tpu.dma_semaphore, #tpu.memory_space<semaphore_mem>>) src(%arg5 : memref<16xf32, #tpu.memory_space<hbm>>) dst(%arg11 : memref<16xf32, #tpu.memory_space<vmem>>)
      tpu.yield
    }) : () -> ()
    %get3A = arith.constant 0 : index
    %get3A_3 = tpu.vector_load %arg11[%get3A] {strides = array<i32>} : memref<16xf32, #tpu.memory_space<vmem>>, vector<16xf32>,
    %slice3A = vector.extract_strided_slice %get3A_3 {offsets = [0], sizes = [1], strides = [1]} : vector<16xf32> to vector<1xf32>
    %squeeze3A = vector.extract %slice3A[0] : f32 from vector<1xf32>
    %slice3A_4 = vector.extract_strided_slice %get3A_3 {offsets = [1], sizes = [1], strides = [1]} : vector<16xf32> to vector<1xf32>
    %squeeze3A_5 = vector.extract %slice3A_4[0] : f32 from vector<1xf32>
    %slice3A_6 = vector.extract_strided_slice %get3A_3 {offsets = [2], sizes = [1], strides = [1]} : vector<16xf32> to vector<1xf32>
    %squeeze3A_7 = vector.extract %slice3A_6[0] : f32 from vector<1xf32>
    %slice3A_8 = vector.extract_strided_slice %get3A_3 {offsets = [3], sizes = [1], strides = [1]} : vector<16xf32> to vector<1xf32>
    %squeeze3A_9 = vector.extract %slice3A_8[0] : f32 from vector<1xf32>
    %slice3A_10 = vector.extract_strided_slice %get3A_3 {offsets = [4], sizes = [1], strides = [1]} : vector<16xf32> to vector<1xf32>
    %squeeze3A_11 = vector.extract %slice3A_10[0] : f32 from vector<1xf32>
    %slice3A_12 = vector.extract_strided_slice %get3A_3 {offsets = [5], sizes = [1], strides = [1]} : vector<16xf32> to vector<1xf32>
    %squeeze3A_13 = vector.extract %slice3A_12[0] : f32 from vector<1xf32>
    %slice3A_14 = vector.extract_strided_slice %get3A_3 {offsets = [6], sizes = [1], strides = [1]} : vector<16xf32> to vector<1xf32>
    %squeeze3A_15 = vector.extract %slice3A_14[0] : f32 from vector<1xf32>
    %slice3A_16 = vector.extract_strided_slice %get3A_3 {offsets = [7], sizes = [1], strides = [1]} : vector<16xf32> to vector<1xf32>
    %squeeze3A_17 = vector.extract %slice3A_16[0] : f32 from vector<1xf32>
    %scan3A = arith.constant 0 : i32
    %scan3A_18 = arith.constant 25 : i32
    %scan3A_19 = arith.addi %scan3A, %scan3A_18 : i32
    %scan3A_20 = arith.constant 1 : i32
    scf.for %scan3A_22 = %scan3A to %scan3A_19 step %scan3A_20  : i32 {
      %mul3A_23 = arith.constant 1 : i32
      %mul3A_24 = arith.muli %scan3A_22, %mul3A_23 : i32
      %add3A_25 = arith.constant 0 : i32
      %add3A_26 = arith.addi %add3A_25, %mul3A_24 : i32
      %mul3A_27 = arith.constant 400 : i32
      %mul3A_28 = arith.muli %add3A_26, %mul3A_27 : i32
      %add3A_29 = arith.addi %mul3A_2, %mul3A_28 : i32
      "tpu.region"() ({
        %run_scoped3A = tpu.sem_alloc : memref<!tpu.dma_semaphore, #tpu.memory_space<semaphore_mem>>
        %dma_start3A = tpu.memref_slice %arg2[%add3A_29] : memref<640000xi32, #tpu.memory_space<hbm>> -> memref<400xi32, #tpu.memory_space<hbm>>
        %dma_start3A_1587 = tpu.memref_slice %arg2[%add3A_29] : memref<640000xi32, #tpu.memory_space<hbm>> -> memref<400xi32, #tpu.memory_space<hbm>>
        tpu.enqueue_dma source(%dma_start3A_1587 : memref<400xi32, #tpu.memory_space<hbm>>) target(%arg12 : memref<400xi32, #tpu.memory_space<vmem>>) target_semaphore(%run_scoped3A : memref<!tpu.dma_semaphore, #tpu.memory_space<semaphore_mem>>)
        %dma_wait3A = tpu.memref_slice %arg2[%add3A_29] : memref<640000xi32, #tpu.memory_space<hbm>> -> memref<400xi32, #tpu.memory_space<hbm>>
        %dma_wait3A_1588 = tpu.memref_slice %arg2[%add3A_29] : memref<640000xi32, #tpu.memory_space<hbm>> -> memref<400xi32, #tpu.memory_space<hbm>>
        tpu.wait_dma2 semaphore(%run_scoped3A : memref<!tpu.dma_semaphore, #tpu.memory_space<semaphore_mem>>) src(%dma_wait3A_1588 : memref<400xi32, #tpu.memory_space<hbm>>) dst(%arg12 : memref<400xi32, #tpu.memory_space<vmem>>)
        tpu.yield
      }) : () -> ()
      %add3A_30 = arith.constant 320000 : i32
      %add3A_31 = arith.addi %add3A_30, %add3A_29 : i32
      "tpu.region"() ({
        %run_scoped3A = tpu.sem_alloc : memref<!tpu.dma_semaphore, #tpu.memory_space<semaphore_mem>>
        %dma_start3A = tpu.memref_slice %arg2[%add3A_31] : memref<640000xi32, #tpu.memory_space<hbm>> -> memref<400xi32, #tpu.memory_space<hbm>>
        %dma_start3A_1587 = tpu.memref_slice %arg2[%add3A_31] : memref<640000xi32, #tpu.memory_space<hbm>> -> memref<400xi32, #tpu.memory_space<hbm>>
        tpu.enqueue_dma source(%dma_start3A_1587 : memref<400xi32, #tpu.memory_space<hbm>>) target(%arg13 : memref<400xi32, #tpu.memory_space<vmem>>) target_semaphore(%run_scoped3A : memref<!tpu.dma_semaphore, #tpu.memory_space<semaphore_mem>>)
        %dma_wait3A = tpu.memref_slice %arg2[%add3A_31] : memref<640000xi32, #tpu.memory_space<hbm>> -> memref<400xi32, #tpu.memory_space<hbm>>
        %dma_wait3A_1588 = tpu.memref_slice %arg2[%add3A_31] : memref<640000xi32, #tpu.memory_space<hbm>> -> memref<400xi32, #tpu.memory_space<hbm>>
        tpu.wait_dma2 semaphore(%run_scoped3A : memref<!tpu.dma_semaphore, #tpu.memory_space<semaphore_mem>>) src(%dma_wait3A_1588 : memref<400xi32, #tpu.memory_space<hbm>>) dst(%arg13 : memref<400xi32, #tpu.memory_space<vmem>>)
        tpu.yield
      }) : () -> ()
      %add3A_32 = arith.constant 0 : i32
      %add3A_33 = arith.addi %add3A_32, %add3A_29 : i32
      "tpu.region"() ({
        %run_scoped3A = tpu.sem_alloc : memref<!tpu.dma_semaphore, #tpu.memory_space<semaphore_mem>>
        %dma_start3A = tpu.memref_slice %arg3[%add3A_33] : memref<1280000xf32, #tpu.memory_space<hbm>> -> memref<400xf32, #tpu.memory_space<hbm>>
        %dma_start3A_1587 = tpu.memref_slice %arg3[%add3A_33] : memref<1280000xf32, #tpu.memory_space<hbm>> -> memref<400xf32, #tpu.memory_space<hbm>>
        tpu.enqueue_dma source(%dma_start3A_1587 : memref<400xf32, #tpu.memory_space<hbm>>) target(%arg14 : memref<400xf32, #tpu.memory_space<vmem>>) target_semaphore(%run_scoped3A : memref<!tpu.dma_semaphore, #tpu.memory_space<semaphore_mem>>)
        %dma_wait3A = tpu.memref_slice %arg3[%add3A_33] : memref<1280000xf32, #tpu.memory_space<hbm>> -> memref<400xf32, #tpu.memory_space<hbm>>
        %dma_wait3A_1588 = tpu.memref_slice %arg3[%add3A_33] : memref<1280000xf32, #tpu.memory_space<hbm>> -> memref<400xf32, #tpu.memory_space<hbm>>
        tpu.wait_dma2 semaphore(%run_scoped3A : memref<!tpu.dma_semaphore, #tpu.memory_space<semaphore_mem>>) src(%dma_wait3A_1588 : memref<400xf32, #tpu.memory_space<hbm>>) dst(%arg14 : memref<400xf32, #tpu.memory_space<vmem>>)
        tpu.yield
      }) : () -> ()
      %add3A_34 = arith.constant 320000 : i32
      %add3A_35 = arith.addi %add3A_34, %add3A_29 : i32
      "tpu.region"() ({
        %run_scoped3A = tpu.sem_alloc : memref<!tpu.dma_semaphore, #tpu.memory_space<semaphore_mem>>
        %dma_start3A = tpu.memref_slice %arg3[%add3A_35] : memref<1280000xf32, #tpu.memory_space<hbm>> -> memref<400xf32, #tpu.memory_space<hbm>>
        %dma_start3A_1587 = tpu.memref_slice %arg3[%add3A_35] : memref<1280000xf32, #tpu.memory_space<hbm>> -> memref<400xf32, #tpu.memory_space<hbm>>
        tpu.enqueue_dma source(%dma_start3A_1587 : memref<400xf32, #tpu.memory_space<hbm>>) target(%arg15 : memref<400xf32, #tpu.memory_space<vmem>>) target_semaphore(%run_scoped3A : memref<!tpu.dma_semaphore, #tpu.memory_space<semaphore_mem>>)
        %dma_wait3A = tpu.memref_slice %arg3[%add3A_35] : memref<1280000xf32, #tpu.memory_space<hbm>> -> memref<400xf32, #tpu.memory_space<hbm>>
        %dma_wait3A_1588 = tpu.memref_slice %arg3[%add3A_35] : memref<1280000xf32, #tpu.memory_space<hbm>> -> memref<400xf32, #tpu.memory_space<hbm>>
        tpu.wait_dma2 semaphore(%run_scoped3A : memref<!tpu.dma_semaphore, #tpu.memory_space<semaphore_mem>>) src(%dma_wait3A_1588 : memref<400xf32, #tpu.memory_space<hbm>>) dst(%arg15 : memref<400xf32, #tpu.memory_space<vmem>>)
        tpu.yield
      }) : () -> ()
      %add3A_36 = arith.constant 640000 : i32
      %add3A_37 = arith.addi %add3A_36, %add3A_29 : i32
      "tpu.region"() ({
        %run_scoped3A = tpu.sem_alloc : memref<!tpu.dma_semaphore, #tpu.memory_space<semaphore_mem>>
        %dma_start3A = tpu.memref_slice %arg3[%add3A_37] : memref<1280000xf32, #tpu.memory_space<hbm>> -> memref<400xf32, #tpu.memory_space<hbm>>
        %dma_start3A_1587 = tpu.memref_slice %arg3[%add3A_37] : memref<1280000xf32, #tpu.memory_space<hbm>> -> memref<400xf32, #tpu.memory_space<hbm>>
        tpu.enqueue_dma source(%dma_start3A_1587 : memref<400xf32, #tpu.memory_space<hbm>>) target(%arg16 : memref<400xf32, #tpu.memory_space<vmem>>) target_semaphore(%run_scoped3A : memref<!tpu.dma_semaphore, #tpu.memory_space<semaphore_mem>>)
        %dma_wait3A = tpu.memref_slice %arg3[%add3A_37] : memref<1280000xf32, #tpu.memory_space<hbm>> -> memref<400xf32, #tpu.memory_space<hbm>>
        %dma_wait3A_1588 = tpu.memref_slice %arg3[%add3A_37] : memref<1280000xf32, #tpu.memory_space<hbm>> -> memref<400xf32, #tpu.memory_space<hbm>>
        tpu.wait_dma2 semaphore(%run_scoped3A : memref<!tpu.dma_semaphore, #tpu.memory_space<semaphore_mem>>) src(%dma_wait3A_1588 : memref<400xf32, #tpu.memory_space<hbm>>) dst(%arg16 : memref<400xf32, #tpu.memory_space<vmem>>)
        tpu.yield
      }) : () -> ()
      %add3A_38 = arith.constant 960000 : i32
      %add3A_39 = arith.addi %add3A_38, %add3A_29 : i32
      "tpu.region"() ({
        %run_scoped3A = tpu.sem_alloc : memref<!tpu.dma_semaphore, #tpu.memory_space<semaphore_mem>>
        %dma_start3A = tpu.memref_slice %arg3[%add3A_39] : memref<1280000xf32, #tpu.memory_space<hbm>> -> memref<400xf32, #tpu.memory_space<hbm>>
        %dma_start3A_1587 = tpu.memref_slice %arg3[%add3A_39] : memref<1280000xf32, #tpu.memory_space<hbm>> -> memref<400xf32, #tpu.memory_space<hbm>>
        tpu.enqueue_dma source(%dma_start3A_1587 : memref<400xf32, #tpu.memory_space<hbm>>) target(%arg17 : memref<400xf32, #tpu.memory_space<vmem>>) target_semaphore(%run_scoped3A : memref<!tpu.dma_semaphore, #tpu.memory_space<semaphore_mem>>)
        %dma_wait3A = tpu.memref_slice %arg3[%add3A_39] : memref<1280000xf32, #tpu.memory_space<hbm>> -> memref<400xf32, #tpu.memory_space<hbm>>
        %dma_wait3A_1588 = tpu.memref_slice %arg3[%add3A_39] : memref<1280000xf32, #tpu.memory_space<hbm>> -> memref<400xf32, #tpu.memory_space<hbm>>
        tpu.wait_dma2 semaphore(%run_scoped3A : memref<!tpu.dma_semaphore, #tpu.memory_space<semaphore_mem>>) src(%dma_wait3A_1588 : memref<400xf32, #tpu.memory_space<hbm>>) dst(%arg17 : memref<400xf32, #tpu.memory_space<vmem>>)
        tpu.yield
      }) : () -> ()
      %get3A_40 = arith.constant 0 : index
      %get3A_41 = tpu.vector_load %arg12[%get3A_40] {strides = array<i32>} : memref<400xi32, #tpu.memory_space<vmem>>, vector<16xi32>,
      %get3A_42 = arith.constant 0 : index
      %get3A_43 = tpu.vector_load %arg13[%get3A_42] {strides = array<i32>} : memref<400xi32, #tpu.memory_space<vmem>>, vector<16xi32>,
      %gather3A = tpu.vector_load_idx %arg7[%get3A_41] : memref<10000xf32, #tpu.memory_space<vmem>>[vector<16xi32>], vector<16xf32>,
      %gather3A_44 = tpu.vector_load_idx %arg8[%get3A_41] : memref<10000xf32, #tpu.memory_space<vmem>>[vector<16xi32>], vector<16xf32>,
      %gather3A_45 = tpu.vector_load_idx %arg9[%get3A_43] : memref<10000xf32, #tpu.memory_space<vmem>>[vector<16xi32>], vector<16xf32>,
      %gather3A_46 = tpu.vector_load_idx %arg10[%get3A_43] : memref<10000xf32, #tpu.memory_space<vmem>>[vector<16xi32>], vector<16xf32>,
      %get3A_47 = arith.constant 0 : index
      %get3A_48 = tpu.vector_load %arg14[%get3A_47] {strides = array<i32>} : memref<400xf32, #tpu.memory_space<vmem>>, vector<16xf32>,
      %get3A_49 = arith.constant 0 : index
      %get3A_50 = tpu.vector_load %arg15[%get3A_49] {strides = array<i32>} : memref<400xf32, #tpu.memory_space<vmem>>, vector<16xf32>,
      %get3A_51 = arith.constant 0 : index
      %get3A_52 = tpu.vector_load %arg16[%get3A_51] {strides = array<i32>} : memref<400xf32, #tpu.memory_space<vmem>>, vector<16xf32>,
      %get3A_53 = arith.constant 0 : index
      %get3A_54 = tpu.vector_load %arg17[%get3A_53] {strides = array<i32>} : memref<400xf32, #tpu.memory_space<vmem>>, vector<16xf32>,
      %add3A_55 = arith.addf %gather3A, %gather3A_45 : vector<16xf32>
      %mul3A_56 = vector.broadcast %squeeze3A : f32 to vector<16xf32>
      %mul3A_57 = arith.mulf %get3A_48, %mul3A_56 : vector<16xf32>
      %mul3A_58 = vector.broadcast %squeeze3A_5 : f32 to vector<16xf32>
      %mul3A_59 = arith.mulf %get3A_50, %mul3A_58 : vector<16xf32>
      %add3A_60 = arith.addf %mul3A_57, %mul3A_59 : vector<16xf32>
      %mul3A_61 = vector.broadcast %squeeze3A_7 : f32 to vector<16xf32>
      %mul3A_62 = arith.mulf %get3A_52, %mul3A_61 : vector<16xf32>
      %add3A_63 = arith.addf %add3A_60, %mul3A_62 : vector<16xf32>
      %mul3A_64 = vector.broadcast %squeeze3A_9 : f32 to vector<16xf32>
      %mul3A_65 = arith.mulf %get3A_54, %mul3A_64 : vector<16xf32>
      %add3A_66 = arith.addf %add3A_63, %mul3A_65 : vector<16xf32>
      %add3A_67 = arith.addf %add3A_55, %add3A_66 : vector<16xf32>
      %add3A_68 = arith.addf %gather3A_44, %gather3A_46 : vector<16xf32>
      %mul3A_69 = vector.broadcast %squeeze3A_11 : f32 to vector<16xf32>
      %mul3A_70 = arith.mulf %get3A_48, %mul3A_69 : vector<16xf32>
      %mul3A_71 = vector.broadcast %squeeze3A_13 : f32 to vector<16xf32>
      %mul3A_72 = arith.mulf %get3A_50, %mul3A_71 : vector<16xf32>
      %add3A_73 = arith.addf %mul3A_70, %mul3A_72 : vector<16xf32>
      %mul3A_74 = vector.broadcast %squeeze3A_15 : f32 to vector<16xf32>
      %mul3A_75 = arith.mulf %get3A_52, %mul3A_74 : vector<16xf32>
      %add3A_76 = arith.addf %add3A_73, %mul3A_75 : vector<16xf32>
      %mul3A_77 = vector.broadcast %squeeze3A_17 : f32 to vector<16xf32>
      %mul3A_78 = arith.mulf %get3A_54, %mul3A_77 : vector<16xf32>
      %add3A_79 = arith.addf %add3A_76, %mul3A_78 : vector<16xf32>
      %add3A_80 = arith.addf %add3A_68, %add3A_79 : vector<16xf32>
      %ge3A = arith.constant 0.000000e+00 : f32
      %ge3A_81 = vector.broadcast %ge3A : f32 to vector<16xf32>
      %ge3A_82 = arith.cmpf oge, %add3A_67, %ge3A_81 : vector<16xf32>
      %mul3A_83 = arith.constant 2.000000e-01 : f32
      %mul3A_84 = vector.broadcast %mul3A_83 : f32 to vector<16xf32>
      %mul3A_85 = arith.mulf %mul3A_84, %add3A_67 : vector<16xf32>
      %select_n3A = arith.select %ge3A_82, %add3A_67, %mul3A_85 : vector<16xi1>, vector<16xf32>
      %ge3A_86 = arith.constant 0.000000e+00 : f32
      %ge3A_87 = vector.broadcast %ge3A_86 : f32 to vector<16xf32>
      %ge3A_88 = arith.cmpf oge, %add3A_80, %ge3A_87 : vector<16xf32>
      %mul3A_89 = arith.constant 2.000000e-01 : f32
      %mul3A_90 = vector.broadcast %mul3A_89 : f32 to vector<16xf32>
      %mul3A_91 = arith.mulf %mul3A_90, %add3A_80 : vector<16xf32>
      %select_n3A_92 = arith.select %ge3A_88, %add3A_80, %mul3A_91 : vector<16xi1>, vector<16xf32>
      %exp3A = math.exp %select_n3A : vector<16xf32>
      %swap3A = arith.constant 0 : index
      %swap3A_93 = tpu.vector_load %arg18[%swap3A] {strides = array<i32>} : memref<400xf32, #tpu.memory_space<vmem>>, vector<16xf32>,
      tpu.vector_store %arg18[%swap3A], %exp3A {strides = array<i32>} : memref<400xf32, #tpu.memory_space<vmem>>, vector<16xf32>,
      %exp3A_94 = math.exp %select_n3A_92 : vector<16xf32>
      %swap3A_95 = arith.constant 0 : index
      %swap3A_96 = tpu.vector_load %arg19[%swap3A_95] {strides = array<i32>} : memref<400xf32, #tpu.memory_space<vmem>>, vector<16xf32>,
      tpu.vector_store %arg19[%swap3A_95], %exp3A_94 {strides = array<i32>} : memref<400xf32, #tpu.memory_space<vmem>>, vector<16xf32>,
      %get3A_97 = arith.constant 16 : index
      %get3A_98 = tpu.vector_load %arg12[%get3A_97] {strides = array<i32>} : memref<400xi32, #tpu.memory_space<vmem>>, vector<16xi32>,
      %get3A_99 = arith.constant 16 : index
      %get3A_100 = tpu.vector_load %arg13[%get3A_99] {strides = array<i32>} : memref<400xi32, #tpu.memory_space<vmem>>, vector<16xi32>,
      %gather3A_101 = tpu.vector_load_idx %arg7[%get3A_98] : memref<10000xf32, #tpu.memory_space<vmem>>[vector<16xi32>], vector<16xf32>,
      %gather3A_102 = tpu.vector_load_idx %arg8[%get3A_98] : memref<10000xf32, #tpu.memory_space<vmem>>[vector<16xi32>], vector<16xf32>,
      %gather3A_103 = tpu.vector_load_idx %arg9[%get3A_100] : memref<10000xf32, #tpu.memory_space<vmem>>[vector<16xi32>], vector<16xf32>,
      %gather3A_104 = tpu.vector_load_idx %arg10[%get3A_100] : memref<10000xf32, #tpu.memory_space<vmem>>[vector<16xi32>], vector<16xf32>,
      %get3A_105 = arith.constant 16 : index
      %get3A_106 = tpu.vector_load %arg14[%get3A_105] {strides = array<i32>} : memref<400xf32, #tpu.memory_space<vmem>>, vector<16xf32>,
      %get3A_107 = arith.constant 16 : index
      %get3A_108 = tpu.vector_load %arg15[%get3A_107] {strides = array<i32>} : memref<400xf32, #tpu.memory_space<vmem>>, vector<16xf32>,
      %get3A_109 = arith.constant 16 : index
      %get3A_110 = tpu.vector_load %arg16[%get3A_109] {strides = array<i32>} : memref<400xf32, #tpu.memory_space<vmem>>, vector<16xf32>,
      %get3A_111 = arith.constant 16 : index
      %get3A_112 = tpu.vector_load %arg17[%get3A_111] {strides = array<i32>} : memref<400xf32, #tpu.memory_space<vmem>>, vector<16xf32>,
      %add3A_113 = arith.addf %gather3A_101, %gather3A_103 : vector<16xf32>
      %mul3A_114 = vector.broadcast %squeeze3A : f32 to vector<16xf32>
      %mul3A_115 = arith.mulf %get3A_106, %mul3A_114 : vector<16xf32>
      %mul3A_116 = vector.broadcast %squeeze3A_5 : f32 to vector<16xf32>
      %mul3A_117 = arith.mulf %get3A_108, %mul3A_116 : vector<16xf32>
      %add3A_118 = arith.addf %mul3A_115, %mul3A_117 : vector<16xf32>
      %mul3A_119 = vector.broadcast %squeeze3A_7 : f32 to vector<16xf32>
      %mul3A_120 = arith.mulf %get3A_110, %mul3A_119 : vector<16xf32>
      %add3A_121 = arith.addf %add3A_118, %mul3A_120 : vector<16xf32>
      %mul3A_122 = vector.broadcast %squeeze3A_9 : f32 to vector<16xf32>
      %mul3A_123 = arith.mulf %get3A_112, %mul3A_122 : vector<16xf32>
      %add3A_124 = arith.addf %add3A_121, %mul3A_123 : vector<16xf32>
      %add3A_125 = arith.addf %add3A_113, %add3A_124 : vector<16xf32>
      %add3A_126 = arith.addf %gather3A_102, %gather3A_104 : vector<16xf32>
      %mul3A_127 = vector.broadcast %squeeze3A_11 : f32 to vector<16xf32>
      %mul3A_128 = arith.mulf %get3A_106, %mul3A_127 : vector<16xf32>
      %mul3A_129 = vector.broadcast %squeeze3A_13 : f32 to vector<16xf32>
      %mul3A_130 = arith.mulf %get3A_108, %mul3A_129 : vector<16xf32>
      %add3A_131 = arith.addf %mul3A_128, %mul3A_130 : vector<16xf32>
      %mul3A_132 = vector.broadcast %squeeze3A_15 : f32 to vector<16xf32>
      %mul3A_133 = arith.mulf %get3A_110, %mul3A_132 : vector<16xf32>
      %add3A_134 = arith.addf %add3A_131, %mul3A_133 : vector<16xf32>
      %mul3A_135 = vector.broadcast %squeeze3A_17 : f32 to vector<16xf32>
      %mul3A_136 = arith.mulf %get3A_112, %mul3A_135 : vector<16xf32>
      %add3A_137 = arith.addf %add3A_134, %mul3A_136 : vector<16xf32>
      %add3A_138 = arith.addf %add3A_126, %add3A_137 : vector<16xf32>
      %ge3A_139 = arith.constant 0.000000e+00 : f32
      %ge3A_140 = vector.broadcast %ge3A_139 : f32 to vector<16xf32>
      %ge3A_141 = arith.cmpf oge, %add3A_125, %ge3A_140 : vector<16xf32>
      %mul3A_142 = arith.constant 2.000000e-01 : f32
      %mul3A_143 = vector.broadcast %mul3A_142 : f32 to vector<16xf32>
      %mul3A_144 = arith.mulf %mul3A_143, %add3A_125 : vector<16xf32>
      %select_n3A_145 = arith.select %ge3A_141, %add3A_125, %mul3A_144 : vector<16xi1>, vector<16xf32>
      %ge3A_146 = arith.constant 0.000000e+00 : f32
      %ge3A_147 = vector.broadcast %ge3A_146 : f32 to vector<16xf32>
      %ge3A_148 = arith.cmpf oge, %add3A_138, %ge3A_147 : vector<16xf32>
      %mul3A_149 = arith.constant 2.000000e-01 : f32
      %mul3A_150 = vector.broadcast %mul3A_149 : f32 to vector<16xf32>
      %mul3A_151 = arith.mulf %mul3A_150, %add3A_138 : vector<16xf32>
      %select_n3A_152 = arith.select %ge3A_148, %add3A_138, %mul3A_151 : vector<16xi1>, vector<16xf32>
      %exp3A_153 = math.exp %select_n3A_145 : vector<16xf32>
      %swap3A_154 = arith.constant 16 : index
      %swap3A_155 = tpu.vector_load %arg18[%swap3A_154] {strides = array<i32>} : memref<400xf32, #tpu.memory_space<vmem>>, vector<16xf32>,
      tpu.vector_store %arg18[%swap3A_154], %exp3A_153 {strides = array<i32>} : memref<400xf32, #tpu.memory_space<vmem>>, vector<16xf32>,
      %exp3A_156 = math.exp %select_n3A_152 : vector<16xf32>
      %swap3A_157 = arith.constant 16 : index
      %swap3A_158 = tpu.vector_load %arg19[%swap3A_157] {strides = array<i32>} : memref<400xf32, #tpu.memory_space<vmem>>, vector<16xf32>,
      tpu.vector_store %arg19[%swap3A_157], %exp3A_156 {strides = array<i32>} : memref<400xf32, #tpu.memory_space<vmem>>, vector<16xf32>,
      %get3A_159 = arith.constant 32 : index
      %get3A_160 = tpu.vector_load %arg12[%get3A_159] {strides = array<i32>} : memref<400xi32, #tpu.memory_space<vmem>>, vector<16xi32>,
      %get3A_161 = arith.constant 32 : index
      %get3A_162 = tpu.vector_load %arg13[%get3A_161] {strides = array<i32>} : memref<400xi32, #tpu.memory_space<vmem>>, vector<16xi32>,
      %gather3A_163 = tpu.vector_load_idx %arg7[%get3A_160] : memref<10000xf32, #tpu.memory_space<vmem>>[vector<16xi32>], vector<16xf32>,
      %gather3A_164 = tpu.vector_load_idx %arg8[%get3A_160] : memref<10000xf32, #tpu.memory_space<vmem>>[vector<16xi32>], vector<16xf32>,
      %gather3A_165 = tpu.vector_load_idx %arg9[%get3A_162] : memref<10000xf32, #tpu.memory_space<vmem>>[vector<16xi32>], vector<16xf32>,
      %gather3A_166 = tpu.vector_load_idx %arg10[%get3A_162] : memref<10000xf32, #tpu.memory_space<vmem>>[vector<16xi32>], vector<16xf32>,
      %get3A_167 = arith.constant 32 : index
      %get3A_168 = tpu.vector_load %arg14[%get3A_167] {strides = array<i32>} : memref<400xf32, #tpu.memory_space<vmem>>, vector<16xf32>,
      %get3A_169 = arith.constant 32 : index
      %get3A_170 = tpu.vector_load %arg15[%get3A_169] {strides = array<i32>} : memref<400xf32, #tpu.memory_space<vmem>>, vector<16xf32>,
      %get3A_171 = arith.constant 32 : index
      %get3A_172 = tpu.vector_load %arg16[%get3A_171] {strides = array<i32>} : memref<400xf32, #tpu.memory_space<vmem>>, vector<16xf32>,
      %get3A_173 = arith.constant 32 : index
      %get3A_174 = tpu.vector_load %arg17[%get3A_173] {strides = array<i32>} : memref<400xf32, #tpu.memory_space<vmem>>, vector<16xf32>,
      %add3A_175 = arith.addf %gather3A_163, %gather3A_165 : vector<16xf32>
      %mul3A_176 = vector.broadcast %squeeze3A : f32 to vector<16xf32>
      %mul3A_177 = arith.mulf %get3A_168, %mul3A_176 : vector<16xf32>
      %mul3A_178 = vector.broadcast %squeeze3A_5 : f32 to vector<16xf32>
      %mul3A_179 = arith.mulf %get3A_170, %mul3A_178 : vector<16xf32>
      %add3A_180 = arith.addf %mul3A_177, %mul3A_179 : vector<16xf32>
      %mul3A_181 = vector.broadcast %squeeze3A_7 : f32 to vector<16xf32>
      %mul3A_182 = arith.mulf %get3A_172, %mul3A_181 : vector<16xf32>
      %add3A_183 = arith.addf %add3A_180, %mul3A_182 : vector<16xf32>
      %mul3A_184 = vector.broadcast %squeeze3A_9 : f32 to vector<16xf32>
      %mul3A_185 = arith.mulf %get3A_174, %mul3A_184 : vector<16xf32>
      %add3A_186 = arith.addf %add3A_183, %mul3A_185 : vector<16xf32>
      %add3A_187 = arith.addf %add3A_175, %add3A_186 : vector<16xf32>
      %add3A_188 = arith.addf %gather3A_164, %gather3A_166 : vector<16xf32>
      %mul3A_189 = vector.broadcast %squeeze3A_11 : f32 to vector<16xf32>
      %mul3A_190 = arith.mulf %get3A_168, %mul3A_189 : vector<16xf32>
      %mul3A_191 = vector.broadcast %squeeze3A_13 : f32 to vector<16xf32>
      %mul3A_192 = arith.mulf %get3A_170, %mul3A_191 : vector<16xf32>
      %add3A_193 = arith.addf %mul3A_190, %mul3A_192 : vector<16xf32>
      %mul3A_194 = vector.broadcast %squeeze3A_15 : f32 to vector<16xf32>
      %mul3A_195 = arith.mulf %get3A_172, %mul3A_194 : vector<16xf32>
      %add3A_196 = arith.addf %add3A_193, %mul3A_195 : vector<16xf32>
      %mul3A_197 = vector.broadcast %squeeze3A_17 : f32 to vector<16xf32>
      %mul3A_198 = arith.mulf %get3A_174, %mul3A_197 : vector<16xf32>
      %add3A_199 = arith.addf %add3A_196, %mul3A_198 : vector<16xf32>
      %add3A_200 = arith.addf %add3A_188, %add3A_199 : vector<16xf32>
      %ge3A_201 = arith.constant 0.000000e+00 : f32
      %ge3A_202 = vector.broadcast %ge3A_201 : f32 to vector<16xf32>
      %ge3A_203 = arith.cmpf oge, %add3A_187, %ge3A_202 : vector<16xf32>
      %mul3A_204 = arith.constant 2.000000e-01 : f32
      %mul3A_205 = vector.broadcast %mul3A_204 : f32 to vector<16xf32>
      %mul3A_206 = arith.mulf %mul3A_205, %add3A_187 : vector<16xf32>
      %select_n3A_207 = arith.select %ge3A_203, %add3A_187, %mul3A_206 : vector<16xi1>, vector<16xf32>
      %ge3A_208 = arith.constant 0.000000e+00 : f32
      %ge3A_209 = vector.broadcast %ge3A_208 : f32 to vector<16xf32>
      %ge3A_210 = arith.cmpf oge, %add3A_200, %ge3A_209 : vector<16xf32>
      %mul3A_211 = arith.constant 2.000000e-01 : f32
      %mul3A_212 = vector.broadcast %mul3A_211 : f32 to vector<16xf32>
      %mul3A_213 = arith.mulf %mul3A_212, %add3A_200 : vector<16xf32>
      %select_n3A_214 = arith.select %ge3A_210, %add3A_200, %mul3A_213 : vector<16xi1>, vector<16xf32>
      %exp3A_215 = math.exp %select_n3A_207 : vector<16xf32>
      %swap3A_216 = arith.constant 32 : index
      %swap3A_217 = tpu.vector_load %arg18[%swap3A_216] {strides = array<i32>} : memref<400xf32, #tpu.memory_space<vmem>>, vector<16xf32>,
      tpu.vector_store %arg18[%swap3A_216], %exp3A_215 {strides = array<i32>} : memref<400xf32, #tpu.memory_space<vmem>>, vector<16xf32>,
      %exp3A_218 = math.exp %select_n3A_214 : vector<16xf32>
      %swap3A_219 = arith.constant 32 : index
      %swap3A_220 = tpu.vector_load %arg19[%swap3A_219] {strides = array<i32>} : memref<400xf32, #tpu.memory_space<vmem>>, vector<16xf32>,
      tpu.vector_store %arg19[%swap3A_219], %exp3A_218 {strides = array<i32>} : memref<400xf32, #tpu.memory_space<vmem>>, vector<16xf32>,
      %get3A_221 = arith.constant 48 : index
      %get3A_222 = tpu.vector_load %arg12[%get3A_221] {strides = array<i32>} : memref<400xi32, #tpu.memory_space<vmem>>, vector<16xi32>,
      %get3A_223 = arith.constant 48 : index
      %get3A_224 = tpu.vector_load %arg13[%get3A_223] {strides = array<i32>} : memref<400xi32, #tpu.memory_space<vmem>>, vector<16xi32>,
      %gather3A_225 = tpu.vector_load_idx %arg7[%get3A_222] : memref<10000xf32, #tpu.memory_space<vmem>>[vector<16xi32>], vector<16xf32>,
      %gather3A_226 = tpu.vector_load_idx %arg8[%get3A_222] : memref<10000xf32, #tpu.memory_space<vmem>>[vector<16xi32>], vector<16xf32>,
      %gather3A_227 = tpu.vector_load_idx %arg9[%get3A_224] : memref<10000xf32, #tpu.memory_space<vmem>>[vector<16xi32>], vector<16xf32>,
      %gather3A_228 = tpu.vector_load_idx %arg10[%get3A_224] : memref<10000xf32, #tpu.memory_space<vmem>>[vector<16xi32>], vector<16xf32>,
      %get3A_229 = arith.constant 48 : index
      %get3A_230 = tpu.vector_load %arg14[%get3A_229] {strides = array<i32>} : memref<400xf32, #tpu.memory_space<vmem>>, vector<16xf32>,
      %get3A_231 = arith.constant 48 : index
      %get3A_232 = tpu.vector_load %arg15[%get3A_231] {strides = array<i32>} : memref<400xf32, #tpu.memory_space<vmem>>, vector<16xf32>,
      %get3A_233 = arith.constant 48 : index
      %get3A_234 = tpu.vector_load %arg16[%get3A_233] {strides = array<i32>} : memref<400xf32, #tpu.memory_space<vmem>>, vector<16xf32>,
      %get3A_235 = arith.constant 48 : index
      %get3A_236 = tpu.vector_load %arg17[%get3A_235] {strides = array<i32>} : memref<400xf32, #tpu.memory_space<vmem>>, vector<16xf32>,
      %add3A_237 = arith.addf %gather3A_225, %gather3A_227 : vector<16xf32>
      %mul3A_238 = vector.broadcast %squeeze3A : f32 to vector<16xf32>
      %mul3A_239 = arith.mulf %get3A_230, %mul3A_238 : vector<16xf32>
      %mul3A_240 = vector.broadcast %squeeze3A_5 : f32 to vector<16xf32>
      %mul3A_241 = arith.mulf %get3A_232, %mul3A_240 : vector<16xf32>
      %add3A_242 = arith.addf %mul3A_239, %mul3A_241 : vector<16xf32>
      %mul3A_243 = vector.broadcast %squeeze3A_7 : f32 to vector<16xf32>
      %mul3A_244 = arith.mulf %get3A_234, %mul3A_243 : vector<16xf32>
      %add3A_245 = arith.addf %add3A_242, %mul3A_244 : vector<16xf32>
      %mul3A_246 = vector.broadcast %squeeze3A_9 : f32 to vector<16xf32>
      %mul3A_247 = arith.mulf %get3A_236, %mul3A_246 : vector<16xf32>
      %add3A_248 = arith.addf %add3A_245, %mul3A_247 : vector<16xf32>
      %add3A_249 = arith.addf %add3A_237, %add3A_248 : vector<16xf32>
      %add3A_250 = arith.addf %gather3A_226, %gather3A_228 : vector<16xf32>
      %mul3A_251 = vector.broadcast %squeeze3A_11 : f32 to vector<16xf32>
      %mul3A_252 = arith.mulf %get3A_230, %mul3A_251 : vector<16xf32>
      %mul3A_253 = vector.broadcast %squeeze3A_13 : f32 to vector<16xf32>
      %mul3A_254 = arith.mulf %get3A_232, %mul3A_253 : vector<16xf32>
      %add3A_255 = arith.addf %mul3A_252, %mul3A_254 : vector<16xf32>
      %mul3A_256 = vector.broadcast %squeeze3A_15 : f32 to vector<16xf32>
      %mul3A_257 = arith.mulf %get3A_234, %mul3A_256 : vector<16xf32>
      %add3A_258 = arith.addf %add3A_255, %mul3A_257 : vector<16xf32>
      %mul3A_259 = vector.broadcast %squeeze3A_17 : f32 to vector<16xf32>
      %mul3A_260 = arith.mulf %get3A_236, %mul3A_259 : vector<16xf32>
      %add3A_261 = arith.addf %add3A_258, %mul3A_260 : vector<16xf32>
      %add3A_262 = arith.addf %add3A_250, %add3A_261 : vector<16xf32>
      %ge3A_263 = arith.constant 0.000000e+00 : f32
      %ge3A_264 = vector.broadcast %ge3A_263 : f32 to vector<16xf32>
      %ge3A_265 = arith.cmpf oge, %add3A_249, %ge3A_264 : vector<16xf32>
      %mul3A_266 = arith.constant 2.000000e-01 : f32
      %mul3A_267 = vector.broadcast %mul3A_266 : f32 to vector<16xf32>
      %mul3A_268 = arith.mulf %mul3A_267, %add3A_249 : vector<16xf32>
      %select_n3A_269 = arith.select %ge3A_265, %add3A_249, %mul3A_268 : vector<16xi1>, vector<16xf32>
      %ge3A_270 = arith.constant 0.000000e+00 : f32
      %ge3A_271 = vector.broadcast %ge3A_270 : f32 to vector<16xf32>
      %ge3A_272 = arith.cmpf oge, %add3A_262, %ge3A_271 : vector<16xf32>
      %mul3A_273 = arith.constant 2.000000e-01 : f32
      %mul3A_274 = vector.broadcast %mul3A_273 : f32 to vector<16xf32>
      %mul3A_275 = arith.mulf %mul3A_274, %add3A_262 : vector<16xf32>
      %select_n3A_276 = arith.select %ge3A_272, %add3A_262, %mul3A_275 : vector<16xi1>, vector<16xf32>
      %exp3A_277 = math.exp %select_n3A_269 : vector<16xf32>
      %swap3A_278 = arith.constant 48 : index
      %swap3A_279 = tpu.vector_load %arg18[%swap3A_278] {strides = array<i32>} : memref<400xf32, #tpu.memory_space<vmem>>, vector<16xf32>,
      tpu.vector_store %arg18[%swap3A_278], %exp3A_277 {strides = array<i32>} : memref<400xf32, #tpu.memory_space<vmem>>, vector<16xf32>,
      %exp3A_280 = math.exp %select_n3A_276 : vector<16xf32>
      %swap3A_281 = arith.constant 48 : index
      %swap3A_282 = tpu.vector_load %arg19[%swap3A_281] {strides = array<i32>} : memref<400xf32, #tpu.memory_space<vmem>>, vector<16xf32>,
      tpu.vector_store %arg19[%swap3A_281], %exp3A_280 {strides = array<i32>} : memref<400xf32, #tpu.memory_space<vmem>>, vector<16xf32>,
      %get3A_283 = arith.constant 64 : index
      %get3A_284 = tpu.vector_load %arg12[%get3A_283] {strides = array<i32>} : memref<400xi32, #tpu.memory_space<vmem>>, vector<16xi32>,
      %get3A_285 = arith.constant 64 : index
      %get3A_286 = tpu.vector_load %arg13[%get3A_285] {strides = array<i32>} : memref<400xi32, #tpu.memory_space<vmem>>, vector<16xi32>,
      %gather3A_287 = tpu.vector_load_idx %arg7[%get3A_284] : memref<10000xf32, #tpu.memory_space<vmem>>[vector<16xi32>], vector<16xf32>,
      %gather3A_288 = tpu.vector_load_idx %arg8[%get3A_284] : memref<10000xf32, #tpu.memory_space<vmem>>[vector<16xi32>], vector<16xf32>,
      %gather3A_289 = tpu.vector_load_idx %arg9[%get3A_286] : memref<10000xf32, #tpu.memory_space<vmem>>[vector<16xi32>], vector<16xf32>,
      %gather3A_290 = tpu.vector_load_idx %arg10[%get3A_286] : memref<10000xf32, #tpu.memory_space<vmem>>[vector<16xi32>], vector<16xf32>,
      %get3A_291 = arith.constant 64 : index
      %get3A_292 = tpu.vector_load %arg14[%get3A_291] {strides = array<i32>} : memref<400xf32, #tpu.memory_space<vmem>>, vector<16xf32>,
      %get3A_293 = arith.constant 64 : index
      %get3A_294 = tpu.vector_load %arg15[%get3A_293] {strides = array<i32>} : memref<400xf32, #tpu.memory_space<vmem>>, vector<16xf32>,
      %get3A_295 = arith.constant 64 : index
      %get3A_296 = tpu.vector_load %arg16[%get3A_295] {strides = array<i32>} : memref<400xf32, #tpu.memory_space<vmem>>, vector<16xf32>,
      %get3A_297 = arith.constant 64 : index
      %get3A_298 = tpu.vector_load %arg17[%get3A_297] {strides = array<i32>} : memref<400xf32, #tpu.memory_space<vmem>>, vector<16xf32>,
      %add3A_299 = arith.addf %gather3A_287, %gather3A_289 : vector<16xf32>
      %mul3A_300 = vector.broadcast %squeeze3A : f32 to vector<16xf32>
      %mul3A_301 = arith.mulf %get3A_292, %mul3A_300 : vector<16xf32>
      %mul3A_302 = vector.broadcast %squeeze3A_5 : f32 to vector<16xf32>
      %mul3A_303 = arith.mulf %get3A_294, %mul3A_302 : vector<16xf32>
      %add3A_304 = arith.addf %mul3A_301, %mul3A_303 : vector<16xf32>
      %mul3A_305 = vector.broadcast %squeeze3A_7 : f32 to vector<16xf32>
      %mul3A_306 = arith.mulf %get3A_296, %mul3A_305 : vector<16xf32>
      %add3A_307 = arith.addf %add3A_304, %mul3A_306 : vector<16xf32>
      %mul3A_308 = vector.broadcast %squeeze3A_9 : f32 to vector<16xf32>
      %mul3A_309 = arith.mulf %get3A_298, %mul3A_308 : vector<16xf32>
      %add3A_310 = arith.addf %add3A_307, %mul3A_309 : vector<16xf32>
      %add3A_311 = arith.addf %add3A_299, %add3A_310 : vector<16xf32>
      %add3A_312 = arith.addf %gather3A_288, %gather3A_290 : vector<16xf32>
      %mul3A_313 = vector.broadcast %squeeze3A_11 : f32 to vector<16xf32>
      %mul3A_314 = arith.mulf %get3A_292, %mul3A_313 : vector<16xf32>
      %mul3A_315 = vector.broadcast %squeeze3A_13 : f32 to vector<16xf32>
      %mul3A_316 = arith.mulf %get3A_294, %mul3A_315 : vector<16xf32>
      %add3A_317 = arith.addf %mul3A_314, %mul3A_316 : vector<16xf32>
      %mul3A_318 = vector.broadcast %squeeze3A_15 : f32 to vector<16xf32>
      %mul3A_319 = arith.mulf %get3A_296, %mul3A_318 : vector<16xf32>
      %add3A_320 = arith.addf %add3A_317, %mul3A_319 : vector<16xf32>
      %mul3A_321 = vector.broadcast %squeeze3A_17 : f32 to vector<16xf32>
      %mul3A_322 = arith.mulf %get3A_298, %mul3A_321 : vector<16xf32>
      %add3A_323 = arith.addf %add3A_320, %mul3A_322 : vector<16xf32>
      %add3A_324 = arith.addf %add3A_312, %add3A_323 : vector<16xf32>
      %ge3A_325 = arith.constant 0.000000e+00 : f32
      %ge3A_326 = vector.broadcast %ge3A_325 : f32 to vector<16xf32>
      %ge3A_327 = arith.cmpf oge, %add3A_311, %ge3A_326 : vector<16xf32>
      %mul3A_328 = arith.constant 2.000000e-01 : f32
      %mul3A_329 = vector.broadcast %mul3A_328 : f32 to vector<16xf32>
      %mul3A_330 = arith.mulf %mul3A_329, %add3A_311 : vector<16xf32>
      %select_n3A_331 = arith.select %ge3A_327, %add3A_311, %mul3A_330 : vector<16xi1>, vector<16xf32>
      %ge3A_332 = arith.constant 0.000000e+00 : f32
      %ge3A_333 = vector.broadcast %ge3A_332 : f32 to vector<16xf32>
      %ge3A_334 = arith.cmpf oge, %add3A_324, %ge3A_333 : vector<16xf32>
      %mul3A_335 = arith.constant 2.000000e-01 : f32
      %mul3A_336 = vector.broadcast %mul3A_335 : f32 to vector<16xf32>
      %mul3A_337 = arith.mulf %mul3A_336, %add3A_324 : vector<16xf32>
      %select_n3A_338 = arith.select %ge3A_334, %add3A_324, %mul3A_337 : vector<16xi1>, vector<16xf32>
      %exp3A_339 = math.exp %select_n3A_331 : vector<16xf32>
      %swap3A_340 = arith.constant 64 : index
      %swap3A_341 = tpu.vector_load %arg18[%swap3A_340] {strides = array<i32>} : memref<400xf32, #tpu.memory_space<vmem>>, vector<16xf32>,
      tpu.vector_store %arg18[%swap3A_340], %exp3A_339 {strides = array<i32>} : memref<400xf32, #tpu.memory_space<vmem>>, vector<16xf32>,
      %exp3A_342 = math.exp %select_n3A_338 : vector<16xf32>
      %swap3A_343 = arith.constant 64 : index
      %swap3A_344 = tpu.vector_load %arg19[%swap3A_343] {strides = array<i32>} : memref<400xf32, #tpu.memory_space<vmem>>, vector<16xf32>,
      tpu.vector_store %arg19[%swap3A_343], %exp3A_342 {strides = array<i32>} : memref<400xf32, #tpu.memory_space<vmem>>, vector<16xf32>,
      %get3A_345 = arith.constant 80 : index
      %get3A_346 = tpu.vector_load %arg12[%get3A_345] {strides = array<i32>} : memref<400xi32, #tpu.memory_space<vmem>>, vector<16xi32>,
      %get3A_347 = arith.constant 80 : index
      %get3A_348 = tpu.vector_load %arg13[%get3A_347] {strides = array<i32>} : memref<400xi32, #tpu.memory_space<vmem>>, vector<16xi32>,
      %gather3A_349 = tpu.vector_load_idx %arg7[%get3A_346] : memref<10000xf32, #tpu.memory_space<vmem>>[vector<16xi32>], vector<16xf32>,
      %gather3A_350 = tpu.vector_load_idx %arg8[%get3A_346] : memref<10000xf32, #tpu.memory_space<vmem>>[vector<16xi32>], vector<16xf32>,
      %gather3A_351 = tpu.vector_load_idx %arg9[%get3A_348] : memref<10000xf32, #tpu.memory_space<vmem>>[vector<16xi32>], vector<16xf32>,
      %gather3A_352 = tpu.vector_load_idx %arg10[%get3A_348] : memref<10000xf32, #tpu.memory_space<vmem>>[vector<16xi32>], vector<16xf32>,
      %get3A_353 = arith.constant 80 : index
      %get3A_354 = tpu.vector_load %arg14[%get3A_353] {strides = array<i32>} : memref<400xf32, #tpu.memory_space<vmem>>, vector<16xf32>,
      %get3A_355 = arith.constant 80 : index
      %get3A_356 = tpu.vector_load %arg15[%get3A_355] {strides = array<i32>} : memref<400xf32, #tpu.memory_space<vmem>>, vector<16xf32>,
      %get3A_357 = arith.constant 80 : index
      %get3A_358 = tpu.vector_load %arg16[%get3A_357] {strides = array<i32>} : memref<400xf32, #tpu.memory_space<vmem>>, vector<16xf32>,
      %get3A_359 = arith.constant 80 : index
      %get3A_360 = tpu.vector_load %arg17[%get3A_359] {strides = array<i32>} : memref<400xf32, #tpu.memory_space<vmem>>, vector<16xf32>,
      %add3A_361 = arith.addf %gather3A_349, %gather3A_351 : vector<16xf32>
      %mul3A_362 = vector.broadcast %squeeze3A : f32 to vector<16xf32>
      %mul3A_363 = arith.mulf %get3A_354, %mul3A_362 : vector<16xf32>
      %mul3A_364 = vector.broadcast %squeeze3A_5 : f32 to vector<16xf32>
      %mul3A_365 = arith.mulf %get3A_356, %mul3A_364 : vector<16xf32>
      %add3A_366 = arith.addf %mul3A_363, %mul3A_365 : vector<16xf32>
      %mul3A_367 = vector.broadcast %squeeze3A_7 : f32 to vector<16xf32>
      %mul3A_368 = arith.mulf %get3A_358, %mul3A_367 : vector<16xf32>
      %add3A_369 = arith.addf %add3A_366, %mul3A_368 : vector<16xf32>
      %mul3A_370 = vector.broadcast %squeeze3A_9 : f32 to vector<16xf32>
      %mul3A_371 = arith.mulf %get3A_360, %mul3A_370 : vector<16xf32>
      %add3A_372 = arith.addf %add3A_369, %mul3A_371 : vector<16xf32>
      %add3A_373 = arith.addf %add3A_361, %add3A_372 : vector<16xf32>
      %add3A_374 = arith.addf %gather3A_350, %gather3A_352 : vector<16xf32>
      %mul3A_375 = vector.broadcast %squeeze3A_11 : f32 to vector<16xf32>
      %mul3A_376 = arith.mulf %get3A_354, %mul3A_375 : vector<16xf32>
      %mul3A_377 = vector.broadcast %squeeze3A_13 : f32 to vector<16xf32>
      %mul3A_378 = arith.mulf %get3A_356, %mul3A_377 : vector<16xf32>
      %add3A_379 = arith.addf %mul3A_376, %mul3A_378 : vector<16xf32>
      %mul3A_380 = vector.broadcast %squeeze3A_15 : f32 to vector<16xf32>
      %mul3A_381 = arith.mulf %get3A_358, %mul3A_380 : vector<16xf32>
      %add3A_382 = arith.addf %add3A_379, %mul3A_381 : vector<16xf32>
      %mul3A_383 = vector.broadcast %squeeze3A_17 : f32 to vector<16xf32>
      %mul3A_384 = arith.mulf %get3A_360, %mul3A_383 : vector<16xf32>
      %add3A_385 = arith.addf %add3A_382, %mul3A_384 : vector<16xf32>
      %add3A_386 = arith.addf %add3A_374, %add3A_385 : vector<16xf32>
      %ge3A_387 = arith.constant 0.000000e+00 : f32
      %ge3A_388 = vector.broadcast %ge3A_387 : f32 to vector<16xf32>
      %ge3A_389 = arith.cmpf oge, %add3A_373, %ge3A_388 : vector<16xf32>
      %mul3A_390 = arith.constant 2.000000e-01 : f32
      %mul3A_391 = vector.broadcast %mul3A_390 : f32 to vector<16xf32>
      %mul3A_392 = arith.mulf %mul3A_391, %add3A_373 : vector<16xf32>
      %select_n3A_393 = arith.select %ge3A_389, %add3A_373, %mul3A_392 : vector<16xi1>, vector<16xf32>
      %ge3A_394 = arith.constant 0.000000e+00 : f32
      %ge3A_395 = vector.broadcast %ge3A_394 : f32 to vector<16xf32>
      %ge3A_396 = arith.cmpf oge, %add3A_386, %ge3A_395 : vector<16xf32>
      %mul3A_397 = arith.constant 2.000000e-01 : f32
      %mul3A_398 = vector.broadcast %mul3A_397 : f32 to vector<16xf32>
      %mul3A_399 = arith.mulf %mul3A_398, %add3A_386 : vector<16xf32>
      %select_n3A_400 = arith.select %ge3A_396, %add3A_386, %mul3A_399 : vector<16xi1>, vector<16xf32>
      %exp3A_401 = math.exp %select_n3A_393 : vector<16xf32>
      %swap3A_402 = arith.constant 80 : index
      %swap3A_403 = tpu.vector_load %arg18[%swap3A_402] {strides = array<i32>} : memref<400xf32, #tpu.memory_space<vmem>>, vector<16xf32>,
      tpu.vector_store %arg18[%swap3A_402], %exp3A_401 {strides = array<i32>} : memref<400xf32, #tpu.memory_space<vmem>>, vector<16xf32>,
      %exp3A_404 = math.exp %select_n3A_400 : vector<16xf32>
      %swap3A_405 = arith.constant 80 : index
      %swap3A_406 = tpu.vector_load %arg19[%swap3A_405] {strides = array<i32>} : memref<400xf32, #tpu.memory_space<vmem>>, vector<16xf32>,
      tpu.vector_store %arg19[%swap3A_405], %exp3A_404 {strides = array<i32>} : memref<400xf32, #tpu.memory_space<vmem>>, vector<16xf32>,
      %get3A_407 = arith.constant 96 : index
      %get3A_408 = tpu.vector_load %arg12[%get3A_407] {strides = array<i32>} : memref<400xi32, #tpu.memory_space<vmem>>, vector<16xi32>,
      %get3A_409 = arith.constant 96 : index
      %get3A_410 = tpu.vector_load %arg13[%get3A_409] {strides = array<i32>} : memref<400xi32, #tpu.memory_space<vmem>>, vector<16xi32>,
      %gather3A_411 = tpu.vector_load_idx %arg7[%get3A_408] : memref<10000xf32, #tpu.memory_space<vmem>>[vector<16xi32>], vector<16xf32>,
      %gather3A_412 = tpu.vector_load_idx %arg8[%get3A_408] : memref<10000xf32, #tpu.memory_space<vmem>>[vector<16xi32>], vector<16xf32>,
      %gather3A_413 = tpu.vector_load_idx %arg9[%get3A_410] : memref<10000xf32, #tpu.memory_space<vmem>>[vector<16xi32>], vector<16xf32>,
      %gather3A_414 = tpu.vector_load_idx %arg10[%get3A_410] : memref<10000xf32, #tpu.memory_space<vmem>>[vector<16xi32>], vector<16xf32>,
      %get3A_415 = arith.constant 96 : index
      %get3A_416 = tpu.vector_load %arg14[%get3A_415] {strides = array<i32>} : memref<400xf32, #tpu.memory_space<vmem>>, vector<16xf32>,
      %get3A_417 = arith.constant 96 : index
      %get3A_418 = tpu.vector_load %arg15[%get3A_417] {strides = array<i32>} : memref<400xf32, #tpu.memory_space<vmem>>, vector<16xf32>,
      %get3A_419 = arith.constant 96 : index
      %get3A_420 = tpu.vector_load %arg16[%get3A_419] {strides = array<i32>} : memref<400xf32, #tpu.memory_space<vmem>>, vector<16xf32>,
      %get3A_421 = arith.constant 96 : index
      %get3A_422 = tpu.vector_load %arg17[%get3A_421] {strides = array<i32>} : memref<400xf32, #tpu.memory_space<vmem>>, vector<16xf32>,
      %add3A_423 = arith.addf %gather3A_411, %gather3A_413 : vector<16xf32>
      %mul3A_424 = vector.broadcast %squeeze3A : f32 to vector<16xf32>
      %mul3A_425 = arith.mulf %get3A_416, %mul3A_424 : vector<16xf32>
      %mul3A_426 = vector.broadcast %squeeze3A_5 : f32 to vector<16xf32>
      %mul3A_427 = arith.mulf %get3A_418, %mul3A_426 : vector<16xf32>
      %add3A_428 = arith.addf %mul3A_425, %mul3A_427 : vector<16xf32>
      %mul3A_429 = vector.broadcast %squeeze3A_7 : f32 to vector<16xf32>
      %mul3A_430 = arith.mulf %get3A_420, %mul3A_429 : vector<16xf32>
      %add3A_431 = arith.addf %add3A_428, %mul3A_430 : vector<16xf32>
      %mul3A_432 = vector.broadcast %squeeze3A_9 : f32 to vector<16xf32>
      %mul3A_433 = arith.mulf %get3A_422, %mul3A_432 : vector<16xf32>
      %add3A_434 = arith.addf %add3A_431, %mul3A_433 : vector<16xf32>
      %add3A_435 = arith.addf %add3A_423, %add3A_434 : vector<16xf32>
      %add3A_436 = arith.addf %gather3A_412, %gather3A_414 : vector<16xf32>
      %mul3A_437 = vector.broadcast %squeeze3A_11 : f32 to vector<16xf32>
      %mul3A_438 = arith.mulf %get3A_416, %mul3A_437 : vector<16xf32>
      %mul3A_439 = vector.broadcast %squeeze3A_13 : f32 to vector<16xf32>
      %mul3A_440 = arith.mulf %get3A_418, %mul3A_439 : vector<16xf32>
      %add3A_441 = arith.addf %mul3A_438, %mul3A_440 : vector<16xf32>
      %mul3A_442 = vector.broadcast %squeeze3A_15 : f32 to vector<16xf32>
      %mul3A_443 = arith.mulf %get3A_420, %mul3A_442 : vector<16xf32>
      %add3A_444 = arith.addf %add3A_441, %mul3A_443 : vector<16xf32>
      %mul3A_445 = vector.broadcast %squeeze3A_17 : f32 to vector<16xf32>
      %mul3A_446 = arith.mulf %get3A_422, %mul3A_445 : vector<16xf32>
      %add3A_447 = arith.addf %add3A_444, %mul3A_446 : vector<16xf32>
      %add3A_448 = arith.addf %add3A_436, %add3A_447 : vector<16xf32>
      %ge3A_449 = arith.constant 0.000000e+00 : f32
      %ge3A_450 = vector.broadcast %ge3A_449 : f32 to vector<16xf32>
      %ge3A_451 = arith.cmpf oge, %add3A_435, %ge3A_450 : vector<16xf32>
      %mul3A_452 = arith.constant 2.000000e-01 : f32
      %mul3A_453 = vector.broadcast %mul3A_452 : f32 to vector<16xf32>
      %mul3A_454 = arith.mulf %mul3A_453, %add3A_435 : vector<16xf32>
      %select_n3A_455 = arith.select %ge3A_451, %add3A_435, %mul3A_454 : vector<16xi1>, vector<16xf32>
      %ge3A_456 = arith.constant 0.000000e+00 : f32
      %ge3A_457 = vector.broadcast %ge3A_456 : f32 to vector<16xf32>
      %ge3A_458 = arith.cmpf oge, %add3A_448, %ge3A_457 : vector<16xf32>
      %mul3A_459 = arith.constant 2.000000e-01 : f32
      %mul3A_460 = vector.broadcast %mul3A_459 : f32 to vector<16xf32>
      %mul3A_461 = arith.mulf %mul3A_460, %add3A_448 : vector<16xf32>
      %select_n3A_462 = arith.select %ge3A_458, %add3A_448, %mul3A_461 : vector<16xi1>, vector<16xf32>
      %exp3A_463 = math.exp %select_n3A_455 : vector<16xf32>
      %swap3A_464 = arith.constant 96 : index
      %swap3A_465 = tpu.vector_load %arg18[%swap3A_464] {strides = array<i32>} : memref<400xf32, #tpu.memory_space<vmem>>, vector<16xf32>,
      tpu.vector_store %arg18[%swap3A_464], %exp3A_463 {strides = array<i32>} : memref<400xf32, #tpu.memory_space<vmem>>, vector<16xf32>,
      %exp3A_466 = math.exp %select_n3A_462 : vector<16xf32>
      %swap3A_467 = arith.constant 96 : index
      %swap3A_468 = tpu.vector_load %arg19[%swap3A_467] {strides = array<i32>} : memref<400xf32, #tpu.memory_space<vmem>>, vector<16xf32>,
      tpu.vector_store %arg19[%swap3A_467], %exp3A_466 {strides = array<i32>} : memref<400xf32, #tpu.memory_space<vmem>>, vector<16xf32>,
      %get3A_469 = arith.constant 112 : index
      %get3A_470 = tpu.vector_load %arg12[%get3A_469] {strides = array<i32>} : memref<400xi32, #tpu.memory_space<vmem>>, vector<16xi32>,
      %get3A_471 = arith.constant 112 : index
      %get3A_472 = tpu.vector_load %arg13[%get3A_471] {strides = array<i32>} : memref<400xi32, #tpu.memory_space<vmem>>, vector<16xi32>,
      %gather3A_473 = tpu.vector_load_idx %arg7[%get3A_470] : memref<10000xf32, #tpu.memory_space<vmem>>[vector<16xi32>], vector<16xf32>,
      %gather3A_474 = tpu.vector_load_idx %arg8[%get3A_470] : memref<10000xf32, #tpu.memory_space<vmem>>[vector<16xi32>], vector<16xf32>,
      %gather3A_475 = tpu.vector_load_idx %arg9[%get3A_472] : memref<10000xf32, #tpu.memory_space<vmem>>[vector<16xi32>], vector<16xf32>,
      %gather3A_476 = tpu.vector_load_idx %arg10[%get3A_472] : memref<10000xf32, #tpu.memory_space<vmem>>[vector<16xi32>], vector<16xf32>,
      %get3A_477 = arith.constant 112 : index
      %get3A_478 = tpu.vector_load %arg14[%get3A_477] {strides = array<i32>} : memref<400xf32, #tpu.memory_space<vmem>>, vector<16xf32>,
      %get3A_479 = arith.constant 112 : index
      %get3A_480 = tpu.vector_load %arg15[%get3A_479] {strides = array<i32>} : memref<400xf32, #tpu.memory_space<vmem>>, vector<16xf32>,
      %get3A_481 = arith.constant 112 : index
      %get3A_482 = tpu.vector_load %arg16[%get3A_481] {strides = array<i32>} : memref<400xf32, #tpu.memory_space<vmem>>, vector<16xf32>,
      %get3A_483 = arith.constant 112 : index
      %get3A_484 = tpu.vector_load %arg17[%get3A_483] {strides = array<i32>} : memref<400xf32, #tpu.memory_space<vmem>>, vector<16xf32>,
      %add3A_485 = arith.addf %gather3A_473, %gather3A_475 : vector<16xf32>
      %mul3A_486 = vector.broadcast %squeeze3A : f32 to vector<16xf32>
      %mul3A_487 = arith.mulf %get3A_478, %mul3A_486 : vector<16xf32>
      %mul3A_488 = vector.broadcast %squeeze3A_5 : f32 to vector<16xf32>
      %mul3A_489 = arith.mulf %get3A_480, %mul3A_488 : vector<16xf32>
      %add3A_490 = arith.addf %mul3A_487, %mul3A_489 : vector<16xf32>
      %mul3A_491 = vector.broadcast %squeeze3A_7 : f32 to vector<16xf32>
      %mul3A_492 = arith.mulf %get3A_482, %mul3A_491 : vector<16xf32>
      %add3A_493 = arith.addf %add3A_490, %mul3A_492 : vector<16xf32>
      %mul3A_494 = vector.broadcast %squeeze3A_9 : f32 to vector<16xf32>
      %mul3A_495 = arith.mulf %get3A_484, %mul3A_494 : vector<16xf32>
      %add3A_496 = arith.addf %add3A_493, %mul3A_495 : vector<16xf32>
      %add3A_497 = arith.addf %add3A_485, %add3A_496 : vector<16xf32>
      %add3A_498 = arith.addf %gather3A_474, %gather3A_476 : vector<16xf32>
      %mul3A_499 = vector.broadcast %squeeze3A_11 : f32 to vector<16xf32>
      %mul3A_500 = arith.mulf %get3A_478, %mul3A_499 : vector<16xf32>
      %mul3A_501 = vector.broadcast %squeeze3A_13 : f32 to vector<16xf32>
      %mul3A_502 = arith.mulf %get3A_480, %mul3A_501 : vector<16xf32>
      %add3A_503 = arith.addf %mul3A_500, %mul3A_502 : vector<16xf32>
      %mul3A_504 = vector.broadcast %squeeze3A_15 : f32 to vector<16xf32>
      %mul3A_505 = arith.mulf %get3A_482, %mul3A_504 : vector<16xf32>
      %add3A_506 = arith.addf %add3A_503, %mul3A_505 : vector<16xf32>
      %mul3A_507 = vector.broadcast %squeeze3A_17 : f32 to vector<16xf32>
      %mul3A_508 = arith.mulf %get3A_484, %mul3A_507 : vector<16xf32>
      %add3A_509 = arith.addf %add3A_506, %mul3A_508 : vector<16xf32>
      %add3A_510 = arith.addf %add3A_498, %add3A_509 : vector<16xf32>
      %ge3A_511 = arith.constant 0.000000e+00 : f32
      %ge3A_512 = vector.broadcast %ge3A_511 : f32 to vector<16xf32>
      %ge3A_513 = arith.cmpf oge, %add3A_497, %ge3A_512 : vector<16xf32>
      %mul3A_514 = arith.constant 2.000000e-01 : f32
      %mul3A_515 = vector.broadcast %mul3A_514 : f32 to vector<16xf32>
      %mul3A_516 = arith.mulf %mul3A_515, %add3A_497 : vector<16xf32>
      %select_n3A_517 = arith.select %ge3A_513, %add3A_497, %mul3A_516 : vector<16xi1>, vector<16xf32>
      %ge3A_518 = arith.constant 0.000000e+00 : f32
      %ge3A_519 = vector.broadcast %ge3A_518 : f32 to vector<16xf32>
      %ge3A_520 = arith.cmpf oge, %add3A_510, %ge3A_519 : vector<16xf32>
      %mul3A_521 = arith.constant 2.000000e-01 : f32
      %mul3A_522 = vector.broadcast %mul3A_521 : f32 to vector<16xf32>
      %mul3A_523 = arith.mulf %mul3A_522, %add3A_510 : vector<16xf32>
      %select_n3A_524 = arith.select %ge3A_520, %add3A_510, %mul3A_523 : vector<16xi1>, vector<16xf32>
      %exp3A_525 = math.exp %select_n3A_517 : vector<16xf32>
      %swap3A_526 = arith.constant 112 : index
      %swap3A_527 = tpu.vector_load %arg18[%swap3A_526] {strides = array<i32>} : memref<400xf32, #tpu.memory_space<vmem>>, vector<16xf32>,
      tpu.vector_store %arg18[%swap3A_526], %exp3A_525 {strides = array<i32>} : memref<400xf32, #tpu.memory_space<vmem>>, vector<16xf32>,
      %exp3A_528 = math.exp %select_n3A_524 : vector<16xf32>
      %swap3A_529 = arith.constant 112 : index
      %swap3A_530 = tpu.vector_load %arg19[%swap3A_529] {strides = array<i32>} : memref<400xf32, #tpu.memory_space<vmem>>, vector<16xf32>,
      tpu.vector_store %arg19[%swap3A_529], %exp3A_528 {strides = array<i32>} : memref<400xf32, #tpu.memory_space<vmem>>, vector<16xf32>,
      %get3A_531 = arith.constant 128 : index
      %get3A_532 = tpu.vector_load %arg12[%get3A_531] {strides = array<i32>} : memref<400xi32, #tpu.memory_space<vmem>>, vector<16xi32>,
      %get3A_533 = arith.constant 128 : index
      %get3A_534 = tpu.vector_load %arg13[%get3A_533] {strides = array<i32>} : memref<400xi32, #tpu.memory_space<vmem>>, vector<16xi32>,
      %gather3A_535 = tpu.vector_load_idx %arg7[%get3A_532] : memref<10000xf32, #tpu.memory_space<vmem>>[vector<16xi32>], vector<16xf32>,
      %gather3A_536 = tpu.vector_load_idx %arg8[%get3A_532] : memref<10000xf32, #tpu.memory_space<vmem>>[vector<16xi32>], vector<16xf32>,
      %gather3A_537 = tpu.vector_load_idx %arg9[%get3A_534] : memref<10000xf32, #tpu.memory_space<vmem>>[vector<16xi32>], vector<16xf32>,
      %gather3A_538 = tpu.vector_load_idx %arg10[%get3A_534] : memref<10000xf32, #tpu.memory_space<vmem>>[vector<16xi32>], vector<16xf32>,
      %get3A_539 = arith.constant 128 : index
      %get3A_540 = tpu.vector_load %arg14[%get3A_539] {strides = array<i32>} : memref<400xf32, #tpu.memory_space<vmem>>, vector<16xf32>,
      %get3A_541 = arith.constant 128 : index
      %get3A_542 = tpu.vector_load %arg15[%get3A_541] {strides = array<i32>} : memref<400xf32, #tpu.memory_space<vmem>>, vector<16xf32>,
      %get3A_543 = arith.constant 128 : index
      %get3A_544 = tpu.vector_load %arg16[%get3A_543] {strides = array<i32>} : memref<400xf32, #tpu.memory_space<vmem>>, vector<16xf32>,
      %get3A_545 = arith.constant 128 : index
      %get3A_546 = tpu.vector_load %arg17[%get3A_545] {strides = array<i32>} : memref<400xf32, #tpu.memory_space<vmem>>, vector<16xf32>,
      %add3A_547 = arith.addf %gather3A_535, %gather3A_537 : vector<16xf32>
      %mul3A_548 = vector.broadcast %squeeze3A : f32 to vector<16xf32>
      %mul3A_549 = arith.mulf %get3A_540, %mul3A_548 : vector<16xf32>
      %mul3A_550 = vector.broadcast %squeeze3A_5 : f32 to vector<16xf32>
      %mul3A_551 = arith.mulf %get3A_542, %mul3A_550 : vector<16xf32>
      %add3A_552 = arith.addf %mul3A_549, %mul3A_551 : vector<16xf32>
      %mul3A_553 = vector.broadcast %squeeze3A_7 : f32 to vector<16xf32>
      %mul3A_554 = arith.mulf %get3A_544, %mul3A_553 : vector<16xf32>
      %add3A_555 = arith.addf %add3A_552, %mul3A_554 : vector<16xf32>
      %mul3A_556 = vector.broadcast %squeeze3A_9 : f32 to vector<16xf32>
      %mul3A_557 = arith.mulf %get3A_546, %mul3A_556 : vector<16xf32>
      %add3A_558 = arith.addf %add3A_555, %mul3A_557 : vector<16xf32>
      %add3A_559 = arith.addf %add3A_547, %add3A_558 : vector<16xf32>
      %add3A_560 = arith.addf %gather3A_536, %gather3A_538 : vector<16xf32>
      %mul3A_561 = vector.broadcast %squeeze3A_11 : f32 to vector<16xf32>
      %mul3A_562 = arith.mulf %get3A_540, %mul3A_561 : vector<16xf32>
      %mul3A_563 = vector.broadcast %squeeze3A_13 : f32 to vector<16xf32>
      %mul3A_564 = arith.mulf %get3A_542, %mul3A_563 : vector<16xf32>
      %add3A_565 = arith.addf %mul3A_562, %mul3A_564 : vector<16xf32>
      %mul3A_566 = vector.broadcast %squeeze3A_15 : f32 to vector<16xf32>
      %mul3A_567 = arith.mulf %get3A_544, %mul3A_566 : vector<16xf32>
      %add3A_568 = arith.addf %add3A_565, %mul3A_567 : vector<16xf32>
      %mul3A_569 = vector.broadcast %squeeze3A_17 : f32 to vector<16xf32>
      %mul3A_570 = arith.mulf %get3A_546, %mul3A_569 : vector<16xf32>
      %add3A_571 = arith.addf %add3A_568, %mul3A_570 : vector<16xf32>
      %add3A_572 = arith.addf %add3A_560, %add3A_571 : vector<16xf32>
      %ge3A_573 = arith.constant 0.000000e+00 : f32
      %ge3A_574 = vector.broadcast %ge3A_573 : f32 to vector<16xf32>
      %ge3A_575 = arith.cmpf oge, %add3A_559, %ge3A_574 : vector<16xf32>
      %mul3A_576 = arith.constant 2.000000e-01 : f32
      %mul3A_577 = vector.broadcast %mul3A_576 : f32 to vector<16xf32>
      %mul3A_578 = arith.mulf %mul3A_577, %add3A_559 : vector<16xf32>
      %select_n3A_579 = arith.select %ge3A_575, %add3A_559, %mul3A_578 : vector<16xi1>, vector<16xf32>
      %ge3A_580 = arith.constant 0.000000e+00 : f32
      %ge3A_581 = vector.broadcast %ge3A_580 : f32 to vector<16xf32>
      %ge3A_582 = arith.cmpf oge, %add3A_572, %ge3A_581 : vector<16xf32>
      %mul3A_583 = arith.constant 2.000000e-01 : f32
      %mul3A_584 = vector.broadcast %mul3A_583 : f32 to vector<16xf32>
      %mul3A_585 = arith.mulf %mul3A_584, %add3A_572 : vector<16xf32>
      %select_n3A_586 = arith.select %ge3A_582, %add3A_572, %mul3A_585 : vector<16xi1>, vector<16xf32>
      %exp3A_587 = math.exp %select_n3A_579 : vector<16xf32>
      %swap3A_588 = arith.constant 128 : index
      %swap3A_589 = tpu.vector_load %arg18[%swap3A_588] {strides = array<i32>} : memref<400xf32, #tpu.memory_space<vmem>>, vector<16xf32>,
      tpu.vector_store %arg18[%swap3A_588], %exp3A_587 {strides = array<i32>} : memref<400xf32, #tpu.memory_space<vmem>>, vector<16xf32>,
      %exp3A_590 = math.exp %select_n3A_586 : vector<16xf32>
      %swap3A_591 = arith.constant 128 : index
      %swap3A_592 = tpu.vector_load %arg19[%swap3A_591] {strides = array<i32>} : memref<400xf32, #tpu.memory_space<vmem>>, vector<16xf32>,
      tpu.vector_store %arg19[%swap3A_591], %exp3A_590 {strides = array<i32>} : memref<400xf32, #tpu.memory_space<vmem>>, vector<16xf32>,
      %get3A_593 = arith.constant 144 : index
      %get3A_594 = tpu.vector_load %arg12[%get3A_593] {strides = array<i32>} : memref<400xi32, #tpu.memory_space<vmem>>, vector<16xi32>,
      %get3A_595 = arith.constant 144 : index
      %get3A_596 = tpu.vector_load %arg13[%get3A_595] {strides = array<i32>} : memref<400xi32, #tpu.memory_space<vmem>>, vector<16xi32>,
      %gather3A_597 = tpu.vector_load_idx %arg7[%get3A_594] : memref<10000xf32, #tpu.memory_space<vmem>>[vector<16xi32>], vector<16xf32>,
      %gather3A_598 = tpu.vector_load_idx %arg8[%get3A_594] : memref<10000xf32, #tpu.memory_space<vmem>>[vector<16xi32>], vector<16xf32>,
      %gather3A_599 = tpu.vector_load_idx %arg9[%get3A_596] : memref<10000xf32, #tpu.memory_space<vmem>>[vector<16xi32>], vector<16xf32>,
      %gather3A_600 = tpu.vector_load_idx %arg10[%get3A_596] : memref<10000xf32, #tpu.memory_space<vmem>>[vector<16xi32>], vector<16xf32>,
      %get3A_601 = arith.constant 144 : index
      %get3A_602 = tpu.vector_load %arg14[%get3A_601] {strides = array<i32>} : memref<400xf32, #tpu.memory_space<vmem>>, vector<16xf32>,
      %get3A_603 = arith.constant 144 : index
      %get3A_604 = tpu.vector_load %arg15[%get3A_603] {strides = array<i32>} : memref<400xf32, #tpu.memory_space<vmem>>, vector<16xf32>,
      %get3A_605 = arith.constant 144 : index
      %get3A_606 = tpu.vector_load %arg16[%get3A_605] {strides = array<i32>} : memref<400xf32, #tpu.memory_space<vmem>>, vector<16xf32>,
      %get3A_607 = arith.constant 144 : index
      %get3A_608 = tpu.vector_load %arg17[%get3A_607] {strides = array<i32>} : memref<400xf32, #tpu.memory_space<vmem>>, vector<16xf32>,
      %add3A_609 = arith.addf %gather3A_597, %gather3A_599 : vector<16xf32>
      %mul3A_610 = vector.broadcast %squeeze3A : f32 to vector<16xf32>
      %mul3A_611 = arith.mulf %get3A_602, %mul3A_610 : vector<16xf32>
      %mul3A_612 = vector.broadcast %squeeze3A_5 : f32 to vector<16xf32>
      %mul3A_613 = arith.mulf %get3A_604, %mul3A_612 : vector<16xf32>
      %add3A_614 = arith.addf %mul3A_611, %mul3A_613 : vector<16xf32>
      %mul3A_615 = vector.broadcast %squeeze3A_7 : f32 to vector<16xf32>
      %mul3A_616 = arith.mulf %get3A_606, %mul3A_615 : vector<16xf32>
      %add3A_617 = arith.addf %add3A_614, %mul3A_616 : vector<16xf32>
      %mul3A_618 = vector.broadcast %squeeze3A_9 : f32 to vector<16xf32>
      %mul3A_619 = arith.mulf %get3A_608, %mul3A_618 : vector<16xf32>
      %add3A_620 = arith.addf %add3A_617, %mul3A_619 : vector<16xf32>
      %add3A_621 = arith.addf %add3A_609, %add3A_620 : vector<16xf32>
      %add3A_622 = arith.addf %gather3A_598, %gather3A_600 : vector<16xf32>
      %mul3A_623 = vector.broadcast %squeeze3A_11 : f32 to vector<16xf32>
      %mul3A_624 = arith.mulf %get3A_602, %mul3A_623 : vector<16xf32>
      %mul3A_625 = vector.broadcast %squeeze3A_13 : f32 to vector<16xf32>
      %mul3A_626 = arith.mulf %get3A_604, %mul3A_625 : vector<16xf32>
      %add3A_627 = arith.addf %mul3A_624, %mul3A_626 : vector<16xf32>
      %mul3A_628 = vector.broadcast %squeeze3A_15 : f32 to vector<16xf32>
      %mul3A_629 = arith.mulf %get3A_606, %mul3A_628 : vector<16xf32>
      %add3A_630 = arith.addf %add3A_627, %mul3A_629 : vector<16xf32>
      %mul3A_631 = vector.broadcast %squeeze3A_17 : f32 to vector<16xf32>
      %mul3A_632 = arith.mulf %get3A_608, %mul3A_631 : vector<16xf32>
      %add3A_633 = arith.addf %add3A_630, %mul3A_632 : vector<16xf32>
      %add3A_634 = arith.addf %add3A_622, %add3A_633 : vector<16xf32>
      %ge3A_635 = arith.constant 0.000000e+00 : f32
      %ge3A_636 = vector.broadcast %ge3A_635 : f32 to vector<16xf32>
      %ge3A_637 = arith.cmpf oge, %add3A_621, %ge3A_636 : vector<16xf32>
      %mul3A_638 = arith.constant 2.000000e-01 : f32
      %mul3A_639 = vector.broadcast %mul3A_638 : f32 to vector<16xf32>
      %mul3A_640 = arith.mulf %mul3A_639, %add3A_621 : vector<16xf32>
      %select_n3A_641 = arith.select %ge3A_637, %add3A_621, %mul3A_640 : vector<16xi1>, vector<16xf32>
      %ge3A_642 = arith.constant 0.000000e+00 : f32
      %ge3A_643 = vector.broadcast %ge3A_642 : f32 to vector<16xf32>
      %ge3A_644 = arith.cmpf oge, %add3A_634, %ge3A_643 : vector<16xf32>
      %mul3A_645 = arith.constant 2.000000e-01 : f32
      %mul3A_646 = vector.broadcast %mul3A_645 : f32 to vector<16xf32>
      %mul3A_647 = arith.mulf %mul3A_646, %add3A_634 : vector<16xf32>
      %select_n3A_648 = arith.select %ge3A_644, %add3A_634, %mul3A_647 : vector<16xi1>, vector<16xf32>
      %exp3A_649 = math.exp %select_n3A_641 : vector<16xf32>
      %swap3A_650 = arith.constant 144 : index
      %swap3A_651 = tpu.vector_load %arg18[%swap3A_650] {strides = array<i32>} : memref<400xf32, #tpu.memory_space<vmem>>, vector<16xf32>,
      tpu.vector_store %arg18[%swap3A_650], %exp3A_649 {strides = array<i32>} : memref<400xf32, #tpu.memory_space<vmem>>, vector<16xf32>,
      %exp3A_652 = math.exp %select_n3A_648 : vector<16xf32>
      %swap3A_653 = arith.constant 144 : index
      %swap3A_654 = tpu.vector_load %arg19[%swap3A_653] {strides = array<i32>} : memref<400xf32, #tpu.memory_space<vmem>>, vector<16xf32>,
      tpu.vector_store %arg19[%swap3A_653], %exp3A_652 {strides = array<i32>} : memref<400xf32, #tpu.memory_space<vmem>>, vector<16xf32>,
      %get3A_655 = arith.constant 160 : index
      %get3A_656 = tpu.vector_load %arg12[%get3A_655] {strides = array<i32>} : memref<400xi32, #tpu.memory_space<vmem>>, vector<16xi32>,
      %get3A_657 = arith.constant 160 : index
      %get3A_658 = tpu.vector_load %arg13[%get3A_657] {strides = array<i32>} : memref<400xi32, #tpu.memory_space<vmem>>, vector<16xi32>,
      %gather3A_659 = tpu.vector_load_idx %arg7[%get3A_656] : memref<10000xf32, #tpu.memory_space<vmem>>[vector<16xi32>], vector<16xf32>,
      %gather3A_660 = tpu.vector_load_idx %arg8[%get3A_656] : memref<10000xf32, #tpu.memory_space<vmem>>[vector<16xi32>], vector<16xf32>,
      %gather3A_661 = tpu.vector_load_idx %arg9[%get3A_658] : memref<10000xf32, #tpu.memory_space<vmem>>[vector<16xi32>], vector<16xf32>,
      %gather3A_662 = tpu.vector_load_idx %arg10[%get3A_658] : memref<10000xf32, #tpu.memory_space<vmem>>[vector<16xi32>], vector<16xf32>,
      %get3A_663 = arith.constant 160 : index
      %get3A_664 = tpu.vector_load %arg14[%get3A_663] {strides = array<i32>} : memref<400xf32, #tpu.memory_space<vmem>>, vector<16xf32>,
      %get3A_665 = arith.constant 160 : index
      %get3A_666 = tpu.vector_load %arg15[%get3A_665] {strides = array<i32>} : memref<400xf32, #tpu.memory_space<vmem>>, vector<16xf32>,
      %get3A_667 = arith.constant 160 : index
      %get3A_668 = tpu.vector_load %arg16[%get3A_667] {strides = array<i32>} : memref<400xf32, #tpu.memory_space<vmem>>, vector<16xf32>,
      %get3A_669 = arith.constant 160 : index
      %get3A_670 = tpu.vector_load %arg17[%get3A_669] {strides = array<i32>} : memref<400xf32, #tpu.memory_space<vmem>>, vector<16xf32>,
      %add3A_671 = arith.addf %gather3A_659, %gather3A_661 : vector<16xf32>
      %mul3A_672 = vector.broadcast %squeeze3A : f32 to vector<16xf32>
      %mul3A_673 = arith.mulf %get3A_664, %mul3A_672 : vector<16xf32>
      %mul3A_674 = vector.broadcast %squeeze3A_5 : f32 to vector<16xf32>
      %mul3A_675 = arith.mulf %get3A_666, %mul3A_674 : vector<16xf32>
      %add3A_676 = arith.addf %mul3A_673, %mul3A_675 : vector<16xf32>
      %mul3A_677 = vector.broadcast %squeeze3A_7 : f32 to vector<16xf32>
      %mul3A_678 = arith.mulf %get3A_668, %mul3A_677 : vector<16xf32>
      %add3A_679 = arith.addf %add3A_676, %mul3A_678 : vector<16xf32>
      %mul3A_680 = vector.broadcast %squeeze3A_9 : f32 to vector<16xf32>
      %mul3A_681 = arith.mulf %get3A_670, %mul3A_680 : vector<16xf32>
      %add3A_682 = arith.addf %add3A_679, %mul3A_681 : vector<16xf32>
      %add3A_683 = arith.addf %add3A_671, %add3A_682 : vector<16xf32>
      %add3A_684 = arith.addf %gather3A_660, %gather3A_662 : vector<16xf32>
      %mul3A_685 = vector.broadcast %squeeze3A_11 : f32 to vector<16xf32>
      %mul3A_686 = arith.mulf %get3A_664, %mul3A_685 : vector<16xf32>
      %mul3A_687 = vector.broadcast %squeeze3A_13 : f32 to vector<16xf32>
      %mul3A_688 = arith.mulf %get3A_666, %mul3A_687 : vector<16xf32>
      %add3A_689 = arith.addf %mul3A_686, %mul3A_688 : vector<16xf32>
      %mul3A_690 = vector.broadcast %squeeze3A_15 : f32 to vector<16xf32>
      %mul3A_691 = arith.mulf %get3A_668, %mul3A_690 : vector<16xf32>
      %add3A_692 = arith.addf %add3A_689, %mul3A_691 : vector<16xf32>
      %mul3A_693 = vector.broadcast %squeeze3A_17 : f32 to vector<16xf32>
      %mul3A_694 = arith.mulf %get3A_670, %mul3A_693 : vector<16xf32>
      %add3A_695 = arith.addf %add3A_692, %mul3A_694 : vector<16xf32>
      %add3A_696 = arith.addf %add3A_684, %add3A_695 : vector<16xf32>
      %ge3A_697 = arith.constant 0.000000e+00 : f32
      %ge3A_698 = vector.broadcast %ge3A_697 : f32 to vector<16xf32>
      %ge3A_699 = arith.cmpf oge, %add3A_683, %ge3A_698 : vector<16xf32>
      %mul3A_700 = arith.constant 2.000000e-01 : f32
      %mul3A_701 = vector.broadcast %mul3A_700 : f32 to vector<16xf32>
      %mul3A_702 = arith.mulf %mul3A_701, %add3A_683 : vector<16xf32>
      %select_n3A_703 = arith.select %ge3A_699, %add3A_683, %mul3A_702 : vector<16xi1>, vector<16xf32>
      %ge3A_704 = arith.constant 0.000000e+00 : f32
      %ge3A_705 = vector.broadcast %ge3A_704 : f32 to vector<16xf32>
      %ge3A_706 = arith.cmpf oge, %add3A_696, %ge3A_705 : vector<16xf32>
      %mul3A_707 = arith.constant 2.000000e-01 : f32
      %mul3A_708 = vector.broadcast %mul3A_707 : f32 to vector<16xf32>
      %mul3A_709 = arith.mulf %mul3A_708, %add3A_696 : vector<16xf32>
      %select_n3A_710 = arith.select %ge3A_706, %add3A_696, %mul3A_709 : vector<16xi1>, vector<16xf32>
      %exp3A_711 = math.exp %select_n3A_703 : vector<16xf32>
      %swap3A_712 = arith.constant 160 : index
      %swap3A_713 = tpu.vector_load %arg18[%swap3A_712] {strides = array<i32>} : memref<400xf32, #tpu.memory_space<vmem>>, vector<16xf32>,
      tpu.vector_store %arg18[%swap3A_712], %exp3A_711 {strides = array<i32>} : memref<400xf32, #tpu.memory_space<vmem>>, vector<16xf32>,
      %exp3A_714 = math.exp %select_n3A_710 : vector<16xf32>
      %swap3A_715 = arith.constant 160 : index
      %swap3A_716 = tpu.vector_load %arg19[%swap3A_715] {strides = array<i32>} : memref<400xf32, #tpu.memory_space<vmem>>, vector<16xf32>,
      tpu.vector_store %arg19[%swap3A_715], %exp3A_714 {strides = array<i32>} : memref<400xf32, #tpu.memory_space<vmem>>, vector<16xf32>,
      %get3A_717 = arith.constant 176 : index
      %get3A_718 = tpu.vector_load %arg12[%get3A_717] {strides = array<i32>} : memref<400xi32, #tpu.memory_space<vmem>>, vector<16xi32>,
      %get3A_719 = arith.constant 176 : index
      %get3A_720 = tpu.vector_load %arg13[%get3A_719] {strides = array<i32>} : memref<400xi32, #tpu.memory_space<vmem>>, vector<16xi32>,
      %gather3A_721 = tpu.vector_load_idx %arg7[%get3A_718] : memref<10000xf32, #tpu.memory_space<vmem>>[vector<16xi32>], vector<16xf32>,
      %gather3A_722 = tpu.vector_load_idx %arg8[%get3A_718] : memref<10000xf32, #tpu.memory_space<vmem>>[vector<16xi32>], vector<16xf32>,
      %gather3A_723 = tpu.vector_load_idx %arg9[%get3A_720] : memref<10000xf32, #tpu.memory_space<vmem>>[vector<16xi32>], vector<16xf32>,
      %gather3A_724 = tpu.vector_load_idx %arg10[%get3A_720] : memref<10000xf32, #tpu.memory_space<vmem>>[vector<16xi32>], vector<16xf32>,
      %get3A_725 = arith.constant 176 : index
      %get3A_726 = tpu.vector_load %arg14[%get3A_725] {strides = array<i32>} : memref<400xf32, #tpu.memory_space<vmem>>, vector<16xf32>,
      %get3A_727 = arith.constant 176 : index
      %get3A_728 = tpu.vector_load %arg15[%get3A_727] {strides = array<i32>} : memref<400xf32, #tpu.memory_space<vmem>>, vector<16xf32>,
      %get3A_729 = arith.constant 176 : index
      %get3A_730 = tpu.vector_load %arg16[%get3A_729] {strides = array<i32>} : memref<400xf32, #tpu.memory_space<vmem>>, vector<16xf32>,
      %get3A_731 = arith.constant 176 : index
      %get3A_732 = tpu.vector_load %arg17[%get3A_731] {strides = array<i32>} : memref<400xf32, #tpu.memory_space<vmem>>, vector<16xf32>,
      %add3A_733 = arith.addf %gather3A_721, %gather3A_723 : vector<16xf32>
      %mul3A_734 = vector.broadcast %squeeze3A : f32 to vector<16xf32>
      %mul3A_735 = arith.mulf %get3A_726, %mul3A_734 : vector<16xf32>
      %mul3A_736 = vector.broadcast %squeeze3A_5 : f32 to vector<16xf32>
      %mul3A_737 = arith.mulf %get3A_728, %mul3A_736 : vector<16xf32>
      %add3A_738 = arith.addf %mul3A_735, %mul3A_737 : vector<16xf32>
      %mul3A_739 = vector.broadcast %squeeze3A_7 : f32 to vector<16xf32>
      %mul3A_740 = arith.mulf %get3A_730, %mul3A_739 : vector<16xf32>
      %add3A_741 = arith.addf %add3A_738, %mul3A_740 : vector<16xf32>
      %mul3A_742 = vector.broadcast %squeeze3A_9 : f32 to vector<16xf32>
      %mul3A_743 = arith.mulf %get3A_732, %mul3A_742 : vector<16xf32>
      %add3A_744 = arith.addf %add3A_741, %mul3A_743 : vector<16xf32>
      %add3A_745 = arith.addf %add3A_733, %add3A_744 : vector<16xf32>
      %add3A_746 = arith.addf %gather3A_722, %gather3A_724 : vector<16xf32>
      %mul3A_747 = vector.broadcast %squeeze3A_11 : f32 to vector<16xf32>
      %mul3A_748 = arith.mulf %get3A_726, %mul3A_747 : vector<16xf32>
      %mul3A_749 = vector.broadcast %squeeze3A_13 : f32 to vector<16xf32>
      %mul3A_750 = arith.mulf %get3A_728, %mul3A_749 : vector<16xf32>
      %add3A_751 = arith.addf %mul3A_748, %mul3A_750 : vector<16xf32>
      %mul3A_752 = vector.broadcast %squeeze3A_15 : f32 to vector<16xf32>
      %mul3A_753 = arith.mulf %get3A_730, %mul3A_752 : vector<16xf32>
      %add3A_754 = arith.addf %add3A_751, %mul3A_753 : vector<16xf32>
      %mul3A_755 = vector.broadcast %squeeze3A_17 : f32 to vector<16xf32>
      %mul3A_756 = arith.mulf %get3A_732, %mul3A_755 : vector<16xf32>
      %add3A_757 = arith.addf %add3A_754, %mul3A_756 : vector<16xf32>
      %add3A_758 = arith.addf %add3A_746, %add3A_757 : vector<16xf32>
      %ge3A_759 = arith.constant 0.000000e+00 : f32
      %ge3A_760 = vector.broadcast %ge3A_759 : f32 to vector<16xf32>
      %ge3A_761 = arith.cmpf oge, %add3A_745, %ge3A_760 : vector<16xf32>
      %mul3A_762 = arith.constant 2.000000e-01 : f32
      %mul3A_763 = vector.broadcast %mul3A_762 : f32 to vector<16xf32>
      %mul3A_764 = arith.mulf %mul3A_763, %add3A_745 : vector<16xf32>
      %select_n3A_765 = arith.select %ge3A_761, %add3A_745, %mul3A_764 : vector<16xi1>, vector<16xf32>
      %ge3A_766 = arith.constant 0.000000e+00 : f32
      %ge3A_767 = vector.broadcast %ge3A_766 : f32 to vector<16xf32>
      %ge3A_768 = arith.cmpf oge, %add3A_758, %ge3A_767 : vector<16xf32>
      %mul3A_769 = arith.constant 2.000000e-01 : f32
      %mul3A_770 = vector.broadcast %mul3A_769 : f32 to vector<16xf32>
      %mul3A_771 = arith.mulf %mul3A_770, %add3A_758 : vector<16xf32>
      %select_n3A_772 = arith.select %ge3A_768, %add3A_758, %mul3A_771 : vector<16xi1>, vector<16xf32>
      %exp3A_773 = math.exp %select_n3A_765 : vector<16xf32>
      %swap3A_774 = arith.constant 176 : index
      %swap3A_775 = tpu.vector_load %arg18[%swap3A_774] {strides = array<i32>} : memref<400xf32, #tpu.memory_space<vmem>>, vector<16xf32>,
      tpu.vector_store %arg18[%swap3A_774], %exp3A_773 {strides = array<i32>} : memref<400xf32, #tpu.memory_space<vmem>>, vector<16xf32>,
      %exp3A_776 = math.exp %select_n3A_772 : vector<16xf32>
      %swap3A_777 = arith.constant 176 : index
      %swap3A_778 = tpu.vector_load %arg19[%swap3A_777] {strides = array<i32>} : memref<400xf32, #tpu.memory_space<vmem>>, vector<16xf32>,
      tpu.vector_store %arg19[%swap3A_777], %exp3A_776 {strides = array<i32>} : memref<400xf32, #tpu.memory_space<vmem>>, vector<16xf32>,
      %get3A_779 = arith.constant 192 : index
      %get3A_780 = tpu.vector_load %arg12[%get3A_779] {strides = array<i32>} : memref<400xi32, #tpu.memory_space<vmem>>, vector<16xi32>,
      %get3A_781 = arith.constant 192 : index
      %get3A_782 = tpu.vector_load %arg13[%get3A_781] {strides = array<i32>} : memref<400xi32, #tpu.memory_space<vmem>>, vector<16xi32>,
      %gather3A_783 = tpu.vector_load_idx %arg7[%get3A_780] : memref<10000xf32, #tpu.memory_space<vmem>>[vector<16xi32>], vector<16xf32>,
      %gather3A_784 = tpu.vector_load_idx %arg8[%get3A_780] : memref<10000xf32, #tpu.memory_space<vmem>>[vector<16xi32>], vector<16xf32>,
      %gather3A_785 = tpu.vector_load_idx %arg9[%get3A_782] : memref<10000xf32, #tpu.memory_space<vmem>>[vector<16xi32>], vector<16xf32>,
      %gather3A_786 = tpu.vector_load_idx %arg10[%get3A_782] : memref<10000xf32, #tpu.memory_space<vmem>>[vector<16xi32>], vector<16xf32>,
      %get3A_787 = arith.constant 192 : index
      %get3A_788 = tpu.vector_load %arg14[%get3A_787] {strides = array<i32>} : memref<400xf32, #tpu.memory_space<vmem>>, vector<16xf32>,
      %get3A_789 = arith.constant 192 : index
      %get3A_790 = tpu.vector_load %arg15[%get3A_789] {strides = array<i32>} : memref<400xf32, #tpu.memory_space<vmem>>, vector<16xf32>,
      %get3A_791 = arith.constant 192 : index
      %get3A_792 = tpu.vector_load %arg16[%get3A_791] {strides = array<i32>} : memref<400xf32, #tpu.memory_space<vmem>>, vector<16xf32>,
      %get3A_793 = arith.constant 192 : index
      %get3A_794 = tpu.vector_load %arg17[%get3A_793] {strides = array<i32>} : memref<400xf32, #tpu.memory_space<vmem>>, vector<16xf32>,
      %add3A_795 = arith.addf %gather3A_783, %gather3A_785 : vector<16xf32>
      %mul3A_796 = vector.broadcast %squeeze3A : f32 to vector<16xf32>
      %mul3A_797 = arith.mulf %get3A_788, %mul3A_796 : vector<16xf32>
      %mul3A_798 = vector.broadcast %squeeze3A_5 : f32 to vector<16xf32>
      %mul3A_799 = arith.mulf %get3A_790, %mul3A_798 : vector<16xf32>
      %add3A_800 = arith.addf %mul3A_797, %mul3A_799 : vector<16xf32>
      %mul3A_801 = vector.broadcast %squeeze3A_7 : f32 to vector<16xf32>
      %mul3A_802 = arith.mulf %get3A_792, %mul3A_801 : vector<16xf32>
      %add3A_803 = arith.addf %add3A_800, %mul3A_802 : vector<16xf32>
      %mul3A_804 = vector.broadcast %squeeze3A_9 : f32 to vector<16xf32>
      %mul3A_805 = arith.mulf %get3A_794, %mul3A_804 : vector<16xf32>
      %add3A_806 = arith.addf %add3A_803, %mul3A_805 : vector<16xf32>
      %add3A_807 = arith.addf %add3A_795, %add3A_806 : vector<16xf32>
      %add3A_808 = arith.addf %gather3A_784, %gather3A_786 : vector<16xf32>
      %mul3A_809 = vector.broadcast %squeeze3A_11 : f32 to vector<16xf32>
      %mul3A_810 = arith.mulf %get3A_788, %mul3A_809 : vector<16xf32>
      %mul3A_811 = vector.broadcast %squeeze3A_13 : f32 to vector<16xf32>
      %mul3A_812 = arith.mulf %get3A_790, %mul3A_811 : vector<16xf32>
      %add3A_813 = arith.addf %mul3A_810, %mul3A_812 : vector<16xf32>
      %mul3A_814 = vector.broadcast %squeeze3A_15 : f32 to vector<16xf32>
      %mul3A_815 = arith.mulf %get3A_792, %mul3A_814 : vector<16xf32>
      %add3A_816 = arith.addf %add3A_813, %mul3A_815 : vector<16xf32>
      %mul3A_817 = vector.broadcast %squeeze3A_17 : f32 to vector<16xf32>
      %mul3A_818 = arith.mulf %get3A_794, %mul3A_817 : vector<16xf32>
      %add3A_819 = arith.addf %add3A_816, %mul3A_818 : vector<16xf32>
      %add3A_820 = arith.addf %add3A_808, %add3A_819 : vector<16xf32>
      %ge3A_821 = arith.constant 0.000000e+00 : f32
      %ge3A_822 = vector.broadcast %ge3A_821 : f32 to vector<16xf32>
      %ge3A_823 = arith.cmpf oge, %add3A_807, %ge3A_822 : vector<16xf32>
      %mul3A_824 = arith.constant 2.000000e-01 : f32
      %mul3A_825 = vector.broadcast %mul3A_824 : f32 to vector<16xf32>
      %mul3A_826 = arith.mulf %mul3A_825, %add3A_807 : vector<16xf32>
      %select_n3A_827 = arith.select %ge3A_823, %add3A_807, %mul3A_826 : vector<16xi1>, vector<16xf32>
      %ge3A_828 = arith.constant 0.000000e+00 : f32
      %ge3A_829 = vector.broadcast %ge3A_828 : f32 to vector<16xf32>
      %ge3A_830 = arith.cmpf oge, %add3A_820, %ge3A_829 : vector<16xf32>
      %mul3A_831 = arith.constant 2.000000e-01 : f32
      %mul3A_832 = vector.broadcast %mul3A_831 : f32 to vector<16xf32>
      %mul3A_833 = arith.mulf %mul3A_832, %add3A_820 : vector<16xf32>
      %select_n3A_834 = arith.select %ge3A_830, %add3A_820, %mul3A_833 : vector<16xi1>, vector<16xf32>
      %exp3A_835 = math.exp %select_n3A_827 : vector<16xf32>
      %swap3A_836 = arith.constant 192 : index
      %swap3A_837 = tpu.vector_load %arg18[%swap3A_836] {strides = array<i32>} : memref<400xf32, #tpu.memory_space<vmem>>, vector<16xf32>,
      tpu.vector_store %arg18[%swap3A_836], %exp3A_835 {strides = array<i32>} : memref<400xf32, #tpu.memory_space<vmem>>, vector<16xf32>,
      %exp3A_838 = math.exp %select_n3A_834 : vector<16xf32>
      %swap3A_839 = arith.constant 192 : index
      %swap3A_840 = tpu.vector_load %arg19[%swap3A_839] {strides = array<i32>} : memref<400xf32, #tpu.memory_space<vmem>>, vector<16xf32>,
      tpu.vector_store %arg19[%swap3A_839], %exp3A_838 {strides = array<i32>} : memref<400xf32, #tpu.memory_space<vmem>>, vector<16xf32>,
      %get3A_841 = arith.constant 208 : index
      %get3A_842 = tpu.vector_load %arg12[%get3A_841] {strides = array<i32>} : memref<400xi32, #tpu.memory_space<vmem>>, vector<16xi32>,
      %get3A_843 = arith.constant 208 : index
      %get3A_844 = tpu.vector_load %arg13[%get3A_843] {strides = array<i32>} : memref<400xi32, #tpu.memory_space<vmem>>, vector<16xi32>,
      %gather3A_845 = tpu.vector_load_idx %arg7[%get3A_842] : memref<10000xf32, #tpu.memory_space<vmem>>[vector<16xi32>], vector<16xf32>,
      %gather3A_846 = tpu.vector_load_idx %arg8[%get3A_842] : memref<10000xf32, #tpu.memory_space<vmem>>[vector<16xi32>], vector<16xf32>,
      %gather3A_847 = tpu.vector_load_idx %arg9[%get3A_844] : memref<10000xf32, #tpu.memory_space<vmem>>[vector<16xi32>], vector<16xf32>,
      %gather3A_848 = tpu.vector_load_idx %arg10[%get3A_844] : memref<10000xf32, #tpu.memory_space<vmem>>[vector<16xi32>], vector<16xf32>,
      %get3A_849 = arith.constant 208 : index
      %get3A_850 = tpu.vector_load %arg14[%get3A_849] {strides = array<i32>} : memref<400xf32, #tpu.memory_space<vmem>>, vector<16xf32>,
      %get3A_851 = arith.constant 208 : index
      %get3A_852 = tpu.vector_load %arg15[%get3A_851] {strides = array<i32>} : memref<400xf32, #tpu.memory_space<vmem>>, vector<16xf32>,
      %get3A_853 = arith.constant 208 : index
      %get3A_854 = tpu.vector_load %arg16[%get3A_853] {strides = array<i32>} : memref<400xf32, #tpu.memory_space<vmem>>, vector<16xf32>,
      %get3A_855 = arith.constant 208 : index
      %get3A_856 = tpu.vector_load %arg17[%get3A_855] {strides = array<i32>} : memref<400xf32, #tpu.memory_space<vmem>>, vector<16xf32>,
      %add3A_857 = arith.addf %gather3A_845, %gather3A_847 : vector<16xf32>
      %mul3A_858 = vector.broadcast %squeeze3A : f32 to vector<16xf32>
      %mul3A_859 = arith.mulf %get3A_850, %mul3A_858 : vector<16xf32>
      %mul3A_860 = vector.broadcast %squeeze3A_5 : f32 to vector<16xf32>
      %mul3A_861 = arith.mulf %get3A_852, %mul3A_860 : vector<16xf32>
      %add3A_862 = arith.addf %mul3A_859, %mul3A_861 : vector<16xf32>
      %mul3A_863 = vector.broadcast %squeeze3A_7 : f32 to vector<16xf32>
      %mul3A_864 = arith.mulf %get3A_854, %mul3A_863 : vector<16xf32>
      %add3A_865 = arith.addf %add3A_862, %mul3A_864 : vector<16xf32>
      %mul3A_866 = vector.broadcast %squeeze3A_9 : f32 to vector<16xf32>
      %mul3A_867 = arith.mulf %get3A_856, %mul3A_866 : vector<16xf32>
      %add3A_868 = arith.addf %add3A_865, %mul3A_867 : vector<16xf32>
      %add3A_869 = arith.addf %add3A_857, %add3A_868 : vector<16xf32>
      %add3A_870 = arith.addf %gather3A_846, %gather3A_848 : vector<16xf32>
      %mul3A_871 = vector.broadcast %squeeze3A_11 : f32 to vector<16xf32>
      %mul3A_872 = arith.mulf %get3A_850, %mul3A_871 : vector<16xf32>
      %mul3A_873 = vector.broadcast %squeeze3A_13 : f32 to vector<16xf32>
      %mul3A_874 = arith.mulf %get3A_852, %mul3A_873 : vector<16xf32>
      %add3A_875 = arith.addf %mul3A_872, %mul3A_874 : vector<16xf32>
      %mul3A_876 = vector.broadcast %squeeze3A_15 : f32 to vector<16xf32>
      %mul3A_877 = arith.mulf %get3A_854, %mul3A_876 : vector<16xf32>
      %add3A_878 = arith.addf %add3A_875, %mul3A_877 : vector<16xf32>
      %mul3A_879 = vector.broadcast %squeeze3A_17 : f32 to vector<16xf32>
      %mul3A_880 = arith.mulf %get3A_856, %mul3A_879 : vector<16xf32>
      %add3A_881 = arith.addf %add3A_878, %mul3A_880 : vector<16xf32>
      %add3A_882 = arith.addf %add3A_870, %add3A_881 : vector<16xf32>
      %ge3A_883 = arith.constant 0.000000e+00 : f32
      %ge3A_884 = vector.broadcast %ge3A_883 : f32 to vector<16xf32>
      %ge3A_885 = arith.cmpf oge, %add3A_869, %ge3A_884 : vector<16xf32>
      %mul3A_886 = arith.constant 2.000000e-01 : f32
      %mul3A_887 = vector.broadcast %mul3A_886 : f32 to vector<16xf32>
      %mul3A_888 = arith.mulf %mul3A_887, %add3A_869 : vector<16xf32>
      %select_n3A_889 = arith.select %ge3A_885, %add3A_869, %mul3A_888 : vector<16xi1>, vector<16xf32>
      %ge3A_890 = arith.constant 0.000000e+00 : f32
      %ge3A_891 = vector.broadcast %ge3A_890 : f32 to vector<16xf32>
      %ge3A_892 = arith.cmpf oge, %add3A_882, %ge3A_891 : vector<16xf32>
      %mul3A_893 = arith.constant 2.000000e-01 : f32
      %mul3A_894 = vector.broadcast %mul3A_893 : f32 to vector<16xf32>
      %mul3A_895 = arith.mulf %mul3A_894, %add3A_882 : vector<16xf32>
      %select_n3A_896 = arith.select %ge3A_892, %add3A_882, %mul3A_895 : vector<16xi1>, vector<16xf32>
      %exp3A_897 = math.exp %select_n3A_889 : vector<16xf32>
      %swap3A_898 = arith.constant 208 : index
      %swap3A_899 = tpu.vector_load %arg18[%swap3A_898] {strides = array<i32>} : memref<400xf32, #tpu.memory_space<vmem>>, vector<16xf32>,
      tpu.vector_store %arg18[%swap3A_898], %exp3A_897 {strides = array<i32>} : memref<400xf32, #tpu.memory_space<vmem>>, vector<16xf32>,
      %exp3A_900 = math.exp %select_n3A_896 : vector<16xf32>
      %swap3A_901 = arith.constant 208 : index
      %swap3A_902 = tpu.vector_load %arg19[%swap3A_901] {strides = array<i32>} : memref<400xf32, #tpu.memory_space<vmem>>, vector<16xf32>,
      tpu.vector_store %arg19[%swap3A_901], %exp3A_900 {strides = array<i32>} : memref<400xf32, #tpu.memory_space<vmem>>, vector<16xf32>,
      %get3A_903 = arith.constant 224 : index
      %get3A_904 = tpu.vector_load %arg12[%get3A_903] {strides = array<i32>} : memref<400xi32, #tpu.memory_space<vmem>>, vector<16xi32>,
      %get3A_905 = arith.constant 224 : index
      %get3A_906 = tpu.vector_load %arg13[%get3A_905] {strides = array<i32>} : memref<400xi32, #tpu.memory_space<vmem>>, vector<16xi32>,
      %gather3A_907 = tpu.vector_load_idx %arg7[%get3A_904] : memref<10000xf32, #tpu.memory_space<vmem>>[vector<16xi32>], vector<16xf32>,
      %gather3A_908 = tpu.vector_load_idx %arg8[%get3A_904] : memref<10000xf32, #tpu.memory_space<vmem>>[vector<16xi32>], vector<16xf32>,
      %gather3A_909 = tpu.vector_load_idx %arg9[%get3A_906] : memref<10000xf32, #tpu.memory_space<vmem>>[vector<16xi32>], vector<16xf32>,
      %gather3A_910 = tpu.vector_load_idx %arg10[%get3A_906] : memref<10000xf32, #tpu.memory_space<vmem>>[vector<16xi32>], vector<16xf32>,
      %get3A_911 = arith.constant 224 : index
      %get3A_912 = tpu.vector_load %arg14[%get3A_911] {strides = array<i32>} : memref<400xf32, #tpu.memory_space<vmem>>, vector<16xf32>,
      %get3A_913 = arith.constant 224 : index
      %get3A_914 = tpu.vector_load %arg15[%get3A_913] {strides = array<i32>} : memref<400xf32, #tpu.memory_space<vmem>>, vector<16xf32>,
      %get3A_915 = arith.constant 224 : index
      %get3A_916 = tpu.vector_load %arg16[%get3A_915] {strides = array<i32>} : memref<400xf32, #tpu.memory_space<vmem>>, vector<16xf32>,
      %get3A_917 = arith.constant 224 : index
      %get3A_918 = tpu.vector_load %arg17[%get3A_917] {strides = array<i32>} : memref<400xf32, #tpu.memory_space<vmem>>, vector<16xf32>,
      %add3A_919 = arith.addf %gather3A_907, %gather3A_909 : vector<16xf32>
      %mul3A_920 = vector.broadcast %squeeze3A : f32 to vector<16xf32>
      %mul3A_921 = arith.mulf %get3A_912, %mul3A_920 : vector<16xf32>
      %mul3A_922 = vector.broadcast %squeeze3A_5 : f32 to vector<16xf32>
      %mul3A_923 = arith.mulf %get3A_914, %mul3A_922 : vector<16xf32>
      %add3A_924 = arith.addf %mul3A_921, %mul3A_923 : vector<16xf32>
      %mul3A_925 = vector.broadcast %squeeze3A_7 : f32 to vector<16xf32>
      %mul3A_926 = arith.mulf %get3A_916, %mul3A_925 : vector<16xf32>
      %add3A_927 = arith.addf %add3A_924, %mul3A_926 : vector<16xf32>
      %mul3A_928 = vector.broadcast %squeeze3A_9 : f32 to vector<16xf32>
      %mul3A_929 = arith.mulf %get3A_918, %mul3A_928 : vector<16xf32>
      %add3A_930 = arith.addf %add3A_927, %mul3A_929 : vector<16xf32>
      %add3A_931 = arith.addf %add3A_919, %add3A_930 : vector<16xf32>
      %add3A_932 = arith.addf %gather3A_908, %gather3A_910 : vector<16xf32>
      %mul3A_933 = vector.broadcast %squeeze3A_11 : f32 to vector<16xf32>
      %mul3A_934 = arith.mulf %get3A_912, %mul3A_933 : vector<16xf32>
      %mul3A_935 = vector.broadcast %squeeze3A_13 : f32 to vector<16xf32>
      %mul3A_936 = arith.mulf %get3A_914, %mul3A_935 : vector<16xf32>
      %add3A_937 = arith.addf %mul3A_934, %mul3A_936 : vector<16xf32>
      %mul3A_938 = vector.broadcast %squeeze3A_15 : f32 to vector<16xf32>
      %mul3A_939 = arith.mulf %get3A_916, %mul3A_938 : vector<16xf32>
      %add3A_940 = arith.addf %add3A_937, %mul3A_939 : vector<16xf32>
      %mul3A_941 = vector.broadcast %squeeze3A_17 : f32 to vector<16xf32>
      %mul3A_942 = arith.mulf %get3A_918, %mul3A_941 : vector<16xf32>
      %add3A_943 = arith.addf %add3A_940, %mul3A_942 : vector<16xf32>
      %add3A_944 = arith.addf %add3A_932, %add3A_943 : vector<16xf32>
      %ge3A_945 = arith.constant 0.000000e+00 : f32
      %ge3A_946 = vector.broadcast %ge3A_945 : f32 to vector<16xf32>
      %ge3A_947 = arith.cmpf oge, %add3A_931, %ge3A_946 : vector<16xf32>
      %mul3A_948 = arith.constant 2.000000e-01 : f32
      %mul3A_949 = vector.broadcast %mul3A_948 : f32 to vector<16xf32>
      %mul3A_950 = arith.mulf %mul3A_949, %add3A_931 : vector<16xf32>
      %select_n3A_951 = arith.select %ge3A_947, %add3A_931, %mul3A_950 : vector<16xi1>, vector<16xf32>
      %ge3A_952 = arith.constant 0.000000e+00 : f32
      %ge3A_953 = vector.broadcast %ge3A_952 : f32 to vector<16xf32>
      %ge3A_954 = arith.cmpf oge, %add3A_944, %ge3A_953 : vector<16xf32>
      %mul3A_955 = arith.constant 2.000000e-01 : f32
      %mul3A_956 = vector.broadcast %mul3A_955 : f32 to vector<16xf32>
      %mul3A_957 = arith.mulf %mul3A_956, %add3A_944 : vector<16xf32>
      %select_n3A_958 = arith.select %ge3A_954, %add3A_944, %mul3A_957 : vector<16xi1>, vector<16xf32>
      %exp3A_959 = math.exp %select_n3A_951 : vector<16xf32>
      %swap3A_960 = arith.constant 224 : index
      %swap3A_961 = tpu.vector_load %arg18[%swap3A_960] {strides = array<i32>} : memref<400xf32, #tpu.memory_space<vmem>>, vector<16xf32>,
      tpu.vector_store %arg18[%swap3A_960], %exp3A_959 {strides = array<i32>} : memref<400xf32, #tpu.memory_space<vmem>>, vector<16xf32>,
      %exp3A_962 = math.exp %select_n3A_958 : vector<16xf32>
      %swap3A_963 = arith.constant 224 : index
      %swap3A_964 = tpu.vector_load %arg19[%swap3A_963] {strides = array<i32>} : memref<400xf32, #tpu.memory_space<vmem>>, vector<16xf32>,
      tpu.vector_store %arg19[%swap3A_963], %exp3A_962 {strides = array<i32>} : memref<400xf32, #tpu.memory_space<vmem>>, vector<16xf32>,
      %get3A_965 = arith.constant 240 : index
      %get3A_966 = tpu.vector_load %arg12[%get3A_965] {strides = array<i32>} : memref<400xi32, #tpu.memory_space<vmem>>, vector<16xi32>,
      %get3A_967 = arith.constant 240 : index
      %get3A_968 = tpu.vector_load %arg13[%get3A_967] {strides = array<i32>} : memref<400xi32, #tpu.memory_space<vmem>>, vector<16xi32>,
      %gather3A_969 = tpu.vector_load_idx %arg7[%get3A_966] : memref<10000xf32, #tpu.memory_space<vmem>>[vector<16xi32>], vector<16xf32>,
      %gather3A_970 = tpu.vector_load_idx %arg8[%get3A_966] : memref<10000xf32, #tpu.memory_space<vmem>>[vector<16xi32>], vector<16xf32>,
      %gather3A_971 = tpu.vector_load_idx %arg9[%get3A_968] : memref<10000xf32, #tpu.memory_space<vmem>>[vector<16xi32>], vector<16xf32>,
      %gather3A_972 = tpu.vector_load_idx %arg10[%get3A_968] : memref<10000xf32, #tpu.memory_space<vmem>>[vector<16xi32>], vector<16xf32>,
      %get3A_973 = arith.constant 240 : index
      %get3A_974 = tpu.vector_load %arg14[%get3A_973] {strides = array<i32>} : memref<400xf32, #tpu.memory_space<vmem>>, vector<16xf32>,
      %get3A_975 = arith.constant 240 : index
      %get3A_976 = tpu.vector_load %arg15[%get3A_975] {strides = array<i32>} : memref<400xf32, #tpu.memory_space<vmem>>, vector<16xf32>,
      %get3A_977 = arith.constant 240 : index
      %get3A_978 = tpu.vector_load %arg16[%get3A_977] {strides = array<i32>} : memref<400xf32, #tpu.memory_space<vmem>>, vector<16xf32>,
      %get3A_979 = arith.constant 240 : index
      %get3A_980 = tpu.vector_load %arg17[%get3A_979] {strides = array<i32>} : memref<400xf32, #tpu.memory_space<vmem>>, vector<16xf32>,
      %add3A_981 = arith.addf %gather3A_969, %gather3A_971 : vector<16xf32>
      %mul3A_982 = vector.broadcast %squeeze3A : f32 to vector<16xf32>
      %mul3A_983 = arith.mulf %get3A_974, %mul3A_982 : vector<16xf32>
      %mul3A_984 = vector.broadcast %squeeze3A_5 : f32 to vector<16xf32>
      %mul3A_985 = arith.mulf %get3A_976, %mul3A_984 : vector<16xf32>
      %add3A_986 = arith.addf %mul3A_983, %mul3A_985 : vector<16xf32>
      %mul3A_987 = vector.broadcast %squeeze3A_7 : f32 to vector<16xf32>
      %mul3A_988 = arith.mulf %get3A_978, %mul3A_987 : vector<16xf32>
      %add3A_989 = arith.addf %add3A_986, %mul3A_988 : vector<16xf32>
      %mul3A_990 = vector.broadcast %squeeze3A_9 : f32 to vector<16xf32>
      %mul3A_991 = arith.mulf %get3A_980, %mul3A_990 : vector<16xf32>
      %add3A_992 = arith.addf %add3A_989, %mul3A_991 : vector<16xf32>
      %add3A_993 = arith.addf %add3A_981, %add3A_992 : vector<16xf32>
      %add3A_994 = arith.addf %gather3A_970, %gather3A_972 : vector<16xf32>
      %mul3A_995 = vector.broadcast %squeeze3A_11 : f32 to vector<16xf32>
      %mul3A_996 = arith.mulf %get3A_974, %mul3A_995 : vector<16xf32>
      %mul3A_997 = vector.broadcast %squeeze3A_13 : f32 to vector<16xf32>
      %mul3A_998 = arith.mulf %get3A_976, %mul3A_997 : vector<16xf32>
      %add3A_999 = arith.addf %mul3A_996, %mul3A_998 : vector<16xf32>
      %mul3A_1000 = vector.broadcast %squeeze3A_15 : f32 to vector<16xf32>
      %mul3A_1001 = arith.mulf %get3A_978, %mul3A_1000 : vector<16xf32>
      %add3A_1002 = arith.addf %add3A_999, %mul3A_1001 : vector<16xf32>
      %mul3A_1003 = vector.broadcast %squeeze3A_17 : f32 to vector<16xf32>
      %mul3A_1004 = arith.mulf %get3A_980, %mul3A_1003 : vector<16xf32>
      %add3A_1005 = arith.addf %add3A_1002, %mul3A_1004 : vector<16xf32>
      %add3A_1006 = arith.addf %add3A_994, %add3A_1005 : vector<16xf32>
      %ge3A_1007 = arith.constant 0.000000e+00 : f32
      %ge3A_1008 = vector.broadcast %ge3A_1007 : f32 to vector<16xf32>
      %ge3A_1009 = arith.cmpf oge, %add3A_993, %ge3A_1008 : vector<16xf32>
      %mul3A_1010 = arith.constant 2.000000e-01 : f32
      %mul3A_1011 = vector.broadcast %mul3A_1010 : f32 to vector<16xf32>
      %mul3A_1012 = arith.mulf %mul3A_1011, %add3A_993 : vector<16xf32>
      %select_n3A_1013 = arith.select %ge3A_1009, %add3A_993, %mul3A_1012 : vector<16xi1>, vector<16xf32>
      %ge3A_1014 = arith.constant 0.000000e+00 : f32
      %ge3A_1015 = vector.broadcast %ge3A_1014 : f32 to vector<16xf32>
      %ge3A_1016 = arith.cmpf oge, %add3A_1006, %ge3A_1015 : vector<16xf32>
      %mul3A_1017 = arith.constant 2.000000e-01 : f32
      %mul3A_1018 = vector.broadcast %mul3A_1017 : f32 to vector<16xf32>
      %mul3A_1019 = arith.mulf %mul3A_1018, %add3A_1006 : vector<16xf32>
      %select_n3A_1020 = arith.select %ge3A_1016, %add3A_1006, %mul3A_1019 : vector<16xi1>, vector<16xf32>
      %exp3A_1021 = math.exp %select_n3A_1013 : vector<16xf32>
      %swap3A_1022 = arith.constant 240 : index
      %swap3A_1023 = tpu.vector_load %arg18[%swap3A_1022] {strides = array<i32>} : memref<400xf32, #tpu.memory_space<vmem>>, vector<16xf32>,
      tpu.vector_store %arg18[%swap3A_1022], %exp3A_1021 {strides = array<i32>} : memref<400xf32, #tpu.memory_space<vmem>>, vector<16xf32>,
      %exp3A_1024 = math.exp %select_n3A_1020 : vector<16xf32>
      %swap3A_1025 = arith.constant 240 : index
      %swap3A_1026 = tpu.vector_load %arg19[%swap3A_1025] {strides = array<i32>} : memref<400xf32, #tpu.memory_space<vmem>>, vector<16xf32>,
      tpu.vector_store %arg19[%swap3A_1025], %exp3A_1024 {strides = array<i32>} : memref<400xf32, #tpu.memory_space<vmem>>, vector<16xf32>,
      %get3A_1027 = arith.constant 256 : index
      %get3A_1028 = tpu.vector_load %arg12[%get3A_1027] {strides = array<i32>} : memref<400xi32, #tpu.memory_space<vmem>>, vector<16xi32>,
      %get3A_1029 = arith.constant 256 : index
      %get3A_1030 = tpu.vector_load %arg13[%get3A_1029] {strides = array<i32>} : memref<400xi32, #tpu.memory_space<vmem>>, vector<16xi32>,
      %gather3A_1031 = tpu.vector_load_idx %arg7[%get3A_1028] : memref<10000xf32, #tpu.memory_space<vmem>>[vector<16xi32>], vector<16xf32>,
      %gather3A_1032 = tpu.vector_load_idx %arg8[%get3A_1028] : memref<10000xf32, #tpu.memory_space<vmem>>[vector<16xi32>], vector<16xf32>,
      %gather3A_1033 = tpu.vector_load_idx %arg9[%get3A_1030] : memref<10000xf32, #tpu.memory_space<vmem>>[vector<16xi32>], vector<16xf32>,
      %gather3A_1034 = tpu.vector_load_idx %arg10[%get3A_1030] : memref<10000xf32, #tpu.memory_space<vmem>>[vector<16xi32>], vector<16xf32>,
      %get3A_1035 = arith.constant 256 : index
      %get3A_1036 = tpu.vector_load %arg14[%get3A_1035] {strides = array<i32>} : memref<400xf32, #tpu.memory_space<vmem>>, vector<16xf32>,
      %get3A_1037 = arith.constant 256 : index
      %get3A_1038 = tpu.vector_load %arg15[%get3A_1037] {strides = array<i32>} : memref<400xf32, #tpu.memory_space<vmem>>, vector<16xf32>,
      %get3A_1039 = arith.constant 256 : index
      %get3A_1040 = tpu.vector_load %arg16[%get3A_1039] {strides = array<i32>} : memref<400xf32, #tpu.memory_space<vmem>>, vector<16xf32>,
      %get3A_1041 = arith.constant 256 : index
      %get3A_1042 = tpu.vector_load %arg17[%get3A_1041] {strides = array<i32>} : memref<400xf32, #tpu.memory_space<vmem>>, vector<16xf32>,
      %add3A_1043 = arith.addf %gather3A_1031, %gather3A_1033 : vector<16xf32>
      %mul3A_1044 = vector.broadcast %squeeze3A : f32 to vector<16xf32>
      %mul3A_1045 = arith.mulf %get3A_1036, %mul3A_1044 : vector<16xf32>
      %mul3A_1046 = vector.broadcast %squeeze3A_5 : f32 to vector<16xf32>
      %mul3A_1047 = arith.mulf %get3A_1038, %mul3A_1046 : vector<16xf32>
      %add3A_1048 = arith.addf %mul3A_1045, %mul3A_1047 : vector<16xf32>
      %mul3A_1049 = vector.broadcast %squeeze3A_7 : f32 to vector<16xf32>
      %mul3A_1050 = arith.mulf %get3A_1040, %mul3A_1049 : vector<16xf32>
      %add3A_1051 = arith.addf %add3A_1048, %mul3A_1050 : vector<16xf32>
      %mul3A_1052 = vector.broadcast %squeeze3A_9 : f32 to vector<16xf32>
      %mul3A_1053 = arith.mulf %get3A_1042, %mul3A_1052 : vector<16xf32>
      %add3A_1054 = arith.addf %add3A_1051, %mul3A_1053 : vector<16xf32>
      %add3A_1055 = arith.addf %add3A_1043, %add3A_1054 : vector<16xf32>
      %add3A_1056 = arith.addf %gather3A_1032, %gather3A_1034 : vector<16xf32>
      %mul3A_1057 = vector.broadcast %squeeze3A_11 : f32 to vector<16xf32>
      %mul3A_1058 = arith.mulf %get3A_1036, %mul3A_1057 : vector<16xf32>
      %mul3A_1059 = vector.broadcast %squeeze3A_13 : f32 to vector<16xf32>
      %mul3A_1060 = arith.mulf %get3A_1038, %mul3A_1059 : vector<16xf32>
      %add3A_1061 = arith.addf %mul3A_1058, %mul3A_1060 : vector<16xf32>
      %mul3A_1062 = vector.broadcast %squeeze3A_15 : f32 to vector<16xf32>
      %mul3A_1063 = arith.mulf %get3A_1040, %mul3A_1062 : vector<16xf32>
      %add3A_1064 = arith.addf %add3A_1061, %mul3A_1063 : vector<16xf32>
      %mul3A_1065 = vector.broadcast %squeeze3A_17 : f32 to vector<16xf32>
      %mul3A_1066 = arith.mulf %get3A_1042, %mul3A_1065 : vector<16xf32>
      %add3A_1067 = arith.addf %add3A_1064, %mul3A_1066 : vector<16xf32>
      %add3A_1068 = arith.addf %add3A_1056, %add3A_1067 : vector<16xf32>
      %ge3A_1069 = arith.constant 0.000000e+00 : f32
      %ge3A_1070 = vector.broadcast %ge3A_1069 : f32 to vector<16xf32>
      %ge3A_1071 = arith.cmpf oge, %add3A_1055, %ge3A_1070 : vector<16xf32>
      %mul3A_1072 = arith.constant 2.000000e-01 : f32
      %mul3A_1073 = vector.broadcast %mul3A_1072 : f32 to vector<16xf32>
      %mul3A_1074 = arith.mulf %mul3A_1073, %add3A_1055 : vector<16xf32>
      %select_n3A_1075 = arith.select %ge3A_1071, %add3A_1055, %mul3A_1074 : vector<16xi1>, vector<16xf32>
      %ge3A_1076 = arith.constant 0.000000e+00 : f32
      %ge3A_1077 = vector.broadcast %ge3A_1076 : f32 to vector<16xf32>
      %ge3A_1078 = arith.cmpf oge, %add3A_1068, %ge3A_1077 : vector<16xf32>
      %mul3A_1079 = arith.constant 2.000000e-01 : f32
      %mul3A_1080 = vector.broadcast %mul3A_1079 : f32 to vector<16xf32>
      %mul3A_1081 = arith.mulf %mul3A_1080, %add3A_1068 : vector<16xf32>
      %select_n3A_1082 = arith.select %ge3A_1078, %add3A_1068, %mul3A_1081 : vector<16xi1>, vector<16xf32>
      %exp3A_1083 = math.exp %select_n3A_1075 : vector<16xf32>
      %swap3A_1084 = arith.constant 256 : index
      %swap3A_1085 = tpu.vector_load %arg18[%swap3A_1084] {strides = array<i32>} : memref<400xf32, #tpu.memory_space<vmem>>, vector<16xf32>,
      tpu.vector_store %arg18[%swap3A_1084], %exp3A_1083 {strides = array<i32>} : memref<400xf32, #tpu.memory_space<vmem>>, vector<16xf32>,
      %exp3A_1086 = math.exp %select_n3A_1082 : vector<16xf32>
      %swap3A_1087 = arith.constant 256 : index
      %swap3A_1088 = tpu.vector_load %arg19[%swap3A_1087] {strides = array<i32>} : memref<400xf32, #tpu.memory_space<vmem>>, vector<16xf32>,
      tpu.vector_store %arg19[%swap3A_1087], %exp3A_1086 {strides = array<i32>} : memref<400xf32, #tpu.memory_space<vmem>>, vector<16xf32>,
      %get3A_1089 = arith.constant 272 : index
      %get3A_1090 = tpu.vector_load %arg12[%get3A_1089] {strides = array<i32>} : memref<400xi32, #tpu.memory_space<vmem>>, vector<16xi32>,
      %get3A_1091 = arith.constant 272 : index
      %get3A_1092 = tpu.vector_load %arg13[%get3A_1091] {strides = array<i32>} : memref<400xi32, #tpu.memory_space<vmem>>, vector<16xi32>,
      %gather3A_1093 = tpu.vector_load_idx %arg7[%get3A_1090] : memref<10000xf32, #tpu.memory_space<vmem>>[vector<16xi32>], vector<16xf32>,
      %gather3A_1094 = tpu.vector_load_idx %arg8[%get3A_1090] : memref<10000xf32, #tpu.memory_space<vmem>>[vector<16xi32>], vector<16xf32>,
      %gather3A_1095 = tpu.vector_load_idx %arg9[%get3A_1092] : memref<10000xf32, #tpu.memory_space<vmem>>[vector<16xi32>], vector<16xf32>,
      %gather3A_1096 = tpu.vector_load_idx %arg10[%get3A_1092] : memref<10000xf32, #tpu.memory_space<vmem>>[vector<16xi32>], vector<16xf32>,
      %get3A_1097 = arith.constant 272 : index
      %get3A_1098 = tpu.vector_load %arg14[%get3A_1097] {strides = array<i32>} : memref<400xf32, #tpu.memory_space<vmem>>, vector<16xf32>,
      %get3A_1099 = arith.constant 272 : index
      %get3A_1100 = tpu.vector_load %arg15[%get3A_1099] {strides = array<i32>} : memref<400xf32, #tpu.memory_space<vmem>>, vector<16xf32>,
      %get3A_1101 = arith.constant 272 : index
      %get3A_1102 = tpu.vector_load %arg16[%get3A_1101] {strides = array<i32>} : memref<400xf32, #tpu.memory_space<vmem>>, vector<16xf32>,
      %get3A_1103 = arith.constant 272 : index
      %get3A_1104 = tpu.vector_load %arg17[%get3A_1103] {strides = array<i32>} : memref<400xf32, #tpu.memory_space<vmem>>, vector<16xf32>,
      %add3A_1105 = arith.addf %gather3A_1093, %gather3A_1095 : vector<16xf32>
      %mul3A_1106 = vector.broadcast %squeeze3A : f32 to vector<16xf32>
      %mul3A_1107 = arith.mulf %get3A_1098, %mul3A_1106 : vector<16xf32>
      %mul3A_1108 = vector.broadcast %squeeze3A_5 : f32 to vector<16xf32>
      %mul3A_1109 = arith.mulf %get3A_1100, %mul3A_1108 : vector<16xf32>
      %add3A_1110 = arith.addf %mul3A_1107, %mul3A_1109 : vector<16xf32>
      %mul3A_1111 = vector.broadcast %squeeze3A_7 : f32 to vector<16xf32>
      %mul3A_1112 = arith.mulf %get3A_1102, %mul3A_1111 : vector<16xf32>
      %add3A_1113 = arith.addf %add3A_1110, %mul3A_1112 : vector<16xf32>
      %mul3A_1114 = vector.broadcast %squeeze3A_9 : f32 to vector<16xf32>
      %mul3A_1115 = arith.mulf %get3A_1104, %mul3A_1114 : vector<16xf32>
      %add3A_1116 = arith.addf %add3A_1113, %mul3A_1115 : vector<16xf32>
      %add3A_1117 = arith.addf %add3A_1105, %add3A_1116 : vector<16xf32>
      %add3A_1118 = arith.addf %gather3A_1094, %gather3A_1096 : vector<16xf32>
      %mul3A_1119 = vector.broadcast %squeeze3A_11 : f32 to vector<16xf32>
      %mul3A_1120 = arith.mulf %get3A_1098, %mul3A_1119 : vector<16xf32>
      %mul3A_1121 = vector.broadcast %squeeze3A_13 : f32 to vector<16xf32>
      %mul3A_1122 = arith.mulf %get3A_1100, %mul3A_1121 : vector<16xf32>
      %add3A_1123 = arith.addf %mul3A_1120, %mul3A_1122 : vector<16xf32>
      %mul3A_1124 = vector.broadcast %squeeze3A_15 : f32 to vector<16xf32>
      %mul3A_1125 = arith.mulf %get3A_1102, %mul3A_1124 : vector<16xf32>
      %add3A_1126 = arith.addf %add3A_1123, %mul3A_1125 : vector<16xf32>
      %mul3A_1127 = vector.broadcast %squeeze3A_17 : f32 to vector<16xf32>
      %mul3A_1128 = arith.mulf %get3A_1104, %mul3A_1127 : vector<16xf32>
      %add3A_1129 = arith.addf %add3A_1126, %mul3A_1128 : vector<16xf32>
      %add3A_1130 = arith.addf %add3A_1118, %add3A_1129 : vector<16xf32>
      %ge3A_1131 = arith.constant 0.000000e+00 : f32
      %ge3A_1132 = vector.broadcast %ge3A_1131 : f32 to vector<16xf32>
      %ge3A_1133 = arith.cmpf oge, %add3A_1117, %ge3A_1132 : vector<16xf32>
      %mul3A_1134 = arith.constant 2.000000e-01 : f32
      %mul3A_1135 = vector.broadcast %mul3A_1134 : f32 to vector<16xf32>
      %mul3A_1136 = arith.mulf %mul3A_1135, %add3A_1117 : vector<16xf32>
      %select_n3A_1137 = arith.select %ge3A_1133, %add3A_1117, %mul3A_1136 : vector<16xi1>, vector<16xf32>
      %ge3A_1138 = arith.constant 0.000000e+00 : f32
      %ge3A_1139 = vector.broadcast %ge3A_1138 : f32 to vector<16xf32>
      %ge3A_1140 = arith.cmpf oge, %add3A_1130, %ge3A_1139 : vector<16xf32>
      %mul3A_1141 = arith.constant 2.000000e-01 : f32
      %mul3A_1142 = vector.broadcast %mul3A_1141 : f32 to vector<16xf32>
      %mul3A_1143 = arith.mulf %mul3A_1142, %add3A_1130 : vector<16xf32>
      %select_n3A_1144 = arith.select %ge3A_1140, %add3A_1130, %mul3A_1143 : vector<16xi1>, vector<16xf32>
      %exp3A_1145 = math.exp %select_n3A_1137 : vector<16xf32>
      %swap3A_1146 = arith.constant 272 : index
      %swap3A_1147 = tpu.vector_load %arg18[%swap3A_1146] {strides = array<i32>} : memref<400xf32, #tpu.memory_space<vmem>>, vector<16xf32>,
      tpu.vector_store %arg18[%swap3A_1146], %exp3A_1145 {strides = array<i32>} : memref<400xf32, #tpu.memory_space<vmem>>, vector<16xf32>,
      %exp3A_1148 = math.exp %select_n3A_1144 : vector<16xf32>
      %swap3A_1149 = arith.constant 272 : index
      %swap3A_1150 = tpu.vector_load %arg19[%swap3A_1149] {strides = array<i32>} : memref<400xf32, #tpu.memory_space<vmem>>, vector<16xf32>,
      tpu.vector_store %arg19[%swap3A_1149], %exp3A_1148 {strides = array<i32>} : memref<400xf32, #tpu.memory_space<vmem>>, vector<16xf32>,
      %get3A_1151 = arith.constant 288 : index
      %get3A_1152 = tpu.vector_load %arg12[%get3A_1151] {strides = array<i32>} : memref<400xi32, #tpu.memory_space<vmem>>, vector<16xi32>,
      %get3A_1153 = arith.constant 288 : index
      %get3A_1154 = tpu.vector_load %arg13[%get3A_1153] {strides = array<i32>} : memref<400xi32, #tpu.memory_space<vmem>>, vector<16xi32>,
      %gather3A_1155 = tpu.vector_load_idx %arg7[%get3A_1152] : memref<10000xf32, #tpu.memory_space<vmem>>[vector<16xi32>], vector<16xf32>,
      %gather3A_1156 = tpu.vector_load_idx %arg8[%get3A_1152] : memref<10000xf32, #tpu.memory_space<vmem>>[vector<16xi32>], vector<16xf32>,
      %gather3A_1157 = tpu.vector_load_idx %arg9[%get3A_1154] : memref<10000xf32, #tpu.memory_space<vmem>>[vector<16xi32>], vector<16xf32>,
      %gather3A_1158 = tpu.vector_load_idx %arg10[%get3A_1154] : memref<10000xf32, #tpu.memory_space<vmem>>[vector<16xi32>], vector<16xf32>,
      %get3A_1159 = arith.constant 288 : index
      %get3A_1160 = tpu.vector_load %arg14[%get3A_1159] {strides = array<i32>} : memref<400xf32, #tpu.memory_space<vmem>>, vector<16xf32>,
      %get3A_1161 = arith.constant 288 : index
      %get3A_1162 = tpu.vector_load %arg15[%get3A_1161] {strides = array<i32>} : memref<400xf32, #tpu.memory_space<vmem>>, vector<16xf32>,
      %get3A_1163 = arith.constant 288 : index
      %get3A_1164 = tpu.vector_load %arg16[%get3A_1163] {strides = array<i32>} : memref<400xf32, #tpu.memory_space<vmem>>, vector<16xf32>,
      %get3A_1165 = arith.constant 288 : index
      %get3A_1166 = tpu.vector_load %arg17[%get3A_1165] {strides = array<i32>} : memref<400xf32, #tpu.memory_space<vmem>>, vector<16xf32>,
      %add3A_1167 = arith.addf %gather3A_1155, %gather3A_1157 : vector<16xf32>
      %mul3A_1168 = vector.broadcast %squeeze3A : f32 to vector<16xf32>
      %mul3A_1169 = arith.mulf %get3A_1160, %mul3A_1168 : vector<16xf32>
      %mul3A_1170 = vector.broadcast %squeeze3A_5 : f32 to vector<16xf32>
      %mul3A_1171 = arith.mulf %get3A_1162, %mul3A_1170 : vector<16xf32>
      %add3A_1172 = arith.addf %mul3A_1169, %mul3A_1171 : vector<16xf32>
      %mul3A_1173 = vector.broadcast %squeeze3A_7 : f32 to vector<16xf32>
      %mul3A_1174 = arith.mulf %get3A_1164, %mul3A_1173 : vector<16xf32>
      %add3A_1175 = arith.addf %add3A_1172, %mul3A_1174 : vector<16xf32>
      %mul3A_1176 = vector.broadcast %squeeze3A_9 : f32 to vector<16xf32>
      %mul3A_1177 = arith.mulf %get3A_1166, %mul3A_1176 : vector<16xf32>
      %add3A_1178 = arith.addf %add3A_1175, %mul3A_1177 : vector<16xf32>
      %add3A_1179 = arith.addf %add3A_1167, %add3A_1178 : vector<16xf32>
      %add3A_1180 = arith.addf %gather3A_1156, %gather3A_1158 : vector<16xf32>
      %mul3A_1181 = vector.broadcast %squeeze3A_11 : f32 to vector<16xf32>
      %mul3A_1182 = arith.mulf %get3A_1160, %mul3A_1181 : vector<16xf32>
      %mul3A_1183 = vector.broadcast %squeeze3A_13 : f32 to vector<16xf32>
      %mul3A_1184 = arith.mulf %get3A_1162, %mul3A_1183 : vector<16xf32>
      %add3A_1185 = arith.addf %mul3A_1182, %mul3A_1184 : vector<16xf32>
      %mul3A_1186 = vector.broadcast %squeeze3A_15 : f32 to vector<16xf32>
      %mul3A_1187 = arith.mulf %get3A_1164, %mul3A_1186 : vector<16xf32>
      %add3A_1188 = arith.addf %add3A_1185, %mul3A_1187 : vector<16xf32>
      %mul3A_1189 = vector.broadcast %squeeze3A_17 : f32 to vector<16xf32>
      %mul3A_1190 = arith.mulf %get3A_1166, %mul3A_1189 : vector<16xf32>
      %add3A_1191 = arith.addf %add3A_1188, %mul3A_1190 : vector<16xf32>
      %add3A_1192 = arith.addf %add3A_1180, %add3A_1191 : vector<16xf32>
      %ge3A_1193 = arith.constant 0.000000e+00 : f32
      %ge3A_1194 = vector.broadcast %ge3A_1193 : f32 to vector<16xf32>
      %ge3A_1195 = arith.cmpf oge, %add3A_1179, %ge3A_1194 : vector<16xf32>
      %mul3A_1196 = arith.constant 2.000000e-01 : f32
      %mul3A_1197 = vector.broadcast %mul3A_1196 : f32 to vector<16xf32>
      %mul3A_1198 = arith.mulf %mul3A_1197, %add3A_1179 : vector<16xf32>
      %select_n3A_1199 = arith.select %ge3A_1195, %add3A_1179, %mul3A_1198 : vector<16xi1>, vector<16xf32>
      %ge3A_1200 = arith.constant 0.000000e+00 : f32
      %ge3A_1201 = vector.broadcast %ge3A_1200 : f32 to vector<16xf32>
      %ge3A_1202 = arith.cmpf oge, %add3A_1192, %ge3A_1201 : vector<16xf32>
      %mul3A_1203 = arith.constant 2.000000e-01 : f32
      %mul3A_1204 = vector.broadcast %mul3A_1203 : f32 to vector<16xf32>
      %mul3A_1205 = arith.mulf %mul3A_1204, %add3A_1192 : vector<16xf32>
      %select_n3A_1206 = arith.select %ge3A_1202, %add3A_1192, %mul3A_1205 : vector<16xi1>, vector<16xf32>
      %exp3A_1207 = math.exp %select_n3A_1199 : vector<16xf32>
      %swap3A_1208 = arith.constant 288 : index
      %swap3A_1209 = tpu.vector_load %arg18[%swap3A_1208] {strides = array<i32>} : memref<400xf32, #tpu.memory_space<vmem>>, vector<16xf32>,
      tpu.vector_store %arg18[%swap3A_1208], %exp3A_1207 {strides = array<i32>} : memref<400xf32, #tpu.memory_space<vmem>>, vector<16xf32>,
      %exp3A_1210 = math.exp %select_n3A_1206 : vector<16xf32>
      %swap3A_1211 = arith.constant 288 : index
      %swap3A_1212 = tpu.vector_load %arg19[%swap3A_1211] {strides = array<i32>} : memref<400xf32, #tpu.memory_space<vmem>>, vector<16xf32>,
      tpu.vector_store %arg19[%swap3A_1211], %exp3A_1210 {strides = array<i32>} : memref<400xf32, #tpu.memory_space<vmem>>, vector<16xf32>,
      %get3A_1213 = arith.constant 304 : index
      %get3A_1214 = tpu.vector_load %arg12[%get3A_1213] {strides = array<i32>} : memref<400xi32, #tpu.memory_space<vmem>>, vector<16xi32>,
      %get3A_1215 = arith.constant 304 : index
      %get3A_1216 = tpu.vector_load %arg13[%get3A_1215] {strides = array<i32>} : memref<400xi32, #tpu.memory_space<vmem>>, vector<16xi32>,
      %gather3A_1217 = tpu.vector_load_idx %arg7[%get3A_1214] : memref<10000xf32, #tpu.memory_space<vmem>>[vector<16xi32>], vector<16xf32>,
      %gather3A_1218 = tpu.vector_load_idx %arg8[%get3A_1214] : memref<10000xf32, #tpu.memory_space<vmem>>[vector<16xi32>], vector<16xf32>,
      %gather3A_1219 = tpu.vector_load_idx %arg9[%get3A_1216] : memref<10000xf32, #tpu.memory_space<vmem>>[vector<16xi32>], vector<16xf32>,
      %gather3A_1220 = tpu.vector_load_idx %arg10[%get3A_1216] : memref<10000xf32, #tpu.memory_space<vmem>>[vector<16xi32>], vector<16xf32>,
      %get3A_1221 = arith.constant 304 : index
      %get3A_1222 = tpu.vector_load %arg14[%get3A_1221] {strides = array<i32>} : memref<400xf32, #tpu.memory_space<vmem>>, vector<16xf32>,
      %get3A_1223 = arith.constant 304 : index
      %get3A_1224 = tpu.vector_load %arg15[%get3A_1223] {strides = array<i32>} : memref<400xf32, #tpu.memory_space<vmem>>, vector<16xf32>,
      %get3A_1225 = arith.constant 304 : index
      %get3A_1226 = tpu.vector_load %arg16[%get3A_1225] {strides = array<i32>} : memref<400xf32, #tpu.memory_space<vmem>>, vector<16xf32>,
      %get3A_1227 = arith.constant 304 : index
      %get3A_1228 = tpu.vector_load %arg17[%get3A_1227] {strides = array<i32>} : memref<400xf32, #tpu.memory_space<vmem>>, vector<16xf32>,
      %add3A_1229 = arith.addf %gather3A_1217, %gather3A_1219 : vector<16xf32>
      %mul3A_1230 = vector.broadcast %squeeze3A : f32 to vector<16xf32>
      %mul3A_1231 = arith.mulf %get3A_1222, %mul3A_1230 : vector<16xf32>
      %mul3A_1232 = vector.broadcast %squeeze3A_5 : f32 to vector<16xf32>
      %mul3A_1233 = arith.mulf %get3A_1224, %mul3A_1232 : vector<16xf32>
      %add3A_1234 = arith.addf %mul3A_1231, %mul3A_1233 : vector<16xf32>
      %mul3A_1235 = vector.broadcast %squeeze3A_7 : f32 to vector<16xf32>
      %mul3A_1236 = arith.mulf %get3A_1226, %mul3A_1235 : vector<16xf32>
      %add3A_1237 = arith.addf %add3A_1234, %mul3A_1236 : vector<16xf32>
      %mul3A_1238 = vector.broadcast %squeeze3A_9 : f32 to vector<16xf32>
      %mul3A_1239 = arith.mulf %get3A_1228, %mul3A_1238 : vector<16xf32>
      %add3A_1240 = arith.addf %add3A_1237, %mul3A_1239 : vector<16xf32>
      %add3A_1241 = arith.addf %add3A_1229, %add3A_1240 : vector<16xf32>
      %add3A_1242 = arith.addf %gather3A_1218, %gather3A_1220 : vector<16xf32>
      %mul3A_1243 = vector.broadcast %squeeze3A_11 : f32 to vector<16xf32>
      %mul3A_1244 = arith.mulf %get3A_1222, %mul3A_1243 : vector<16xf32>
      %mul3A_1245 = vector.broadcast %squeeze3A_13 : f32 to vector<16xf32>
      %mul3A_1246 = arith.mulf %get3A_1224, %mul3A_1245 : vector<16xf32>
      %add3A_1247 = arith.addf %mul3A_1244, %mul3A_1246 : vector<16xf32>
      %mul3A_1248 = vector.broadcast %squeeze3A_15 : f32 to vector<16xf32>
      %mul3A_1249 = arith.mulf %get3A_1226, %mul3A_1248 : vector<16xf32>
      %add3A_1250 = arith.addf %add3A_1247, %mul3A_1249 : vector<16xf32>
      %mul3A_1251 = vector.broadcast %squeeze3A_17 : f32 to vector<16xf32>
      %mul3A_1252 = arith.mulf %get3A_1228, %mul3A_1251 : vector<16xf32>
      %add3A_1253 = arith.addf %add3A_1250, %mul3A_1252 : vector<16xf32>
      %add3A_1254 = arith.addf %add3A_1242, %add3A_1253 : vector<16xf32>
      %ge3A_1255 = arith.constant 0.000000e+00 : f32
      %ge3A_1256 = vector.broadcast %ge3A_1255 : f32 to vector<16xf32>
      %ge3A_1257 = arith.cmpf oge, %add3A_1241, %ge3A_1256 : vector<16xf32>
      %mul3A_1258 = arith.constant 2.000000e-01 : f32
      %mul3A_1259 = vector.broadcast %mul3A_1258 : f32 to vector<16xf32>
      %mul3A_1260 = arith.mulf %mul3A_1259, %add3A_1241 : vector<16xf32>
      %select_n3A_1261 = arith.select %ge3A_1257, %add3A_1241, %mul3A_1260 : vector<16xi1>, vector<16xf32>
      %ge3A_1262 = arith.constant 0.000000e+00 : f32
      %ge3A_1263 = vector.broadcast %ge3A_1262 : f32 to vector<16xf32>
      %ge3A_1264 = arith.cmpf oge, %add3A_1254, %ge3A_1263 : vector<16xf32>
      %mul3A_1265 = arith.constant 2.000000e-01 : f32
      %mul3A_1266 = vector.broadcast %mul3A_1265 : f32 to vector<16xf32>
      %mul3A_1267 = arith.mulf %mul3A_1266, %add3A_1254 : vector<16xf32>
      %select_n3A_1268 = arith.select %ge3A_1264, %add3A_1254, %mul3A_1267 : vector<16xi1>, vector<16xf32>
      %exp3A_1269 = math.exp %select_n3A_1261 : vector<16xf32>
      %swap3A_1270 = arith.constant 304 : index
      %swap3A_1271 = tpu.vector_load %arg18[%swap3A_1270] {strides = array<i32>} : memref<400xf32, #tpu.memory_space<vmem>>, vector<16xf32>,
      tpu.vector_store %arg18[%swap3A_1270], %exp3A_1269 {strides = array<i32>} : memref<400xf32, #tpu.memory_space<vmem>>, vector<16xf32>,
      %exp3A_1272 = math.exp %select_n3A_1268 : vector<16xf32>
      %swap3A_1273 = arith.constant 304 : index
      %swap3A_1274 = tpu.vector_load %arg19[%swap3A_1273] {strides = array<i32>} : memref<400xf32, #tpu.memory_space<vmem>>, vector<16xf32>,
      tpu.vector_store %arg19[%swap3A_1273], %exp3A_1272 {strides = array<i32>} : memref<400xf32, #tpu.memory_space<vmem>>, vector<16xf32>,
      %get3A_1275 = arith.constant 320 : index
      %get3A_1276 = tpu.vector_load %arg12[%get3A_1275] {strides = array<i32>} : memref<400xi32, #tpu.memory_space<vmem>>, vector<16xi32>,
      %get3A_1277 = arith.constant 320 : index
      %get3A_1278 = tpu.vector_load %arg13[%get3A_1277] {strides = array<i32>} : memref<400xi32, #tpu.memory_space<vmem>>, vector<16xi32>,
      %gather3A_1279 = tpu.vector_load_idx %arg7[%get3A_1276] : memref<10000xf32, #tpu.memory_space<vmem>>[vector<16xi32>], vector<16xf32>,
      %gather3A_1280 = tpu.vector_load_idx %arg8[%get3A_1276] : memref<10000xf32, #tpu.memory_space<vmem>>[vector<16xi32>], vector<16xf32>,
      %gather3A_1281 = tpu.vector_load_idx %arg9[%get3A_1278] : memref<10000xf32, #tpu.memory_space<vmem>>[vector<16xi32>], vector<16xf32>,
      %gather3A_1282 = tpu.vector_load_idx %arg10[%get3A_1278] : memref<10000xf32, #tpu.memory_space<vmem>>[vector<16xi32>], vector<16xf32>,
      %get3A_1283 = arith.constant 320 : index
      %get3A_1284 = tpu.vector_load %arg14[%get3A_1283] {strides = array<i32>} : memref<400xf32, #tpu.memory_space<vmem>>, vector<16xf32>,
      %get3A_1285 = arith.constant 320 : index
      %get3A_1286 = tpu.vector_load %arg15[%get3A_1285] {strides = array<i32>} : memref<400xf32, #tpu.memory_space<vmem>>, vector<16xf32>,
      %get3A_1287 = arith.constant 320 : index
      %get3A_1288 = tpu.vector_load %arg16[%get3A_1287] {strides = array<i32>} : memref<400xf32, #tpu.memory_space<vmem>>, vector<16xf32>,
      %get3A_1289 = arith.constant 320 : index
      %get3A_1290 = tpu.vector_load %arg17[%get3A_1289] {strides = array<i32>} : memref<400xf32, #tpu.memory_space<vmem>>, vector<16xf32>,
      %add3A_1291 = arith.addf %gather3A_1279, %gather3A_1281 : vector<16xf32>
      %mul3A_1292 = vector.broadcast %squeeze3A : f32 to vector<16xf32>
      %mul3A_1293 = arith.mulf %get3A_1284, %mul3A_1292 : vector<16xf32>
      %mul3A_1294 = vector.broadcast %squeeze3A_5 : f32 to vector<16xf32>
      %mul3A_1295 = arith.mulf %get3A_1286, %mul3A_1294 : vector<16xf32>
      %add3A_1296 = arith.addf %mul3A_1293, %mul3A_1295 : vector<16xf32>
      %mul3A_1297 = vector.broadcast %squeeze3A_7 : f32 to vector<16xf32>
      %mul3A_1298 = arith.mulf %get3A_1288, %mul3A_1297 : vector<16xf32>
      %add3A_1299 = arith.addf %add3A_1296, %mul3A_1298 : vector<16xf32>
      %mul3A_1300 = vector.broadcast %squeeze3A_9 : f32 to vector<16xf32>
      %mul3A_1301 = arith.mulf %get3A_1290, %mul3A_1300 : vector<16xf32>
      %add3A_1302 = arith.addf %add3A_1299, %mul3A_1301 : vector<16xf32>
      %add3A_1303 = arith.addf %add3A_1291, %add3A_1302 : vector<16xf32>
      %add3A_1304 = arith.addf %gather3A_1280, %gather3A_1282 : vector<16xf32>
      %mul3A_1305 = vector.broadcast %squeeze3A_11 : f32 to vector<16xf32>
      %mul3A_1306 = arith.mulf %get3A_1284, %mul3A_1305 : vector<16xf32>
      %mul3A_1307 = vector.broadcast %squeeze3A_13 : f32 to vector<16xf32>
      %mul3A_1308 = arith.mulf %get3A_1286, %mul3A_1307 : vector<16xf32>
      %add3A_1309 = arith.addf %mul3A_1306, %mul3A_1308 : vector<16xf32>
      %mul3A_1310 = vector.broadcast %squeeze3A_15 : f32 to vector<16xf32>
      %mul3A_1311 = arith.mulf %get3A_1288, %mul3A_1310 : vector<16xf32>
      %add3A_1312 = arith.addf %add3A_1309, %mul3A_1311 : vector<16xf32>
      %mul3A_1313 = vector.broadcast %squeeze3A_17 : f32 to vector<16xf32>
      %mul3A_1314 = arith.mulf %get3A_1290, %mul3A_1313 : vector<16xf32>
      %add3A_1315 = arith.addf %add3A_1312, %mul3A_1314 : vector<16xf32>
      %add3A_1316 = arith.addf %add3A_1304, %add3A_1315 : vector<16xf32>
      %ge3A_1317 = arith.constant 0.000000e+00 : f32
      %ge3A_1318 = vector.broadcast %ge3A_1317 : f32 to vector<16xf32>
      %ge3A_1319 = arith.cmpf oge, %add3A_1303, %ge3A_1318 : vector<16xf32>
      %mul3A_1320 = arith.constant 2.000000e-01 : f32
      %mul3A_1321 = vector.broadcast %mul3A_1320 : f32 to vector<16xf32>
      %mul3A_1322 = arith.mulf %mul3A_1321, %add3A_1303 : vector<16xf32>
      %select_n3A_1323 = arith.select %ge3A_1319, %add3A_1303, %mul3A_1322 : vector<16xi1>, vector<16xf32>
      %ge3A_1324 = arith.constant 0.000000e+00 : f32
      %ge3A_1325 = vector.broadcast %ge3A_1324 : f32 to vector<16xf32>
      %ge3A_1326 = arith.cmpf oge, %add3A_1316, %ge3A_1325 : vector<16xf32>
      %mul3A_1327 = arith.constant 2.000000e-01 : f32
      %mul3A_1328 = vector.broadcast %mul3A_1327 : f32 to vector<16xf32>
      %mul3A_1329 = arith.mulf %mul3A_1328, %add3A_1316 : vector<16xf32>
      %select_n3A_1330 = arith.select %ge3A_1326, %add3A_1316, %mul3A_1329 : vector<16xi1>, vector<16xf32>
      %exp3A_1331 = math.exp %select_n3A_1323 : vector<16xf32>
      %swap3A_1332 = arith.constant 320 : index
      %swap3A_1333 = tpu.vector_load %arg18[%swap3A_1332] {strides = array<i32>} : memref<400xf32, #tpu.memory_space<vmem>>, vector<16xf32>,
      tpu.vector_store %arg18[%swap3A_1332], %exp3A_1331 {strides = array<i32>} : memref<400xf32, #tpu.memory_space<vmem>>, vector<16xf32>,
      %exp3A_1334 = math.exp %select_n3A_1330 : vector<16xf32>
      %swap3A_1335 = arith.constant 320 : index
      %swap3A_1336 = tpu.vector_load %arg19[%swap3A_1335] {strides = array<i32>} : memref<400xf32, #tpu.memory_space<vmem>>, vector<16xf32>,
      tpu.vector_store %arg19[%swap3A_1335], %exp3A_1334 {strides = array<i32>} : memref<400xf32, #tpu.memory_space<vmem>>, vector<16xf32>,
      %get3A_1337 = arith.constant 336 : index
      %get3A_1338 = tpu.vector_load %arg12[%get3A_1337] {strides = array<i32>} : memref<400xi32, #tpu.memory_space<vmem>>, vector<16xi32>,
      %get3A_1339 = arith.constant 336 : index
      %get3A_1340 = tpu.vector_load %arg13[%get3A_1339] {strides = array<i32>} : memref<400xi32, #tpu.memory_space<vmem>>, vector<16xi32>,
      %gather3A_1341 = tpu.vector_load_idx %arg7[%get3A_1338] : memref<10000xf32, #tpu.memory_space<vmem>>[vector<16xi32>], vector<16xf32>,
      %gather3A_1342 = tpu.vector_load_idx %arg8[%get3A_1338] : memref<10000xf32, #tpu.memory_space<vmem>>[vector<16xi32>], vector<16xf32>,
      %gather3A_1343 = tpu.vector_load_idx %arg9[%get3A_1340] : memref<10000xf32, #tpu.memory_space<vmem>>[vector<16xi32>], vector<16xf32>,
      %gather3A_1344 = tpu.vector_load_idx %arg10[%get3A_1340] : memref<10000xf32, #tpu.memory_space<vmem>>[vector<16xi32>], vector<16xf32>,
      %get3A_1345 = arith.constant 336 : index
      %get3A_1346 = tpu.vector_load %arg14[%get3A_1345] {strides = array<i32>} : memref<400xf32, #tpu.memory_space<vmem>>, vector<16xf32>,
      %get3A_1347 = arith.constant 336 : index
      %get3A_1348 = tpu.vector_load %arg15[%get3A_1347] {strides = array<i32>} : memref<400xf32, #tpu.memory_space<vmem>>, vector<16xf32>,
      %get3A_1349 = arith.constant 336 : index
      %get3A_1350 = tpu.vector_load %arg16[%get3A_1349] {strides = array<i32>} : memref<400xf32, #tpu.memory_space<vmem>>, vector<16xf32>,
      %get3A_1351 = arith.constant 336 : index
      %get3A_1352 = tpu.vector_load %arg17[%get3A_1351] {strides = array<i32>} : memref<400xf32, #tpu.memory_space<vmem>>, vector<16xf32>,
      %add3A_1353 = arith.addf %gather3A_1341, %gather3A_1343 : vector<16xf32>
      %mul3A_1354 = vector.broadcast %squeeze3A : f32 to vector<16xf32>
      %mul3A_1355 = arith.mulf %get3A_1346, %mul3A_1354 : vector<16xf32>
      %mul3A_1356 = vector.broadcast %squeeze3A_5 : f32 to vector<16xf32>
      %mul3A_1357 = arith.mulf %get3A_1348, %mul3A_1356 : vector<16xf32>
      %add3A_1358 = arith.addf %mul3A_1355, %mul3A_1357 : vector<16xf32>
      %mul3A_1359 = vector.broadcast %squeeze3A_7 : f32 to vector<16xf32>
      %mul3A_1360 = arith.mulf %get3A_1350, %mul3A_1359 : vector<16xf32>
      %add3A_1361 = arith.addf %add3A_1358, %mul3A_1360 : vector<16xf32>
      %mul3A_1362 = vector.broadcast %squeeze3A_9 : f32 to vector<16xf32>
      %mul3A_1363 = arith.mulf %get3A_1352, %mul3A_1362 : vector<16xf32>
      %add3A_1364 = arith.addf %add3A_1361, %mul3A_1363 : vector<16xf32>
      %add3A_1365 = arith.addf %add3A_1353, %add3A_1364 : vector<16xf32>
      %add3A_1366 = arith.addf %gather3A_1342, %gather3A_1344 : vector<16xf32>
      %mul3A_1367 = vector.broadcast %squeeze3A_11 : f32 to vector<16xf32>
      %mul3A_1368 = arith.mulf %get3A_1346, %mul3A_1367 : vector<16xf32>
      %mul3A_1369 = vector.broadcast %squeeze3A_13 : f32 to vector<16xf32>
      %mul3A_1370 = arith.mulf %get3A_1348, %mul3A_1369 : vector<16xf32>
      %add3A_1371 = arith.addf %mul3A_1368, %mul3A_1370 : vector<16xf32>
      %mul3A_1372 = vector.broadcast %squeeze3A_15 : f32 to vector<16xf32>
      %mul3A_1373 = arith.mulf %get3A_1350, %mul3A_1372 : vector<16xf32>
      %add3A_1374 = arith.addf %add3A_1371, %mul3A_1373 : vector<16xf32>
      %mul3A_1375 = vector.broadcast %squeeze3A_17 : f32 to vector<16xf32>
      %mul3A_1376 = arith.mulf %get3A_1352, %mul3A_1375 : vector<16xf32>
      %add3A_1377 = arith.addf %add3A_1374, %mul3A_1376 : vector<16xf32>
      %add3A_1378 = arith.addf %add3A_1366, %add3A_1377 : vector<16xf32>
      %ge3A_1379 = arith.constant 0.000000e+00 : f32
      %ge3A_1380 = vector.broadcast %ge3A_1379 : f32 to vector<16xf32>
      %ge3A_1381 = arith.cmpf oge, %add3A_1365, %ge3A_1380 : vector<16xf32>
      %mul3A_1382 = arith.constant 2.000000e-01 : f32
      %mul3A_1383 = vector.broadcast %mul3A_1382 : f32 to vector<16xf32>
      %mul3A_1384 = arith.mulf %mul3A_1383, %add3A_1365 : vector<16xf32>
      %select_n3A_1385 = arith.select %ge3A_1381, %add3A_1365, %mul3A_1384 : vector<16xi1>, vector<16xf32>
      %ge3A_1386 = arith.constant 0.000000e+00 : f32
      %ge3A_1387 = vector.broadcast %ge3A_1386 : f32 to vector<16xf32>
      %ge3A_1388 = arith.cmpf oge, %add3A_1378, %ge3A_1387 : vector<16xf32>
      %mul3A_1389 = arith.constant 2.000000e-01 : f32
      %mul3A_1390 = vector.broadcast %mul3A_1389 : f32 to vector<16xf32>
      %mul3A_1391 = arith.mulf %mul3A_1390, %add3A_1378 : vector<16xf32>
      %select_n3A_1392 = arith.select %ge3A_1388, %add3A_1378, %mul3A_1391 : vector<16xi1>, vector<16xf32>
      %exp3A_1393 = math.exp %select_n3A_1385 : vector<16xf32>
      %swap3A_1394 = arith.constant 336 : index
      %swap3A_1395 = tpu.vector_load %arg18[%swap3A_1394] {strides = array<i32>} : memref<400xf32, #tpu.memory_space<vmem>>, vector<16xf32>,
      tpu.vector_store %arg18[%swap3A_1394], %exp3A_1393 {strides = array<i32>} : memref<400xf32, #tpu.memory_space<vmem>>, vector<16xf32>,
      %exp3A_1396 = math.exp %select_n3A_1392 : vector<16xf32>
      %swap3A_1397 = arith.constant 336 : index
      %swap3A_1398 = tpu.vector_load %arg19[%swap3A_1397] {strides = array<i32>} : memref<400xf32, #tpu.memory_space<vmem>>, vector<16xf32>,
      tpu.vector_store %arg19[%swap3A_1397], %exp3A_1396 {strides = array<i32>} : memref<400xf32, #tpu.memory_space<vmem>>, vector<16xf32>,
      %get3A_1399 = arith.constant 352 : index
      %get3A_1400 = tpu.vector_load %arg12[%get3A_1399] {strides = array<i32>} : memref<400xi32, #tpu.memory_space<vmem>>, vector<16xi32>,
      %get3A_1401 = arith.constant 352 : index
      %get3A_1402 = tpu.vector_load %arg13[%get3A_1401] {strides = array<i32>} : memref<400xi32, #tpu.memory_space<vmem>>, vector<16xi32>,
      %gather3A_1403 = tpu.vector_load_idx %arg7[%get3A_1400] : memref<10000xf32, #tpu.memory_space<vmem>>[vector<16xi32>], vector<16xf32>,
      %gather3A_1404 = tpu.vector_load_idx %arg8[%get3A_1400] : memref<10000xf32, #tpu.memory_space<vmem>>[vector<16xi32>], vector<16xf32>,
      %gather3A_1405 = tpu.vector_load_idx %arg9[%get3A_1402] : memref<10000xf32, #tpu.memory_space<vmem>>[vector<16xi32>], vector<16xf32>,
      %gather3A_1406 = tpu.vector_load_idx %arg10[%get3A_1402] : memref<10000xf32, #tpu.memory_space<vmem>>[vector<16xi32>], vector<16xf32>,
      %get3A_1407 = arith.constant 352 : index
      %get3A_1408 = tpu.vector_load %arg14[%get3A_1407] {strides = array<i32>} : memref<400xf32, #tpu.memory_space<vmem>>, vector<16xf32>,
      %get3A_1409 = arith.constant 352 : index
      %get3A_1410 = tpu.vector_load %arg15[%get3A_1409] {strides = array<i32>} : memref<400xf32, #tpu.memory_space<vmem>>, vector<16xf32>,
      %get3A_1411 = arith.constant 352 : index
      %get3A_1412 = tpu.vector_load %arg16[%get3A_1411] {strides = array<i32>} : memref<400xf32, #tpu.memory_space<vmem>>, vector<16xf32>,
      %get3A_1413 = arith.constant 352 : index
      %get3A_1414 = tpu.vector_load %arg17[%get3A_1413] {strides = array<i32>} : memref<400xf32, #tpu.memory_space<vmem>>, vector<16xf32>,
      %add3A_1415 = arith.addf %gather3A_1403, %gather3A_1405 : vector<16xf32>
      %mul3A_1416 = vector.broadcast %squeeze3A : f32 to vector<16xf32>
      %mul3A_1417 = arith.mulf %get3A_1408, %mul3A_1416 : vector<16xf32>
      %mul3A_1418 = vector.broadcast %squeeze3A_5 : f32 to vector<16xf32>
      %mul3A_1419 = arith.mulf %get3A_1410, %mul3A_1418 : vector<16xf32>
      %add3A_1420 = arith.addf %mul3A_1417, %mul3A_1419 : vector<16xf32>
      %mul3A_1421 = vector.broadcast %squeeze3A_7 : f32 to vector<16xf32>
      %mul3A_1422 = arith.mulf %get3A_1412, %mul3A_1421 : vector<16xf32>
      %add3A_1423 = arith.addf %add3A_1420, %mul3A_1422 : vector<16xf32>
      %mul3A_1424 = vector.broadcast %squeeze3A_9 : f32 to vector<16xf32>
      %mul3A_1425 = arith.mulf %get3A_1414, %mul3A_1424 : vector<16xf32>
      %add3A_1426 = arith.addf %add3A_1423, %mul3A_1425 : vector<16xf32>
      %add3A_1427 = arith.addf %add3A_1415, %add3A_1426 : vector<16xf32>
      %add3A_1428 = arith.addf %gather3A_1404, %gather3A_1406 : vector<16xf32>
      %mul3A_1429 = vector.broadcast %squeeze3A_11 : f32 to vector<16xf32>
      %mul3A_1430 = arith.mulf %get3A_1408, %mul3A_1429 : vector<16xf32>
      %mul3A_1431 = vector.broadcast %squeeze3A_13 : f32 to vector<16xf32>
      %mul3A_1432 = arith.mulf %get3A_1410, %mul3A_1431 : vector<16xf32>
      %add3A_1433 = arith.addf %mul3A_1430, %mul3A_1432 : vector<16xf32>
      %mul3A_1434 = vector.broadcast %squeeze3A_15 : f32 to vector<16xf32>
      %mul3A_1435 = arith.mulf %get3A_1412, %mul3A_1434 : vector<16xf32>
      %add3A_1436 = arith.addf %add3A_1433, %mul3A_1435 : vector<16xf32>
      %mul3A_1437 = vector.broadcast %squeeze3A_17 : f32 to vector<16xf32>
      %mul3A_1438 = arith.mulf %get3A_1414, %mul3A_1437 : vector<16xf32>
      %add3A_1439 = arith.addf %add3A_1436, %mul3A_1438 : vector<16xf32>
      %add3A_1440 = arith.addf %add3A_1428, %add3A_1439 : vector<16xf32>
      %ge3A_1441 = arith.constant 0.000000e+00 : f32
      %ge3A_1442 = vector.broadcast %ge3A_1441 : f32 to vector<16xf32>
      %ge3A_1443 = arith.cmpf oge, %add3A_1427, %ge3A_1442 : vector<16xf32>
      %mul3A_1444 = arith.constant 2.000000e-01 : f32
      %mul3A_1445 = vector.broadcast %mul3A_1444 : f32 to vector<16xf32>
      %mul3A_1446 = arith.mulf %mul3A_1445, %add3A_1427 : vector<16xf32>
      %select_n3A_1447 = arith.select %ge3A_1443, %add3A_1427, %mul3A_1446 : vector<16xi1>, vector<16xf32>
      %ge3A_1448 = arith.constant 0.000000e+00 : f32
      %ge3A_1449 = vector.broadcast %ge3A_1448 : f32 to vector<16xf32>
      %ge3A_1450 = arith.cmpf oge, %add3A_1440, %ge3A_1449 : vector<16xf32>
      %mul3A_1451 = arith.constant 2.000000e-01 : f32
      %mul3A_1452 = vector.broadcast %mul3A_1451 : f32 to vector<16xf32>
      %mul3A_1453 = arith.mulf %mul3A_1452, %add3A_1440 : vector<16xf32>
      %select_n3A_1454 = arith.select %ge3A_1450, %add3A_1440, %mul3A_1453 : vector<16xi1>, vector<16xf32>
      %exp3A_1455 = math.exp %select_n3A_1447 : vector<16xf32>
      %swap3A_1456 = arith.constant 352 : index
      %swap3A_1457 = tpu.vector_load %arg18[%swap3A_1456] {strides = array<i32>} : memref<400xf32, #tpu.memory_space<vmem>>, vector<16xf32>,
      tpu.vector_store %arg18[%swap3A_1456], %exp3A_1455 {strides = array<i32>} : memref<400xf32, #tpu.memory_space<vmem>>, vector<16xf32>,
      %exp3A_1458 = math.exp %select_n3A_1454 : vector<16xf32>
      %swap3A_1459 = arith.constant 352 : index
      %swap3A_1460 = tpu.vector_load %arg19[%swap3A_1459] {strides = array<i32>} : memref<400xf32, #tpu.memory_space<vmem>>, vector<16xf32>,
      tpu.vector_store %arg19[%swap3A_1459], %exp3A_1458 {strides = array<i32>} : memref<400xf32, #tpu.memory_space<vmem>>, vector<16xf32>,
      %get3A_1461 = arith.constant 368 : index
      %get3A_1462 = tpu.vector_load %arg12[%get3A_1461] {strides = array<i32>} : memref<400xi32, #tpu.memory_space<vmem>>, vector<16xi32>,
      %get3A_1463 = arith.constant 368 : index
      %get3A_1464 = tpu.vector_load %arg13[%get3A_1463] {strides = array<i32>} : memref<400xi32, #tpu.memory_space<vmem>>, vector<16xi32>,
      %gather3A_1465 = tpu.vector_load_idx %arg7[%get3A_1462] : memref<10000xf32, #tpu.memory_space<vmem>>[vector<16xi32>], vector<16xf32>,
      %gather3A_1466 = tpu.vector_load_idx %arg8[%get3A_1462] : memref<10000xf32, #tpu.memory_space<vmem>>[vector<16xi32>], vector<16xf32>,
      %gather3A_1467 = tpu.vector_load_idx %arg9[%get3A_1464] : memref<10000xf32, #tpu.memory_space<vmem>>[vector<16xi32>], vector<16xf32>,
      %gather3A_1468 = tpu.vector_load_idx %arg10[%get3A_1464] : memref<10000xf32, #tpu.memory_space<vmem>>[vector<16xi32>], vector<16xf32>,
      %get3A_1469 = arith.constant 368 : index
      %get3A_1470 = tpu.vector_load %arg14[%get3A_1469] {strides = array<i32>} : memref<400xf32, #tpu.memory_space<vmem>>, vector<16xf32>,
      %get3A_1471 = arith.constant 368 : index
      %get3A_1472 = tpu.vector_load %arg15[%get3A_1471] {strides = array<i32>} : memref<400xf32, #tpu.memory_space<vmem>>, vector<16xf32>,
      %get3A_1473 = arith.constant 368 : index
      %get3A_1474 = tpu.vector_load %arg16[%get3A_1473] {strides = array<i32>} : memref<400xf32, #tpu.memory_space<vmem>>, vector<16xf32>,
      %get3A_1475 = arith.constant 368 : index
      %get3A_1476 = tpu.vector_load %arg17[%get3A_1475] {strides = array<i32>} : memref<400xf32, #tpu.memory_space<vmem>>, vector<16xf32>,
      %add3A_1477 = arith.addf %gather3A_1465, %gather3A_1467 : vector<16xf32>
      %mul3A_1478 = vector.broadcast %squeeze3A : f32 to vector<16xf32>
      %mul3A_1479 = arith.mulf %get3A_1470, %mul3A_1478 : vector<16xf32>
      %mul3A_1480 = vector.broadcast %squeeze3A_5 : f32 to vector<16xf32>
      %mul3A_1481 = arith.mulf %get3A_1472, %mul3A_1480 : vector<16xf32>
      %add3A_1482 = arith.addf %mul3A_1479, %mul3A_1481 : vector<16xf32>
      %mul3A_1483 = vector.broadcast %squeeze3A_7 : f32 to vector<16xf32>
      %mul3A_1484 = arith.mulf %get3A_1474, %mul3A_1483 : vector<16xf32>
      %add3A_1485 = arith.addf %add3A_1482, %mul3A_1484 : vector<16xf32>
      %mul3A_1486 = vector.broadcast %squeeze3A_9 : f32 to vector<16xf32>
      %mul3A_1487 = arith.mulf %get3A_1476, %mul3A_1486 : vector<16xf32>
      %add3A_1488 = arith.addf %add3A_1485, %mul3A_1487 : vector<16xf32>
      %add3A_1489 = arith.addf %add3A_1477, %add3A_1488 : vector<16xf32>
      %add3A_1490 = arith.addf %gather3A_1466, %gather3A_1468 : vector<16xf32>
      %mul3A_1491 = vector.broadcast %squeeze3A_11 : f32 to vector<16xf32>
      %mul3A_1492 = arith.mulf %get3A_1470, %mul3A_1491 : vector<16xf32>
      %mul3A_1493 = vector.broadcast %squeeze3A_13 : f32 to vector<16xf32>
      %mul3A_1494 = arith.mulf %get3A_1472, %mul3A_1493 : vector<16xf32>
      %add3A_1495 = arith.addf %mul3A_1492, %mul3A_1494 : vector<16xf32>
      %mul3A_1496 = vector.broadcast %squeeze3A_15 : f32 to vector<16xf32>
      %mul3A_1497 = arith.mulf %get3A_1474, %mul3A_1496 : vector<16xf32>
      %add3A_1498 = arith.addf %add3A_1495, %mul3A_1497 : vector<16xf32>
      %mul3A_1499 = vector.broadcast %squeeze3A_17 : f32 to vector<16xf32>
      %mul3A_1500 = arith.mulf %get3A_1476, %mul3A_1499 : vector<16xf32>
      %add3A_1501 = arith.addf %add3A_1498, %mul3A_1500 : vector<16xf32>
      %add3A_1502 = arith.addf %add3A_1490, %add3A_1501 : vector<16xf32>
      %ge3A_1503 = arith.constant 0.000000e+00 : f32
      %ge3A_1504 = vector.broadcast %ge3A_1503 : f32 to vector<16xf32>
      %ge3A_1505 = arith.cmpf oge, %add3A_1489, %ge3A_1504 : vector<16xf32>
      %mul3A_1506 = arith.constant 2.000000e-01 : f32
      %mul3A_1507 = vector.broadcast %mul3A_1506 : f32 to vector<16xf32>
      %mul3A_1508 = arith.mulf %mul3A_1507, %add3A_1489 : vector<16xf32>
      %select_n3A_1509 = arith.select %ge3A_1505, %add3A_1489, %mul3A_1508 : vector<16xi1>, vector<16xf32>
      %ge3A_1510 = arith.constant 0.000000e+00 : f32
      %ge3A_1511 = vector.broadcast %ge3A_1510 : f32 to vector<16xf32>
      %ge3A_1512 = arith.cmpf oge, %add3A_1502, %ge3A_1511 : vector<16xf32>
      %mul3A_1513 = arith.constant 2.000000e-01 : f32
      %mul3A_1514 = vector.broadcast %mul3A_1513 : f32 to vector<16xf32>
      %mul3A_1515 = arith.mulf %mul3A_1514, %add3A_1502 : vector<16xf32>
      %select_n3A_1516 = arith.select %ge3A_1512, %add3A_1502, %mul3A_1515 : vector<16xi1>, vector<16xf32>
      %exp3A_1517 = math.exp %select_n3A_1509 : vector<16xf32>
      %swap3A_1518 = arith.constant 368 : index
      %swap3A_1519 = tpu.vector_load %arg18[%swap3A_1518] {strides = array<i32>} : memref<400xf32, #tpu.memory_space<vmem>>, vector<16xf32>,
      tpu.vector_store %arg18[%swap3A_1518], %exp3A_1517 {strides = array<i32>} : memref<400xf32, #tpu.memory_space<vmem>>, vector<16xf32>,
      %exp3A_1520 = math.exp %select_n3A_1516 : vector<16xf32>
      %swap3A_1521 = arith.constant 368 : index
      %swap3A_1522 = tpu.vector_load %arg19[%swap3A_1521] {strides = array<i32>} : memref<400xf32, #tpu.memory_space<vmem>>, vector<16xf32>,
      tpu.vector_store %arg19[%swap3A_1521], %exp3A_1520 {strides = array<i32>} : memref<400xf32, #tpu.memory_space<vmem>>, vector<16xf32>,
      %get3A_1523 = arith.constant 384 : index
      %get3A_1524 = tpu.vector_load %arg12[%get3A_1523] {strides = array<i32>} : memref<400xi32, #tpu.memory_space<vmem>>, vector<16xi32>,
      %get3A_1525 = arith.constant 384 : index
      %get3A_1526 = tpu.vector_load %arg13[%get3A_1525] {strides = array<i32>} : memref<400xi32, #tpu.memory_space<vmem>>, vector<16xi32>,
      %gather3A_1527 = tpu.vector_load_idx %arg7[%get3A_1524] : memref<10000xf32, #tpu.memory_space<vmem>>[vector<16xi32>], vector<16xf32>,
      %gather3A_1528 = tpu.vector_load_idx %arg8[%get3A_1524] : memref<10000xf32, #tpu.memory_space<vmem>>[vector<16xi32>], vector<16xf32>,
      %gather3A_1529 = tpu.vector_load_idx %arg9[%get3A_1526] : memref<10000xf32, #tpu.memory_space<vmem>>[vector<16xi32>], vector<16xf32>,
      %gather3A_1530 = tpu.vector_load_idx %arg10[%get3A_1526] : memref<10000xf32, #tpu.memory_space<vmem>>[vector<16xi32>], vector<16xf32>,
      %get3A_1531 = arith.constant 384 : index
      %get3A_1532 = tpu.vector_load %arg14[%get3A_1531] {strides = array<i32>} : memref<400xf32, #tpu.memory_space<vmem>>, vector<16xf32>,
      %get3A_1533 = arith.constant 384 : index
      %get3A_1534 = tpu.vector_load %arg15[%get3A_1533] {strides = array<i32>} : memref<400xf32, #tpu.memory_space<vmem>>, vector<16xf32>,
      %get3A_1535 = arith.constant 384 : index
      %get3A_1536 = tpu.vector_load %arg16[%get3A_1535] {strides = array<i32>} : memref<400xf32, #tpu.memory_space<vmem>>, vector<16xf32>,
      %get3A_1537 = arith.constant 384 : index
      %get3A_1538 = tpu.vector_load %arg17[%get3A_1537] {strides = array<i32>} : memref<400xf32, #tpu.memory_space<vmem>>, vector<16xf32>,
      %add3A_1539 = arith.addf %gather3A_1527, %gather3A_1529 : vector<16xf32>
      %mul3A_1540 = vector.broadcast %squeeze3A : f32 to vector<16xf32>
      %mul3A_1541 = arith.mulf %get3A_1532, %mul3A_1540 : vector<16xf32>
      %mul3A_1542 = vector.broadcast %squeeze3A_5 : f32 to vector<16xf32>
      %mul3A_1543 = arith.mulf %get3A_1534, %mul3A_1542 : vector<16xf32>
      %add3A_1544 = arith.addf %mul3A_1541, %mul3A_1543 : vector<16xf32>
      %mul3A_1545 = vector.broadcast %squeeze3A_7 : f32 to vector<16xf32>
      %mul3A_1546 = arith.mulf %get3A_1536, %mul3A_1545 : vector<16xf32>
      %add3A_1547 = arith.addf %add3A_1544, %mul3A_1546 : vector<16xf32>
      %mul3A_1548 = vector.broadcast %squeeze3A_9 : f32 to vector<16xf32>
      %mul3A_1549 = arith.mulf %get3A_1538, %mul3A_1548 : vector<16xf32>
      %add3A_1550 = arith.addf %add3A_1547, %mul3A_1549 : vector<16xf32>
      %add3A_1551 = arith.addf %add3A_1539, %add3A_1550 : vector<16xf32>
      %add3A_1552 = arith.addf %gather3A_1528, %gather3A_1530 : vector<16xf32>
      %mul3A_1553 = vector.broadcast %squeeze3A_11 : f32 to vector<16xf32>
      %mul3A_1554 = arith.mulf %get3A_1532, %mul3A_1553 : vector<16xf32>
      %mul3A_1555 = vector.broadcast %squeeze3A_13 : f32 to vector<16xf32>
      %mul3A_1556 = arith.mulf %get3A_1534, %mul3A_1555 : vector<16xf32>
      %add3A_1557 = arith.addf %mul3A_1554, %mul3A_1556 : vector<16xf32>
      %mul3A_1558 = vector.broadcast %squeeze3A_15 : f32 to vector<16xf32>
      %mul3A_1559 = arith.mulf %get3A_1536, %mul3A_1558 : vector<16xf32>
      %add3A_1560 = arith.addf %add3A_1557, %mul3A_1559 : vector<16xf32>
      %mul3A_1561 = vector.broadcast %squeeze3A_17 : f32 to vector<16xf32>
      %mul3A_1562 = arith.mulf %get3A_1538, %mul3A_1561 : vector<16xf32>
      %add3A_1563 = arith.addf %add3A_1560, %mul3A_1562 : vector<16xf32>
      %add3A_1564 = arith.addf %add3A_1552, %add3A_1563 : vector<16xf32>
      %ge3A_1565 = arith.constant 0.000000e+00 : f32
      %ge3A_1566 = vector.broadcast %ge3A_1565 : f32 to vector<16xf32>
      %ge3A_1567 = arith.cmpf oge, %add3A_1551, %ge3A_1566 : vector<16xf32>
      %mul3A_1568 = arith.constant 2.000000e-01 : f32
      %mul3A_1569 = vector.broadcast %mul3A_1568 : f32 to vector<16xf32>
      %mul3A_1570 = arith.mulf %mul3A_1569, %add3A_1551 : vector<16xf32>
      %select_n3A_1571 = arith.select %ge3A_1567, %add3A_1551, %mul3A_1570 : vector<16xi1>, vector<16xf32>
      %ge3A_1572 = arith.constant 0.000000e+00 : f32
      %ge3A_1573 = vector.broadcast %ge3A_1572 : f32 to vector<16xf32>
      %ge3A_1574 = arith.cmpf oge, %add3A_1564, %ge3A_1573 : vector<16xf32>
      %mul3A_1575 = arith.constant 2.000000e-01 : f32
      %mul3A_1576 = vector.broadcast %mul3A_1575 : f32 to vector<16xf32>
      %mul3A_1577 = arith.mulf %mul3A_1576, %add3A_1564 : vector<16xf32>
      %select_n3A_1578 = arith.select %ge3A_1574, %add3A_1564, %mul3A_1577 : vector<16xi1>, vector<16xf32>
      %exp3A_1579 = math.exp %select_n3A_1571 : vector<16xf32>
      %swap3A_1580 = arith.constant 384 : index
      %swap3A_1581 = tpu.vector_load %arg18[%swap3A_1580] {strides = array<i32>} : memref<400xf32, #tpu.memory_space<vmem>>, vector<16xf32>,
      tpu.vector_store %arg18[%swap3A_1580], %exp3A_1579 {strides = array<i32>} : memref<400xf32, #tpu.memory_space<vmem>>, vector<16xf32>,
      %exp3A_1582 = math.exp %select_n3A_1578 : vector<16xf32>
      %swap3A_1583 = arith.constant 384 : index
      %swap3A_1584 = tpu.vector_load %arg19[%swap3A_1583] {strides = array<i32>} : memref<400xf32, #tpu.memory_space<vmem>>, vector<16xf32>,
      tpu.vector_store %arg19[%swap3A_1583], %exp3A_1582 {strides = array<i32>} : memref<400xf32, #tpu.memory_space<vmem>>, vector<16xf32>,
      "tpu.region"() ({
        %run_scoped3A = tpu.sem_alloc : memref<!tpu.dma_semaphore, #tpu.memory_space<semaphore_mem>>
        %dma_start3A = tpu.memref_slice %arg6[%add3A_29] : memref<640000xf32, #tpu.memory_space<hbm>> -> memref<400xf32, #tpu.memory_space<hbm>>
        %dma_start3A_1587 = tpu.memref_slice %arg6[%add3A_29] : memref<640000xf32, #tpu.memory_space<hbm>> -> memref<400xf32, #tpu.memory_space<hbm>>
        tpu.enqueue_dma source(%arg18 : memref<400xf32, #tpu.memory_space<vmem>>) target(%dma_start3A_1587 : memref<400xf32, #tpu.memory_space<hbm>>) target_semaphore(%run_scoped3A : memref<!tpu.dma_semaphore, #tpu.memory_space<semaphore_mem>>)
        %dma_wait3A = tpu.memref_slice %arg6[%add3A_29] : memref<640000xf32, #tpu.memory_space<hbm>> -> memref<400xf32, #tpu.memory_space<hbm>>
        %dma_wait3A_1588 = tpu.memref_slice %arg6[%add3A_29] : memref<640000xf32, #tpu.memory_space<hbm>> -> memref<400xf32, #tpu.memory_space<hbm>>
        tpu.wait_dma2 semaphore(%run_scoped3A : memref<!tpu.dma_semaphore, #tpu.memory_space<semaphore_mem>>) src(%arg18 : memref<400xf32, #tpu.memory_space<vmem>>) dst(%dma_wait3A_1588 : memref<400xf32, #tpu.memory_space<hbm>>)
        tpu.yield
      }) : () -> ()
      %add3A_1585 = arith.constant 320000 : i32
      %add3A_1586 = arith.addi %add3A_1585, %add3A_29 : i32
      "tpu.region"() ({
        %run_scoped3A = tpu.sem_alloc : memref<!tpu.dma_semaphore, #tpu.memory_space<semaphore_mem>>
        %dma_start3A = tpu.memref_slice %arg6[%add3A_1586] : memref<640000xf32, #tpu.memory_space<hbm>> -> memref<400xf32, #tpu.memory_space<hbm>>
        %dma_start3A_1587 = tpu.memref_slice %arg6[%add3A_1586] : memref<640000xf32, #tpu.memory_space<hbm>> -> memref<400xf32, #tpu.memory_space<hbm>>
        tpu.enqueue_dma source(%arg19 : memref<400xf32, #tpu.memory_space<vmem>>) target(%dma_start3A_1587 : memref<400xf32, #tpu.memory_space<hbm>>) target_semaphore(%run_scoped3A : memref<!tpu.dma_semaphore, #tpu.memory_space<semaphore_mem>>)
        %dma_wait3A = tpu.memref_slice %arg6[%add3A_1586] : memref<640000xf32, #tpu.memory_space<hbm>> -> memref<400xf32, #tpu.memory_space<hbm>>
        %dma_wait3A_1588 = tpu.memref_slice %arg6[%add3A_1586] : memref<640000xf32, #tpu.memory_space<hbm>> -> memref<400xf32, #tpu.memory_space<hbm>>
        tpu.wait_dma2 semaphore(%run_scoped3A : memref<!tpu.dma_semaphore, #tpu.memory_space<semaphore_mem>>) src(%arg19 : memref<400xf32, #tpu.memory_space<vmem>>) dst(%dma_wait3A_1588 : memref<400xf32, #tpu.memory_space<hbm>>)
        tpu.yield
      }) : () -> ()
    }
    %scan3A_21 = arith.constant 25 : i32
    return
  }
}

#map = affine_map<(d0, d1) -> (0)>
#map1 = affine_map<(d0, d1) -> (0, 0)>
module attributes {stable_mosaic.version = 14 : i64} {
  func.func @_sc_agg_kernel(%arg0: i32, %arg1: i32, %arg2: memref<640000xi32, #tpu.memory_space<hbm>>, %arg3: memref<640000xf32, #tpu.memory_space<hbm>>, %arg4: memref<10000x128xf32, #tpu.memory_space<hbm>>, %arg5: memref<20000x128xf32, #tpu.memory_space<hbm>>, %arg6: memref<80x128xf32, #tpu.memory_space<hbm>>, %arg7: memref<10000x128xf32, #tpu.memory_space<vmem_shared>>, %arg8: memref<2000xi32, #tpu.memory_space<vmem>>, %arg9: memref<2000xf32, #tpu.memory_space<vmem>>, %arg10: memref<2000xf32, #tpu.memory_space<vmem>>, %arg11: memref<80xi32, #tpu.memory_space<vmem>>, %arg12: memref<80x128xf32, #tpu.memory_space<vmem>>, %arg13: memref<!tpu.dma_semaphore, #tpu.memory_space<semaphore_mem>>) attributes {dimension_semantics = [#tpu.dimension_semantics<core_parallel>, #tpu.dimension_semantics<subcore_parallel>], iteration_bounds = array<i64: 2, 16>, scalar_prefetch = 0 : i64, scratch_operands = 7 : i64, tpu.core_type = #tpu.core_type<sc_vector_subcore>, window_params = [{transform_indices = #map}, {transform_indices = #map}, {transform_indices = #map1}, {transform_indices = #map1}, {transform_indices = #map1}]} {
    %mul3A = arith.constant 2 : i32
    %mul3A_0 = arith.muli %arg1, %mul3A : i32
    %add3A = arith.addi %mul3A_0, %arg0 : i32
    %mul3A_1 = arith.constant 10000 : i32
    %mul3A_2 = arith.muli %add3A, %mul3A_1 : i32
    %broadcast_in_dim3A = arith.constant 0.000000e+00 : f32
    %broadcast_in_dim3A_3 = vector.broadcast %broadcast_in_dim3A : f32 to vector<16xf32>
    %scan3A = arith.constant 0 : i32
    %scan3A_4 = arith.constant 80 : i32
    %scan3A_5 = arith.addi %scan3A, %scan3A_4 : i32
    %scan3A_6 = arith.constant 1 : i32
    scf.for %scan3A_26 = %scan3A to %scan3A_5 step %scan3A_6  : i32 {
      %mul3A_27 = arith.constant 1 : i32
      %mul3A_28 = arith.muli %scan3A_26, %mul3A_27 : i32
      %add3A_29 = arith.constant 0 : i32
      %add3A_30 = arith.addi %add3A_29, %mul3A_28 : i32
      %swap3A = arith.index_cast %add3A_30 : i32 to index
      %swap3A_31 = arith.constant 0 : index
      %swap3A_32 = tpu.vector_load %arg12[%swap3A, %swap3A_31] {strides = array<i32>} : memref<80x128xf32, #tpu.memory_space<vmem>>, vector<1x16xf32>,
      %swap3A_33 = vector.shape_cast %swap3A_32 : vector<1x16xf32> to vector<16xf32>
      %swap3A_34 = vector.shape_cast %broadcast_in_dim3A_3 : vector<16xf32> to vector<1x16xf32>
      tpu.vector_store %arg12[%swap3A, %swap3A_31], %swap3A_34 {strides = array<i32>} : memref<80x128xf32, #tpu.memory_space<vmem>>, vector<1x16xf32>,
      %swap3A_35 = arith.index_cast %add3A_30 : i32 to index
      %swap3A_36 = arith.constant 16 : index
      %swap3A_37 = tpu.vector_load %arg12[%swap3A_35, %swap3A_36] {strides = array<i32>} : memref<80x128xf32, #tpu.memory_space<vmem>>, vector<1x16xf32>,
      %swap3A_38 = vector.shape_cast %swap3A_37 : vector<1x16xf32> to vector<16xf32>
      %swap3A_39 = vector.shape_cast %broadcast_in_dim3A_3 : vector<16xf32> to vector<1x16xf32>
      tpu.vector_store %arg12[%swap3A_35, %swap3A_36], %swap3A_39 {strides = array<i32>} : memref<80x128xf32, #tpu.memory_space<vmem>>, vector<1x16xf32>,
      %swap3A_40 = arith.index_cast %add3A_30 : i32 to index
      %swap3A_41 = arith.constant 32 : index
      %swap3A_42 = tpu.vector_load %arg12[%swap3A_40, %swap3A_41] {strides = array<i32>} : memref<80x128xf32, #tpu.memory_space<vmem>>, vector<1x16xf32>,
      %swap3A_43 = vector.shape_cast %swap3A_42 : vector<1x16xf32> to vector<16xf32>
      %swap3A_44 = vector.shape_cast %broadcast_in_dim3A_3 : vector<16xf32> to vector<1x16xf32>
      tpu.vector_store %arg12[%swap3A_40, %swap3A_41], %swap3A_44 {strides = array<i32>} : memref<80x128xf32, #tpu.memory_space<vmem>>, vector<1x16xf32>,
      %swap3A_45 = arith.index_cast %add3A_30 : i32 to index
      %swap3A_46 = arith.constant 48 : index
      %swap3A_47 = tpu.vector_load %arg12[%swap3A_45, %swap3A_46] {strides = array<i32>} : memref<80x128xf32, #tpu.memory_space<vmem>>, vector<1x16xf32>,
      %swap3A_48 = vector.shape_cast %swap3A_47 : vector<1x16xf32> to vector<16xf32>
      %swap3A_49 = vector.shape_cast %broadcast_in_dim3A_3 : vector<16xf32> to vector<1x16xf32>
      tpu.vector_store %arg12[%swap3A_45, %swap3A_46], %swap3A_49 {strides = array<i32>} : memref<80x128xf32, #tpu.memory_space<vmem>>, vector<1x16xf32>,
      %swap3A_50 = arith.index_cast %add3A_30 : i32 to index
      %swap3A_51 = arith.constant 64 : index
      %swap3A_52 = tpu.vector_load %arg12[%swap3A_50, %swap3A_51] {strides = array<i32>} : memref<80x128xf32, #tpu.memory_space<vmem>>, vector<1x16xf32>,
      %swap3A_53 = vector.shape_cast %swap3A_52 : vector<1x16xf32> to vector<16xf32>
      %swap3A_54 = vector.shape_cast %broadcast_in_dim3A_3 : vector<16xf32> to vector<1x16xf32>
      tpu.vector_store %arg12[%swap3A_50, %swap3A_51], %swap3A_54 {strides = array<i32>} : memref<80x128xf32, #tpu.memory_space<vmem>>, vector<1x16xf32>,
      %swap3A_55 = arith.index_cast %add3A_30 : i32 to index
      %swap3A_56 = arith.constant 80 : index
      %swap3A_57 = tpu.vector_load %arg12[%swap3A_55, %swap3A_56] {strides = array<i32>} : memref<80x128xf32, #tpu.memory_space<vmem>>, vector<1x16xf32>,
      %swap3A_58 = vector.shape_cast %swap3A_57 : vector<1x16xf32> to vector<16xf32>
      %swap3A_59 = vector.shape_cast %broadcast_in_dim3A_3 : vector<16xf32> to vector<1x16xf32>
      tpu.vector_store %arg12[%swap3A_55, %swap3A_56], %swap3A_59 {strides = array<i32>} : memref<80x128xf32, #tpu.memory_space<vmem>>, vector<1x16xf32>,
      %swap3A_60 = arith.index_cast %add3A_30 : i32 to index
      %swap3A_61 = arith.constant 96 : index
      %swap3A_62 = tpu.vector_load %arg12[%swap3A_60, %swap3A_61] {strides = array<i32>} : memref<80x128xf32, #tpu.memory_space<vmem>>, vector<1x16xf32>,
      %swap3A_63 = vector.shape_cast %swap3A_62 : vector<1x16xf32> to vector<16xf32>
      %swap3A_64 = vector.shape_cast %broadcast_in_dim3A_3 : vector<16xf32> to vector<1x16xf32>
      tpu.vector_store %arg12[%swap3A_60, %swap3A_61], %swap3A_64 {strides = array<i32>} : memref<80x128xf32, #tpu.memory_space<vmem>>, vector<1x16xf32>,
      %swap3A_65 = arith.index_cast %add3A_30 : i32 to index
      %swap3A_66 = arith.constant 112 : index
      %swap3A_67 = tpu.vector_load %arg12[%swap3A_65, %swap3A_66] {strides = array<i32>} : memref<80x128xf32, #tpu.memory_space<vmem>>, vector<1x16xf32>,
      %swap3A_68 = vector.shape_cast %swap3A_67 : vector<1x16xf32> to vector<16xf32>
      %swap3A_69 = vector.shape_cast %broadcast_in_dim3A_3 : vector<16xf32> to vector<1x16xf32>
      tpu.vector_store %arg12[%swap3A_65, %swap3A_66], %swap3A_69 {strides = array<i32>} : memref<80x128xf32, #tpu.memory_space<vmem>>, vector<1x16xf32>,
    }
    %scan3A_7 = arith.constant 80 : i32
    %mul3A_8 = arith.constant 624 : i32
    %mul3A_9 = arith.muli %arg1, %mul3A_8 : i32
    %scan3A_10 = arith.constant 0 : i32
    %scan3A_11 = arith.constant 8 : i32
    %scan3A_12 = arith.addi %scan3A_10, %scan3A_11 : i32
    %scan3A_13 = arith.constant 1 : i32
    scf.for %scan3A_26 = %scan3A_10 to %scan3A_12 step %scan3A_13  : i32 {
      %mul3A_27 = arith.constant 1 : i32
      %mul3A_28 = arith.muli %scan3A_26, %mul3A_27 : i32
      %add3A_29 = arith.constant 0 : i32
      %add3A_30 = arith.addi %add3A_29, %mul3A_28 : i32
      %mul3A_31 = arith.constant 80 : i32
      %mul3A_32 = arith.muli %add3A_30, %mul3A_31 : i32
      %add3A_33 = arith.addi %mul3A_9, %mul3A_32 : i32
      "tpu.region"() ({
        %run_scoped3A = tpu.sem_alloc : memref<!tpu.dma_semaphore, #tpu.memory_space<semaphore_mem>>
        %dma_start3A = arith.constant 0 : i32
        %dma_start3A_34 = tpu.memref_slice %arg7[%add3A_33, %dma_start3A] : memref<10000x128xf32, #tpu.memory_space<vmem_shared>> -> memref<80x128xf32, #tpu.memory_space<vmem_shared>>
        %dma_start3A_35 = arith.constant 0 : i32
        %dma_start3A_36 = tpu.memref_slice %arg7[%add3A_33, %dma_start3A_35] : memref<10000x128xf32, #tpu.memory_space<vmem_shared>> -> memref<80x128xf32, #tpu.memory_space<vmem_shared>>
        tpu.enqueue_dma source(%arg12 : memref<80x128xf32, #tpu.memory_space<vmem>>) target(%dma_start3A_36 : memref<80x128xf32, #tpu.memory_space<vmem_shared>>) target_semaphore(%run_scoped3A : memref<!tpu.dma_semaphore, #tpu.memory_space<semaphore_mem>>)
        %dma_wait3A = arith.constant 0 : i32
        %dma_wait3A_37 = tpu.memref_slice %arg7[%add3A_33, %dma_wait3A] : memref<10000x128xf32, #tpu.memory_space<vmem_shared>> -> memref<80x128xf32, #tpu.memory_space<vmem_shared>>
        %dma_wait3A_38 = arith.constant 0 : i32
        %dma_wait3A_39 = tpu.memref_slice %arg7[%add3A_33, %dma_wait3A_38] : memref<10000x128xf32, #tpu.memory_space<vmem_shared>> -> memref<80x128xf32, #tpu.memory_space<vmem_shared>>
        tpu.wait_dma2 semaphore(%run_scoped3A : memref<!tpu.dma_semaphore, #tpu.memory_space<semaphore_mem>>) src(%arg12 : memref<80x128xf32, #tpu.memory_space<vmem>>) dst(%dma_wait3A_39 : memref<80x128xf32, #tpu.memory_space<vmem_shared>>)
        tpu.yield
      }) : () -> ()
    }
    %scan3A_14 = arith.constant 8 : i32
    %barrier3A = arith.constant 0 : index
    tpu.barrier barrier_id(%barrier3A)
    %scan3A_15 = arith.constant 0 : i32
    %scan3A_16 = arith.constant 5 : i32
    %scan3A_17 = arith.addi %scan3A_15, %scan3A_16 : i32
    %scan3A_18 = arith.constant 1 : i32
    scf.for %scan3A_26 = %scan3A_15 to %scan3A_17 step %scan3A_18  : i32 {
      %mul3A_27 = arith.constant 1 : i32
      %mul3A_28 = arith.muli %scan3A_26, %mul3A_27 : i32
      %add3A_29 = arith.constant 0 : i32
      %add3A_30 = arith.addi %add3A_29, %mul3A_28 : i32
      %mul3A_31 = arith.constant 2000 : i32
      %mul3A_32 = arith.muli %add3A_30, %mul3A_31 : i32
      %add3A_33 = arith.addi %mul3A_2, %mul3A_32 : i32
      "tpu.region"() ({
        %run_scoped3A = tpu.sem_alloc : memref<!tpu.dma_semaphore, #tpu.memory_space<semaphore_mem>>
        %dma_start3A = tpu.memref_slice %arg2[%add3A_33] : memref<640000xi32, #tpu.memory_space<hbm>> -> memref<2000xi32, #tpu.memory_space<hbm>>
        %dma_start3A_41 = tpu.memref_slice %arg2[%add3A_33] : memref<640000xi32, #tpu.memory_space<hbm>> -> memref<2000xi32, #tpu.memory_space<hbm>>
        tpu.enqueue_dma source(%dma_start3A_41 : memref<2000xi32, #tpu.memory_space<hbm>>) target(%arg8 : memref<2000xi32, #tpu.memory_space<vmem>>) target_semaphore(%run_scoped3A : memref<!tpu.dma_semaphore, #tpu.memory_space<semaphore_mem>>)
        %dma_wait3A = tpu.memref_slice %arg2[%add3A_33] : memref<640000xi32, #tpu.memory_space<hbm>> -> memref<2000xi32, #tpu.memory_space<hbm>>
        %dma_wait3A_42 = tpu.memref_slice %arg2[%add3A_33] : memref<640000xi32, #tpu.memory_space<hbm>> -> memref<2000xi32, #tpu.memory_space<hbm>>
        tpu.wait_dma2 semaphore(%run_scoped3A : memref<!tpu.dma_semaphore, #tpu.memory_space<semaphore_mem>>) src(%dma_wait3A_42 : memref<2000xi32, #tpu.memory_space<hbm>>) dst(%arg8 : memref<2000xi32, #tpu.memory_space<vmem>>)
        tpu.yield
      }) : () -> ()
      "tpu.region"() ({
        %run_scoped3A = tpu.sem_alloc : memref<!tpu.dma_semaphore, #tpu.memory_space<semaphore_mem>>
        %dma_start3A = tpu.memref_slice %arg3[%add3A_33] : memref<640000xf32, #tpu.memory_space<hbm>> -> memref<2000xf32, #tpu.memory_space<hbm>>
        %dma_start3A_41 = tpu.memref_slice %arg3[%add3A_33] : memref<640000xf32, #tpu.memory_space<hbm>> -> memref<2000xf32, #tpu.memory_space<hbm>>
        tpu.enqueue_dma source(%dma_start3A_41 : memref<2000xf32, #tpu.memory_space<hbm>>) target(%arg9 : memref<2000xf32, #tpu.memory_space<vmem>>) target_semaphore(%run_scoped3A : memref<!tpu.dma_semaphore, #tpu.memory_space<semaphore_mem>>)
        %dma_wait3A = tpu.memref_slice %arg3[%add3A_33] : memref<640000xf32, #tpu.memory_space<hbm>> -> memref<2000xf32, #tpu.memory_space<hbm>>
        %dma_wait3A_42 = tpu.memref_slice %arg3[%add3A_33] : memref<640000xf32, #tpu.memory_space<hbm>> -> memref<2000xf32, #tpu.memory_space<hbm>>
        tpu.wait_dma2 semaphore(%run_scoped3A : memref<!tpu.dma_semaphore, #tpu.memory_space<semaphore_mem>>) src(%dma_wait3A_42 : memref<2000xf32, #tpu.memory_space<hbm>>) dst(%arg9 : memref<2000xf32, #tpu.memory_space<vmem>>)
        tpu.yield
      }) : () -> ()
      %add3A_34 = arith.constant 320000 : i32
      %add3A_35 = arith.addi %add3A_34, %add3A_33 : i32
      "tpu.region"() ({
        %run_scoped3A = tpu.sem_alloc : memref<!tpu.dma_semaphore, #tpu.memory_space<semaphore_mem>>
        %dma_start3A = tpu.memref_slice %arg3[%add3A_35] : memref<640000xf32, #tpu.memory_space<hbm>> -> memref<2000xf32, #tpu.memory_space<hbm>>
        %dma_start3A_41 = tpu.memref_slice %arg3[%add3A_35] : memref<640000xf32, #tpu.memory_space<hbm>> -> memref<2000xf32, #tpu.memory_space<hbm>>
        tpu.enqueue_dma source(%dma_start3A_41 : memref<2000xf32, #tpu.memory_space<hbm>>) target(%arg10 : memref<2000xf32, #tpu.memory_space<vmem>>) target_semaphore(%run_scoped3A : memref<!tpu.dma_semaphore, #tpu.memory_space<semaphore_mem>>)
        %dma_wait3A = tpu.memref_slice %arg3[%add3A_35] : memref<640000xf32, #tpu.memory_space<hbm>> -> memref<2000xf32, #tpu.memory_space<hbm>>
        %dma_wait3A_42 = tpu.memref_slice %arg3[%add3A_35] : memref<640000xf32, #tpu.memory_space<hbm>> -> memref<2000xf32, #tpu.memory_space<hbm>>
        tpu.wait_dma2 semaphore(%run_scoped3A : memref<!tpu.dma_semaphore, #tpu.memory_space<semaphore_mem>>) src(%dma_wait3A_42 : memref<2000xf32, #tpu.memory_space<hbm>>) dst(%arg10 : memref<2000xf32, #tpu.memory_space<vmem>>)
        tpu.yield
      }) : () -> ()
      %scan3A_36 = arith.constant 0 : i32
      %scan3A_37 = arith.constant 25 : i32
      %scan3A_38 = arith.addi %scan3A_36, %scan3A_37 : i32
      %scan3A_39 = arith.constant 1 : i32
      scf.for %scan3A_41 = %scan3A_36 to %scan3A_38 step %scan3A_39  : i32 {
        %mul3A_42 = arith.constant 1 : i32
        %mul3A_43 = arith.muli %scan3A_41, %mul3A_42 : i32
        %add3A_44 = arith.constant 0 : i32
        %add3A_45 = arith.addi %add3A_44, %mul3A_43 : i32
        %add3A_46 = arith.constant 320000 : i32
        %add3A_47 = arith.addi %add3A_46, %add3A_33 : i32
        %mul3A_48 = arith.constant 80 : i32
        %mul3A_49 = arith.muli %add3A_45, %mul3A_48 : i32
        %add3A_50 = arith.addi %add3A_47, %mul3A_49 : i32
        "tpu.region"() ({
          %run_scoped3A = tpu.sem_alloc : memref<!tpu.dma_semaphore, #tpu.memory_space<semaphore_mem>>
          %dma_start3A_77 = tpu.memref_slice %arg2[%add3A_50] : memref<640000xi32, #tpu.memory_space<hbm>> -> memref<80xi32, #tpu.memory_space<hbm>>
          %dma_start3A_78 = tpu.memref_slice %arg2[%add3A_50] : memref<640000xi32, #tpu.memory_space<hbm>> -> memref<80xi32, #tpu.memory_space<hbm>>
          tpu.enqueue_dma source(%dma_start3A_78 : memref<80xi32, #tpu.memory_space<hbm>>) target(%arg11 : memref<80xi32, #tpu.memory_space<vmem>>) target_semaphore(%run_scoped3A : memref<!tpu.dma_semaphore, #tpu.memory_space<semaphore_mem>>)
          %dma_wait3A_79 = tpu.memref_slice %arg2[%add3A_50] : memref<640000xi32, #tpu.memory_space<hbm>> -> memref<80xi32, #tpu.memory_space<hbm>>
          %dma_wait3A_80 = tpu.memref_slice %arg2[%add3A_50] : memref<640000xi32, #tpu.memory_space<hbm>> -> memref<80xi32, #tpu.memory_space<hbm>>
          tpu.wait_dma2 semaphore(%run_scoped3A : memref<!tpu.dma_semaphore, #tpu.memory_space<semaphore_mem>>) src(%dma_wait3A_80 : memref<80xi32, #tpu.memory_space<hbm>>) dst(%arg11 : memref<80xi32, #tpu.memory_space<vmem>>)
          tpu.yield
        }) : () -> ()
        %mul3A_51 = arith.constant 80 : i32
        %mul3A_52 = arith.muli %add3A_45, %mul3A_51 : i32
        %dma_start3A = tpu.memref_slice %arg8[%mul3A_52] : memref<2000xi32, #tpu.memory_space<vmem>> -> memref<80xi32, #tpu.memory_space<vmem>>
        %dma_start3A_53 = arith.constant 0 : i32
        %dma_start3A_54 = arith.constant 0 : i32
        %dma_start3A_55 = tpu.memref_slice %arg4[%dma_start3A_53, %dma_start3A_54] : memref<10000x128xf32, #tpu.memory_space<hbm>> -> memref<10000x128xf32, #tpu.memory_space<hbm>>
        tpu.enqueue_indirect_dma source(%dma_start3A_55 : memref<10000x128xf32, #tpu.memory_space<hbm>>) target(%arg12 : memref<80x128xf32, #tpu.memory_space<vmem>>) offsets(%dma_start3A : memref<80xi32, #tpu.memory_space<vmem>>) semaphore(%arg13 : memref<!tpu.dma_semaphore, #tpu.memory_space<semaphore_mem>>)
        %dma_wait3A = tpu.memref_slice %arg8[%mul3A_52] : memref<2000xi32, #tpu.memory_space<vmem>> -> memref<80xi32, #tpu.memory_space<vmem>>
        %dma_wait3A_56 = arith.constant 0 : i32
        %dma_wait3A_57 = arith.constant 0 : i32
        %dma_wait3A_58 = tpu.memref_slice %arg4[%dma_wait3A_56, %dma_wait3A_57] : memref<10000x128xf32, #tpu.memory_space<hbm>> -> memref<10000x128xf32, #tpu.memory_space<hbm>>
        tpu.wait_indirect_dma semaphore(%arg13 : memref<!tpu.dma_semaphore, #tpu.memory_space<semaphore_mem>>) src(%dma_wait3A_58 : memref<10000x128xf32, #tpu.memory_space<hbm>>) dst(%arg12 : memref<80x128xf32, #tpu.memory_space<vmem>>)
        %scan3A_59 = arith.constant 0 : i32
        %scan3A_60 = arith.constant 5 : i32
        %scan3A_61 = arith.addi %scan3A_59, %scan3A_60 : i32
        %scan3A_62 = arith.constant 1 : i32
        scf.for %scan3A_77 = %scan3A_59 to %scan3A_61 step %scan3A_62  : i32 {
          %mul3A_78 = arith.constant 1 : i32
          %mul3A_79 = arith.muli %scan3A_77, %mul3A_78 : i32
          %add3A_80 = arith.constant 0 : i32
          %add3A_81 = arith.addi %add3A_80, %mul3A_79 : i32
          %mul3A_82 = arith.constant 80 : i32
          %mul3A_83 = arith.muli %add3A_45, %mul3A_82 : i32
          %mul3A_84 = arith.constant 16 : i32
          %mul3A_85 = arith.muli %add3A_81, %mul3A_84 : i32
          %add3A_86 = arith.addi %mul3A_83, %mul3A_85 : i32
          %get3A = arith.index_cast %add3A_86 : i32 to index
          %get3A_87 = tpu.vector_load %arg9[%get3A] {strides = array<i32>} : memref<2000xf32, #tpu.memory_space<vmem>>, vector<16xf32>,
          %get3A_88 = vector.shape_cast %get3A_87 : vector<16xf32> to vector<16xf32>
          %get3A_89 = arith.index_cast %add3A_86 : i32 to index
          %get3A_90 = tpu.vector_load %arg10[%get3A_89] {strides = array<i32>} : memref<2000xf32, #tpu.memory_space<vmem>>, vector<16xf32>,
          %get3A_91 = vector.shape_cast %get3A_90 : vector<16xf32> to vector<16xf32>
          %mul3A_92 = arith.constant 16 : i32
          %mul3A_93 = arith.muli %add3A_81, %mul3A_92 : i32
          %add3A_94 = arith.constant 0 : i32
          %add3A_95 = arith.addi %mul3A_93, %add3A_94 : i32
          %slice3A = vector.extract_strided_slice %get3A_88 {offsets = [0], sizes = [1], strides = [1]} : vector<16xf32> to vector<1xf32>
          %squeeze3A = vector.extract %slice3A[0] : f32 from vector<1xf32>
          %slice3A_96 = vector.extract_strided_slice %get3A_91 {offsets = [0], sizes = [1], strides = [1]} : vector<16xf32> to vector<1xf32>
          %squeeze3A_97 = vector.extract %slice3A_96[0] : f32 from vector<1xf32>
          %get3A_98 = arith.index_cast %add3A_95 : i32 to index
          %get3A_99 = arith.constant 0 : index
          %get3A_100 = tpu.vector_load %arg12[%get3A_98, %get3A_99] {strides = array<i32>} : memref<80x128xf32, #tpu.memory_space<vmem>>, vector<1x16xf32>,
          %get3A_101 = vector.shape_cast %get3A_100 : vector<1x16xf32> to vector<16xf32>
          %mul3A_102 = vector.broadcast %squeeze3A : f32 to vector<16xf32>
          %mul3A_103 = arith.mulf %get3A_101, %mul3A_102 : vector<16xf32>
          %swap3A = arith.index_cast %add3A_95 : i32 to index
          %swap3A_104 = arith.constant 0 : index
          %swap3A_105 = tpu.vector_load %arg12[%swap3A, %swap3A_104] {strides = array<i32>} : memref<80x128xf32, #tpu.memory_space<vmem>>, vector<1x16xf32>,
          %swap3A_106 = vector.shape_cast %swap3A_105 : vector<1x16xf32> to vector<16xf32>
          %swap3A_107 = vector.shape_cast %mul3A_103 : vector<16xf32> to vector<1x16xf32>
          tpu.vector_store %arg12[%swap3A, %swap3A_104], %swap3A_107 {strides = array<i32>} : memref<80x128xf32, #tpu.memory_space<vmem>>, vector<1x16xf32>,
          %get3A_108 = arith.index_cast %add3A_95 : i32 to index
          %get3A_109 = arith.constant 16 : index
          %get3A_110 = tpu.vector_load %arg12[%get3A_108, %get3A_109] {strides = array<i32>} : memref<80x128xf32, #tpu.memory_space<vmem>>, vector<1x16xf32>,
          %get3A_111 = vector.shape_cast %get3A_110 : vector<1x16xf32> to vector<16xf32>
          %mul3A_112 = vector.broadcast %squeeze3A : f32 to vector<16xf32>
          %mul3A_113 = arith.mulf %get3A_111, %mul3A_112 : vector<16xf32>
          %swap3A_114 = arith.index_cast %add3A_95 : i32 to index
          %swap3A_115 = arith.constant 16 : index
          %swap3A_116 = tpu.vector_load %arg12[%swap3A_114, %swap3A_115] {strides = array<i32>} : memref<80x128xf32, #tpu.memory_space<vmem>>, vector<1x16xf32>,
          %swap3A_117 = vector.shape_cast %swap3A_116 : vector<1x16xf32> to vector<16xf32>
          %swap3A_118 = vector.shape_cast %mul3A_113 : vector<16xf32> to vector<1x16xf32>
          tpu.vector_store %arg12[%swap3A_114, %swap3A_115], %swap3A_118 {strides = array<i32>} : memref<80x128xf32, #tpu.memory_space<vmem>>, vector<1x16xf32>,
          %get3A_119 = arith.index_cast %add3A_95 : i32 to index
          %get3A_120 = arith.constant 32 : index
          %get3A_121 = tpu.vector_load %arg12[%get3A_119, %get3A_120] {strides = array<i32>} : memref<80x128xf32, #tpu.memory_space<vmem>>, vector<1x16xf32>,
          %get3A_122 = vector.shape_cast %get3A_121 : vector<1x16xf32> to vector<16xf32>
          %mul3A_123 = vector.broadcast %squeeze3A : f32 to vector<16xf32>
          %mul3A_124 = arith.mulf %get3A_122, %mul3A_123 : vector<16xf32>
          %swap3A_125 = arith.index_cast %add3A_95 : i32 to index
          %swap3A_126 = arith.constant 32 : index
          %swap3A_127 = tpu.vector_load %arg12[%swap3A_125, %swap3A_126] {strides = array<i32>} : memref<80x128xf32, #tpu.memory_space<vmem>>, vector<1x16xf32>,
          %swap3A_128 = vector.shape_cast %swap3A_127 : vector<1x16xf32> to vector<16xf32>
          %swap3A_129 = vector.shape_cast %mul3A_124 : vector<16xf32> to vector<1x16xf32>
          tpu.vector_store %arg12[%swap3A_125, %swap3A_126], %swap3A_129 {strides = array<i32>} : memref<80x128xf32, #tpu.memory_space<vmem>>, vector<1x16xf32>,
          %get3A_130 = arith.index_cast %add3A_95 : i32 to index
          %get3A_131 = arith.constant 48 : index
          %get3A_132 = tpu.vector_load %arg12[%get3A_130, %get3A_131] {strides = array<i32>} : memref<80x128xf32, #tpu.memory_space<vmem>>, vector<1x16xf32>,
          %get3A_133 = vector.shape_cast %get3A_132 : vector<1x16xf32> to vector<16xf32>
          %mul3A_134 = vector.broadcast %squeeze3A : f32 to vector<16xf32>
          %mul3A_135 = arith.mulf %get3A_133, %mul3A_134 : vector<16xf32>
          %swap3A_136 = arith.index_cast %add3A_95 : i32 to index
          %swap3A_137 = arith.constant 48 : index
          %swap3A_138 = tpu.vector_load %arg12[%swap3A_136, %swap3A_137] {strides = array<i32>} : memref<80x128xf32, #tpu.memory_space<vmem>>, vector<1x16xf32>,
          %swap3A_139 = vector.shape_cast %swap3A_138 : vector<1x16xf32> to vector<16xf32>
          %swap3A_140 = vector.shape_cast %mul3A_135 : vector<16xf32> to vector<1x16xf32>
          tpu.vector_store %arg12[%swap3A_136, %swap3A_137], %swap3A_140 {strides = array<i32>} : memref<80x128xf32, #tpu.memory_space<vmem>>, vector<1x16xf32>,
          %get3A_141 = arith.index_cast %add3A_95 : i32 to index
          %get3A_142 = arith.constant 64 : index
          %get3A_143 = tpu.vector_load %arg12[%get3A_141, %get3A_142] {strides = array<i32>} : memref<80x128xf32, #tpu.memory_space<vmem>>, vector<1x16xf32>,
          %get3A_144 = vector.shape_cast %get3A_143 : vector<1x16xf32> to vector<16xf32>
          %mul3A_145 = vector.broadcast %squeeze3A_97 : f32 to vector<16xf32>
          %mul3A_146 = arith.mulf %get3A_144, %mul3A_145 : vector<16xf32>
          %swap3A_147 = arith.index_cast %add3A_95 : i32 to index
          %swap3A_148 = arith.constant 64 : index
          %swap3A_149 = tpu.vector_load %arg12[%swap3A_147, %swap3A_148] {strides = array<i32>} : memref<80x128xf32, #tpu.memory_space<vmem>>, vector<1x16xf32>,
          %swap3A_150 = vector.shape_cast %swap3A_149 : vector<1x16xf32> to vector<16xf32>
          %swap3A_151 = vector.shape_cast %mul3A_146 : vector<16xf32> to vector<1x16xf32>
          tpu.vector_store %arg12[%swap3A_147, %swap3A_148], %swap3A_151 {strides = array<i32>} : memref<80x128xf32, #tpu.memory_space<vmem>>, vector<1x16xf32>,
          %get3A_152 = arith.index_cast %add3A_95 : i32 to index
          %get3A_153 = arith.constant 80 : index
          %get3A_154 = tpu.vector_load %arg12[%get3A_152, %get3A_153] {strides = array<i32>} : memref<80x128xf32, #tpu.memory_space<vmem>>, vector<1x16xf32>,
          %get3A_155 = vector.shape_cast %get3A_154 : vector<1x16xf32> to vector<16xf32>
          %mul3A_156 = vector.broadcast %squeeze3A_97 : f32 to vector<16xf32>
          %mul3A_157 = arith.mulf %get3A_155, %mul3A_156 : vector<16xf32>
          %swap3A_158 = arith.index_cast %add3A_95 : i32 to index
          %swap3A_159 = arith.constant 80 : index
          %swap3A_160 = tpu.vector_load %arg12[%swap3A_158, %swap3A_159] {strides = array<i32>} : memref<80x128xf32, #tpu.memory_space<vmem>>, vector<1x16xf32>,
          %swap3A_161 = vector.shape_cast %swap3A_160 : vector<1x16xf32> to vector<16xf32>
          %swap3A_162 = vector.shape_cast %mul3A_157 : vector<16xf32> to vector<1x16xf32>
          tpu.vector_store %arg12[%swap3A_158, %swap3A_159], %swap3A_162 {strides = array<i32>} : memref<80x128xf32, #tpu.memory_space<vmem>>, vector<1x16xf32>,
          %get3A_163 = arith.index_cast %add3A_95 : i32 to index
          %get3A_164 = arith.constant 96 : index
          %get3A_165 = tpu.vector_load %arg12[%get3A_163, %get3A_164] {strides = array<i32>} : memref<80x128xf32, #tpu.memory_space<vmem>>, vector<1x16xf32>,
          %get3A_166 = vector.shape_cast %get3A_165 : vector<1x16xf32> to vector<16xf32>
          %mul3A_167 = vector.broadcast %squeeze3A_97 : f32 to vector<16xf32>
          %mul3A_168 = arith.mulf %get3A_166, %mul3A_167 : vector<16xf32>
          %swap3A_169 = arith.index_cast %add3A_95 : i32 to index
          %swap3A_170 = arith.constant 96 : index
          %swap3A_171 = tpu.vector_load %arg12[%swap3A_169, %swap3A_170] {strides = array<i32>} : memref<80x128xf32, #tpu.memory_space<vmem>>, vector<1x16xf32>,
          %swap3A_172 = vector.shape_cast %swap3A_171 : vector<1x16xf32> to vector<16xf32>
          %swap3A_173 = vector.shape_cast %mul3A_168 : vector<16xf32> to vector<1x16xf32>
          tpu.vector_store %arg12[%swap3A_169, %swap3A_170], %swap3A_173 {strides = array<i32>} : memref<80x128xf32, #tpu.memory_space<vmem>>, vector<1x16xf32>,
          %get3A_174 = arith.index_cast %add3A_95 : i32 to index
          %get3A_175 = arith.constant 112 : index
          %get3A_176 = tpu.vector_load %arg12[%get3A_174, %get3A_175] {strides = array<i32>} : memref<80x128xf32, #tpu.memory_space<vmem>>, vector<1x16xf32>,
          %get3A_177 = vector.shape_cast %get3A_176 : vector<1x16xf32> to vector<16xf32>
          %mul3A_178 = vector.broadcast %squeeze3A_97 : f32 to vector<16xf32>
          %mul3A_179 = arith.mulf %get3A_177, %mul3A_178 : vector<16xf32>
          %swap3A_180 = arith.index_cast %add3A_95 : i32 to index
          %swap3A_181 = arith.constant 112 : index
          %swap3A_182 = tpu.vector_load %arg12[%swap3A_180, %swap3A_181] {strides = array<i32>} : memref<80x128xf32, #tpu.memory_space<vmem>>, vector<1x16xf32>,
          %swap3A_183 = vector.shape_cast %swap3A_182 : vector<1x16xf32> to vector<16xf32>
          %swap3A_184 = vector.shape_cast %mul3A_179 : vector<16xf32> to vector<1x16xf32>
          tpu.vector_store %arg12[%swap3A_180, %swap3A_181], %swap3A_184 {strides = array<i32>} : memref<80x128xf32, #tpu.memory_space<vmem>>, vector<1x16xf32>,
          %mul3A_185 = arith.constant 16 : i32
          %mul3A_186 = arith.muli %add3A_81, %mul3A_185 : i32
          %add3A_187 = arith.constant 1 : i32
          %add3A_188 = arith.addi %mul3A_186, %add3A_187 : i32
          %slice3A_189 = vector.extract_strided_slice %get3A_88 {offsets = [1], sizes = [1], strides = [1]} : vector<16xf32> to vector<1xf32>
          %squeeze3A_190 = vector.extract %slice3A_189[0] : f32 from vector<1xf32>
          %slice3A_191 = vector.extract_strided_slice %get3A_91 {offsets = [1], sizes = [1], strides = [1]} : vector<16xf32> to vector<1xf32>
          %squeeze3A_192 = vector.extract %slice3A_191[0] : f32 from vector<1xf32>
          %get3A_193 = arith.index_cast %add3A_188 : i32 to index
          %get3A_194 = arith.constant 0 : index
          %get3A_195 = tpu.vector_load %arg12[%get3A_193, %get3A_194] {strides = array<i32>} : memref<80x128xf32, #tpu.memory_space<vmem>>, vector<1x16xf32>,
          %get3A_196 = vector.shape_cast %get3A_195 : vector<1x16xf32> to vector<16xf32>
          %mul3A_197 = vector.broadcast %squeeze3A_190 : f32 to vector<16xf32>
          %mul3A_198 = arith.mulf %get3A_196, %mul3A_197 : vector<16xf32>
          %swap3A_199 = arith.index_cast %add3A_188 : i32 to index
          %swap3A_200 = arith.constant 0 : index
          %swap3A_201 = tpu.vector_load %arg12[%swap3A_199, %swap3A_200] {strides = array<i32>} : memref<80x128xf32, #tpu.memory_space<vmem>>, vector<1x16xf32>,
          %swap3A_202 = vector.shape_cast %swap3A_201 : vector<1x16xf32> to vector<16xf32>
          %swap3A_203 = vector.shape_cast %mul3A_198 : vector<16xf32> to vector<1x16xf32>
          tpu.vector_store %arg12[%swap3A_199, %swap3A_200], %swap3A_203 {strides = array<i32>} : memref<80x128xf32, #tpu.memory_space<vmem>>, vector<1x16xf32>,
          %get3A_204 = arith.index_cast %add3A_188 : i32 to index
          %get3A_205 = arith.constant 16 : index
          %get3A_206 = tpu.vector_load %arg12[%get3A_204, %get3A_205] {strides = array<i32>} : memref<80x128xf32, #tpu.memory_space<vmem>>, vector<1x16xf32>,
          %get3A_207 = vector.shape_cast %get3A_206 : vector<1x16xf32> to vector<16xf32>
          %mul3A_208 = vector.broadcast %squeeze3A_190 : f32 to vector<16xf32>
          %mul3A_209 = arith.mulf %get3A_207, %mul3A_208 : vector<16xf32>
          %swap3A_210 = arith.index_cast %add3A_188 : i32 to index
          %swap3A_211 = arith.constant 16 : index
          %swap3A_212 = tpu.vector_load %arg12[%swap3A_210, %swap3A_211] {strides = array<i32>} : memref<80x128xf32, #tpu.memory_space<vmem>>, vector<1x16xf32>,
          %swap3A_213 = vector.shape_cast %swap3A_212 : vector<1x16xf32> to vector<16xf32>
          %swap3A_214 = vector.shape_cast %mul3A_209 : vector<16xf32> to vector<1x16xf32>
          tpu.vector_store %arg12[%swap3A_210, %swap3A_211], %swap3A_214 {strides = array<i32>} : memref<80x128xf32, #tpu.memory_space<vmem>>, vector<1x16xf32>,
          %get3A_215 = arith.index_cast %add3A_188 : i32 to index
          %get3A_216 = arith.constant 32 : index
          %get3A_217 = tpu.vector_load %arg12[%get3A_215, %get3A_216] {strides = array<i32>} : memref<80x128xf32, #tpu.memory_space<vmem>>, vector<1x16xf32>,
          %get3A_218 = vector.shape_cast %get3A_217 : vector<1x16xf32> to vector<16xf32>
          %mul3A_219 = vector.broadcast %squeeze3A_190 : f32 to vector<16xf32>
          %mul3A_220 = arith.mulf %get3A_218, %mul3A_219 : vector<16xf32>
          %swap3A_221 = arith.index_cast %add3A_188 : i32 to index
          %swap3A_222 = arith.constant 32 : index
          %swap3A_223 = tpu.vector_load %arg12[%swap3A_221, %swap3A_222] {strides = array<i32>} : memref<80x128xf32, #tpu.memory_space<vmem>>, vector<1x16xf32>,
          %swap3A_224 = vector.shape_cast %swap3A_223 : vector<1x16xf32> to vector<16xf32>
          %swap3A_225 = vector.shape_cast %mul3A_220 : vector<16xf32> to vector<1x16xf32>
          tpu.vector_store %arg12[%swap3A_221, %swap3A_222], %swap3A_225 {strides = array<i32>} : memref<80x128xf32, #tpu.memory_space<vmem>>, vector<1x16xf32>,
          %get3A_226 = arith.index_cast %add3A_188 : i32 to index
          %get3A_227 = arith.constant 48 : index
          %get3A_228 = tpu.vector_load %arg12[%get3A_226, %get3A_227] {strides = array<i32>} : memref<80x128xf32, #tpu.memory_space<vmem>>, vector<1x16xf32>,
          %get3A_229 = vector.shape_cast %get3A_228 : vector<1x16xf32> to vector<16xf32>
          %mul3A_230 = vector.broadcast %squeeze3A_190 : f32 to vector<16xf32>
          %mul3A_231 = arith.mulf %get3A_229, %mul3A_230 : vector<16xf32>
          %swap3A_232 = arith.index_cast %add3A_188 : i32 to index
          %swap3A_233 = arith.constant 48 : index
          %swap3A_234 = tpu.vector_load %arg12[%swap3A_232, %swap3A_233] {strides = array<i32>} : memref<80x128xf32, #tpu.memory_space<vmem>>, vector<1x16xf32>,
          %swap3A_235 = vector.shape_cast %swap3A_234 : vector<1x16xf32> to vector<16xf32>
          %swap3A_236 = vector.shape_cast %mul3A_231 : vector<16xf32> to vector<1x16xf32>
          tpu.vector_store %arg12[%swap3A_232, %swap3A_233], %swap3A_236 {strides = array<i32>} : memref<80x128xf32, #tpu.memory_space<vmem>>, vector<1x16xf32>,
          %get3A_237 = arith.index_cast %add3A_188 : i32 to index
          %get3A_238 = arith.constant 64 : index
          %get3A_239 = tpu.vector_load %arg12[%get3A_237, %get3A_238] {strides = array<i32>} : memref<80x128xf32, #tpu.memory_space<vmem>>, vector<1x16xf32>,
          %get3A_240 = vector.shape_cast %get3A_239 : vector<1x16xf32> to vector<16xf32>
          %mul3A_241 = vector.broadcast %squeeze3A_192 : f32 to vector<16xf32>
          %mul3A_242 = arith.mulf %get3A_240, %mul3A_241 : vector<16xf32>
          %swap3A_243 = arith.index_cast %add3A_188 : i32 to index
          %swap3A_244 = arith.constant 64 : index
          %swap3A_245 = tpu.vector_load %arg12[%swap3A_243, %swap3A_244] {strides = array<i32>} : memref<80x128xf32, #tpu.memory_space<vmem>>, vector<1x16xf32>,
          %swap3A_246 = vector.shape_cast %swap3A_245 : vector<1x16xf32> to vector<16xf32>
          %swap3A_247 = vector.shape_cast %mul3A_242 : vector<16xf32> to vector<1x16xf32>
          tpu.vector_store %arg12[%swap3A_243, %swap3A_244], %swap3A_247 {strides = array<i32>} : memref<80x128xf32, #tpu.memory_space<vmem>>, vector<1x16xf32>,
          %get3A_248 = arith.index_cast %add3A_188 : i32 to index
          %get3A_249 = arith.constant 80 : index
          %get3A_250 = tpu.vector_load %arg12[%get3A_248, %get3A_249] {strides = array<i32>} : memref<80x128xf32, #tpu.memory_space<vmem>>, vector<1x16xf32>,
          %get3A_251 = vector.shape_cast %get3A_250 : vector<1x16xf32> to vector<16xf32>
          %mul3A_252 = vector.broadcast %squeeze3A_192 : f32 to vector<16xf32>
          %mul3A_253 = arith.mulf %get3A_251, %mul3A_252 : vector<16xf32>
          %swap3A_254 = arith.index_cast %add3A_188 : i32 to index
          %swap3A_255 = arith.constant 80 : index
          %swap3A_256 = tpu.vector_load %arg12[%swap3A_254, %swap3A_255] {strides = array<i32>} : memref<80x128xf32, #tpu.memory_space<vmem>>, vector<1x16xf32>,
          %swap3A_257 = vector.shape_cast %swap3A_256 : vector<1x16xf32> to vector<16xf32>
          %swap3A_258 = vector.shape_cast %mul3A_253 : vector<16xf32> to vector<1x16xf32>
          tpu.vector_store %arg12[%swap3A_254, %swap3A_255], %swap3A_258 {strides = array<i32>} : memref<80x128xf32, #tpu.memory_space<vmem>>, vector<1x16xf32>,
          %get3A_259 = arith.index_cast %add3A_188 : i32 to index
          %get3A_260 = arith.constant 96 : index
          %get3A_261 = tpu.vector_load %arg12[%get3A_259, %get3A_260] {strides = array<i32>} : memref<80x128xf32, #tpu.memory_space<vmem>>, vector<1x16xf32>,
          %get3A_262 = vector.shape_cast %get3A_261 : vector<1x16xf32> to vector<16xf32>
          %mul3A_263 = vector.broadcast %squeeze3A_192 : f32 to vector<16xf32>
          %mul3A_264 = arith.mulf %get3A_262, %mul3A_263 : vector<16xf32>
          %swap3A_265 = arith.index_cast %add3A_188 : i32 to index
          %swap3A_266 = arith.constant 96 : index
          %swap3A_267 = tpu.vector_load %arg12[%swap3A_265, %swap3A_266] {strides = array<i32>} : memref<80x128xf32, #tpu.memory_space<vmem>>, vector<1x16xf32>,
          %swap3A_268 = vector.shape_cast %swap3A_267 : vector<1x16xf32> to vector<16xf32>
          %swap3A_269 = vector.shape_cast %mul3A_264 : vector<16xf32> to vector<1x16xf32>
          tpu.vector_store %arg12[%swap3A_265, %swap3A_266], %swap3A_269 {strides = array<i32>} : memref<80x128xf32, #tpu.memory_space<vmem>>, vector<1x16xf32>,
          %get3A_270 = arith.index_cast %add3A_188 : i32 to index
          %get3A_271 = arith.constant 112 : index
          %get3A_272 = tpu.vector_load %arg12[%get3A_270, %get3A_271] {strides = array<i32>} : memref<80x128xf32, #tpu.memory_space<vmem>>, vector<1x16xf32>,
          %get3A_273 = vector.shape_cast %get3A_272 : vector<1x16xf32> to vector<16xf32>
          %mul3A_274 = vector.broadcast %squeeze3A_192 : f32 to vector<16xf32>
          %mul3A_275 = arith.mulf %get3A_273, %mul3A_274 : vector<16xf32>
          %swap3A_276 = arith.index_cast %add3A_188 : i32 to index
          %swap3A_277 = arith.constant 112 : index
          %swap3A_278 = tpu.vector_load %arg12[%swap3A_276, %swap3A_277] {strides = array<i32>} : memref<80x128xf32, #tpu.memory_space<vmem>>, vector<1x16xf32>,
          %swap3A_279 = vector.shape_cast %swap3A_278 : vector<1x16xf32> to vector<16xf32>
          %swap3A_280 = vector.shape_cast %mul3A_275 : vector<16xf32> to vector<1x16xf32>
          tpu.vector_store %arg12[%swap3A_276, %swap3A_277], %swap3A_280 {strides = array<i32>} : memref<80x128xf32, #tpu.memory_space<vmem>>, vector<1x16xf32>,
          %mul3A_281 = arith.constant 16 : i32
          %mul3A_282 = arith.muli %add3A_81, %mul3A_281 : i32
          %add3A_283 = arith.constant 2 : i32
          %add3A_284 = arith.addi %mul3A_282, %add3A_283 : i32
          %slice3A_285 = vector.extract_strided_slice %get3A_88 {offsets = [2], sizes = [1], strides = [1]} : vector<16xf32> to vector<1xf32>
          %squeeze3A_286 = vector.extract %slice3A_285[0] : f32 from vector<1xf32>
          %slice3A_287 = vector.extract_strided_slice %get3A_91 {offsets = [2], sizes = [1], strides = [1]} : vector<16xf32> to vector<1xf32>
          %squeeze3A_288 = vector.extract %slice3A_287[0] : f32 from vector<1xf32>
          %get3A_289 = arith.index_cast %add3A_284 : i32 to index
          %get3A_290 = arith.constant 0 : index
          %get3A_291 = tpu.vector_load %arg12[%get3A_289, %get3A_290] {strides = array<i32>} : memref<80x128xf32, #tpu.memory_space<vmem>>, vector<1x16xf32>,
          %get3A_292 = vector.shape_cast %get3A_291 : vector<1x16xf32> to vector<16xf32>
          %mul3A_293 = vector.broadcast %squeeze3A_286 : f32 to vector<16xf32>
          %mul3A_294 = arith.mulf %get3A_292, %mul3A_293 : vector<16xf32>
          %swap3A_295 = arith.index_cast %add3A_284 : i32 to index
          %swap3A_296 = arith.constant 0 : index
          %swap3A_297 = tpu.vector_load %arg12[%swap3A_295, %swap3A_296] {strides = array<i32>} : memref<80x128xf32, #tpu.memory_space<vmem>>, vector<1x16xf32>,
          %swap3A_298 = vector.shape_cast %swap3A_297 : vector<1x16xf32> to vector<16xf32>
          %swap3A_299 = vector.shape_cast %mul3A_294 : vector<16xf32> to vector<1x16xf32>
          tpu.vector_store %arg12[%swap3A_295, %swap3A_296], %swap3A_299 {strides = array<i32>} : memref<80x128xf32, #tpu.memory_space<vmem>>, vector<1x16xf32>,
          %get3A_300 = arith.index_cast %add3A_284 : i32 to index
          %get3A_301 = arith.constant 16 : index
          %get3A_302 = tpu.vector_load %arg12[%get3A_300, %get3A_301] {strides = array<i32>} : memref<80x128xf32, #tpu.memory_space<vmem>>, vector<1x16xf32>,
          %get3A_303 = vector.shape_cast %get3A_302 : vector<1x16xf32> to vector<16xf32>
          %mul3A_304 = vector.broadcast %squeeze3A_286 : f32 to vector<16xf32>
          %mul3A_305 = arith.mulf %get3A_303, %mul3A_304 : vector<16xf32>
          %swap3A_306 = arith.index_cast %add3A_284 : i32 to index
          %swap3A_307 = arith.constant 16 : index
          %swap3A_308 = tpu.vector_load %arg12[%swap3A_306, %swap3A_307] {strides = array<i32>} : memref<80x128xf32, #tpu.memory_space<vmem>>, vector<1x16xf32>,
          %swap3A_309 = vector.shape_cast %swap3A_308 : vector<1x16xf32> to vector<16xf32>
          %swap3A_310 = vector.shape_cast %mul3A_305 : vector<16xf32> to vector<1x16xf32>
          tpu.vector_store %arg12[%swap3A_306, %swap3A_307], %swap3A_310 {strides = array<i32>} : memref<80x128xf32, #tpu.memory_space<vmem>>, vector<1x16xf32>,
          %get3A_311 = arith.index_cast %add3A_284 : i32 to index
          %get3A_312 = arith.constant 32 : index
          %get3A_313 = tpu.vector_load %arg12[%get3A_311, %get3A_312] {strides = array<i32>} : memref<80x128xf32, #tpu.memory_space<vmem>>, vector<1x16xf32>,
          %get3A_314 = vector.shape_cast %get3A_313 : vector<1x16xf32> to vector<16xf32>
          %mul3A_315 = vector.broadcast %squeeze3A_286 : f32 to vector<16xf32>
          %mul3A_316 = arith.mulf %get3A_314, %mul3A_315 : vector<16xf32>
          %swap3A_317 = arith.index_cast %add3A_284 : i32 to index
          %swap3A_318 = arith.constant 32 : index
          %swap3A_319 = tpu.vector_load %arg12[%swap3A_317, %swap3A_318] {strides = array<i32>} : memref<80x128xf32, #tpu.memory_space<vmem>>, vector<1x16xf32>,
          %swap3A_320 = vector.shape_cast %swap3A_319 : vector<1x16xf32> to vector<16xf32>
          %swap3A_321 = vector.shape_cast %mul3A_316 : vector<16xf32> to vector<1x16xf32>
          tpu.vector_store %arg12[%swap3A_317, %swap3A_318], %swap3A_321 {strides = array<i32>} : memref<80x128xf32, #tpu.memory_space<vmem>>, vector<1x16xf32>,
          %get3A_322 = arith.index_cast %add3A_284 : i32 to index
          %get3A_323 = arith.constant 48 : index
          %get3A_324 = tpu.vector_load %arg12[%get3A_322, %get3A_323] {strides = array<i32>} : memref<80x128xf32, #tpu.memory_space<vmem>>, vector<1x16xf32>,
          %get3A_325 = vector.shape_cast %get3A_324 : vector<1x16xf32> to vector<16xf32>
          %mul3A_326 = vector.broadcast %squeeze3A_286 : f32 to vector<16xf32>
          %mul3A_327 = arith.mulf %get3A_325, %mul3A_326 : vector<16xf32>
          %swap3A_328 = arith.index_cast %add3A_284 : i32 to index
          %swap3A_329 = arith.constant 48 : index
          %swap3A_330 = tpu.vector_load %arg12[%swap3A_328, %swap3A_329] {strides = array<i32>} : memref<80x128xf32, #tpu.memory_space<vmem>>, vector<1x16xf32>,
          %swap3A_331 = vector.shape_cast %swap3A_330 : vector<1x16xf32> to vector<16xf32>
          %swap3A_332 = vector.shape_cast %mul3A_327 : vector<16xf32> to vector<1x16xf32>
          tpu.vector_store %arg12[%swap3A_328, %swap3A_329], %swap3A_332 {strides = array<i32>} : memref<80x128xf32, #tpu.memory_space<vmem>>, vector<1x16xf32>,
          %get3A_333 = arith.index_cast %add3A_284 : i32 to index
          %get3A_334 = arith.constant 64 : index
          %get3A_335 = tpu.vector_load %arg12[%get3A_333, %get3A_334] {strides = array<i32>} : memref<80x128xf32, #tpu.memory_space<vmem>>, vector<1x16xf32>,
          %get3A_336 = vector.shape_cast %get3A_335 : vector<1x16xf32> to vector<16xf32>
          %mul3A_337 = vector.broadcast %squeeze3A_288 : f32 to vector<16xf32>
          %mul3A_338 = arith.mulf %get3A_336, %mul3A_337 : vector<16xf32>
          %swap3A_339 = arith.index_cast %add3A_284 : i32 to index
          %swap3A_340 = arith.constant 64 : index
          %swap3A_341 = tpu.vector_load %arg12[%swap3A_339, %swap3A_340] {strides = array<i32>} : memref<80x128xf32, #tpu.memory_space<vmem>>, vector<1x16xf32>,
          %swap3A_342 = vector.shape_cast %swap3A_341 : vector<1x16xf32> to vector<16xf32>
          %swap3A_343 = vector.shape_cast %mul3A_338 : vector<16xf32> to vector<1x16xf32>
          tpu.vector_store %arg12[%swap3A_339, %swap3A_340], %swap3A_343 {strides = array<i32>} : memref<80x128xf32, #tpu.memory_space<vmem>>, vector<1x16xf32>,
          %get3A_344 = arith.index_cast %add3A_284 : i32 to index
          %get3A_345 = arith.constant 80 : index
          %get3A_346 = tpu.vector_load %arg12[%get3A_344, %get3A_345] {strides = array<i32>} : memref<80x128xf32, #tpu.memory_space<vmem>>, vector<1x16xf32>,
          %get3A_347 = vector.shape_cast %get3A_346 : vector<1x16xf32> to vector<16xf32>
          %mul3A_348 = vector.broadcast %squeeze3A_288 : f32 to vector<16xf32>
          %mul3A_349 = arith.mulf %get3A_347, %mul3A_348 : vector<16xf32>
          %swap3A_350 = arith.index_cast %add3A_284 : i32 to index
          %swap3A_351 = arith.constant 80 : index
          %swap3A_352 = tpu.vector_load %arg12[%swap3A_350, %swap3A_351] {strides = array<i32>} : memref<80x128xf32, #tpu.memory_space<vmem>>, vector<1x16xf32>,
          %swap3A_353 = vector.shape_cast %swap3A_352 : vector<1x16xf32> to vector<16xf32>
          %swap3A_354 = vector.shape_cast %mul3A_349 : vector<16xf32> to vector<1x16xf32>
          tpu.vector_store %arg12[%swap3A_350, %swap3A_351], %swap3A_354 {strides = array<i32>} : memref<80x128xf32, #tpu.memory_space<vmem>>, vector<1x16xf32>,
          %get3A_355 = arith.index_cast %add3A_284 : i32 to index
          %get3A_356 = arith.constant 96 : index
          %get3A_357 = tpu.vector_load %arg12[%get3A_355, %get3A_356] {strides = array<i32>} : memref<80x128xf32, #tpu.memory_space<vmem>>, vector<1x16xf32>,
          %get3A_358 = vector.shape_cast %get3A_357 : vector<1x16xf32> to vector<16xf32>
          %mul3A_359 = vector.broadcast %squeeze3A_288 : f32 to vector<16xf32>
          %mul3A_360 = arith.mulf %get3A_358, %mul3A_359 : vector<16xf32>
          %swap3A_361 = arith.index_cast %add3A_284 : i32 to index
          %swap3A_362 = arith.constant 96 : index
          %swap3A_363 = tpu.vector_load %arg12[%swap3A_361, %swap3A_362] {strides = array<i32>} : memref<80x128xf32, #tpu.memory_space<vmem>>, vector<1x16xf32>,
          %swap3A_364 = vector.shape_cast %swap3A_363 : vector<1x16xf32> to vector<16xf32>
          %swap3A_365 = vector.shape_cast %mul3A_360 : vector<16xf32> to vector<1x16xf32>
          tpu.vector_store %arg12[%swap3A_361, %swap3A_362], %swap3A_365 {strides = array<i32>} : memref<80x128xf32, #tpu.memory_space<vmem>>, vector<1x16xf32>,
          %get3A_366 = arith.index_cast %add3A_284 : i32 to index
          %get3A_367 = arith.constant 112 : index
          %get3A_368 = tpu.vector_load %arg12[%get3A_366, %get3A_367] {strides = array<i32>} : memref<80x128xf32, #tpu.memory_space<vmem>>, vector<1x16xf32>,
          %get3A_369 = vector.shape_cast %get3A_368 : vector<1x16xf32> to vector<16xf32>
          %mul3A_370 = vector.broadcast %squeeze3A_288 : f32 to vector<16xf32>
          %mul3A_371 = arith.mulf %get3A_369, %mul3A_370 : vector<16xf32>
          %swap3A_372 = arith.index_cast %add3A_284 : i32 to index
          %swap3A_373 = arith.constant 112 : index
          %swap3A_374 = tpu.vector_load %arg12[%swap3A_372, %swap3A_373] {strides = array<i32>} : memref<80x128xf32, #tpu.memory_space<vmem>>, vector<1x16xf32>,
          %swap3A_375 = vector.shape_cast %swap3A_374 : vector<1x16xf32> to vector<16xf32>
          %swap3A_376 = vector.shape_cast %mul3A_371 : vector<16xf32> to vector<1x16xf32>
          tpu.vector_store %arg12[%swap3A_372, %swap3A_373], %swap3A_376 {strides = array<i32>} : memref<80x128xf32, #tpu.memory_space<vmem>>, vector<1x16xf32>,
          %mul3A_377 = arith.constant 16 : i32
          %mul3A_378 = arith.muli %add3A_81, %mul3A_377 : i32
          %add3A_379 = arith.constant 3 : i32
          %add3A_380 = arith.addi %mul3A_378, %add3A_379 : i32
          %slice3A_381 = vector.extract_strided_slice %get3A_88 {offsets = [3], sizes = [1], strides = [1]} : vector<16xf32> to vector<1xf32>
          %squeeze3A_382 = vector.extract %slice3A_381[0] : f32 from vector<1xf32>
          %slice3A_383 = vector.extract_strided_slice %get3A_91 {offsets = [3], sizes = [1], strides = [1]} : vector<16xf32> to vector<1xf32>
          %squeeze3A_384 = vector.extract %slice3A_383[0] : f32 from vector<1xf32>
          %get3A_385 = arith.index_cast %add3A_380 : i32 to index
          %get3A_386 = arith.constant 0 : index
          %get3A_387 = tpu.vector_load %arg12[%get3A_385, %get3A_386] {strides = array<i32>} : memref<80x128xf32, #tpu.memory_space<vmem>>, vector<1x16xf32>,
          %get3A_388 = vector.shape_cast %get3A_387 : vector<1x16xf32> to vector<16xf32>
          %mul3A_389 = vector.broadcast %squeeze3A_382 : f32 to vector<16xf32>
          %mul3A_390 = arith.mulf %get3A_388, %mul3A_389 : vector<16xf32>
          %swap3A_391 = arith.index_cast %add3A_380 : i32 to index
          %swap3A_392 = arith.constant 0 : index
          %swap3A_393 = tpu.vector_load %arg12[%swap3A_391, %swap3A_392] {strides = array<i32>} : memref<80x128xf32, #tpu.memory_space<vmem>>, vector<1x16xf32>,
          %swap3A_394 = vector.shape_cast %swap3A_393 : vector<1x16xf32> to vector<16xf32>
          %swap3A_395 = vector.shape_cast %mul3A_390 : vector<16xf32> to vector<1x16xf32>
          tpu.vector_store %arg12[%swap3A_391, %swap3A_392], %swap3A_395 {strides = array<i32>} : memref<80x128xf32, #tpu.memory_space<vmem>>, vector<1x16xf32>,
          %get3A_396 = arith.index_cast %add3A_380 : i32 to index
          %get3A_397 = arith.constant 16 : index
          %get3A_398 = tpu.vector_load %arg12[%get3A_396, %get3A_397] {strides = array<i32>} : memref<80x128xf32, #tpu.memory_space<vmem>>, vector<1x16xf32>,
          %get3A_399 = vector.shape_cast %get3A_398 : vector<1x16xf32> to vector<16xf32>
          %mul3A_400 = vector.broadcast %squeeze3A_382 : f32 to vector<16xf32>
          %mul3A_401 = arith.mulf %get3A_399, %mul3A_400 : vector<16xf32>
          %swap3A_402 = arith.index_cast %add3A_380 : i32 to index
          %swap3A_403 = arith.constant 16 : index
          %swap3A_404 = tpu.vector_load %arg12[%swap3A_402, %swap3A_403] {strides = array<i32>} : memref<80x128xf32, #tpu.memory_space<vmem>>, vector<1x16xf32>,
          %swap3A_405 = vector.shape_cast %swap3A_404 : vector<1x16xf32> to vector<16xf32>
          %swap3A_406 = vector.shape_cast %mul3A_401 : vector<16xf32> to vector<1x16xf32>
          tpu.vector_store %arg12[%swap3A_402, %swap3A_403], %swap3A_406 {strides = array<i32>} : memref<80x128xf32, #tpu.memory_space<vmem>>, vector<1x16xf32>,
          %get3A_407 = arith.index_cast %add3A_380 : i32 to index
          %get3A_408 = arith.constant 32 : index
          %get3A_409 = tpu.vector_load %arg12[%get3A_407, %get3A_408] {strides = array<i32>} : memref<80x128xf32, #tpu.memory_space<vmem>>, vector<1x16xf32>,
          %get3A_410 = vector.shape_cast %get3A_409 : vector<1x16xf32> to vector<16xf32>
          %mul3A_411 = vector.broadcast %squeeze3A_382 : f32 to vector<16xf32>
          %mul3A_412 = arith.mulf %get3A_410, %mul3A_411 : vector<16xf32>
          %swap3A_413 = arith.index_cast %add3A_380 : i32 to index
          %swap3A_414 = arith.constant 32 : index
          %swap3A_415 = tpu.vector_load %arg12[%swap3A_413, %swap3A_414] {strides = array<i32>} : memref<80x128xf32, #tpu.memory_space<vmem>>, vector<1x16xf32>,
          %swap3A_416 = vector.shape_cast %swap3A_415 : vector<1x16xf32> to vector<16xf32>
          %swap3A_417 = vector.shape_cast %mul3A_412 : vector<16xf32> to vector<1x16xf32>
          tpu.vector_store %arg12[%swap3A_413, %swap3A_414], %swap3A_417 {strides = array<i32>} : memref<80x128xf32, #tpu.memory_space<vmem>>, vector<1x16xf32>,
          %get3A_418 = arith.index_cast %add3A_380 : i32 to index
          %get3A_419 = arith.constant 48 : index
          %get3A_420 = tpu.vector_load %arg12[%get3A_418, %get3A_419] {strides = array<i32>} : memref<80x128xf32, #tpu.memory_space<vmem>>, vector<1x16xf32>,
          %get3A_421 = vector.shape_cast %get3A_420 : vector<1x16xf32> to vector<16xf32>
          %mul3A_422 = vector.broadcast %squeeze3A_382 : f32 to vector<16xf32>
          %mul3A_423 = arith.mulf %get3A_421, %mul3A_422 : vector<16xf32>
          %swap3A_424 = arith.index_cast %add3A_380 : i32 to index
          %swap3A_425 = arith.constant 48 : index
          %swap3A_426 = tpu.vector_load %arg12[%swap3A_424, %swap3A_425] {strides = array<i32>} : memref<80x128xf32, #tpu.memory_space<vmem>>, vector<1x16xf32>,
          %swap3A_427 = vector.shape_cast %swap3A_426 : vector<1x16xf32> to vector<16xf32>
          %swap3A_428 = vector.shape_cast %mul3A_423 : vector<16xf32> to vector<1x16xf32>
          tpu.vector_store %arg12[%swap3A_424, %swap3A_425], %swap3A_428 {strides = array<i32>} : memref<80x128xf32, #tpu.memory_space<vmem>>, vector<1x16xf32>,
          %get3A_429 = arith.index_cast %add3A_380 : i32 to index
          %get3A_430 = arith.constant 64 : index
          %get3A_431 = tpu.vector_load %arg12[%get3A_429, %get3A_430] {strides = array<i32>} : memref<80x128xf32, #tpu.memory_space<vmem>>, vector<1x16xf32>,
          %get3A_432 = vector.shape_cast %get3A_431 : vector<1x16xf32> to vector<16xf32>
          %mul3A_433 = vector.broadcast %squeeze3A_384 : f32 to vector<16xf32>
          %mul3A_434 = arith.mulf %get3A_432, %mul3A_433 : vector<16xf32>
          %swap3A_435 = arith.index_cast %add3A_380 : i32 to index
          %swap3A_436 = arith.constant 64 : index
          %swap3A_437 = tpu.vector_load %arg12[%swap3A_435, %swap3A_436] {strides = array<i32>} : memref<80x128xf32, #tpu.memory_space<vmem>>, vector<1x16xf32>,
          %swap3A_438 = vector.shape_cast %swap3A_437 : vector<1x16xf32> to vector<16xf32>
          %swap3A_439 = vector.shape_cast %mul3A_434 : vector<16xf32> to vector<1x16xf32>
          tpu.vector_store %arg12[%swap3A_435, %swap3A_436], %swap3A_439 {strides = array<i32>} : memref<80x128xf32, #tpu.memory_space<vmem>>, vector<1x16xf32>,
          %get3A_440 = arith.index_cast %add3A_380 : i32 to index
          %get3A_441 = arith.constant 80 : index
          %get3A_442 = tpu.vector_load %arg12[%get3A_440, %get3A_441] {strides = array<i32>} : memref<80x128xf32, #tpu.memory_space<vmem>>, vector<1x16xf32>,
          %get3A_443 = vector.shape_cast %get3A_442 : vector<1x16xf32> to vector<16xf32>
          %mul3A_444 = vector.broadcast %squeeze3A_384 : f32 to vector<16xf32>
          %mul3A_445 = arith.mulf %get3A_443, %mul3A_444 : vector<16xf32>
          %swap3A_446 = arith.index_cast %add3A_380 : i32 to index
          %swap3A_447 = arith.constant 80 : index
          %swap3A_448 = tpu.vector_load %arg12[%swap3A_446, %swap3A_447] {strides = array<i32>} : memref<80x128xf32, #tpu.memory_space<vmem>>, vector<1x16xf32>,
          %swap3A_449 = vector.shape_cast %swap3A_448 : vector<1x16xf32> to vector<16xf32>
          %swap3A_450 = vector.shape_cast %mul3A_445 : vector<16xf32> to vector<1x16xf32>
          tpu.vector_store %arg12[%swap3A_446, %swap3A_447], %swap3A_450 {strides = array<i32>} : memref<80x128xf32, #tpu.memory_space<vmem>>, vector<1x16xf32>,
          %get3A_451 = arith.index_cast %add3A_380 : i32 to index
          %get3A_452 = arith.constant 96 : index
          %get3A_453 = tpu.vector_load %arg12[%get3A_451, %get3A_452] {strides = array<i32>} : memref<80x128xf32, #tpu.memory_space<vmem>>, vector<1x16xf32>,
          %get3A_454 = vector.shape_cast %get3A_453 : vector<1x16xf32> to vector<16xf32>
          %mul3A_455 = vector.broadcast %squeeze3A_384 : f32 to vector<16xf32>
          %mul3A_456 = arith.mulf %get3A_454, %mul3A_455 : vector<16xf32>
          %swap3A_457 = arith.index_cast %add3A_380 : i32 to index
          %swap3A_458 = arith.constant 96 : index
          %swap3A_459 = tpu.vector_load %arg12[%swap3A_457, %swap3A_458] {strides = array<i32>} : memref<80x128xf32, #tpu.memory_space<vmem>>, vector<1x16xf32>,
          %swap3A_460 = vector.shape_cast %swap3A_459 : vector<1x16xf32> to vector<16xf32>
          %swap3A_461 = vector.shape_cast %mul3A_456 : vector<16xf32> to vector<1x16xf32>
          tpu.vector_store %arg12[%swap3A_457, %swap3A_458], %swap3A_461 {strides = array<i32>} : memref<80x128xf32, #tpu.memory_space<vmem>>, vector<1x16xf32>,
          %get3A_462 = arith.index_cast %add3A_380 : i32 to index
          %get3A_463 = arith.constant 112 : index
          %get3A_464 = tpu.vector_load %arg12[%get3A_462, %get3A_463] {strides = array<i32>} : memref<80x128xf32, #tpu.memory_space<vmem>>, vector<1x16xf32>,
          %get3A_465 = vector.shape_cast %get3A_464 : vector<1x16xf32> to vector<16xf32>
          %mul3A_466 = vector.broadcast %squeeze3A_384 : f32 to vector<16xf32>
          %mul3A_467 = arith.mulf %get3A_465, %mul3A_466 : vector<16xf32>
          %swap3A_468 = arith.index_cast %add3A_380 : i32 to index
          %swap3A_469 = arith.constant 112 : index
          %swap3A_470 = tpu.vector_load %arg12[%swap3A_468, %swap3A_469] {strides = array<i32>} : memref<80x128xf32, #tpu.memory_space<vmem>>, vector<1x16xf32>,
          %swap3A_471 = vector.shape_cast %swap3A_470 : vector<1x16xf32> to vector<16xf32>
          %swap3A_472 = vector.shape_cast %mul3A_467 : vector<16xf32> to vector<1x16xf32>
          tpu.vector_store %arg12[%swap3A_468, %swap3A_469], %swap3A_472 {strides = array<i32>} : memref<80x128xf32, #tpu.memory_space<vmem>>, vector<1x16xf32>,
          %mul3A_473 = arith.constant 16 : i32
          %mul3A_474 = arith.muli %add3A_81, %mul3A_473 : i32
          %add3A_475 = arith.constant 4 : i32
          %add3A_476 = arith.addi %mul3A_474, %add3A_475 : i32
          %slice3A_477 = vector.extract_strided_slice %get3A_88 {offsets = [4], sizes = [1], strides = [1]} : vector<16xf32> to vector<1xf32>
          %squeeze3A_478 = vector.extract %slice3A_477[0] : f32 from vector<1xf32>
          %slice3A_479 = vector.extract_strided_slice %get3A_91 {offsets = [4], sizes = [1], strides = [1]} : vector<16xf32> to vector<1xf32>
          %squeeze3A_480 = vector.extract %slice3A_479[0] : f32 from vector<1xf32>
          %get3A_481 = arith.index_cast %add3A_476 : i32 to index
          %get3A_482 = arith.constant 0 : index
          %get3A_483 = tpu.vector_load %arg12[%get3A_481, %get3A_482] {strides = array<i32>} : memref<80x128xf32, #tpu.memory_space<vmem>>, vector<1x16xf32>,
          %get3A_484 = vector.shape_cast %get3A_483 : vector<1x16xf32> to vector<16xf32>
          %mul3A_485 = vector.broadcast %squeeze3A_478 : f32 to vector<16xf32>
          %mul3A_486 = arith.mulf %get3A_484, %mul3A_485 : vector<16xf32>
          %swap3A_487 = arith.index_cast %add3A_476 : i32 to index
          %swap3A_488 = arith.constant 0 : index
          %swap3A_489 = tpu.vector_load %arg12[%swap3A_487, %swap3A_488] {strides = array<i32>} : memref<80x128xf32, #tpu.memory_space<vmem>>, vector<1x16xf32>,
          %swap3A_490 = vector.shape_cast %swap3A_489 : vector<1x16xf32> to vector<16xf32>
          %swap3A_491 = vector.shape_cast %mul3A_486 : vector<16xf32> to vector<1x16xf32>
          tpu.vector_store %arg12[%swap3A_487, %swap3A_488], %swap3A_491 {strides = array<i32>} : memref<80x128xf32, #tpu.memory_space<vmem>>, vector<1x16xf32>,
          %get3A_492 = arith.index_cast %add3A_476 : i32 to index
          %get3A_493 = arith.constant 16 : index
          %get3A_494 = tpu.vector_load %arg12[%get3A_492, %get3A_493] {strides = array<i32>} : memref<80x128xf32, #tpu.memory_space<vmem>>, vector<1x16xf32>,
          %get3A_495 = vector.shape_cast %get3A_494 : vector<1x16xf32> to vector<16xf32>
          %mul3A_496 = vector.broadcast %squeeze3A_478 : f32 to vector<16xf32>
          %mul3A_497 = arith.mulf %get3A_495, %mul3A_496 : vector<16xf32>
          %swap3A_498 = arith.index_cast %add3A_476 : i32 to index
          %swap3A_499 = arith.constant 16 : index
          %swap3A_500 = tpu.vector_load %arg12[%swap3A_498, %swap3A_499] {strides = array<i32>} : memref<80x128xf32, #tpu.memory_space<vmem>>, vector<1x16xf32>,
          %swap3A_501 = vector.shape_cast %swap3A_500 : vector<1x16xf32> to vector<16xf32>
          %swap3A_502 = vector.shape_cast %mul3A_497 : vector<16xf32> to vector<1x16xf32>
          tpu.vector_store %arg12[%swap3A_498, %swap3A_499], %swap3A_502 {strides = array<i32>} : memref<80x128xf32, #tpu.memory_space<vmem>>, vector<1x16xf32>,
          %get3A_503 = arith.index_cast %add3A_476 : i32 to index
          %get3A_504 = arith.constant 32 : index
          %get3A_505 = tpu.vector_load %arg12[%get3A_503, %get3A_504] {strides = array<i32>} : memref<80x128xf32, #tpu.memory_space<vmem>>, vector<1x16xf32>,
          %get3A_506 = vector.shape_cast %get3A_505 : vector<1x16xf32> to vector<16xf32>
          %mul3A_507 = vector.broadcast %squeeze3A_478 : f32 to vector<16xf32>
          %mul3A_508 = arith.mulf %get3A_506, %mul3A_507 : vector<16xf32>
          %swap3A_509 = arith.index_cast %add3A_476 : i32 to index
          %swap3A_510 = arith.constant 32 : index
          %swap3A_511 = tpu.vector_load %arg12[%swap3A_509, %swap3A_510] {strides = array<i32>} : memref<80x128xf32, #tpu.memory_space<vmem>>, vector<1x16xf32>,
          %swap3A_512 = vector.shape_cast %swap3A_511 : vector<1x16xf32> to vector<16xf32>
          %swap3A_513 = vector.shape_cast %mul3A_508 : vector<16xf32> to vector<1x16xf32>
          tpu.vector_store %arg12[%swap3A_509, %swap3A_510], %swap3A_513 {strides = array<i32>} : memref<80x128xf32, #tpu.memory_space<vmem>>, vector<1x16xf32>,
          %get3A_514 = arith.index_cast %add3A_476 : i32 to index
          %get3A_515 = arith.constant 48 : index
          %get3A_516 = tpu.vector_load %arg12[%get3A_514, %get3A_515] {strides = array<i32>} : memref<80x128xf32, #tpu.memory_space<vmem>>, vector<1x16xf32>,
          %get3A_517 = vector.shape_cast %get3A_516 : vector<1x16xf32> to vector<16xf32>
          %mul3A_518 = vector.broadcast %squeeze3A_478 : f32 to vector<16xf32>
          %mul3A_519 = arith.mulf %get3A_517, %mul3A_518 : vector<16xf32>
          %swap3A_520 = arith.index_cast %add3A_476 : i32 to index
          %swap3A_521 = arith.constant 48 : index
          %swap3A_522 = tpu.vector_load %arg12[%swap3A_520, %swap3A_521] {strides = array<i32>} : memref<80x128xf32, #tpu.memory_space<vmem>>, vector<1x16xf32>,
          %swap3A_523 = vector.shape_cast %swap3A_522 : vector<1x16xf32> to vector<16xf32>
          %swap3A_524 = vector.shape_cast %mul3A_519 : vector<16xf32> to vector<1x16xf32>
          tpu.vector_store %arg12[%swap3A_520, %swap3A_521], %swap3A_524 {strides = array<i32>} : memref<80x128xf32, #tpu.memory_space<vmem>>, vector<1x16xf32>,
          %get3A_525 = arith.index_cast %add3A_476 : i32 to index
          %get3A_526 = arith.constant 64 : index
          %get3A_527 = tpu.vector_load %arg12[%get3A_525, %get3A_526] {strides = array<i32>} : memref<80x128xf32, #tpu.memory_space<vmem>>, vector<1x16xf32>,
          %get3A_528 = vector.shape_cast %get3A_527 : vector<1x16xf32> to vector<16xf32>
          %mul3A_529 = vector.broadcast %squeeze3A_480 : f32 to vector<16xf32>
          %mul3A_530 = arith.mulf %get3A_528, %mul3A_529 : vector<16xf32>
          %swap3A_531 = arith.index_cast %add3A_476 : i32 to index
          %swap3A_532 = arith.constant 64 : index
          %swap3A_533 = tpu.vector_load %arg12[%swap3A_531, %swap3A_532] {strides = array<i32>} : memref<80x128xf32, #tpu.memory_space<vmem>>, vector<1x16xf32>,
          %swap3A_534 = vector.shape_cast %swap3A_533 : vector<1x16xf32> to vector<16xf32>
          %swap3A_535 = vector.shape_cast %mul3A_530 : vector<16xf32> to vector<1x16xf32>
          tpu.vector_store %arg12[%swap3A_531, %swap3A_532], %swap3A_535 {strides = array<i32>} : memref<80x128xf32, #tpu.memory_space<vmem>>, vector<1x16xf32>,
          %get3A_536 = arith.index_cast %add3A_476 : i32 to index
          %get3A_537 = arith.constant 80 : index
          %get3A_538 = tpu.vector_load %arg12[%get3A_536, %get3A_537] {strides = array<i32>} : memref<80x128xf32, #tpu.memory_space<vmem>>, vector<1x16xf32>,
          %get3A_539 = vector.shape_cast %get3A_538 : vector<1x16xf32> to vector<16xf32>
          %mul3A_540 = vector.broadcast %squeeze3A_480 : f32 to vector<16xf32>
          %mul3A_541 = arith.mulf %get3A_539, %mul3A_540 : vector<16xf32>
          %swap3A_542 = arith.index_cast %add3A_476 : i32 to index
          %swap3A_543 = arith.constant 80 : index
          %swap3A_544 = tpu.vector_load %arg12[%swap3A_542, %swap3A_543] {strides = array<i32>} : memref<80x128xf32, #tpu.memory_space<vmem>>, vector<1x16xf32>,
          %swap3A_545 = vector.shape_cast %swap3A_544 : vector<1x16xf32> to vector<16xf32>
          %swap3A_546 = vector.shape_cast %mul3A_541 : vector<16xf32> to vector<1x16xf32>
          tpu.vector_store %arg12[%swap3A_542, %swap3A_543], %swap3A_546 {strides = array<i32>} : memref<80x128xf32, #tpu.memory_space<vmem>>, vector<1x16xf32>,
          %get3A_547 = arith.index_cast %add3A_476 : i32 to index
          %get3A_548 = arith.constant 96 : index
          %get3A_549 = tpu.vector_load %arg12[%get3A_547, %get3A_548] {strides = array<i32>} : memref<80x128xf32, #tpu.memory_space<vmem>>, vector<1x16xf32>,
          %get3A_550 = vector.shape_cast %get3A_549 : vector<1x16xf32> to vector<16xf32>
          %mul3A_551 = vector.broadcast %squeeze3A_480 : f32 to vector<16xf32>
          %mul3A_552 = arith.mulf %get3A_550, %mul3A_551 : vector<16xf32>
          %swap3A_553 = arith.index_cast %add3A_476 : i32 to index
          %swap3A_554 = arith.constant 96 : index
          %swap3A_555 = tpu.vector_load %arg12[%swap3A_553, %swap3A_554] {strides = array<i32>} : memref<80x128xf32, #tpu.memory_space<vmem>>, vector<1x16xf32>,
          %swap3A_556 = vector.shape_cast %swap3A_555 : vector<1x16xf32> to vector<16xf32>
          %swap3A_557 = vector.shape_cast %mul3A_552 : vector<16xf32> to vector<1x16xf32>
          tpu.vector_store %arg12[%swap3A_553, %swap3A_554], %swap3A_557 {strides = array<i32>} : memref<80x128xf32, #tpu.memory_space<vmem>>, vector<1x16xf32>,
          %get3A_558 = arith.index_cast %add3A_476 : i32 to index
          %get3A_559 = arith.constant 112 : index
          %get3A_560 = tpu.vector_load %arg12[%get3A_558, %get3A_559] {strides = array<i32>} : memref<80x128xf32, #tpu.memory_space<vmem>>, vector<1x16xf32>,
          %get3A_561 = vector.shape_cast %get3A_560 : vector<1x16xf32> to vector<16xf32>
          %mul3A_562 = vector.broadcast %squeeze3A_480 : f32 to vector<16xf32>
          %mul3A_563 = arith.mulf %get3A_561, %mul3A_562 : vector<16xf32>
          %swap3A_564 = arith.index_cast %add3A_476 : i32 to index
          %swap3A_565 = arith.constant 112 : index
          %swap3A_566 = tpu.vector_load %arg12[%swap3A_564, %swap3A_565] {strides = array<i32>} : memref<80x128xf32, #tpu.memory_space<vmem>>, vector<1x16xf32>,
          %swap3A_567 = vector.shape_cast %swap3A_566 : vector<1x16xf32> to vector<16xf32>
          %swap3A_568 = vector.shape_cast %mul3A_563 : vector<16xf32> to vector<1x16xf32>
          tpu.vector_store %arg12[%swap3A_564, %swap3A_565], %swap3A_568 {strides = array<i32>} : memref<80x128xf32, #tpu.memory_space<vmem>>, vector<1x16xf32>,
          %mul3A_569 = arith.constant 16 : i32
          %mul3A_570 = arith.muli %add3A_81, %mul3A_569 : i32
          %add3A_571 = arith.constant 5 : i32
          %add3A_572 = arith.addi %mul3A_570, %add3A_571 : i32
          %slice3A_573 = vector.extract_strided_slice %get3A_88 {offsets = [5], sizes = [1], strides = [1]} : vector<16xf32> to vector<1xf32>
          %squeeze3A_574 = vector.extract %slice3A_573[0] : f32 from vector<1xf32>
          %slice3A_575 = vector.extract_strided_slice %get3A_91 {offsets = [5], sizes = [1], strides = [1]} : vector<16xf32> to vector<1xf32>
          %squeeze3A_576 = vector.extract %slice3A_575[0] : f32 from vector<1xf32>
          %get3A_577 = arith.index_cast %add3A_572 : i32 to index
          %get3A_578 = arith.constant 0 : index
          %get3A_579 = tpu.vector_load %arg12[%get3A_577, %get3A_578] {strides = array<i32>} : memref<80x128xf32, #tpu.memory_space<vmem>>, vector<1x16xf32>,
          %get3A_580 = vector.shape_cast %get3A_579 : vector<1x16xf32> to vector<16xf32>
          %mul3A_581 = vector.broadcast %squeeze3A_574 : f32 to vector<16xf32>
          %mul3A_582 = arith.mulf %get3A_580, %mul3A_581 : vector<16xf32>
          %swap3A_583 = arith.index_cast %add3A_572 : i32 to index
          %swap3A_584 = arith.constant 0 : index
          %swap3A_585 = tpu.vector_load %arg12[%swap3A_583, %swap3A_584] {strides = array<i32>} : memref<80x128xf32, #tpu.memory_space<vmem>>, vector<1x16xf32>,
          %swap3A_586 = vector.shape_cast %swap3A_585 : vector<1x16xf32> to vector<16xf32>
          %swap3A_587 = vector.shape_cast %mul3A_582 : vector<16xf32> to vector<1x16xf32>
          tpu.vector_store %arg12[%swap3A_583, %swap3A_584], %swap3A_587 {strides = array<i32>} : memref<80x128xf32, #tpu.memory_space<vmem>>, vector<1x16xf32>,
          %get3A_588 = arith.index_cast %add3A_572 : i32 to index
          %get3A_589 = arith.constant 16 : index
          %get3A_590 = tpu.vector_load %arg12[%get3A_588, %get3A_589] {strides = array<i32>} : memref<80x128xf32, #tpu.memory_space<vmem>>, vector<1x16xf32>,
          %get3A_591 = vector.shape_cast %get3A_590 : vector<1x16xf32> to vector<16xf32>
          %mul3A_592 = vector.broadcast %squeeze3A_574 : f32 to vector<16xf32>
          %mul3A_593 = arith.mulf %get3A_591, %mul3A_592 : vector<16xf32>
          %swap3A_594 = arith.index_cast %add3A_572 : i32 to index
          %swap3A_595 = arith.constant 16 : index
          %swap3A_596 = tpu.vector_load %arg12[%swap3A_594, %swap3A_595] {strides = array<i32>} : memref<80x128xf32, #tpu.memory_space<vmem>>, vector<1x16xf32>,
          %swap3A_597 = vector.shape_cast %swap3A_596 : vector<1x16xf32> to vector<16xf32>
          %swap3A_598 = vector.shape_cast %mul3A_593 : vector<16xf32> to vector<1x16xf32>
          tpu.vector_store %arg12[%swap3A_594, %swap3A_595], %swap3A_598 {strides = array<i32>} : memref<80x128xf32, #tpu.memory_space<vmem>>, vector<1x16xf32>,
          %get3A_599 = arith.index_cast %add3A_572 : i32 to index
          %get3A_600 = arith.constant 32 : index
          %get3A_601 = tpu.vector_load %arg12[%get3A_599, %get3A_600] {strides = array<i32>} : memref<80x128xf32, #tpu.memory_space<vmem>>, vector<1x16xf32>,
          %get3A_602 = vector.shape_cast %get3A_601 : vector<1x16xf32> to vector<16xf32>
          %mul3A_603 = vector.broadcast %squeeze3A_574 : f32 to vector<16xf32>
          %mul3A_604 = arith.mulf %get3A_602, %mul3A_603 : vector<16xf32>
          %swap3A_605 = arith.index_cast %add3A_572 : i32 to index
          %swap3A_606 = arith.constant 32 : index
          %swap3A_607 = tpu.vector_load %arg12[%swap3A_605, %swap3A_606] {strides = array<i32>} : memref<80x128xf32, #tpu.memory_space<vmem>>, vector<1x16xf32>,
          %swap3A_608 = vector.shape_cast %swap3A_607 : vector<1x16xf32> to vector<16xf32>
          %swap3A_609 = vector.shape_cast %mul3A_604 : vector<16xf32> to vector<1x16xf32>
          tpu.vector_store %arg12[%swap3A_605, %swap3A_606], %swap3A_609 {strides = array<i32>} : memref<80x128xf32, #tpu.memory_space<vmem>>, vector<1x16xf32>,
          %get3A_610 = arith.index_cast %add3A_572 : i32 to index
          %get3A_611 = arith.constant 48 : index
          %get3A_612 = tpu.vector_load %arg12[%get3A_610, %get3A_611] {strides = array<i32>} : memref<80x128xf32, #tpu.memory_space<vmem>>, vector<1x16xf32>,
          %get3A_613 = vector.shape_cast %get3A_612 : vector<1x16xf32> to vector<16xf32>
          %mul3A_614 = vector.broadcast %squeeze3A_574 : f32 to vector<16xf32>
          %mul3A_615 = arith.mulf %get3A_613, %mul3A_614 : vector<16xf32>
          %swap3A_616 = arith.index_cast %add3A_572 : i32 to index
          %swap3A_617 = arith.constant 48 : index
          %swap3A_618 = tpu.vector_load %arg12[%swap3A_616, %swap3A_617] {strides = array<i32>} : memref<80x128xf32, #tpu.memory_space<vmem>>, vector<1x16xf32>,
          %swap3A_619 = vector.shape_cast %swap3A_618 : vector<1x16xf32> to vector<16xf32>
          %swap3A_620 = vector.shape_cast %mul3A_615 : vector<16xf32> to vector<1x16xf32>
          tpu.vector_store %arg12[%swap3A_616, %swap3A_617], %swap3A_620 {strides = array<i32>} : memref<80x128xf32, #tpu.memory_space<vmem>>, vector<1x16xf32>,
          %get3A_621 = arith.index_cast %add3A_572 : i32 to index
          %get3A_622 = arith.constant 64 : index
          %get3A_623 = tpu.vector_load %arg12[%get3A_621, %get3A_622] {strides = array<i32>} : memref<80x128xf32, #tpu.memory_space<vmem>>, vector<1x16xf32>,
          %get3A_624 = vector.shape_cast %get3A_623 : vector<1x16xf32> to vector<16xf32>
          %mul3A_625 = vector.broadcast %squeeze3A_576 : f32 to vector<16xf32>
          %mul3A_626 = arith.mulf %get3A_624, %mul3A_625 : vector<16xf32>
          %swap3A_627 = arith.index_cast %add3A_572 : i32 to index
          %swap3A_628 = arith.constant 64 : index
          %swap3A_629 = tpu.vector_load %arg12[%swap3A_627, %swap3A_628] {strides = array<i32>} : memref<80x128xf32, #tpu.memory_space<vmem>>, vector<1x16xf32>,
          %swap3A_630 = vector.shape_cast %swap3A_629 : vector<1x16xf32> to vector<16xf32>
          %swap3A_631 = vector.shape_cast %mul3A_626 : vector<16xf32> to vector<1x16xf32>
          tpu.vector_store %arg12[%swap3A_627, %swap3A_628], %swap3A_631 {strides = array<i32>} : memref<80x128xf32, #tpu.memory_space<vmem>>, vector<1x16xf32>,
          %get3A_632 = arith.index_cast %add3A_572 : i32 to index
          %get3A_633 = arith.constant 80 : index
          %get3A_634 = tpu.vector_load %arg12[%get3A_632, %get3A_633] {strides = array<i32>} : memref<80x128xf32, #tpu.memory_space<vmem>>, vector<1x16xf32>,
          %get3A_635 = vector.shape_cast %get3A_634 : vector<1x16xf32> to vector<16xf32>
          %mul3A_636 = vector.broadcast %squeeze3A_576 : f32 to vector<16xf32>
          %mul3A_637 = arith.mulf %get3A_635, %mul3A_636 : vector<16xf32>
          %swap3A_638 = arith.index_cast %add3A_572 : i32 to index
          %swap3A_639 = arith.constant 80 : index
          %swap3A_640 = tpu.vector_load %arg12[%swap3A_638, %swap3A_639] {strides = array<i32>} : memref<80x128xf32, #tpu.memory_space<vmem>>, vector<1x16xf32>,
          %swap3A_641 = vector.shape_cast %swap3A_640 : vector<1x16xf32> to vector<16xf32>
          %swap3A_642 = vector.shape_cast %mul3A_637 : vector<16xf32> to vector<1x16xf32>
          tpu.vector_store %arg12[%swap3A_638, %swap3A_639], %swap3A_642 {strides = array<i32>} : memref<80x128xf32, #tpu.memory_space<vmem>>, vector<1x16xf32>,
          %get3A_643 = arith.index_cast %add3A_572 : i32 to index
          %get3A_644 = arith.constant 96 : index
          %get3A_645 = tpu.vector_load %arg12[%get3A_643, %get3A_644] {strides = array<i32>} : memref<80x128xf32, #tpu.memory_space<vmem>>, vector<1x16xf32>,
          %get3A_646 = vector.shape_cast %get3A_645 : vector<1x16xf32> to vector<16xf32>
          %mul3A_647 = vector.broadcast %squeeze3A_576 : f32 to vector<16xf32>
          %mul3A_648 = arith.mulf %get3A_646, %mul3A_647 : vector<16xf32>
          %swap3A_649 = arith.index_cast %add3A_572 : i32 to index
          %swap3A_650 = arith.constant 96 : index
          %swap3A_651 = tpu.vector_load %arg12[%swap3A_649, %swap3A_650] {strides = array<i32>} : memref<80x128xf32, #tpu.memory_space<vmem>>, vector<1x16xf32>,
          %swap3A_652 = vector.shape_cast %swap3A_651 : vector<1x16xf32> to vector<16xf32>
          %swap3A_653 = vector.shape_cast %mul3A_648 : vector<16xf32> to vector<1x16xf32>
          tpu.vector_store %arg12[%swap3A_649, %swap3A_650], %swap3A_653 {strides = array<i32>} : memref<80x128xf32, #tpu.memory_space<vmem>>, vector<1x16xf32>,
          %get3A_654 = arith.index_cast %add3A_572 : i32 to index
          %get3A_655 = arith.constant 112 : index
          %get3A_656 = tpu.vector_load %arg12[%get3A_654, %get3A_655] {strides = array<i32>} : memref<80x128xf32, #tpu.memory_space<vmem>>, vector<1x16xf32>,
          %get3A_657 = vector.shape_cast %get3A_656 : vector<1x16xf32> to vector<16xf32>
          %mul3A_658 = vector.broadcast %squeeze3A_576 : f32 to vector<16xf32>
          %mul3A_659 = arith.mulf %get3A_657, %mul3A_658 : vector<16xf32>
          %swap3A_660 = arith.index_cast %add3A_572 : i32 to index
          %swap3A_661 = arith.constant 112 : index
          %swap3A_662 = tpu.vector_load %arg12[%swap3A_660, %swap3A_661] {strides = array<i32>} : memref<80x128xf32, #tpu.memory_space<vmem>>, vector<1x16xf32>,
          %swap3A_663 = vector.shape_cast %swap3A_662 : vector<1x16xf32> to vector<16xf32>
          %swap3A_664 = vector.shape_cast %mul3A_659 : vector<16xf32> to vector<1x16xf32>
          tpu.vector_store %arg12[%swap3A_660, %swap3A_661], %swap3A_664 {strides = array<i32>} : memref<80x128xf32, #tpu.memory_space<vmem>>, vector<1x16xf32>,
          %mul3A_665 = arith.constant 16 : i32
          %mul3A_666 = arith.muli %add3A_81, %mul3A_665 : i32
          %add3A_667 = arith.constant 6 : i32
          %add3A_668 = arith.addi %mul3A_666, %add3A_667 : i32
          %slice3A_669 = vector.extract_strided_slice %get3A_88 {offsets = [6], sizes = [1], strides = [1]} : vector<16xf32> to vector<1xf32>
          %squeeze3A_670 = vector.extract %slice3A_669[0] : f32 from vector<1xf32>
          %slice3A_671 = vector.extract_strided_slice %get3A_91 {offsets = [6], sizes = [1], strides = [1]} : vector<16xf32> to vector<1xf32>
          %squeeze3A_672 = vector.extract %slice3A_671[0] : f32 from vector<1xf32>
          %get3A_673 = arith.index_cast %add3A_668 : i32 to index
          %get3A_674 = arith.constant 0 : index
          %get3A_675 = tpu.vector_load %arg12[%get3A_673, %get3A_674] {strides = array<i32>} : memref<80x128xf32, #tpu.memory_space<vmem>>, vector<1x16xf32>,
          %get3A_676 = vector.shape_cast %get3A_675 : vector<1x16xf32> to vector<16xf32>
          %mul3A_677 = vector.broadcast %squeeze3A_670 : f32 to vector<16xf32>
          %mul3A_678 = arith.mulf %get3A_676, %mul3A_677 : vector<16xf32>
          %swap3A_679 = arith.index_cast %add3A_668 : i32 to index
          %swap3A_680 = arith.constant 0 : index
          %swap3A_681 = tpu.vector_load %arg12[%swap3A_679, %swap3A_680] {strides = array<i32>} : memref<80x128xf32, #tpu.memory_space<vmem>>, vector<1x16xf32>,
          %swap3A_682 = vector.shape_cast %swap3A_681 : vector<1x16xf32> to vector<16xf32>
          %swap3A_683 = vector.shape_cast %mul3A_678 : vector<16xf32> to vector<1x16xf32>
          tpu.vector_store %arg12[%swap3A_679, %swap3A_680], %swap3A_683 {strides = array<i32>} : memref<80x128xf32, #tpu.memory_space<vmem>>, vector<1x16xf32>,
          %get3A_684 = arith.index_cast %add3A_668 : i32 to index
          %get3A_685 = arith.constant 16 : index
          %get3A_686 = tpu.vector_load %arg12[%get3A_684, %get3A_685] {strides = array<i32>} : memref<80x128xf32, #tpu.memory_space<vmem>>, vector<1x16xf32>,
          %get3A_687 = vector.shape_cast %get3A_686 : vector<1x16xf32> to vector<16xf32>
          %mul3A_688 = vector.broadcast %squeeze3A_670 : f32 to vector<16xf32>
          %mul3A_689 = arith.mulf %get3A_687, %mul3A_688 : vector<16xf32>
          %swap3A_690 = arith.index_cast %add3A_668 : i32 to index
          %swap3A_691 = arith.constant 16 : index
          %swap3A_692 = tpu.vector_load %arg12[%swap3A_690, %swap3A_691] {strides = array<i32>} : memref<80x128xf32, #tpu.memory_space<vmem>>, vector<1x16xf32>,
          %swap3A_693 = vector.shape_cast %swap3A_692 : vector<1x16xf32> to vector<16xf32>
          %swap3A_694 = vector.shape_cast %mul3A_689 : vector<16xf32> to vector<1x16xf32>
          tpu.vector_store %arg12[%swap3A_690, %swap3A_691], %swap3A_694 {strides = array<i32>} : memref<80x128xf32, #tpu.memory_space<vmem>>, vector<1x16xf32>,
          %get3A_695 = arith.index_cast %add3A_668 : i32 to index
          %get3A_696 = arith.constant 32 : index
          %get3A_697 = tpu.vector_load %arg12[%get3A_695, %get3A_696] {strides = array<i32>} : memref<80x128xf32, #tpu.memory_space<vmem>>, vector<1x16xf32>,
          %get3A_698 = vector.shape_cast %get3A_697 : vector<1x16xf32> to vector<16xf32>
          %mul3A_699 = vector.broadcast %squeeze3A_670 : f32 to vector<16xf32>
          %mul3A_700 = arith.mulf %get3A_698, %mul3A_699 : vector<16xf32>
          %swap3A_701 = arith.index_cast %add3A_668 : i32 to index
          %swap3A_702 = arith.constant 32 : index
          %swap3A_703 = tpu.vector_load %arg12[%swap3A_701, %swap3A_702] {strides = array<i32>} : memref<80x128xf32, #tpu.memory_space<vmem>>, vector<1x16xf32>,
          %swap3A_704 = vector.shape_cast %swap3A_703 : vector<1x16xf32> to vector<16xf32>
          %swap3A_705 = vector.shape_cast %mul3A_700 : vector<16xf32> to vector<1x16xf32>
          tpu.vector_store %arg12[%swap3A_701, %swap3A_702], %swap3A_705 {strides = array<i32>} : memref<80x128xf32, #tpu.memory_space<vmem>>, vector<1x16xf32>,
          %get3A_706 = arith.index_cast %add3A_668 : i32 to index
          %get3A_707 = arith.constant 48 : index
          %get3A_708 = tpu.vector_load %arg12[%get3A_706, %get3A_707] {strides = array<i32>} : memref<80x128xf32, #tpu.memory_space<vmem>>, vector<1x16xf32>,
          %get3A_709 = vector.shape_cast %get3A_708 : vector<1x16xf32> to vector<16xf32>
          %mul3A_710 = vector.broadcast %squeeze3A_670 : f32 to vector<16xf32>
          %mul3A_711 = arith.mulf %get3A_709, %mul3A_710 : vector<16xf32>
          %swap3A_712 = arith.index_cast %add3A_668 : i32 to index
          %swap3A_713 = arith.constant 48 : index
          %swap3A_714 = tpu.vector_load %arg12[%swap3A_712, %swap3A_713] {strides = array<i32>} : memref<80x128xf32, #tpu.memory_space<vmem>>, vector<1x16xf32>,
          %swap3A_715 = vector.shape_cast %swap3A_714 : vector<1x16xf32> to vector<16xf32>
          %swap3A_716 = vector.shape_cast %mul3A_711 : vector<16xf32> to vector<1x16xf32>
          tpu.vector_store %arg12[%swap3A_712, %swap3A_713], %swap3A_716 {strides = array<i32>} : memref<80x128xf32, #tpu.memory_space<vmem>>, vector<1x16xf32>,
          %get3A_717 = arith.index_cast %add3A_668 : i32 to index
          %get3A_718 = arith.constant 64 : index
          %get3A_719 = tpu.vector_load %arg12[%get3A_717, %get3A_718] {strides = array<i32>} : memref<80x128xf32, #tpu.memory_space<vmem>>, vector<1x16xf32>,
          %get3A_720 = vector.shape_cast %get3A_719 : vector<1x16xf32> to vector<16xf32>
          %mul3A_721 = vector.broadcast %squeeze3A_672 : f32 to vector<16xf32>
          %mul3A_722 = arith.mulf %get3A_720, %mul3A_721 : vector<16xf32>
          %swap3A_723 = arith.index_cast %add3A_668 : i32 to index
          %swap3A_724 = arith.constant 64 : index
          %swap3A_725 = tpu.vector_load %arg12[%swap3A_723, %swap3A_724] {strides = array<i32>} : memref<80x128xf32, #tpu.memory_space<vmem>>, vector<1x16xf32>,
          %swap3A_726 = vector.shape_cast %swap3A_725 : vector<1x16xf32> to vector<16xf32>
          %swap3A_727 = vector.shape_cast %mul3A_722 : vector<16xf32> to vector<1x16xf32>
          tpu.vector_store %arg12[%swap3A_723, %swap3A_724], %swap3A_727 {strides = array<i32>} : memref<80x128xf32, #tpu.memory_space<vmem>>, vector<1x16xf32>,
          %get3A_728 = arith.index_cast %add3A_668 : i32 to index
          %get3A_729 = arith.constant 80 : index
          %get3A_730 = tpu.vector_load %arg12[%get3A_728, %get3A_729] {strides = array<i32>} : memref<80x128xf32, #tpu.memory_space<vmem>>, vector<1x16xf32>,
          %get3A_731 = vector.shape_cast %get3A_730 : vector<1x16xf32> to vector<16xf32>
          %mul3A_732 = vector.broadcast %squeeze3A_672 : f32 to vector<16xf32>
          %mul3A_733 = arith.mulf %get3A_731, %mul3A_732 : vector<16xf32>
          %swap3A_734 = arith.index_cast %add3A_668 : i32 to index
          %swap3A_735 = arith.constant 80 : index
          %swap3A_736 = tpu.vector_load %arg12[%swap3A_734, %swap3A_735] {strides = array<i32>} : memref<80x128xf32, #tpu.memory_space<vmem>>, vector<1x16xf32>,
          %swap3A_737 = vector.shape_cast %swap3A_736 : vector<1x16xf32> to vector<16xf32>
          %swap3A_738 = vector.shape_cast %mul3A_733 : vector<16xf32> to vector<1x16xf32>
          tpu.vector_store %arg12[%swap3A_734, %swap3A_735], %swap3A_738 {strides = array<i32>} : memref<80x128xf32, #tpu.memory_space<vmem>>, vector<1x16xf32>,
          %get3A_739 = arith.index_cast %add3A_668 : i32 to index
          %get3A_740 = arith.constant 96 : index
          %get3A_741 = tpu.vector_load %arg12[%get3A_739, %get3A_740] {strides = array<i32>} : memref<80x128xf32, #tpu.memory_space<vmem>>, vector<1x16xf32>,
          %get3A_742 = vector.shape_cast %get3A_741 : vector<1x16xf32> to vector<16xf32>
          %mul3A_743 = vector.broadcast %squeeze3A_672 : f32 to vector<16xf32>
          %mul3A_744 = arith.mulf %get3A_742, %mul3A_743 : vector<16xf32>
          %swap3A_745 = arith.index_cast %add3A_668 : i32 to index
          %swap3A_746 = arith.constant 96 : index
          %swap3A_747 = tpu.vector_load %arg12[%swap3A_745, %swap3A_746] {strides = array<i32>} : memref<80x128xf32, #tpu.memory_space<vmem>>, vector<1x16xf32>,
          %swap3A_748 = vector.shape_cast %swap3A_747 : vector<1x16xf32> to vector<16xf32>
          %swap3A_749 = vector.shape_cast %mul3A_744 : vector<16xf32> to vector<1x16xf32>
          tpu.vector_store %arg12[%swap3A_745, %swap3A_746], %swap3A_749 {strides = array<i32>} : memref<80x128xf32, #tpu.memory_space<vmem>>, vector<1x16xf32>,
          %get3A_750 = arith.index_cast %add3A_668 : i32 to index
          %get3A_751 = arith.constant 112 : index
          %get3A_752 = tpu.vector_load %arg12[%get3A_750, %get3A_751] {strides = array<i32>} : memref<80x128xf32, #tpu.memory_space<vmem>>, vector<1x16xf32>,
          %get3A_753 = vector.shape_cast %get3A_752 : vector<1x16xf32> to vector<16xf32>
          %mul3A_754 = vector.broadcast %squeeze3A_672 : f32 to vector<16xf32>
          %mul3A_755 = arith.mulf %get3A_753, %mul3A_754 : vector<16xf32>
          %swap3A_756 = arith.index_cast %add3A_668 : i32 to index
          %swap3A_757 = arith.constant 112 : index
          %swap3A_758 = tpu.vector_load %arg12[%swap3A_756, %swap3A_757] {strides = array<i32>} : memref<80x128xf32, #tpu.memory_space<vmem>>, vector<1x16xf32>,
          %swap3A_759 = vector.shape_cast %swap3A_758 : vector<1x16xf32> to vector<16xf32>
          %swap3A_760 = vector.shape_cast %mul3A_755 : vector<16xf32> to vector<1x16xf32>
          tpu.vector_store %arg12[%swap3A_756, %swap3A_757], %swap3A_760 {strides = array<i32>} : memref<80x128xf32, #tpu.memory_space<vmem>>, vector<1x16xf32>,
          %mul3A_761 = arith.constant 16 : i32
          %mul3A_762 = arith.muli %add3A_81, %mul3A_761 : i32
          %add3A_763 = arith.constant 7 : i32
          %add3A_764 = arith.addi %mul3A_762, %add3A_763 : i32
          %slice3A_765 = vector.extract_strided_slice %get3A_88 {offsets = [7], sizes = [1], strides = [1]} : vector<16xf32> to vector<1xf32>
          %squeeze3A_766 = vector.extract %slice3A_765[0] : f32 from vector<1xf32>
          %slice3A_767 = vector.extract_strided_slice %get3A_91 {offsets = [7], sizes = [1], strides = [1]} : vector<16xf32> to vector<1xf32>
          %squeeze3A_768 = vector.extract %slice3A_767[0] : f32 from vector<1xf32>
          %get3A_769 = arith.index_cast %add3A_764 : i32 to index
          %get3A_770 = arith.constant 0 : index
          %get3A_771 = tpu.vector_load %arg12[%get3A_769, %get3A_770] {strides = array<i32>} : memref<80x128xf32, #tpu.memory_space<vmem>>, vector<1x16xf32>,
          %get3A_772 = vector.shape_cast %get3A_771 : vector<1x16xf32> to vector<16xf32>
          %mul3A_773 = vector.broadcast %squeeze3A_766 : f32 to vector<16xf32>
          %mul3A_774 = arith.mulf %get3A_772, %mul3A_773 : vector<16xf32>
          %swap3A_775 = arith.index_cast %add3A_764 : i32 to index
          %swap3A_776 = arith.constant 0 : index
          %swap3A_777 = tpu.vector_load %arg12[%swap3A_775, %swap3A_776] {strides = array<i32>} : memref<80x128xf32, #tpu.memory_space<vmem>>, vector<1x16xf32>,
          %swap3A_778 = vector.shape_cast %swap3A_777 : vector<1x16xf32> to vector<16xf32>
          %swap3A_779 = vector.shape_cast %mul3A_774 : vector<16xf32> to vector<1x16xf32>
          tpu.vector_store %arg12[%swap3A_775, %swap3A_776], %swap3A_779 {strides = array<i32>} : memref<80x128xf32, #tpu.memory_space<vmem>>, vector<1x16xf32>,
          %get3A_780 = arith.index_cast %add3A_764 : i32 to index
          %get3A_781 = arith.constant 16 : index
          %get3A_782 = tpu.vector_load %arg12[%get3A_780, %get3A_781] {strides = array<i32>} : memref<80x128xf32, #tpu.memory_space<vmem>>, vector<1x16xf32>,
          %get3A_783 = vector.shape_cast %get3A_782 : vector<1x16xf32> to vector<16xf32>
          %mul3A_784 = vector.broadcast %squeeze3A_766 : f32 to vector<16xf32>
          %mul3A_785 = arith.mulf %get3A_783, %mul3A_784 : vector<16xf32>
          %swap3A_786 = arith.index_cast %add3A_764 : i32 to index
          %swap3A_787 = arith.constant 16 : index
          %swap3A_788 = tpu.vector_load %arg12[%swap3A_786, %swap3A_787] {strides = array<i32>} : memref<80x128xf32, #tpu.memory_space<vmem>>, vector<1x16xf32>,
          %swap3A_789 = vector.shape_cast %swap3A_788 : vector<1x16xf32> to vector<16xf32>
          %swap3A_790 = vector.shape_cast %mul3A_785 : vector<16xf32> to vector<1x16xf32>
          tpu.vector_store %arg12[%swap3A_786, %swap3A_787], %swap3A_790 {strides = array<i32>} : memref<80x128xf32, #tpu.memory_space<vmem>>, vector<1x16xf32>,
          %get3A_791 = arith.index_cast %add3A_764 : i32 to index
          %get3A_792 = arith.constant 32 : index
          %get3A_793 = tpu.vector_load %arg12[%get3A_791, %get3A_792] {strides = array<i32>} : memref<80x128xf32, #tpu.memory_space<vmem>>, vector<1x16xf32>,
          %get3A_794 = vector.shape_cast %get3A_793 : vector<1x16xf32> to vector<16xf32>
          %mul3A_795 = vector.broadcast %squeeze3A_766 : f32 to vector<16xf32>
          %mul3A_796 = arith.mulf %get3A_794, %mul3A_795 : vector<16xf32>
          %swap3A_797 = arith.index_cast %add3A_764 : i32 to index
          %swap3A_798 = arith.constant 32 : index
          %swap3A_799 = tpu.vector_load %arg12[%swap3A_797, %swap3A_798] {strides = array<i32>} : memref<80x128xf32, #tpu.memory_space<vmem>>, vector<1x16xf32>,
          %swap3A_800 = vector.shape_cast %swap3A_799 : vector<1x16xf32> to vector<16xf32>
          %swap3A_801 = vector.shape_cast %mul3A_796 : vector<16xf32> to vector<1x16xf32>
          tpu.vector_store %arg12[%swap3A_797, %swap3A_798], %swap3A_801 {strides = array<i32>} : memref<80x128xf32, #tpu.memory_space<vmem>>, vector<1x16xf32>,
          %get3A_802 = arith.index_cast %add3A_764 : i32 to index
          %get3A_803 = arith.constant 48 : index
          %get3A_804 = tpu.vector_load %arg12[%get3A_802, %get3A_803] {strides = array<i32>} : memref<80x128xf32, #tpu.memory_space<vmem>>, vector<1x16xf32>,
          %get3A_805 = vector.shape_cast %get3A_804 : vector<1x16xf32> to vector<16xf32>
          %mul3A_806 = vector.broadcast %squeeze3A_766 : f32 to vector<16xf32>
          %mul3A_807 = arith.mulf %get3A_805, %mul3A_806 : vector<16xf32>
          %swap3A_808 = arith.index_cast %add3A_764 : i32 to index
          %swap3A_809 = arith.constant 48 : index
          %swap3A_810 = tpu.vector_load %arg12[%swap3A_808, %swap3A_809] {strides = array<i32>} : memref<80x128xf32, #tpu.memory_space<vmem>>, vector<1x16xf32>,
          %swap3A_811 = vector.shape_cast %swap3A_810 : vector<1x16xf32> to vector<16xf32>
          %swap3A_812 = vector.shape_cast %mul3A_807 : vector<16xf32> to vector<1x16xf32>
          tpu.vector_store %arg12[%swap3A_808, %swap3A_809], %swap3A_812 {strides = array<i32>} : memref<80x128xf32, #tpu.memory_space<vmem>>, vector<1x16xf32>,
          %get3A_813 = arith.index_cast %add3A_764 : i32 to index
          %get3A_814 = arith.constant 64 : index
          %get3A_815 = tpu.vector_load %arg12[%get3A_813, %get3A_814] {strides = array<i32>} : memref<80x128xf32, #tpu.memory_space<vmem>>, vector<1x16xf32>,
          %get3A_816 = vector.shape_cast %get3A_815 : vector<1x16xf32> to vector<16xf32>
          %mul3A_817 = vector.broadcast %squeeze3A_768 : f32 to vector<16xf32>
          %mul3A_818 = arith.mulf %get3A_816, %mul3A_817 : vector<16xf32>
          %swap3A_819 = arith.index_cast %add3A_764 : i32 to index
          %swap3A_820 = arith.constant 64 : index
          %swap3A_821 = tpu.vector_load %arg12[%swap3A_819, %swap3A_820] {strides = array<i32>} : memref<80x128xf32, #tpu.memory_space<vmem>>, vector<1x16xf32>,
          %swap3A_822 = vector.shape_cast %swap3A_821 : vector<1x16xf32> to vector<16xf32>
          %swap3A_823 = vector.shape_cast %mul3A_818 : vector<16xf32> to vector<1x16xf32>
          tpu.vector_store %arg12[%swap3A_819, %swap3A_820], %swap3A_823 {strides = array<i32>} : memref<80x128xf32, #tpu.memory_space<vmem>>, vector<1x16xf32>,
          %get3A_824 = arith.index_cast %add3A_764 : i32 to index
          %get3A_825 = arith.constant 80 : index
          %get3A_826 = tpu.vector_load %arg12[%get3A_824, %get3A_825] {strides = array<i32>} : memref<80x128xf32, #tpu.memory_space<vmem>>, vector<1x16xf32>,
          %get3A_827 = vector.shape_cast %get3A_826 : vector<1x16xf32> to vector<16xf32>
          %mul3A_828 = vector.broadcast %squeeze3A_768 : f32 to vector<16xf32>
          %mul3A_829 = arith.mulf %get3A_827, %mul3A_828 : vector<16xf32>
          %swap3A_830 = arith.index_cast %add3A_764 : i32 to index
          %swap3A_831 = arith.constant 80 : index
          %swap3A_832 = tpu.vector_load %arg12[%swap3A_830, %swap3A_831] {strides = array<i32>} : memref<80x128xf32, #tpu.memory_space<vmem>>, vector<1x16xf32>,
          %swap3A_833 = vector.shape_cast %swap3A_832 : vector<1x16xf32> to vector<16xf32>
          %swap3A_834 = vector.shape_cast %mul3A_829 : vector<16xf32> to vector<1x16xf32>
          tpu.vector_store %arg12[%swap3A_830, %swap3A_831], %swap3A_834 {strides = array<i32>} : memref<80x128xf32, #tpu.memory_space<vmem>>, vector<1x16xf32>,
          %get3A_835 = arith.index_cast %add3A_764 : i32 to index
          %get3A_836 = arith.constant 96 : index
          %get3A_837 = tpu.vector_load %arg12[%get3A_835, %get3A_836] {strides = array<i32>} : memref<80x128xf32, #tpu.memory_space<vmem>>, vector<1x16xf32>,
          %get3A_838 = vector.shape_cast %get3A_837 : vector<1x16xf32> to vector<16xf32>
          %mul3A_839 = vector.broadcast %squeeze3A_768 : f32 to vector<16xf32>
          %mul3A_840 = arith.mulf %get3A_838, %mul3A_839 : vector<16xf32>
          %swap3A_841 = arith.index_cast %add3A_764 : i32 to index
          %swap3A_842 = arith.constant 96 : index
          %swap3A_843 = tpu.vector_load %arg12[%swap3A_841, %swap3A_842] {strides = array<i32>} : memref<80x128xf32, #tpu.memory_space<vmem>>, vector<1x16xf32>,
          %swap3A_844 = vector.shape_cast %swap3A_843 : vector<1x16xf32> to vector<16xf32>
          %swap3A_845 = vector.shape_cast %mul3A_840 : vector<16xf32> to vector<1x16xf32>
          tpu.vector_store %arg12[%swap3A_841, %swap3A_842], %swap3A_845 {strides = array<i32>} : memref<80x128xf32, #tpu.memory_space<vmem>>, vector<1x16xf32>,
          %get3A_846 = arith.index_cast %add3A_764 : i32 to index
          %get3A_847 = arith.constant 112 : index
          %get3A_848 = tpu.vector_load %arg12[%get3A_846, %get3A_847] {strides = array<i32>} : memref<80x128xf32, #tpu.memory_space<vmem>>, vector<1x16xf32>,
          %get3A_849 = vector.shape_cast %get3A_848 : vector<1x16xf32> to vector<16xf32>
          %mul3A_850 = vector.broadcast %squeeze3A_768 : f32 to vector<16xf32>
          %mul3A_851 = arith.mulf %get3A_849, %mul3A_850 : vector<16xf32>
          %swap3A_852 = arith.index_cast %add3A_764 : i32 to index
          %swap3A_853 = arith.constant 112 : index
          %swap3A_854 = tpu.vector_load %arg12[%swap3A_852, %swap3A_853] {strides = array<i32>} : memref<80x128xf32, #tpu.memory_space<vmem>>, vector<1x16xf32>,
          %swap3A_855 = vector.shape_cast %swap3A_854 : vector<1x16xf32> to vector<16xf32>
          %swap3A_856 = vector.shape_cast %mul3A_851 : vector<16xf32> to vector<1x16xf32>
          tpu.vector_store %arg12[%swap3A_852, %swap3A_853], %swap3A_856 {strides = array<i32>} : memref<80x128xf32, #tpu.memory_space<vmem>>, vector<1x16xf32>,
          %mul3A_857 = arith.constant 16 : i32
          %mul3A_858 = arith.muli %add3A_81, %mul3A_857 : i32
          %add3A_859 = arith.constant 8 : i32
          %add3A_860 = arith.addi %mul3A_858, %add3A_859 : i32
          %slice3A_861 = vector.extract_strided_slice %get3A_88 {offsets = [8], sizes = [1], strides = [1]} : vector<16xf32> to vector<1xf32>
          %squeeze3A_862 = vector.extract %slice3A_861[0] : f32 from vector<1xf32>
          %slice3A_863 = vector.extract_strided_slice %get3A_91 {offsets = [8], sizes = [1], strides = [1]} : vector<16xf32> to vector<1xf32>
          %squeeze3A_864 = vector.extract %slice3A_863[0] : f32 from vector<1xf32>
          %get3A_865 = arith.index_cast %add3A_860 : i32 to index
          %get3A_866 = arith.constant 0 : index
          %get3A_867 = tpu.vector_load %arg12[%get3A_865, %get3A_866] {strides = array<i32>} : memref<80x128xf32, #tpu.memory_space<vmem>>, vector<1x16xf32>,
          %get3A_868 = vector.shape_cast %get3A_867 : vector<1x16xf32> to vector<16xf32>
          %mul3A_869 = vector.broadcast %squeeze3A_862 : f32 to vector<16xf32>
          %mul3A_870 = arith.mulf %get3A_868, %mul3A_869 : vector<16xf32>
          %swap3A_871 = arith.index_cast %add3A_860 : i32 to index
          %swap3A_872 = arith.constant 0 : index
          %swap3A_873 = tpu.vector_load %arg12[%swap3A_871, %swap3A_872] {strides = array<i32>} : memref<80x128xf32, #tpu.memory_space<vmem>>, vector<1x16xf32>,
          %swap3A_874 = vector.shape_cast %swap3A_873 : vector<1x16xf32> to vector<16xf32>
          %swap3A_875 = vector.shape_cast %mul3A_870 : vector<16xf32> to vector<1x16xf32>
          tpu.vector_store %arg12[%swap3A_871, %swap3A_872], %swap3A_875 {strides = array<i32>} : memref<80x128xf32, #tpu.memory_space<vmem>>, vector<1x16xf32>,
          %get3A_876 = arith.index_cast %add3A_860 : i32 to index
          %get3A_877 = arith.constant 16 : index
          %get3A_878 = tpu.vector_load %arg12[%get3A_876, %get3A_877] {strides = array<i32>} : memref<80x128xf32, #tpu.memory_space<vmem>>, vector<1x16xf32>,
          %get3A_879 = vector.shape_cast %get3A_878 : vector<1x16xf32> to vector<16xf32>
          %mul3A_880 = vector.broadcast %squeeze3A_862 : f32 to vector<16xf32>
          %mul3A_881 = arith.mulf %get3A_879, %mul3A_880 : vector<16xf32>
          %swap3A_882 = arith.index_cast %add3A_860 : i32 to index
          %swap3A_883 = arith.constant 16 : index
          %swap3A_884 = tpu.vector_load %arg12[%swap3A_882, %swap3A_883] {strides = array<i32>} : memref<80x128xf32, #tpu.memory_space<vmem>>, vector<1x16xf32>,
          %swap3A_885 = vector.shape_cast %swap3A_884 : vector<1x16xf32> to vector<16xf32>
          %swap3A_886 = vector.shape_cast %mul3A_881 : vector<16xf32> to vector<1x16xf32>
          tpu.vector_store %arg12[%swap3A_882, %swap3A_883], %swap3A_886 {strides = array<i32>} : memref<80x128xf32, #tpu.memory_space<vmem>>, vector<1x16xf32>,
          %get3A_887 = arith.index_cast %add3A_860 : i32 to index
          %get3A_888 = arith.constant 32 : index
          %get3A_889 = tpu.vector_load %arg12[%get3A_887, %get3A_888] {strides = array<i32>} : memref<80x128xf32, #tpu.memory_space<vmem>>, vector<1x16xf32>,
          %get3A_890 = vector.shape_cast %get3A_889 : vector<1x16xf32> to vector<16xf32>
          %mul3A_891 = vector.broadcast %squeeze3A_862 : f32 to vector<16xf32>
          %mul3A_892 = arith.mulf %get3A_890, %mul3A_891 : vector<16xf32>
          %swap3A_893 = arith.index_cast %add3A_860 : i32 to index
          %swap3A_894 = arith.constant 32 : index
          %swap3A_895 = tpu.vector_load %arg12[%swap3A_893, %swap3A_894] {strides = array<i32>} : memref<80x128xf32, #tpu.memory_space<vmem>>, vector<1x16xf32>,
          %swap3A_896 = vector.shape_cast %swap3A_895 : vector<1x16xf32> to vector<16xf32>
          %swap3A_897 = vector.shape_cast %mul3A_892 : vector<16xf32> to vector<1x16xf32>
          tpu.vector_store %arg12[%swap3A_893, %swap3A_894], %swap3A_897 {strides = array<i32>} : memref<80x128xf32, #tpu.memory_space<vmem>>, vector<1x16xf32>,
          %get3A_898 = arith.index_cast %add3A_860 : i32 to index
          %get3A_899 = arith.constant 48 : index
          %get3A_900 = tpu.vector_load %arg12[%get3A_898, %get3A_899] {strides = array<i32>} : memref<80x128xf32, #tpu.memory_space<vmem>>, vector<1x16xf32>,
          %get3A_901 = vector.shape_cast %get3A_900 : vector<1x16xf32> to vector<16xf32>
          %mul3A_902 = vector.broadcast %squeeze3A_862 : f32 to vector<16xf32>
          %mul3A_903 = arith.mulf %get3A_901, %mul3A_902 : vector<16xf32>
          %swap3A_904 = arith.index_cast %add3A_860 : i32 to index
          %swap3A_905 = arith.constant 48 : index
          %swap3A_906 = tpu.vector_load %arg12[%swap3A_904, %swap3A_905] {strides = array<i32>} : memref<80x128xf32, #tpu.memory_space<vmem>>, vector<1x16xf32>,
          %swap3A_907 = vector.shape_cast %swap3A_906 : vector<1x16xf32> to vector<16xf32>
          %swap3A_908 = vector.shape_cast %mul3A_903 : vector<16xf32> to vector<1x16xf32>
          tpu.vector_store %arg12[%swap3A_904, %swap3A_905], %swap3A_908 {strides = array<i32>} : memref<80x128xf32, #tpu.memory_space<vmem>>, vector<1x16xf32>,
          %get3A_909 = arith.index_cast %add3A_860 : i32 to index
          %get3A_910 = arith.constant 64 : index
          %get3A_911 = tpu.vector_load %arg12[%get3A_909, %get3A_910] {strides = array<i32>} : memref<80x128xf32, #tpu.memory_space<vmem>>, vector<1x16xf32>,
          %get3A_912 = vector.shape_cast %get3A_911 : vector<1x16xf32> to vector<16xf32>
          %mul3A_913 = vector.broadcast %squeeze3A_864 : f32 to vector<16xf32>
          %mul3A_914 = arith.mulf %get3A_912, %mul3A_913 : vector<16xf32>
          %swap3A_915 = arith.index_cast %add3A_860 : i32 to index
          %swap3A_916 = arith.constant 64 : index
          %swap3A_917 = tpu.vector_load %arg12[%swap3A_915, %swap3A_916] {strides = array<i32>} : memref<80x128xf32, #tpu.memory_space<vmem>>, vector<1x16xf32>,
          %swap3A_918 = vector.shape_cast %swap3A_917 : vector<1x16xf32> to vector<16xf32>
          %swap3A_919 = vector.shape_cast %mul3A_914 : vector<16xf32> to vector<1x16xf32>
          tpu.vector_store %arg12[%swap3A_915, %swap3A_916], %swap3A_919 {strides = array<i32>} : memref<80x128xf32, #tpu.memory_space<vmem>>, vector<1x16xf32>,
          %get3A_920 = arith.index_cast %add3A_860 : i32 to index
          %get3A_921 = arith.constant 80 : index
          %get3A_922 = tpu.vector_load %arg12[%get3A_920, %get3A_921] {strides = array<i32>} : memref<80x128xf32, #tpu.memory_space<vmem>>, vector<1x16xf32>,
          %get3A_923 = vector.shape_cast %get3A_922 : vector<1x16xf32> to vector<16xf32>
          %mul3A_924 = vector.broadcast %squeeze3A_864 : f32 to vector<16xf32>
          %mul3A_925 = arith.mulf %get3A_923, %mul3A_924 : vector<16xf32>
          %swap3A_926 = arith.index_cast %add3A_860 : i32 to index
          %swap3A_927 = arith.constant 80 : index
          %swap3A_928 = tpu.vector_load %arg12[%swap3A_926, %swap3A_927] {strides = array<i32>} : memref<80x128xf32, #tpu.memory_space<vmem>>, vector<1x16xf32>,
          %swap3A_929 = vector.shape_cast %swap3A_928 : vector<1x16xf32> to vector<16xf32>
          %swap3A_930 = vector.shape_cast %mul3A_925 : vector<16xf32> to vector<1x16xf32>
          tpu.vector_store %arg12[%swap3A_926, %swap3A_927], %swap3A_930 {strides = array<i32>} : memref<80x128xf32, #tpu.memory_space<vmem>>, vector<1x16xf32>,
          %get3A_931 = arith.index_cast %add3A_860 : i32 to index
          %get3A_932 = arith.constant 96 : index
          %get3A_933 = tpu.vector_load %arg12[%get3A_931, %get3A_932] {strides = array<i32>} : memref<80x128xf32, #tpu.memory_space<vmem>>, vector<1x16xf32>,
          %get3A_934 = vector.shape_cast %get3A_933 : vector<1x16xf32> to vector<16xf32>
          %mul3A_935 = vector.broadcast %squeeze3A_864 : f32 to vector<16xf32>
          %mul3A_936 = arith.mulf %get3A_934, %mul3A_935 : vector<16xf32>
          %swap3A_937 = arith.index_cast %add3A_860 : i32 to index
          %swap3A_938 = arith.constant 96 : index
          %swap3A_939 = tpu.vector_load %arg12[%swap3A_937, %swap3A_938] {strides = array<i32>} : memref<80x128xf32, #tpu.memory_space<vmem>>, vector<1x16xf32>,
          %swap3A_940 = vector.shape_cast %swap3A_939 : vector<1x16xf32> to vector<16xf32>
          %swap3A_941 = vector.shape_cast %mul3A_936 : vector<16xf32> to vector<1x16xf32>
          tpu.vector_store %arg12[%swap3A_937, %swap3A_938], %swap3A_941 {strides = array<i32>} : memref<80x128xf32, #tpu.memory_space<vmem>>, vector<1x16xf32>,
          %get3A_942 = arith.index_cast %add3A_860 : i32 to index
          %get3A_943 = arith.constant 112 : index
          %get3A_944 = tpu.vector_load %arg12[%get3A_942, %get3A_943] {strides = array<i32>} : memref<80x128xf32, #tpu.memory_space<vmem>>, vector<1x16xf32>,
          %get3A_945 = vector.shape_cast %get3A_944 : vector<1x16xf32> to vector<16xf32>
          %mul3A_946 = vector.broadcast %squeeze3A_864 : f32 to vector<16xf32>
          %mul3A_947 = arith.mulf %get3A_945, %mul3A_946 : vector<16xf32>
          %swap3A_948 = arith.index_cast %add3A_860 : i32 to index
          %swap3A_949 = arith.constant 112 : index
          %swap3A_950 = tpu.vector_load %arg12[%swap3A_948, %swap3A_949] {strides = array<i32>} : memref<80x128xf32, #tpu.memory_space<vmem>>, vector<1x16xf32>,
          %swap3A_951 = vector.shape_cast %swap3A_950 : vector<1x16xf32> to vector<16xf32>
          %swap3A_952 = vector.shape_cast %mul3A_947 : vector<16xf32> to vector<1x16xf32>
          tpu.vector_store %arg12[%swap3A_948, %swap3A_949], %swap3A_952 {strides = array<i32>} : memref<80x128xf32, #tpu.memory_space<vmem>>, vector<1x16xf32>,
          %mul3A_953 = arith.constant 16 : i32
          %mul3A_954 = arith.muli %add3A_81, %mul3A_953 : i32
          %add3A_955 = arith.constant 9 : i32
          %add3A_956 = arith.addi %mul3A_954, %add3A_955 : i32
          %slice3A_957 = vector.extract_strided_slice %get3A_88 {offsets = [9], sizes = [1], strides = [1]} : vector<16xf32> to vector<1xf32>
          %squeeze3A_958 = vector.extract %slice3A_957[0] : f32 from vector<1xf32>
          %slice3A_959 = vector.extract_strided_slice %get3A_91 {offsets = [9], sizes = [1], strides = [1]} : vector<16xf32> to vector<1xf32>
          %squeeze3A_960 = vector.extract %slice3A_959[0] : f32 from vector<1xf32>
          %get3A_961 = arith.index_cast %add3A_956 : i32 to index
          %get3A_962 = arith.constant 0 : index
          %get3A_963 = tpu.vector_load %arg12[%get3A_961, %get3A_962] {strides = array<i32>} : memref<80x128xf32, #tpu.memory_space<vmem>>, vector<1x16xf32>,
          %get3A_964 = vector.shape_cast %get3A_963 : vector<1x16xf32> to vector<16xf32>
          %mul3A_965 = vector.broadcast %squeeze3A_958 : f32 to vector<16xf32>
          %mul3A_966 = arith.mulf %get3A_964, %mul3A_965 : vector<16xf32>
          %swap3A_967 = arith.index_cast %add3A_956 : i32 to index
          %swap3A_968 = arith.constant 0 : index
          %swap3A_969 = tpu.vector_load %arg12[%swap3A_967, %swap3A_968] {strides = array<i32>} : memref<80x128xf32, #tpu.memory_space<vmem>>, vector<1x16xf32>,
          %swap3A_970 = vector.shape_cast %swap3A_969 : vector<1x16xf32> to vector<16xf32>
          %swap3A_971 = vector.shape_cast %mul3A_966 : vector<16xf32> to vector<1x16xf32>
          tpu.vector_store %arg12[%swap3A_967, %swap3A_968], %swap3A_971 {strides = array<i32>} : memref<80x128xf32, #tpu.memory_space<vmem>>, vector<1x16xf32>,
          %get3A_972 = arith.index_cast %add3A_956 : i32 to index
          %get3A_973 = arith.constant 16 : index
          %get3A_974 = tpu.vector_load %arg12[%get3A_972, %get3A_973] {strides = array<i32>} : memref<80x128xf32, #tpu.memory_space<vmem>>, vector<1x16xf32>,
          %get3A_975 = vector.shape_cast %get3A_974 : vector<1x16xf32> to vector<16xf32>
          %mul3A_976 = vector.broadcast %squeeze3A_958 : f32 to vector<16xf32>
          %mul3A_977 = arith.mulf %get3A_975, %mul3A_976 : vector<16xf32>
          %swap3A_978 = arith.index_cast %add3A_956 : i32 to index
          %swap3A_979 = arith.constant 16 : index
          %swap3A_980 = tpu.vector_load %arg12[%swap3A_978, %swap3A_979] {strides = array<i32>} : memref<80x128xf32, #tpu.memory_space<vmem>>, vector<1x16xf32>,
          %swap3A_981 = vector.shape_cast %swap3A_980 : vector<1x16xf32> to vector<16xf32>
          %swap3A_982 = vector.shape_cast %mul3A_977 : vector<16xf32> to vector<1x16xf32>
          tpu.vector_store %arg12[%swap3A_978, %swap3A_979], %swap3A_982 {strides = array<i32>} : memref<80x128xf32, #tpu.memory_space<vmem>>, vector<1x16xf32>,
          %get3A_983 = arith.index_cast %add3A_956 : i32 to index
          %get3A_984 = arith.constant 32 : index
          %get3A_985 = tpu.vector_load %arg12[%get3A_983, %get3A_984] {strides = array<i32>} : memref<80x128xf32, #tpu.memory_space<vmem>>, vector<1x16xf32>,
          %get3A_986 = vector.shape_cast %get3A_985 : vector<1x16xf32> to vector<16xf32>
          %mul3A_987 = vector.broadcast %squeeze3A_958 : f32 to vector<16xf32>
          %mul3A_988 = arith.mulf %get3A_986, %mul3A_987 : vector<16xf32>
          %swap3A_989 = arith.index_cast %add3A_956 : i32 to index
          %swap3A_990 = arith.constant 32 : index
          %swap3A_991 = tpu.vector_load %arg12[%swap3A_989, %swap3A_990] {strides = array<i32>} : memref<80x128xf32, #tpu.memory_space<vmem>>, vector<1x16xf32>,
          %swap3A_992 = vector.shape_cast %swap3A_991 : vector<1x16xf32> to vector<16xf32>
          %swap3A_993 = vector.shape_cast %mul3A_988 : vector<16xf32> to vector<1x16xf32>
          tpu.vector_store %arg12[%swap3A_989, %swap3A_990], %swap3A_993 {strides = array<i32>} : memref<80x128xf32, #tpu.memory_space<vmem>>, vector<1x16xf32>,
          %get3A_994 = arith.index_cast %add3A_956 : i32 to index
          %get3A_995 = arith.constant 48 : index
          %get3A_996 = tpu.vector_load %arg12[%get3A_994, %get3A_995] {strides = array<i32>} : memref<80x128xf32, #tpu.memory_space<vmem>>, vector<1x16xf32>,
          %get3A_997 = vector.shape_cast %get3A_996 : vector<1x16xf32> to vector<16xf32>
          %mul3A_998 = vector.broadcast %squeeze3A_958 : f32 to vector<16xf32>
          %mul3A_999 = arith.mulf %get3A_997, %mul3A_998 : vector<16xf32>
          %swap3A_1000 = arith.index_cast %add3A_956 : i32 to index
          %swap3A_1001 = arith.constant 48 : index
          %swap3A_1002 = tpu.vector_load %arg12[%swap3A_1000, %swap3A_1001] {strides = array<i32>} : memref<80x128xf32, #tpu.memory_space<vmem>>, vector<1x16xf32>,
          %swap3A_1003 = vector.shape_cast %swap3A_1002 : vector<1x16xf32> to vector<16xf32>
          %swap3A_1004 = vector.shape_cast %mul3A_999 : vector<16xf32> to vector<1x16xf32>
          tpu.vector_store %arg12[%swap3A_1000, %swap3A_1001], %swap3A_1004 {strides = array<i32>} : memref<80x128xf32, #tpu.memory_space<vmem>>, vector<1x16xf32>,
          %get3A_1005 = arith.index_cast %add3A_956 : i32 to index
          %get3A_1006 = arith.constant 64 : index
          %get3A_1007 = tpu.vector_load %arg12[%get3A_1005, %get3A_1006] {strides = array<i32>} : memref<80x128xf32, #tpu.memory_space<vmem>>, vector<1x16xf32>,
          %get3A_1008 = vector.shape_cast %get3A_1007 : vector<1x16xf32> to vector<16xf32>
          %mul3A_1009 = vector.broadcast %squeeze3A_960 : f32 to vector<16xf32>
          %mul3A_1010 = arith.mulf %get3A_1008, %mul3A_1009 : vector<16xf32>
          %swap3A_1011 = arith.index_cast %add3A_956 : i32 to index
          %swap3A_1012 = arith.constant 64 : index
          %swap3A_1013 = tpu.vector_load %arg12[%swap3A_1011, %swap3A_1012] {strides = array<i32>} : memref<80x128xf32, #tpu.memory_space<vmem>>, vector<1x16xf32>,
          %swap3A_1014 = vector.shape_cast %swap3A_1013 : vector<1x16xf32> to vector<16xf32>
          %swap3A_1015 = vector.shape_cast %mul3A_1010 : vector<16xf32> to vector<1x16xf32>
          tpu.vector_store %arg12[%swap3A_1011, %swap3A_1012], %swap3A_1015 {strides = array<i32>} : memref<80x128xf32, #tpu.memory_space<vmem>>, vector<1x16xf32>,
          %get3A_1016 = arith.index_cast %add3A_956 : i32 to index
          %get3A_1017 = arith.constant 80 : index
          %get3A_1018 = tpu.vector_load %arg12[%get3A_1016, %get3A_1017] {strides = array<i32>} : memref<80x128xf32, #tpu.memory_space<vmem>>, vector<1x16xf32>,
          %get3A_1019 = vector.shape_cast %get3A_1018 : vector<1x16xf32> to vector<16xf32>
          %mul3A_1020 = vector.broadcast %squeeze3A_960 : f32 to vector<16xf32>
          %mul3A_1021 = arith.mulf %get3A_1019, %mul3A_1020 : vector<16xf32>
          %swap3A_1022 = arith.index_cast %add3A_956 : i32 to index
          %swap3A_1023 = arith.constant 80 : index
          %swap3A_1024 = tpu.vector_load %arg12[%swap3A_1022, %swap3A_1023] {strides = array<i32>} : memref<80x128xf32, #tpu.memory_space<vmem>>, vector<1x16xf32>,
          %swap3A_1025 = vector.shape_cast %swap3A_1024 : vector<1x16xf32> to vector<16xf32>
          %swap3A_1026 = vector.shape_cast %mul3A_1021 : vector<16xf32> to vector<1x16xf32>
          tpu.vector_store %arg12[%swap3A_1022, %swap3A_1023], %swap3A_1026 {strides = array<i32>} : memref<80x128xf32, #tpu.memory_space<vmem>>, vector<1x16xf32>,
          %get3A_1027 = arith.index_cast %add3A_956 : i32 to index
          %get3A_1028 = arith.constant 96 : index
          %get3A_1029 = tpu.vector_load %arg12[%get3A_1027, %get3A_1028] {strides = array<i32>} : memref<80x128xf32, #tpu.memory_space<vmem>>, vector<1x16xf32>,
          %get3A_1030 = vector.shape_cast %get3A_1029 : vector<1x16xf32> to vector<16xf32>
          %mul3A_1031 = vector.broadcast %squeeze3A_960 : f32 to vector<16xf32>
          %mul3A_1032 = arith.mulf %get3A_1030, %mul3A_1031 : vector<16xf32>
          %swap3A_1033 = arith.index_cast %add3A_956 : i32 to index
          %swap3A_1034 = arith.constant 96 : index
          %swap3A_1035 = tpu.vector_load %arg12[%swap3A_1033, %swap3A_1034] {strides = array<i32>} : memref<80x128xf32, #tpu.memory_space<vmem>>, vector<1x16xf32>,
          %swap3A_1036 = vector.shape_cast %swap3A_1035 : vector<1x16xf32> to vector<16xf32>
          %swap3A_1037 = vector.shape_cast %mul3A_1032 : vector<16xf32> to vector<1x16xf32>
          tpu.vector_store %arg12[%swap3A_1033, %swap3A_1034], %swap3A_1037 {strides = array<i32>} : memref<80x128xf32, #tpu.memory_space<vmem>>, vector<1x16xf32>,
          %get3A_1038 = arith.index_cast %add3A_956 : i32 to index
          %get3A_1039 = arith.constant 112 : index
          %get3A_1040 = tpu.vector_load %arg12[%get3A_1038, %get3A_1039] {strides = array<i32>} : memref<80x128xf32, #tpu.memory_space<vmem>>, vector<1x16xf32>,
          %get3A_1041 = vector.shape_cast %get3A_1040 : vector<1x16xf32> to vector<16xf32>
          %mul3A_1042 = vector.broadcast %squeeze3A_960 : f32 to vector<16xf32>
          %mul3A_1043 = arith.mulf %get3A_1041, %mul3A_1042 : vector<16xf32>
          %swap3A_1044 = arith.index_cast %add3A_956 : i32 to index
          %swap3A_1045 = arith.constant 112 : index
          %swap3A_1046 = tpu.vector_load %arg12[%swap3A_1044, %swap3A_1045] {strides = array<i32>} : memref<80x128xf32, #tpu.memory_space<vmem>>, vector<1x16xf32>,
          %swap3A_1047 = vector.shape_cast %swap3A_1046 : vector<1x16xf32> to vector<16xf32>
          %swap3A_1048 = vector.shape_cast %mul3A_1043 : vector<16xf32> to vector<1x16xf32>
          tpu.vector_store %arg12[%swap3A_1044, %swap3A_1045], %swap3A_1048 {strides = array<i32>} : memref<80x128xf32, #tpu.memory_space<vmem>>, vector<1x16xf32>,
          %mul3A_1049 = arith.constant 16 : i32
          %mul3A_1050 = arith.muli %add3A_81, %mul3A_1049 : i32
          %add3A_1051 = arith.constant 10 : i32
          %add3A_1052 = arith.addi %mul3A_1050, %add3A_1051 : i32
          %slice3A_1053 = vector.extract_strided_slice %get3A_88 {offsets = [10], sizes = [1], strides = [1]} : vector<16xf32> to vector<1xf32>
          %squeeze3A_1054 = vector.extract %slice3A_1053[0] : f32 from vector<1xf32>
          %slice3A_1055 = vector.extract_strided_slice %get3A_91 {offsets = [10], sizes = [1], strides = [1]} : vector<16xf32> to vector<1xf32>
          %squeeze3A_1056 = vector.extract %slice3A_1055[0] : f32 from vector<1xf32>
          %get3A_1057 = arith.index_cast %add3A_1052 : i32 to index
          %get3A_1058 = arith.constant 0 : index
          %get3A_1059 = tpu.vector_load %arg12[%get3A_1057, %get3A_1058] {strides = array<i32>} : memref<80x128xf32, #tpu.memory_space<vmem>>, vector<1x16xf32>,
          %get3A_1060 = vector.shape_cast %get3A_1059 : vector<1x16xf32> to vector<16xf32>
          %mul3A_1061 = vector.broadcast %squeeze3A_1054 : f32 to vector<16xf32>
          %mul3A_1062 = arith.mulf %get3A_1060, %mul3A_1061 : vector<16xf32>
          %swap3A_1063 = arith.index_cast %add3A_1052 : i32 to index
          %swap3A_1064 = arith.constant 0 : index
          %swap3A_1065 = tpu.vector_load %arg12[%swap3A_1063, %swap3A_1064] {strides = array<i32>} : memref<80x128xf32, #tpu.memory_space<vmem>>, vector<1x16xf32>,
          %swap3A_1066 = vector.shape_cast %swap3A_1065 : vector<1x16xf32> to vector<16xf32>
          %swap3A_1067 = vector.shape_cast %mul3A_1062 : vector<16xf32> to vector<1x16xf32>
          tpu.vector_store %arg12[%swap3A_1063, %swap3A_1064], %swap3A_1067 {strides = array<i32>} : memref<80x128xf32, #tpu.memory_space<vmem>>, vector<1x16xf32>,
          %get3A_1068 = arith.index_cast %add3A_1052 : i32 to index
          %get3A_1069 = arith.constant 16 : index
          %get3A_1070 = tpu.vector_load %arg12[%get3A_1068, %get3A_1069] {strides = array<i32>} : memref<80x128xf32, #tpu.memory_space<vmem>>, vector<1x16xf32>,
          %get3A_1071 = vector.shape_cast %get3A_1070 : vector<1x16xf32> to vector<16xf32>
          %mul3A_1072 = vector.broadcast %squeeze3A_1054 : f32 to vector<16xf32>
          %mul3A_1073 = arith.mulf %get3A_1071, %mul3A_1072 : vector<16xf32>
          %swap3A_1074 = arith.index_cast %add3A_1052 : i32 to index
          %swap3A_1075 = arith.constant 16 : index
          %swap3A_1076 = tpu.vector_load %arg12[%swap3A_1074, %swap3A_1075] {strides = array<i32>} : memref<80x128xf32, #tpu.memory_space<vmem>>, vector<1x16xf32>,
          %swap3A_1077 = vector.shape_cast %swap3A_1076 : vector<1x16xf32> to vector<16xf32>
          %swap3A_1078 = vector.shape_cast %mul3A_1073 : vector<16xf32> to vector<1x16xf32>
          tpu.vector_store %arg12[%swap3A_1074, %swap3A_1075], %swap3A_1078 {strides = array<i32>} : memref<80x128xf32, #tpu.memory_space<vmem>>, vector<1x16xf32>,
          %get3A_1079 = arith.index_cast %add3A_1052 : i32 to index
          %get3A_1080 = arith.constant 32 : index
          %get3A_1081 = tpu.vector_load %arg12[%get3A_1079, %get3A_1080] {strides = array<i32>} : memref<80x128xf32, #tpu.memory_space<vmem>>, vector<1x16xf32>,
          %get3A_1082 = vector.shape_cast %get3A_1081 : vector<1x16xf32> to vector<16xf32>
          %mul3A_1083 = vector.broadcast %squeeze3A_1054 : f32 to vector<16xf32>
          %mul3A_1084 = arith.mulf %get3A_1082, %mul3A_1083 : vector<16xf32>
          %swap3A_1085 = arith.index_cast %add3A_1052 : i32 to index
          %swap3A_1086 = arith.constant 32 : index
          %swap3A_1087 = tpu.vector_load %arg12[%swap3A_1085, %swap3A_1086] {strides = array<i32>} : memref<80x128xf32, #tpu.memory_space<vmem>>, vector<1x16xf32>,
          %swap3A_1088 = vector.shape_cast %swap3A_1087 : vector<1x16xf32> to vector<16xf32>
          %swap3A_1089 = vector.shape_cast %mul3A_1084 : vector<16xf32> to vector<1x16xf32>
          tpu.vector_store %arg12[%swap3A_1085, %swap3A_1086], %swap3A_1089 {strides = array<i32>} : memref<80x128xf32, #tpu.memory_space<vmem>>, vector<1x16xf32>,
          %get3A_1090 = arith.index_cast %add3A_1052 : i32 to index
          %get3A_1091 = arith.constant 48 : index
          %get3A_1092 = tpu.vector_load %arg12[%get3A_1090, %get3A_1091] {strides = array<i32>} : memref<80x128xf32, #tpu.memory_space<vmem>>, vector<1x16xf32>,
          %get3A_1093 = vector.shape_cast %get3A_1092 : vector<1x16xf32> to vector<16xf32>
          %mul3A_1094 = vector.broadcast %squeeze3A_1054 : f32 to vector<16xf32>
          %mul3A_1095 = arith.mulf %get3A_1093, %mul3A_1094 : vector<16xf32>
          %swap3A_1096 = arith.index_cast %add3A_1052 : i32 to index
          %swap3A_1097 = arith.constant 48 : index
          %swap3A_1098 = tpu.vector_load %arg12[%swap3A_1096, %swap3A_1097] {strides = array<i32>} : memref<80x128xf32, #tpu.memory_space<vmem>>, vector<1x16xf32>,
          %swap3A_1099 = vector.shape_cast %swap3A_1098 : vector<1x16xf32> to vector<16xf32>
          %swap3A_1100 = vector.shape_cast %mul3A_1095 : vector<16xf32> to vector<1x16xf32>
          tpu.vector_store %arg12[%swap3A_1096, %swap3A_1097], %swap3A_1100 {strides = array<i32>} : memref<80x128xf32, #tpu.memory_space<vmem>>, vector<1x16xf32>,
          %get3A_1101 = arith.index_cast %add3A_1052 : i32 to index
          %get3A_1102 = arith.constant 64 : index
          %get3A_1103 = tpu.vector_load %arg12[%get3A_1101, %get3A_1102] {strides = array<i32>} : memref<80x128xf32, #tpu.memory_space<vmem>>, vector<1x16xf32>,
          %get3A_1104 = vector.shape_cast %get3A_1103 : vector<1x16xf32> to vector<16xf32>
          %mul3A_1105 = vector.broadcast %squeeze3A_1056 : f32 to vector<16xf32>
          %mul3A_1106 = arith.mulf %get3A_1104, %mul3A_1105 : vector<16xf32>
          %swap3A_1107 = arith.index_cast %add3A_1052 : i32 to index
          %swap3A_1108 = arith.constant 64 : index
          %swap3A_1109 = tpu.vector_load %arg12[%swap3A_1107, %swap3A_1108] {strides = array<i32>} : memref<80x128xf32, #tpu.memory_space<vmem>>, vector<1x16xf32>,
          %swap3A_1110 = vector.shape_cast %swap3A_1109 : vector<1x16xf32> to vector<16xf32>
          %swap3A_1111 = vector.shape_cast %mul3A_1106 : vector<16xf32> to vector<1x16xf32>
          tpu.vector_store %arg12[%swap3A_1107, %swap3A_1108], %swap3A_1111 {strides = array<i32>} : memref<80x128xf32, #tpu.memory_space<vmem>>, vector<1x16xf32>,
          %get3A_1112 = arith.index_cast %add3A_1052 : i32 to index
          %get3A_1113 = arith.constant 80 : index
          %get3A_1114 = tpu.vector_load %arg12[%get3A_1112, %get3A_1113] {strides = array<i32>} : memref<80x128xf32, #tpu.memory_space<vmem>>, vector<1x16xf32>,
          %get3A_1115 = vector.shape_cast %get3A_1114 : vector<1x16xf32> to vector<16xf32>
          %mul3A_1116 = vector.broadcast %squeeze3A_1056 : f32 to vector<16xf32>
          %mul3A_1117 = arith.mulf %get3A_1115, %mul3A_1116 : vector<16xf32>
          %swap3A_1118 = arith.index_cast %add3A_1052 : i32 to index
          %swap3A_1119 = arith.constant 80 : index
          %swap3A_1120 = tpu.vector_load %arg12[%swap3A_1118, %swap3A_1119] {strides = array<i32>} : memref<80x128xf32, #tpu.memory_space<vmem>>, vector<1x16xf32>,
          %swap3A_1121 = vector.shape_cast %swap3A_1120 : vector<1x16xf32> to vector<16xf32>
          %swap3A_1122 = vector.shape_cast %mul3A_1117 : vector<16xf32> to vector<1x16xf32>
          tpu.vector_store %arg12[%swap3A_1118, %swap3A_1119], %swap3A_1122 {strides = array<i32>} : memref<80x128xf32, #tpu.memory_space<vmem>>, vector<1x16xf32>,
          %get3A_1123 = arith.index_cast %add3A_1052 : i32 to index
          %get3A_1124 = arith.constant 96 : index
          %get3A_1125 = tpu.vector_load %arg12[%get3A_1123, %get3A_1124] {strides = array<i32>} : memref<80x128xf32, #tpu.memory_space<vmem>>, vector<1x16xf32>,
          %get3A_1126 = vector.shape_cast %get3A_1125 : vector<1x16xf32> to vector<16xf32>
          %mul3A_1127 = vector.broadcast %squeeze3A_1056 : f32 to vector<16xf32>
          %mul3A_1128 = arith.mulf %get3A_1126, %mul3A_1127 : vector<16xf32>
          %swap3A_1129 = arith.index_cast %add3A_1052 : i32 to index
          %swap3A_1130 = arith.constant 96 : index
          %swap3A_1131 = tpu.vector_load %arg12[%swap3A_1129, %swap3A_1130] {strides = array<i32>} : memref<80x128xf32, #tpu.memory_space<vmem>>, vector<1x16xf32>,
          %swap3A_1132 = vector.shape_cast %swap3A_1131 : vector<1x16xf32> to vector<16xf32>
          %swap3A_1133 = vector.shape_cast %mul3A_1128 : vector<16xf32> to vector<1x16xf32>
          tpu.vector_store %arg12[%swap3A_1129, %swap3A_1130], %swap3A_1133 {strides = array<i32>} : memref<80x128xf32, #tpu.memory_space<vmem>>, vector<1x16xf32>,
          %get3A_1134 = arith.index_cast %add3A_1052 : i32 to index
          %get3A_1135 = arith.constant 112 : index
          %get3A_1136 = tpu.vector_load %arg12[%get3A_1134, %get3A_1135] {strides = array<i32>} : memref<80x128xf32, #tpu.memory_space<vmem>>, vector<1x16xf32>,
          %get3A_1137 = vector.shape_cast %get3A_1136 : vector<1x16xf32> to vector<16xf32>
          %mul3A_1138 = vector.broadcast %squeeze3A_1056 : f32 to vector<16xf32>
          %mul3A_1139 = arith.mulf %get3A_1137, %mul3A_1138 : vector<16xf32>
          %swap3A_1140 = arith.index_cast %add3A_1052 : i32 to index
          %swap3A_1141 = arith.constant 112 : index
          %swap3A_1142 = tpu.vector_load %arg12[%swap3A_1140, %swap3A_1141] {strides = array<i32>} : memref<80x128xf32, #tpu.memory_space<vmem>>, vector<1x16xf32>,
          %swap3A_1143 = vector.shape_cast %swap3A_1142 : vector<1x16xf32> to vector<16xf32>
          %swap3A_1144 = vector.shape_cast %mul3A_1139 : vector<16xf32> to vector<1x16xf32>
          tpu.vector_store %arg12[%swap3A_1140, %swap3A_1141], %swap3A_1144 {strides = array<i32>} : memref<80x128xf32, #tpu.memory_space<vmem>>, vector<1x16xf32>,
          %mul3A_1145 = arith.constant 16 : i32
          %mul3A_1146 = arith.muli %add3A_81, %mul3A_1145 : i32
          %add3A_1147 = arith.constant 11 : i32
          %add3A_1148 = arith.addi %mul3A_1146, %add3A_1147 : i32
          %slice3A_1149 = vector.extract_strided_slice %get3A_88 {offsets = [11], sizes = [1], strides = [1]} : vector<16xf32> to vector<1xf32>
          %squeeze3A_1150 = vector.extract %slice3A_1149[0] : f32 from vector<1xf32>
          %slice3A_1151 = vector.extract_strided_slice %get3A_91 {offsets = [11], sizes = [1], strides = [1]} : vector<16xf32> to vector<1xf32>
          %squeeze3A_1152 = vector.extract %slice3A_1151[0] : f32 from vector<1xf32>
          %get3A_1153 = arith.index_cast %add3A_1148 : i32 to index
          %get3A_1154 = arith.constant 0 : index
          %get3A_1155 = tpu.vector_load %arg12[%get3A_1153, %get3A_1154] {strides = array<i32>} : memref<80x128xf32, #tpu.memory_space<vmem>>, vector<1x16xf32>,
          %get3A_1156 = vector.shape_cast %get3A_1155 : vector<1x16xf32> to vector<16xf32>
          %mul3A_1157 = vector.broadcast %squeeze3A_1150 : f32 to vector<16xf32>
          %mul3A_1158 = arith.mulf %get3A_1156, %mul3A_1157 : vector<16xf32>
          %swap3A_1159 = arith.index_cast %add3A_1148 : i32 to index
          %swap3A_1160 = arith.constant 0 : index
          %swap3A_1161 = tpu.vector_load %arg12[%swap3A_1159, %swap3A_1160] {strides = array<i32>} : memref<80x128xf32, #tpu.memory_space<vmem>>, vector<1x16xf32>,
          %swap3A_1162 = vector.shape_cast %swap3A_1161 : vector<1x16xf32> to vector<16xf32>
          %swap3A_1163 = vector.shape_cast %mul3A_1158 : vector<16xf32> to vector<1x16xf32>
          tpu.vector_store %arg12[%swap3A_1159, %swap3A_1160], %swap3A_1163 {strides = array<i32>} : memref<80x128xf32, #tpu.memory_space<vmem>>, vector<1x16xf32>,
          %get3A_1164 = arith.index_cast %add3A_1148 : i32 to index
          %get3A_1165 = arith.constant 16 : index
          %get3A_1166 = tpu.vector_load %arg12[%get3A_1164, %get3A_1165] {strides = array<i32>} : memref<80x128xf32, #tpu.memory_space<vmem>>, vector<1x16xf32>,
          %get3A_1167 = vector.shape_cast %get3A_1166 : vector<1x16xf32> to vector<16xf32>
          %mul3A_1168 = vector.broadcast %squeeze3A_1150 : f32 to vector<16xf32>
          %mul3A_1169 = arith.mulf %get3A_1167, %mul3A_1168 : vector<16xf32>
          %swap3A_1170 = arith.index_cast %add3A_1148 : i32 to index
          %swap3A_1171 = arith.constant 16 : index
          %swap3A_1172 = tpu.vector_load %arg12[%swap3A_1170, %swap3A_1171] {strides = array<i32>} : memref<80x128xf32, #tpu.memory_space<vmem>>, vector<1x16xf32>,
          %swap3A_1173 = vector.shape_cast %swap3A_1172 : vector<1x16xf32> to vector<16xf32>
          %swap3A_1174 = vector.shape_cast %mul3A_1169 : vector<16xf32> to vector<1x16xf32>
          tpu.vector_store %arg12[%swap3A_1170, %swap3A_1171], %swap3A_1174 {strides = array<i32>} : memref<80x128xf32, #tpu.memory_space<vmem>>, vector<1x16xf32>,
          %get3A_1175 = arith.index_cast %add3A_1148 : i32 to index
          %get3A_1176 = arith.constant 32 : index
          %get3A_1177 = tpu.vector_load %arg12[%get3A_1175, %get3A_1176] {strides = array<i32>} : memref<80x128xf32, #tpu.memory_space<vmem>>, vector<1x16xf32>,
          %get3A_1178 = vector.shape_cast %get3A_1177 : vector<1x16xf32> to vector<16xf32>
          %mul3A_1179 = vector.broadcast %squeeze3A_1150 : f32 to vector<16xf32>
          %mul3A_1180 = arith.mulf %get3A_1178, %mul3A_1179 : vector<16xf32>
          %swap3A_1181 = arith.index_cast %add3A_1148 : i32 to index
          %swap3A_1182 = arith.constant 32 : index
          %swap3A_1183 = tpu.vector_load %arg12[%swap3A_1181, %swap3A_1182] {strides = array<i32>} : memref<80x128xf32, #tpu.memory_space<vmem>>, vector<1x16xf32>,
          %swap3A_1184 = vector.shape_cast %swap3A_1183 : vector<1x16xf32> to vector<16xf32>
          %swap3A_1185 = vector.shape_cast %mul3A_1180 : vector<16xf32> to vector<1x16xf32>
          tpu.vector_store %arg12[%swap3A_1181, %swap3A_1182], %swap3A_1185 {strides = array<i32>} : memref<80x128xf32, #tpu.memory_space<vmem>>, vector<1x16xf32>,
          %get3A_1186 = arith.index_cast %add3A_1148 : i32 to index
          %get3A_1187 = arith.constant 48 : index
          %get3A_1188 = tpu.vector_load %arg12[%get3A_1186, %get3A_1187] {strides = array<i32>} : memref<80x128xf32, #tpu.memory_space<vmem>>, vector<1x16xf32>,
          %get3A_1189 = vector.shape_cast %get3A_1188 : vector<1x16xf32> to vector<16xf32>
          %mul3A_1190 = vector.broadcast %squeeze3A_1150 : f32 to vector<16xf32>
          %mul3A_1191 = arith.mulf %get3A_1189, %mul3A_1190 : vector<16xf32>
          %swap3A_1192 = arith.index_cast %add3A_1148 : i32 to index
          %swap3A_1193 = arith.constant 48 : index
          %swap3A_1194 = tpu.vector_load %arg12[%swap3A_1192, %swap3A_1193] {strides = array<i32>} : memref<80x128xf32, #tpu.memory_space<vmem>>, vector<1x16xf32>,
          %swap3A_1195 = vector.shape_cast %swap3A_1194 : vector<1x16xf32> to vector<16xf32>
          %swap3A_1196 = vector.shape_cast %mul3A_1191 : vector<16xf32> to vector<1x16xf32>
          tpu.vector_store %arg12[%swap3A_1192, %swap3A_1193], %swap3A_1196 {strides = array<i32>} : memref<80x128xf32, #tpu.memory_space<vmem>>, vector<1x16xf32>,
          %get3A_1197 = arith.index_cast %add3A_1148 : i32 to index
          %get3A_1198 = arith.constant 64 : index
          %get3A_1199 = tpu.vector_load %arg12[%get3A_1197, %get3A_1198] {strides = array<i32>} : memref<80x128xf32, #tpu.memory_space<vmem>>, vector<1x16xf32>,
          %get3A_1200 = vector.shape_cast %get3A_1199 : vector<1x16xf32> to vector<16xf32>
          %mul3A_1201 = vector.broadcast %squeeze3A_1152 : f32 to vector<16xf32>
          %mul3A_1202 = arith.mulf %get3A_1200, %mul3A_1201 : vector<16xf32>
          %swap3A_1203 = arith.index_cast %add3A_1148 : i32 to index
          %swap3A_1204 = arith.constant 64 : index
          %swap3A_1205 = tpu.vector_load %arg12[%swap3A_1203, %swap3A_1204] {strides = array<i32>} : memref<80x128xf32, #tpu.memory_space<vmem>>, vector<1x16xf32>,
          %swap3A_1206 = vector.shape_cast %swap3A_1205 : vector<1x16xf32> to vector<16xf32>
          %swap3A_1207 = vector.shape_cast %mul3A_1202 : vector<16xf32> to vector<1x16xf32>
          tpu.vector_store %arg12[%swap3A_1203, %swap3A_1204], %swap3A_1207 {strides = array<i32>} : memref<80x128xf32, #tpu.memory_space<vmem>>, vector<1x16xf32>,
          %get3A_1208 = arith.index_cast %add3A_1148 : i32 to index
          %get3A_1209 = arith.constant 80 : index
          %get3A_1210 = tpu.vector_load %arg12[%get3A_1208, %get3A_1209] {strides = array<i32>} : memref<80x128xf32, #tpu.memory_space<vmem>>, vector<1x16xf32>,
          %get3A_1211 = vector.shape_cast %get3A_1210 : vector<1x16xf32> to vector<16xf32>
          %mul3A_1212 = vector.broadcast %squeeze3A_1152 : f32 to vector<16xf32>
          %mul3A_1213 = arith.mulf %get3A_1211, %mul3A_1212 : vector<16xf32>
          %swap3A_1214 = arith.index_cast %add3A_1148 : i32 to index
          %swap3A_1215 = arith.constant 80 : index
          %swap3A_1216 = tpu.vector_load %arg12[%swap3A_1214, %swap3A_1215] {strides = array<i32>} : memref<80x128xf32, #tpu.memory_space<vmem>>, vector<1x16xf32>,
          %swap3A_1217 = vector.shape_cast %swap3A_1216 : vector<1x16xf32> to vector<16xf32>
          %swap3A_1218 = vector.shape_cast %mul3A_1213 : vector<16xf32> to vector<1x16xf32>
          tpu.vector_store %arg12[%swap3A_1214, %swap3A_1215], %swap3A_1218 {strides = array<i32>} : memref<80x128xf32, #tpu.memory_space<vmem>>, vector<1x16xf32>,
          %get3A_1219 = arith.index_cast %add3A_1148 : i32 to index
          %get3A_1220 = arith.constant 96 : index
          %get3A_1221 = tpu.vector_load %arg12[%get3A_1219, %get3A_1220] {strides = array<i32>} : memref<80x128xf32, #tpu.memory_space<vmem>>, vector<1x16xf32>,
          %get3A_1222 = vector.shape_cast %get3A_1221 : vector<1x16xf32> to vector<16xf32>
          %mul3A_1223 = vector.broadcast %squeeze3A_1152 : f32 to vector<16xf32>
          %mul3A_1224 = arith.mulf %get3A_1222, %mul3A_1223 : vector<16xf32>
          %swap3A_1225 = arith.index_cast %add3A_1148 : i32 to index
          %swap3A_1226 = arith.constant 96 : index
          %swap3A_1227 = tpu.vector_load %arg12[%swap3A_1225, %swap3A_1226] {strides = array<i32>} : memref<80x128xf32, #tpu.memory_space<vmem>>, vector<1x16xf32>,
          %swap3A_1228 = vector.shape_cast %swap3A_1227 : vector<1x16xf32> to vector<16xf32>
          %swap3A_1229 = vector.shape_cast %mul3A_1224 : vector<16xf32> to vector<1x16xf32>
          tpu.vector_store %arg12[%swap3A_1225, %swap3A_1226], %swap3A_1229 {strides = array<i32>} : memref<80x128xf32, #tpu.memory_space<vmem>>, vector<1x16xf32>,
          %get3A_1230 = arith.index_cast %add3A_1148 : i32 to index
          %get3A_1231 = arith.constant 112 : index
          %get3A_1232 = tpu.vector_load %arg12[%get3A_1230, %get3A_1231] {strides = array<i32>} : memref<80x128xf32, #tpu.memory_space<vmem>>, vector<1x16xf32>,
          %get3A_1233 = vector.shape_cast %get3A_1232 : vector<1x16xf32> to vector<16xf32>
          %mul3A_1234 = vector.broadcast %squeeze3A_1152 : f32 to vector<16xf32>
          %mul3A_1235 = arith.mulf %get3A_1233, %mul3A_1234 : vector<16xf32>
          %swap3A_1236 = arith.index_cast %add3A_1148 : i32 to index
          %swap3A_1237 = arith.constant 112 : index
          %swap3A_1238 = tpu.vector_load %arg12[%swap3A_1236, %swap3A_1237] {strides = array<i32>} : memref<80x128xf32, #tpu.memory_space<vmem>>, vector<1x16xf32>,
          %swap3A_1239 = vector.shape_cast %swap3A_1238 : vector<1x16xf32> to vector<16xf32>
          %swap3A_1240 = vector.shape_cast %mul3A_1235 : vector<16xf32> to vector<1x16xf32>
          tpu.vector_store %arg12[%swap3A_1236, %swap3A_1237], %swap3A_1240 {strides = array<i32>} : memref<80x128xf32, #tpu.memory_space<vmem>>, vector<1x16xf32>,
          %mul3A_1241 = arith.constant 16 : i32
          %mul3A_1242 = arith.muli %add3A_81, %mul3A_1241 : i32
          %add3A_1243 = arith.constant 12 : i32
          %add3A_1244 = arith.addi %mul3A_1242, %add3A_1243 : i32
          %slice3A_1245 = vector.extract_strided_slice %get3A_88 {offsets = [12], sizes = [1], strides = [1]} : vector<16xf32> to vector<1xf32>
          %squeeze3A_1246 = vector.extract %slice3A_1245[0] : f32 from vector<1xf32>
          %slice3A_1247 = vector.extract_strided_slice %get3A_91 {offsets = [12], sizes = [1], strides = [1]} : vector<16xf32> to vector<1xf32>
          %squeeze3A_1248 = vector.extract %slice3A_1247[0] : f32 from vector<1xf32>
          %get3A_1249 = arith.index_cast %add3A_1244 : i32 to index
          %get3A_1250 = arith.constant 0 : index
          %get3A_1251 = tpu.vector_load %arg12[%get3A_1249, %get3A_1250] {strides = array<i32>} : memref<80x128xf32, #tpu.memory_space<vmem>>, vector<1x16xf32>,
          %get3A_1252 = vector.shape_cast %get3A_1251 : vector<1x16xf32> to vector<16xf32>
          %mul3A_1253 = vector.broadcast %squeeze3A_1246 : f32 to vector<16xf32>
          %mul3A_1254 = arith.mulf %get3A_1252, %mul3A_1253 : vector<16xf32>
          %swap3A_1255 = arith.index_cast %add3A_1244 : i32 to index
          %swap3A_1256 = arith.constant 0 : index
          %swap3A_1257 = tpu.vector_load %arg12[%swap3A_1255, %swap3A_1256] {strides = array<i32>} : memref<80x128xf32, #tpu.memory_space<vmem>>, vector<1x16xf32>,
          %swap3A_1258 = vector.shape_cast %swap3A_1257 : vector<1x16xf32> to vector<16xf32>
          %swap3A_1259 = vector.shape_cast %mul3A_1254 : vector<16xf32> to vector<1x16xf32>
          tpu.vector_store %arg12[%swap3A_1255, %swap3A_1256], %swap3A_1259 {strides = array<i32>} : memref<80x128xf32, #tpu.memory_space<vmem>>, vector<1x16xf32>,
          %get3A_1260 = arith.index_cast %add3A_1244 : i32 to index
          %get3A_1261 = arith.constant 16 : index
          %get3A_1262 = tpu.vector_load %arg12[%get3A_1260, %get3A_1261] {strides = array<i32>} : memref<80x128xf32, #tpu.memory_space<vmem>>, vector<1x16xf32>,
          %get3A_1263 = vector.shape_cast %get3A_1262 : vector<1x16xf32> to vector<16xf32>
          %mul3A_1264 = vector.broadcast %squeeze3A_1246 : f32 to vector<16xf32>
          %mul3A_1265 = arith.mulf %get3A_1263, %mul3A_1264 : vector<16xf32>
          %swap3A_1266 = arith.index_cast %add3A_1244 : i32 to index
          %swap3A_1267 = arith.constant 16 : index
          %swap3A_1268 = tpu.vector_load %arg12[%swap3A_1266, %swap3A_1267] {strides = array<i32>} : memref<80x128xf32, #tpu.memory_space<vmem>>, vector<1x16xf32>,
          %swap3A_1269 = vector.shape_cast %swap3A_1268 : vector<1x16xf32> to vector<16xf32>
          %swap3A_1270 = vector.shape_cast %mul3A_1265 : vector<16xf32> to vector<1x16xf32>
          tpu.vector_store %arg12[%swap3A_1266, %swap3A_1267], %swap3A_1270 {strides = array<i32>} : memref<80x128xf32, #tpu.memory_space<vmem>>, vector<1x16xf32>,
          %get3A_1271 = arith.index_cast %add3A_1244 : i32 to index
          %get3A_1272 = arith.constant 32 : index
          %get3A_1273 = tpu.vector_load %arg12[%get3A_1271, %get3A_1272] {strides = array<i32>} : memref<80x128xf32, #tpu.memory_space<vmem>>, vector<1x16xf32>,
          %get3A_1274 = vector.shape_cast %get3A_1273 : vector<1x16xf32> to vector<16xf32>
          %mul3A_1275 = vector.broadcast %squeeze3A_1246 : f32 to vector<16xf32>
          %mul3A_1276 = arith.mulf %get3A_1274, %mul3A_1275 : vector<16xf32>
          %swap3A_1277 = arith.index_cast %add3A_1244 : i32 to index
          %swap3A_1278 = arith.constant 32 : index
          %swap3A_1279 = tpu.vector_load %arg12[%swap3A_1277, %swap3A_1278] {strides = array<i32>} : memref<80x128xf32, #tpu.memory_space<vmem>>, vector<1x16xf32>,
          %swap3A_1280 = vector.shape_cast %swap3A_1279 : vector<1x16xf32> to vector<16xf32>
          %swap3A_1281 = vector.shape_cast %mul3A_1276 : vector<16xf32> to vector<1x16xf32>
          tpu.vector_store %arg12[%swap3A_1277, %swap3A_1278], %swap3A_1281 {strides = array<i32>} : memref<80x128xf32, #tpu.memory_space<vmem>>, vector<1x16xf32>,
          %get3A_1282 = arith.index_cast %add3A_1244 : i32 to index
          %get3A_1283 = arith.constant 48 : index
          %get3A_1284 = tpu.vector_load %arg12[%get3A_1282, %get3A_1283] {strides = array<i32>} : memref<80x128xf32, #tpu.memory_space<vmem>>, vector<1x16xf32>,
          %get3A_1285 = vector.shape_cast %get3A_1284 : vector<1x16xf32> to vector<16xf32>
          %mul3A_1286 = vector.broadcast %squeeze3A_1246 : f32 to vector<16xf32>
          %mul3A_1287 = arith.mulf %get3A_1285, %mul3A_1286 : vector<16xf32>
          %swap3A_1288 = arith.index_cast %add3A_1244 : i32 to index
          %swap3A_1289 = arith.constant 48 : index
          %swap3A_1290 = tpu.vector_load %arg12[%swap3A_1288, %swap3A_1289] {strides = array<i32>} : memref<80x128xf32, #tpu.memory_space<vmem>>, vector<1x16xf32>,
          %swap3A_1291 = vector.shape_cast %swap3A_1290 : vector<1x16xf32> to vector<16xf32>
          %swap3A_1292 = vector.shape_cast %mul3A_1287 : vector<16xf32> to vector<1x16xf32>
          tpu.vector_store %arg12[%swap3A_1288, %swap3A_1289], %swap3A_1292 {strides = array<i32>} : memref<80x128xf32, #tpu.memory_space<vmem>>, vector<1x16xf32>,
          %get3A_1293 = arith.index_cast %add3A_1244 : i32 to index
          %get3A_1294 = arith.constant 64 : index
          %get3A_1295 = tpu.vector_load %arg12[%get3A_1293, %get3A_1294] {strides = array<i32>} : memref<80x128xf32, #tpu.memory_space<vmem>>, vector<1x16xf32>,
          %get3A_1296 = vector.shape_cast %get3A_1295 : vector<1x16xf32> to vector<16xf32>
          %mul3A_1297 = vector.broadcast %squeeze3A_1248 : f32 to vector<16xf32>
          %mul3A_1298 = arith.mulf %get3A_1296, %mul3A_1297 : vector<16xf32>
          %swap3A_1299 = arith.index_cast %add3A_1244 : i32 to index
          %swap3A_1300 = arith.constant 64 : index
          %swap3A_1301 = tpu.vector_load %arg12[%swap3A_1299, %swap3A_1300] {strides = array<i32>} : memref<80x128xf32, #tpu.memory_space<vmem>>, vector<1x16xf32>,
          %swap3A_1302 = vector.shape_cast %swap3A_1301 : vector<1x16xf32> to vector<16xf32>
          %swap3A_1303 = vector.shape_cast %mul3A_1298 : vector<16xf32> to vector<1x16xf32>
          tpu.vector_store %arg12[%swap3A_1299, %swap3A_1300], %swap3A_1303 {strides = array<i32>} : memref<80x128xf32, #tpu.memory_space<vmem>>, vector<1x16xf32>,
          %get3A_1304 = arith.index_cast %add3A_1244 : i32 to index
          %get3A_1305 = arith.constant 80 : index
          %get3A_1306 = tpu.vector_load %arg12[%get3A_1304, %get3A_1305] {strides = array<i32>} : memref<80x128xf32, #tpu.memory_space<vmem>>, vector<1x16xf32>,
          %get3A_1307 = vector.shape_cast %get3A_1306 : vector<1x16xf32> to vector<16xf32>
          %mul3A_1308 = vector.broadcast %squeeze3A_1248 : f32 to vector<16xf32>
          %mul3A_1309 = arith.mulf %get3A_1307, %mul3A_1308 : vector<16xf32>
          %swap3A_1310 = arith.index_cast %add3A_1244 : i32 to index
          %swap3A_1311 = arith.constant 80 : index
          %swap3A_1312 = tpu.vector_load %arg12[%swap3A_1310, %swap3A_1311] {strides = array<i32>} : memref<80x128xf32, #tpu.memory_space<vmem>>, vector<1x16xf32>,
          %swap3A_1313 = vector.shape_cast %swap3A_1312 : vector<1x16xf32> to vector<16xf32>
          %swap3A_1314 = vector.shape_cast %mul3A_1309 : vector<16xf32> to vector<1x16xf32>
          tpu.vector_store %arg12[%swap3A_1310, %swap3A_1311], %swap3A_1314 {strides = array<i32>} : memref<80x128xf32, #tpu.memory_space<vmem>>, vector<1x16xf32>,
          %get3A_1315 = arith.index_cast %add3A_1244 : i32 to index
          %get3A_1316 = arith.constant 96 : index
          %get3A_1317 = tpu.vector_load %arg12[%get3A_1315, %get3A_1316] {strides = array<i32>} : memref<80x128xf32, #tpu.memory_space<vmem>>, vector<1x16xf32>,
          %get3A_1318 = vector.shape_cast %get3A_1317 : vector<1x16xf32> to vector<16xf32>
          %mul3A_1319 = vector.broadcast %squeeze3A_1248 : f32 to vector<16xf32>
          %mul3A_1320 = arith.mulf %get3A_1318, %mul3A_1319 : vector<16xf32>
          %swap3A_1321 = arith.index_cast %add3A_1244 : i32 to index
          %swap3A_1322 = arith.constant 96 : index
          %swap3A_1323 = tpu.vector_load %arg12[%swap3A_1321, %swap3A_1322] {strides = array<i32>} : memref<80x128xf32, #tpu.memory_space<vmem>>, vector<1x16xf32>,
          %swap3A_1324 = vector.shape_cast %swap3A_1323 : vector<1x16xf32> to vector<16xf32>
          %swap3A_1325 = vector.shape_cast %mul3A_1320 : vector<16xf32> to vector<1x16xf32>
          tpu.vector_store %arg12[%swap3A_1321, %swap3A_1322], %swap3A_1325 {strides = array<i32>} : memref<80x128xf32, #tpu.memory_space<vmem>>, vector<1x16xf32>,
          %get3A_1326 = arith.index_cast %add3A_1244 : i32 to index
          %get3A_1327 = arith.constant 112 : index
          %get3A_1328 = tpu.vector_load %arg12[%get3A_1326, %get3A_1327] {strides = array<i32>} : memref<80x128xf32, #tpu.memory_space<vmem>>, vector<1x16xf32>,
          %get3A_1329 = vector.shape_cast %get3A_1328 : vector<1x16xf32> to vector<16xf32>
          %mul3A_1330 = vector.broadcast %squeeze3A_1248 : f32 to vector<16xf32>
          %mul3A_1331 = arith.mulf %get3A_1329, %mul3A_1330 : vector<16xf32>
          %swap3A_1332 = arith.index_cast %add3A_1244 : i32 to index
          %swap3A_1333 = arith.constant 112 : index
          %swap3A_1334 = tpu.vector_load %arg12[%swap3A_1332, %swap3A_1333] {strides = array<i32>} : memref<80x128xf32, #tpu.memory_space<vmem>>, vector<1x16xf32>,
          %swap3A_1335 = vector.shape_cast %swap3A_1334 : vector<1x16xf32> to vector<16xf32>
          %swap3A_1336 = vector.shape_cast %mul3A_1331 : vector<16xf32> to vector<1x16xf32>
          tpu.vector_store %arg12[%swap3A_1332, %swap3A_1333], %swap3A_1336 {strides = array<i32>} : memref<80x128xf32, #tpu.memory_space<vmem>>, vector<1x16xf32>,
          %mul3A_1337 = arith.constant 16 : i32
          %mul3A_1338 = arith.muli %add3A_81, %mul3A_1337 : i32
          %add3A_1339 = arith.constant 13 : i32
          %add3A_1340 = arith.addi %mul3A_1338, %add3A_1339 : i32
          %slice3A_1341 = vector.extract_strided_slice %get3A_88 {offsets = [13], sizes = [1], strides = [1]} : vector<16xf32> to vector<1xf32>
          %squeeze3A_1342 = vector.extract %slice3A_1341[0] : f32 from vector<1xf32>
          %slice3A_1343 = vector.extract_strided_slice %get3A_91 {offsets = [13], sizes = [1], strides = [1]} : vector<16xf32> to vector<1xf32>
          %squeeze3A_1344 = vector.extract %slice3A_1343[0] : f32 from vector<1xf32>
          %get3A_1345 = arith.index_cast %add3A_1340 : i32 to index
          %get3A_1346 = arith.constant 0 : index
          %get3A_1347 = tpu.vector_load %arg12[%get3A_1345, %get3A_1346] {strides = array<i32>} : memref<80x128xf32, #tpu.memory_space<vmem>>, vector<1x16xf32>,
          %get3A_1348 = vector.shape_cast %get3A_1347 : vector<1x16xf32> to vector<16xf32>
          %mul3A_1349 = vector.broadcast %squeeze3A_1342 : f32 to vector<16xf32>
          %mul3A_1350 = arith.mulf %get3A_1348, %mul3A_1349 : vector<16xf32>
          %swap3A_1351 = arith.index_cast %add3A_1340 : i32 to index
          %swap3A_1352 = arith.constant 0 : index
          %swap3A_1353 = tpu.vector_load %arg12[%swap3A_1351, %swap3A_1352] {strides = array<i32>} : memref<80x128xf32, #tpu.memory_space<vmem>>, vector<1x16xf32>,
          %swap3A_1354 = vector.shape_cast %swap3A_1353 : vector<1x16xf32> to vector<16xf32>
          %swap3A_1355 = vector.shape_cast %mul3A_1350 : vector<16xf32> to vector<1x16xf32>
          tpu.vector_store %arg12[%swap3A_1351, %swap3A_1352], %swap3A_1355 {strides = array<i32>} : memref<80x128xf32, #tpu.memory_space<vmem>>, vector<1x16xf32>,
          %get3A_1356 = arith.index_cast %add3A_1340 : i32 to index
          %get3A_1357 = arith.constant 16 : index
          %get3A_1358 = tpu.vector_load %arg12[%get3A_1356, %get3A_1357] {strides = array<i32>} : memref<80x128xf32, #tpu.memory_space<vmem>>, vector<1x16xf32>,
          %get3A_1359 = vector.shape_cast %get3A_1358 : vector<1x16xf32> to vector<16xf32>
          %mul3A_1360 = vector.broadcast %squeeze3A_1342 : f32 to vector<16xf32>
          %mul3A_1361 = arith.mulf %get3A_1359, %mul3A_1360 : vector<16xf32>
          %swap3A_1362 = arith.index_cast %add3A_1340 : i32 to index
          %swap3A_1363 = arith.constant 16 : index
          %swap3A_1364 = tpu.vector_load %arg12[%swap3A_1362, %swap3A_1363] {strides = array<i32>} : memref<80x128xf32, #tpu.memory_space<vmem>>, vector<1x16xf32>,
          %swap3A_1365 = vector.shape_cast %swap3A_1364 : vector<1x16xf32> to vector<16xf32>
          %swap3A_1366 = vector.shape_cast %mul3A_1361 : vector<16xf32> to vector<1x16xf32>
          tpu.vector_store %arg12[%swap3A_1362, %swap3A_1363], %swap3A_1366 {strides = array<i32>} : memref<80x128xf32, #tpu.memory_space<vmem>>, vector<1x16xf32>,
          %get3A_1367 = arith.index_cast %add3A_1340 : i32 to index
          %get3A_1368 = arith.constant 32 : index
          %get3A_1369 = tpu.vector_load %arg12[%get3A_1367, %get3A_1368] {strides = array<i32>} : memref<80x128xf32, #tpu.memory_space<vmem>>, vector<1x16xf32>,
          %get3A_1370 = vector.shape_cast %get3A_1369 : vector<1x16xf32> to vector<16xf32>
          %mul3A_1371 = vector.broadcast %squeeze3A_1342 : f32 to vector<16xf32>
          %mul3A_1372 = arith.mulf %get3A_1370, %mul3A_1371 : vector<16xf32>
          %swap3A_1373 = arith.index_cast %add3A_1340 : i32 to index
          %swap3A_1374 = arith.constant 32 : index
          %swap3A_1375 = tpu.vector_load %arg12[%swap3A_1373, %swap3A_1374] {strides = array<i32>} : memref<80x128xf32, #tpu.memory_space<vmem>>, vector<1x16xf32>,
          %swap3A_1376 = vector.shape_cast %swap3A_1375 : vector<1x16xf32> to vector<16xf32>
          %swap3A_1377 = vector.shape_cast %mul3A_1372 : vector<16xf32> to vector<1x16xf32>
          tpu.vector_store %arg12[%swap3A_1373, %swap3A_1374], %swap3A_1377 {strides = array<i32>} : memref<80x128xf32, #tpu.memory_space<vmem>>, vector<1x16xf32>,
          %get3A_1378 = arith.index_cast %add3A_1340 : i32 to index
          %get3A_1379 = arith.constant 48 : index
          %get3A_1380 = tpu.vector_load %arg12[%get3A_1378, %get3A_1379] {strides = array<i32>} : memref<80x128xf32, #tpu.memory_space<vmem>>, vector<1x16xf32>,
          %get3A_1381 = vector.shape_cast %get3A_1380 : vector<1x16xf32> to vector<16xf32>
          %mul3A_1382 = vector.broadcast %squeeze3A_1342 : f32 to vector<16xf32>
          %mul3A_1383 = arith.mulf %get3A_1381, %mul3A_1382 : vector<16xf32>
          %swap3A_1384 = arith.index_cast %add3A_1340 : i32 to index
          %swap3A_1385 = arith.constant 48 : index
          %swap3A_1386 = tpu.vector_load %arg12[%swap3A_1384, %swap3A_1385] {strides = array<i32>} : memref<80x128xf32, #tpu.memory_space<vmem>>, vector<1x16xf32>,
          %swap3A_1387 = vector.shape_cast %swap3A_1386 : vector<1x16xf32> to vector<16xf32>
          %swap3A_1388 = vector.shape_cast %mul3A_1383 : vector<16xf32> to vector<1x16xf32>
          tpu.vector_store %arg12[%swap3A_1384, %swap3A_1385], %swap3A_1388 {strides = array<i32>} : memref<80x128xf32, #tpu.memory_space<vmem>>, vector<1x16xf32>,
          %get3A_1389 = arith.index_cast %add3A_1340 : i32 to index
          %get3A_1390 = arith.constant 64 : index
          %get3A_1391 = tpu.vector_load %arg12[%get3A_1389, %get3A_1390] {strides = array<i32>} : memref<80x128xf32, #tpu.memory_space<vmem>>, vector<1x16xf32>,
          %get3A_1392 = vector.shape_cast %get3A_1391 : vector<1x16xf32> to vector<16xf32>
          %mul3A_1393 = vector.broadcast %squeeze3A_1344 : f32 to vector<16xf32>
          %mul3A_1394 = arith.mulf %get3A_1392, %mul3A_1393 : vector<16xf32>
          %swap3A_1395 = arith.index_cast %add3A_1340 : i32 to index
          %swap3A_1396 = arith.constant 64 : index
          %swap3A_1397 = tpu.vector_load %arg12[%swap3A_1395, %swap3A_1396] {strides = array<i32>} : memref<80x128xf32, #tpu.memory_space<vmem>>, vector<1x16xf32>,
          %swap3A_1398 = vector.shape_cast %swap3A_1397 : vector<1x16xf32> to vector<16xf32>
          %swap3A_1399 = vector.shape_cast %mul3A_1394 : vector<16xf32> to vector<1x16xf32>
          tpu.vector_store %arg12[%swap3A_1395, %swap3A_1396], %swap3A_1399 {strides = array<i32>} : memref<80x128xf32, #tpu.memory_space<vmem>>, vector<1x16xf32>,
          %get3A_1400 = arith.index_cast %add3A_1340 : i32 to index
          %get3A_1401 = arith.constant 80 : index
          %get3A_1402 = tpu.vector_load %arg12[%get3A_1400, %get3A_1401] {strides = array<i32>} : memref<80x128xf32, #tpu.memory_space<vmem>>, vector<1x16xf32>,
          %get3A_1403 = vector.shape_cast %get3A_1402 : vector<1x16xf32> to vector<16xf32>
          %mul3A_1404 = vector.broadcast %squeeze3A_1344 : f32 to vector<16xf32>
          %mul3A_1405 = arith.mulf %get3A_1403, %mul3A_1404 : vector<16xf32>
          %swap3A_1406 = arith.index_cast %add3A_1340 : i32 to index
          %swap3A_1407 = arith.constant 80 : index
          %swap3A_1408 = tpu.vector_load %arg12[%swap3A_1406, %swap3A_1407] {strides = array<i32>} : memref<80x128xf32, #tpu.memory_space<vmem>>, vector<1x16xf32>,
          %swap3A_1409 = vector.shape_cast %swap3A_1408 : vector<1x16xf32> to vector<16xf32>
          %swap3A_1410 = vector.shape_cast %mul3A_1405 : vector<16xf32> to vector<1x16xf32>
          tpu.vector_store %arg12[%swap3A_1406, %swap3A_1407], %swap3A_1410 {strides = array<i32>} : memref<80x128xf32, #tpu.memory_space<vmem>>, vector<1x16xf32>,
          %get3A_1411 = arith.index_cast %add3A_1340 : i32 to index
          %get3A_1412 = arith.constant 96 : index
          %get3A_1413 = tpu.vector_load %arg12[%get3A_1411, %get3A_1412] {strides = array<i32>} : memref<80x128xf32, #tpu.memory_space<vmem>>, vector<1x16xf32>,
          %get3A_1414 = vector.shape_cast %get3A_1413 : vector<1x16xf32> to vector<16xf32>
          %mul3A_1415 = vector.broadcast %squeeze3A_1344 : f32 to vector<16xf32>
          %mul3A_1416 = arith.mulf %get3A_1414, %mul3A_1415 : vector<16xf32>
          %swap3A_1417 = arith.index_cast %add3A_1340 : i32 to index
          %swap3A_1418 = arith.constant 96 : index
          %swap3A_1419 = tpu.vector_load %arg12[%swap3A_1417, %swap3A_1418] {strides = array<i32>} : memref<80x128xf32, #tpu.memory_space<vmem>>, vector<1x16xf32>,
          %swap3A_1420 = vector.shape_cast %swap3A_1419 : vector<1x16xf32> to vector<16xf32>
          %swap3A_1421 = vector.shape_cast %mul3A_1416 : vector<16xf32> to vector<1x16xf32>
          tpu.vector_store %arg12[%swap3A_1417, %swap3A_1418], %swap3A_1421 {strides = array<i32>} : memref<80x128xf32, #tpu.memory_space<vmem>>, vector<1x16xf32>,
          %get3A_1422 = arith.index_cast %add3A_1340 : i32 to index
          %get3A_1423 = arith.constant 112 : index
          %get3A_1424 = tpu.vector_load %arg12[%get3A_1422, %get3A_1423] {strides = array<i32>} : memref<80x128xf32, #tpu.memory_space<vmem>>, vector<1x16xf32>,
          %get3A_1425 = vector.shape_cast %get3A_1424 : vector<1x16xf32> to vector<16xf32>
          %mul3A_1426 = vector.broadcast %squeeze3A_1344 : f32 to vector<16xf32>
          %mul3A_1427 = arith.mulf %get3A_1425, %mul3A_1426 : vector<16xf32>
          %swap3A_1428 = arith.index_cast %add3A_1340 : i32 to index
          %swap3A_1429 = arith.constant 112 : index
          %swap3A_1430 = tpu.vector_load %arg12[%swap3A_1428, %swap3A_1429] {strides = array<i32>} : memref<80x128xf32, #tpu.memory_space<vmem>>, vector<1x16xf32>,
          %swap3A_1431 = vector.shape_cast %swap3A_1430 : vector<1x16xf32> to vector<16xf32>
          %swap3A_1432 = vector.shape_cast %mul3A_1427 : vector<16xf32> to vector<1x16xf32>
          tpu.vector_store %arg12[%swap3A_1428, %swap3A_1429], %swap3A_1432 {strides = array<i32>} : memref<80x128xf32, #tpu.memory_space<vmem>>, vector<1x16xf32>,
          %mul3A_1433 = arith.constant 16 : i32
          %mul3A_1434 = arith.muli %add3A_81, %mul3A_1433 : i32
          %add3A_1435 = arith.constant 14 : i32
          %add3A_1436 = arith.addi %mul3A_1434, %add3A_1435 : i32
          %slice3A_1437 = vector.extract_strided_slice %get3A_88 {offsets = [14], sizes = [1], strides = [1]} : vector<16xf32> to vector<1xf32>
          %squeeze3A_1438 = vector.extract %slice3A_1437[0] : f32 from vector<1xf32>
          %slice3A_1439 = vector.extract_strided_slice %get3A_91 {offsets = [14], sizes = [1], strides = [1]} : vector<16xf32> to vector<1xf32>
          %squeeze3A_1440 = vector.extract %slice3A_1439[0] : f32 from vector<1xf32>
          %get3A_1441 = arith.index_cast %add3A_1436 : i32 to index
          %get3A_1442 = arith.constant 0 : index
          %get3A_1443 = tpu.vector_load %arg12[%get3A_1441, %get3A_1442] {strides = array<i32>} : memref<80x128xf32, #tpu.memory_space<vmem>>, vector<1x16xf32>,
          %get3A_1444 = vector.shape_cast %get3A_1443 : vector<1x16xf32> to vector<16xf32>
          %mul3A_1445 = vector.broadcast %squeeze3A_1438 : f32 to vector<16xf32>
          %mul3A_1446 = arith.mulf %get3A_1444, %mul3A_1445 : vector<16xf32>
          %swap3A_1447 = arith.index_cast %add3A_1436 : i32 to index
          %swap3A_1448 = arith.constant 0 : index
          %swap3A_1449 = tpu.vector_load %arg12[%swap3A_1447, %swap3A_1448] {strides = array<i32>} : memref<80x128xf32, #tpu.memory_space<vmem>>, vector<1x16xf32>,
          %swap3A_1450 = vector.shape_cast %swap3A_1449 : vector<1x16xf32> to vector<16xf32>
          %swap3A_1451 = vector.shape_cast %mul3A_1446 : vector<16xf32> to vector<1x16xf32>
          tpu.vector_store %arg12[%swap3A_1447, %swap3A_1448], %swap3A_1451 {strides = array<i32>} : memref<80x128xf32, #tpu.memory_space<vmem>>, vector<1x16xf32>,
          %get3A_1452 = arith.index_cast %add3A_1436 : i32 to index
          %get3A_1453 = arith.constant 16 : index
          %get3A_1454 = tpu.vector_load %arg12[%get3A_1452, %get3A_1453] {strides = array<i32>} : memref<80x128xf32, #tpu.memory_space<vmem>>, vector<1x16xf32>,
          %get3A_1455 = vector.shape_cast %get3A_1454 : vector<1x16xf32> to vector<16xf32>
          %mul3A_1456 = vector.broadcast %squeeze3A_1438 : f32 to vector<16xf32>
          %mul3A_1457 = arith.mulf %get3A_1455, %mul3A_1456 : vector<16xf32>
          %swap3A_1458 = arith.index_cast %add3A_1436 : i32 to index
          %swap3A_1459 = arith.constant 16 : index
          %swap3A_1460 = tpu.vector_load %arg12[%swap3A_1458, %swap3A_1459] {strides = array<i32>} : memref<80x128xf32, #tpu.memory_space<vmem>>, vector<1x16xf32>,
          %swap3A_1461 = vector.shape_cast %swap3A_1460 : vector<1x16xf32> to vector<16xf32>
          %swap3A_1462 = vector.shape_cast %mul3A_1457 : vector<16xf32> to vector<1x16xf32>
          tpu.vector_store %arg12[%swap3A_1458, %swap3A_1459], %swap3A_1462 {strides = array<i32>} : memref<80x128xf32, #tpu.memory_space<vmem>>, vector<1x16xf32>,
          %get3A_1463 = arith.index_cast %add3A_1436 : i32 to index
          %get3A_1464 = arith.constant 32 : index
          %get3A_1465 = tpu.vector_load %arg12[%get3A_1463, %get3A_1464] {strides = array<i32>} : memref<80x128xf32, #tpu.memory_space<vmem>>, vector<1x16xf32>,
          %get3A_1466 = vector.shape_cast %get3A_1465 : vector<1x16xf32> to vector<16xf32>
          %mul3A_1467 = vector.broadcast %squeeze3A_1438 : f32 to vector<16xf32>
          %mul3A_1468 = arith.mulf %get3A_1466, %mul3A_1467 : vector<16xf32>
          %swap3A_1469 = arith.index_cast %add3A_1436 : i32 to index
          %swap3A_1470 = arith.constant 32 : index
          %swap3A_1471 = tpu.vector_load %arg12[%swap3A_1469, %swap3A_1470] {strides = array<i32>} : memref<80x128xf32, #tpu.memory_space<vmem>>, vector<1x16xf32>,
          %swap3A_1472 = vector.shape_cast %swap3A_1471 : vector<1x16xf32> to vector<16xf32>
          %swap3A_1473 = vector.shape_cast %mul3A_1468 : vector<16xf32> to vector<1x16xf32>
          tpu.vector_store %arg12[%swap3A_1469, %swap3A_1470], %swap3A_1473 {strides = array<i32>} : memref<80x128xf32, #tpu.memory_space<vmem>>, vector<1x16xf32>,
          %get3A_1474 = arith.index_cast %add3A_1436 : i32 to index
          %get3A_1475 = arith.constant 48 : index
          %get3A_1476 = tpu.vector_load %arg12[%get3A_1474, %get3A_1475] {strides = array<i32>} : memref<80x128xf32, #tpu.memory_space<vmem>>, vector<1x16xf32>,
          %get3A_1477 = vector.shape_cast %get3A_1476 : vector<1x16xf32> to vector<16xf32>
          %mul3A_1478 = vector.broadcast %squeeze3A_1438 : f32 to vector<16xf32>
          %mul3A_1479 = arith.mulf %get3A_1477, %mul3A_1478 : vector<16xf32>
          %swap3A_1480 = arith.index_cast %add3A_1436 : i32 to index
          %swap3A_1481 = arith.constant 48 : index
          %swap3A_1482 = tpu.vector_load %arg12[%swap3A_1480, %swap3A_1481] {strides = array<i32>} : memref<80x128xf32, #tpu.memory_space<vmem>>, vector<1x16xf32>,
          %swap3A_1483 = vector.shape_cast %swap3A_1482 : vector<1x16xf32> to vector<16xf32>
          %swap3A_1484 = vector.shape_cast %mul3A_1479 : vector<16xf32> to vector<1x16xf32>
          tpu.vector_store %arg12[%swap3A_1480, %swap3A_1481], %swap3A_1484 {strides = array<i32>} : memref<80x128xf32, #tpu.memory_space<vmem>>, vector<1x16xf32>,
          %get3A_1485 = arith.index_cast %add3A_1436 : i32 to index
          %get3A_1486 = arith.constant 64 : index
          %get3A_1487 = tpu.vector_load %arg12[%get3A_1485, %get3A_1486] {strides = array<i32>} : memref<80x128xf32, #tpu.memory_space<vmem>>, vector<1x16xf32>,
          %get3A_1488 = vector.shape_cast %get3A_1487 : vector<1x16xf32> to vector<16xf32>
          %mul3A_1489 = vector.broadcast %squeeze3A_1440 : f32 to vector<16xf32>
          %mul3A_1490 = arith.mulf %get3A_1488, %mul3A_1489 : vector<16xf32>
          %swap3A_1491 = arith.index_cast %add3A_1436 : i32 to index
          %swap3A_1492 = arith.constant 64 : index
          %swap3A_1493 = tpu.vector_load %arg12[%swap3A_1491, %swap3A_1492] {strides = array<i32>} : memref<80x128xf32, #tpu.memory_space<vmem>>, vector<1x16xf32>,
          %swap3A_1494 = vector.shape_cast %swap3A_1493 : vector<1x16xf32> to vector<16xf32>
          %swap3A_1495 = vector.shape_cast %mul3A_1490 : vector<16xf32> to vector<1x16xf32>
          tpu.vector_store %arg12[%swap3A_1491, %swap3A_1492], %swap3A_1495 {strides = array<i32>} : memref<80x128xf32, #tpu.memory_space<vmem>>, vector<1x16xf32>,
          %get3A_1496 = arith.index_cast %add3A_1436 : i32 to index
          %get3A_1497 = arith.constant 80 : index
          %get3A_1498 = tpu.vector_load %arg12[%get3A_1496, %get3A_1497] {strides = array<i32>} : memref<80x128xf32, #tpu.memory_space<vmem>>, vector<1x16xf32>,
          %get3A_1499 = vector.shape_cast %get3A_1498 : vector<1x16xf32> to vector<16xf32>
          %mul3A_1500 = vector.broadcast %squeeze3A_1440 : f32 to vector<16xf32>
          %mul3A_1501 = arith.mulf %get3A_1499, %mul3A_1500 : vector<16xf32>
          %swap3A_1502 = arith.index_cast %add3A_1436 : i32 to index
          %swap3A_1503 = arith.constant 80 : index
          %swap3A_1504 = tpu.vector_load %arg12[%swap3A_1502, %swap3A_1503] {strides = array<i32>} : memref<80x128xf32, #tpu.memory_space<vmem>>, vector<1x16xf32>,
          %swap3A_1505 = vector.shape_cast %swap3A_1504 : vector<1x16xf32> to vector<16xf32>
          %swap3A_1506 = vector.shape_cast %mul3A_1501 : vector<16xf32> to vector<1x16xf32>
          tpu.vector_store %arg12[%swap3A_1502, %swap3A_1503], %swap3A_1506 {strides = array<i32>} : memref<80x128xf32, #tpu.memory_space<vmem>>, vector<1x16xf32>,
          %get3A_1507 = arith.index_cast %add3A_1436 : i32 to index
          %get3A_1508 = arith.constant 96 : index
          %get3A_1509 = tpu.vector_load %arg12[%get3A_1507, %get3A_1508] {strides = array<i32>} : memref<80x128xf32, #tpu.memory_space<vmem>>, vector<1x16xf32>,
          %get3A_1510 = vector.shape_cast %get3A_1509 : vector<1x16xf32> to vector<16xf32>
          %mul3A_1511 = vector.broadcast %squeeze3A_1440 : f32 to vector<16xf32>
          %mul3A_1512 = arith.mulf %get3A_1510, %mul3A_1511 : vector<16xf32>
          %swap3A_1513 = arith.index_cast %add3A_1436 : i32 to index
          %swap3A_1514 = arith.constant 96 : index
          %swap3A_1515 = tpu.vector_load %arg12[%swap3A_1513, %swap3A_1514] {strides = array<i32>} : memref<80x128xf32, #tpu.memory_space<vmem>>, vector<1x16xf32>,
          %swap3A_1516 = vector.shape_cast %swap3A_1515 : vector<1x16xf32> to vector<16xf32>
          %swap3A_1517 = vector.shape_cast %mul3A_1512 : vector<16xf32> to vector<1x16xf32>
          tpu.vector_store %arg12[%swap3A_1513, %swap3A_1514], %swap3A_1517 {strides = array<i32>} : memref<80x128xf32, #tpu.memory_space<vmem>>, vector<1x16xf32>,
          %get3A_1518 = arith.index_cast %add3A_1436 : i32 to index
          %get3A_1519 = arith.constant 112 : index
          %get3A_1520 = tpu.vector_load %arg12[%get3A_1518, %get3A_1519] {strides = array<i32>} : memref<80x128xf32, #tpu.memory_space<vmem>>, vector<1x16xf32>,
          %get3A_1521 = vector.shape_cast %get3A_1520 : vector<1x16xf32> to vector<16xf32>
          %mul3A_1522 = vector.broadcast %squeeze3A_1440 : f32 to vector<16xf32>
          %mul3A_1523 = arith.mulf %get3A_1521, %mul3A_1522 : vector<16xf32>
          %swap3A_1524 = arith.index_cast %add3A_1436 : i32 to index
          %swap3A_1525 = arith.constant 112 : index
          %swap3A_1526 = tpu.vector_load %arg12[%swap3A_1524, %swap3A_1525] {strides = array<i32>} : memref<80x128xf32, #tpu.memory_space<vmem>>, vector<1x16xf32>,
          %swap3A_1527 = vector.shape_cast %swap3A_1526 : vector<1x16xf32> to vector<16xf32>
          %swap3A_1528 = vector.shape_cast %mul3A_1523 : vector<16xf32> to vector<1x16xf32>
          tpu.vector_store %arg12[%swap3A_1524, %swap3A_1525], %swap3A_1528 {strides = array<i32>} : memref<80x128xf32, #tpu.memory_space<vmem>>, vector<1x16xf32>,
          %mul3A_1529 = arith.constant 16 : i32
          %mul3A_1530 = arith.muli %add3A_81, %mul3A_1529 : i32
          %add3A_1531 = arith.constant 15 : i32
          %add3A_1532 = arith.addi %mul3A_1530, %add3A_1531 : i32
          %slice3A_1533 = vector.extract_strided_slice %get3A_88 {offsets = [15], sizes = [1], strides = [1]} : vector<16xf32> to vector<1xf32>
          %squeeze3A_1534 = vector.extract %slice3A_1533[0] : f32 from vector<1xf32>
          %slice3A_1535 = vector.extract_strided_slice %get3A_91 {offsets = [15], sizes = [1], strides = [1]} : vector<16xf32> to vector<1xf32>
          %squeeze3A_1536 = vector.extract %slice3A_1535[0] : f32 from vector<1xf32>
          %get3A_1537 = arith.index_cast %add3A_1532 : i32 to index
          %get3A_1538 = arith.constant 0 : index
          %get3A_1539 = tpu.vector_load %arg12[%get3A_1537, %get3A_1538] {strides = array<i32>} : memref<80x128xf32, #tpu.memory_space<vmem>>, vector<1x16xf32>,
          %get3A_1540 = vector.shape_cast %get3A_1539 : vector<1x16xf32> to vector<16xf32>
          %mul3A_1541 = vector.broadcast %squeeze3A_1534 : f32 to vector<16xf32>
          %mul3A_1542 = arith.mulf %get3A_1540, %mul3A_1541 : vector<16xf32>
          %swap3A_1543 = arith.index_cast %add3A_1532 : i32 to index
          %swap3A_1544 = arith.constant 0 : index
          %swap3A_1545 = tpu.vector_load %arg12[%swap3A_1543, %swap3A_1544] {strides = array<i32>} : memref<80x128xf32, #tpu.memory_space<vmem>>, vector<1x16xf32>,
          %swap3A_1546 = vector.shape_cast %swap3A_1545 : vector<1x16xf32> to vector<16xf32>
          %swap3A_1547 = vector.shape_cast %mul3A_1542 : vector<16xf32> to vector<1x16xf32>
          tpu.vector_store %arg12[%swap3A_1543, %swap3A_1544], %swap3A_1547 {strides = array<i32>} : memref<80x128xf32, #tpu.memory_space<vmem>>, vector<1x16xf32>,
          %get3A_1548 = arith.index_cast %add3A_1532 : i32 to index
          %get3A_1549 = arith.constant 16 : index
          %get3A_1550 = tpu.vector_load %arg12[%get3A_1548, %get3A_1549] {strides = array<i32>} : memref<80x128xf32, #tpu.memory_space<vmem>>, vector<1x16xf32>,
          %get3A_1551 = vector.shape_cast %get3A_1550 : vector<1x16xf32> to vector<16xf32>
          %mul3A_1552 = vector.broadcast %squeeze3A_1534 : f32 to vector<16xf32>
          %mul3A_1553 = arith.mulf %get3A_1551, %mul3A_1552 : vector<16xf32>
          %swap3A_1554 = arith.index_cast %add3A_1532 : i32 to index
          %swap3A_1555 = arith.constant 16 : index
          %swap3A_1556 = tpu.vector_load %arg12[%swap3A_1554, %swap3A_1555] {strides = array<i32>} : memref<80x128xf32, #tpu.memory_space<vmem>>, vector<1x16xf32>,
          %swap3A_1557 = vector.shape_cast %swap3A_1556 : vector<1x16xf32> to vector<16xf32>
          %swap3A_1558 = vector.shape_cast %mul3A_1553 : vector<16xf32> to vector<1x16xf32>
          tpu.vector_store %arg12[%swap3A_1554, %swap3A_1555], %swap3A_1558 {strides = array<i32>} : memref<80x128xf32, #tpu.memory_space<vmem>>, vector<1x16xf32>,
          %get3A_1559 = arith.index_cast %add3A_1532 : i32 to index
          %get3A_1560 = arith.constant 32 : index
          %get3A_1561 = tpu.vector_load %arg12[%get3A_1559, %get3A_1560] {strides = array<i32>} : memref<80x128xf32, #tpu.memory_space<vmem>>, vector<1x16xf32>,
          %get3A_1562 = vector.shape_cast %get3A_1561 : vector<1x16xf32> to vector<16xf32>
          %mul3A_1563 = vector.broadcast %squeeze3A_1534 : f32 to vector<16xf32>
          %mul3A_1564 = arith.mulf %get3A_1562, %mul3A_1563 : vector<16xf32>
          %swap3A_1565 = arith.index_cast %add3A_1532 : i32 to index
          %swap3A_1566 = arith.constant 32 : index
          %swap3A_1567 = tpu.vector_load %arg12[%swap3A_1565, %swap3A_1566] {strides = array<i32>} : memref<80x128xf32, #tpu.memory_space<vmem>>, vector<1x16xf32>,
          %swap3A_1568 = vector.shape_cast %swap3A_1567 : vector<1x16xf32> to vector<16xf32>
          %swap3A_1569 = vector.shape_cast %mul3A_1564 : vector<16xf32> to vector<1x16xf32>
          tpu.vector_store %arg12[%swap3A_1565, %swap3A_1566], %swap3A_1569 {strides = array<i32>} : memref<80x128xf32, #tpu.memory_space<vmem>>, vector<1x16xf32>,
          %get3A_1570 = arith.index_cast %add3A_1532 : i32 to index
          %get3A_1571 = arith.constant 48 : index
          %get3A_1572 = tpu.vector_load %arg12[%get3A_1570, %get3A_1571] {strides = array<i32>} : memref<80x128xf32, #tpu.memory_space<vmem>>, vector<1x16xf32>,
          %get3A_1573 = vector.shape_cast %get3A_1572 : vector<1x16xf32> to vector<16xf32>
          %mul3A_1574 = vector.broadcast %squeeze3A_1534 : f32 to vector<16xf32>
          %mul3A_1575 = arith.mulf %get3A_1573, %mul3A_1574 : vector<16xf32>
          %swap3A_1576 = arith.index_cast %add3A_1532 : i32 to index
          %swap3A_1577 = arith.constant 48 : index
          %swap3A_1578 = tpu.vector_load %arg12[%swap3A_1576, %swap3A_1577] {strides = array<i32>} : memref<80x128xf32, #tpu.memory_space<vmem>>, vector<1x16xf32>,
          %swap3A_1579 = vector.shape_cast %swap3A_1578 : vector<1x16xf32> to vector<16xf32>
          %swap3A_1580 = vector.shape_cast %mul3A_1575 : vector<16xf32> to vector<1x16xf32>
          tpu.vector_store %arg12[%swap3A_1576, %swap3A_1577], %swap3A_1580 {strides = array<i32>} : memref<80x128xf32, #tpu.memory_space<vmem>>, vector<1x16xf32>,
          %get3A_1581 = arith.index_cast %add3A_1532 : i32 to index
          %get3A_1582 = arith.constant 64 : index
          %get3A_1583 = tpu.vector_load %arg12[%get3A_1581, %get3A_1582] {strides = array<i32>} : memref<80x128xf32, #tpu.memory_space<vmem>>, vector<1x16xf32>,
          %get3A_1584 = vector.shape_cast %get3A_1583 : vector<1x16xf32> to vector<16xf32>
          %mul3A_1585 = vector.broadcast %squeeze3A_1536 : f32 to vector<16xf32>
          %mul3A_1586 = arith.mulf %get3A_1584, %mul3A_1585 : vector<16xf32>
          %swap3A_1587 = arith.index_cast %add3A_1532 : i32 to index
          %swap3A_1588 = arith.constant 64 : index
          %swap3A_1589 = tpu.vector_load %arg12[%swap3A_1587, %swap3A_1588] {strides = array<i32>} : memref<80x128xf32, #tpu.memory_space<vmem>>, vector<1x16xf32>,
          %swap3A_1590 = vector.shape_cast %swap3A_1589 : vector<1x16xf32> to vector<16xf32>
          %swap3A_1591 = vector.shape_cast %mul3A_1586 : vector<16xf32> to vector<1x16xf32>
          tpu.vector_store %arg12[%swap3A_1587, %swap3A_1588], %swap3A_1591 {strides = array<i32>} : memref<80x128xf32, #tpu.memory_space<vmem>>, vector<1x16xf32>,
          %get3A_1592 = arith.index_cast %add3A_1532 : i32 to index
          %get3A_1593 = arith.constant 80 : index
          %get3A_1594 = tpu.vector_load %arg12[%get3A_1592, %get3A_1593] {strides = array<i32>} : memref<80x128xf32, #tpu.memory_space<vmem>>, vector<1x16xf32>,
          %get3A_1595 = vector.shape_cast %get3A_1594 : vector<1x16xf32> to vector<16xf32>
          %mul3A_1596 = vector.broadcast %squeeze3A_1536 : f32 to vector<16xf32>
          %mul3A_1597 = arith.mulf %get3A_1595, %mul3A_1596 : vector<16xf32>
          %swap3A_1598 = arith.index_cast %add3A_1532 : i32 to index
          %swap3A_1599 = arith.constant 80 : index
          %swap3A_1600 = tpu.vector_load %arg12[%swap3A_1598, %swap3A_1599] {strides = array<i32>} : memref<80x128xf32, #tpu.memory_space<vmem>>, vector<1x16xf32>,
          %swap3A_1601 = vector.shape_cast %swap3A_1600 : vector<1x16xf32> to vector<16xf32>
          %swap3A_1602 = vector.shape_cast %mul3A_1597 : vector<16xf32> to vector<1x16xf32>
          tpu.vector_store %arg12[%swap3A_1598, %swap3A_1599], %swap3A_1602 {strides = array<i32>} : memref<80x128xf32, #tpu.memory_space<vmem>>, vector<1x16xf32>,
          %get3A_1603 = arith.index_cast %add3A_1532 : i32 to index
          %get3A_1604 = arith.constant 96 : index
          %get3A_1605 = tpu.vector_load %arg12[%get3A_1603, %get3A_1604] {strides = array<i32>} : memref<80x128xf32, #tpu.memory_space<vmem>>, vector<1x16xf32>,
          %get3A_1606 = vector.shape_cast %get3A_1605 : vector<1x16xf32> to vector<16xf32>
          %mul3A_1607 = vector.broadcast %squeeze3A_1536 : f32 to vector<16xf32>
          %mul3A_1608 = arith.mulf %get3A_1606, %mul3A_1607 : vector<16xf32>
          %swap3A_1609 = arith.index_cast %add3A_1532 : i32 to index
          %swap3A_1610 = arith.constant 96 : index
          %swap3A_1611 = tpu.vector_load %arg12[%swap3A_1609, %swap3A_1610] {strides = array<i32>} : memref<80x128xf32, #tpu.memory_space<vmem>>, vector<1x16xf32>,
          %swap3A_1612 = vector.shape_cast %swap3A_1611 : vector<1x16xf32> to vector<16xf32>
          %swap3A_1613 = vector.shape_cast %mul3A_1608 : vector<16xf32> to vector<1x16xf32>
          tpu.vector_store %arg12[%swap3A_1609, %swap3A_1610], %swap3A_1613 {strides = array<i32>} : memref<80x128xf32, #tpu.memory_space<vmem>>, vector<1x16xf32>,
          %get3A_1614 = arith.index_cast %add3A_1532 : i32 to index
          %get3A_1615 = arith.constant 112 : index
          %get3A_1616 = tpu.vector_load %arg12[%get3A_1614, %get3A_1615] {strides = array<i32>} : memref<80x128xf32, #tpu.memory_space<vmem>>, vector<1x16xf32>,
          %get3A_1617 = vector.shape_cast %get3A_1616 : vector<1x16xf32> to vector<16xf32>
          %mul3A_1618 = vector.broadcast %squeeze3A_1536 : f32 to vector<16xf32>
          %mul3A_1619 = arith.mulf %get3A_1617, %mul3A_1618 : vector<16xf32>
          %swap3A_1620 = arith.index_cast %add3A_1532 : i32 to index
          %swap3A_1621 = arith.constant 112 : index
          %swap3A_1622 = tpu.vector_load %arg12[%swap3A_1620, %swap3A_1621] {strides = array<i32>} : memref<80x128xf32, #tpu.memory_space<vmem>>, vector<1x16xf32>,
          %swap3A_1623 = vector.shape_cast %swap3A_1622 : vector<1x16xf32> to vector<16xf32>
          %swap3A_1624 = vector.shape_cast %mul3A_1619 : vector<16xf32> to vector<1x16xf32>
          tpu.vector_store %arg12[%swap3A_1620, %swap3A_1621], %swap3A_1624 {strides = array<i32>} : memref<80x128xf32, #tpu.memory_space<vmem>>, vector<1x16xf32>,
        }
        %scan3A_63 = arith.constant 5 : i32
        %eq3A = arith.constant 0 : i32
        %eq3A_64 = arith.cmpi eq, %add3A, %eq3A : i32
        %eq3A_65 = arith.constant 0 : i32
        %eq3A_66 = arith.cmpi eq, %add3A_30, %eq3A_65 : i32
        %and3A = arith.andi %eq3A_64, %eq3A_66 : i1
        %eq3A_67 = arith.constant 0 : i32
        %eq3A_68 = arith.cmpi eq, %add3A_45, %eq3A_67 : i32
        %and3A_69 = arith.andi %and3A, %eq3A_68 : i1
        %convert_element_type3A = arith.extui %and3A_69 : i1 to i32
        %cond3A = arith.constant 0 : i32
        %cond3A_70 = arith.cmpi ne, %convert_element_type3A, %cond3A : i32
        scf.if %cond3A_70 {
          "tpu.region"() ({
            %run_scoped3A = tpu.sem_alloc : memref<!tpu.dma_semaphore, #tpu.memory_space<semaphore_mem>>
            tpu.enqueue_dma source(%arg12 : memref<80x128xf32, #tpu.memory_space<vmem>>) target(%arg6 : memref<80x128xf32, #tpu.memory_space<hbm>>) target_semaphore(%run_scoped3A : memref<!tpu.dma_semaphore, #tpu.memory_space<semaphore_mem>>)
            tpu.wait_dma2 semaphore(%run_scoped3A : memref<!tpu.dma_semaphore, #tpu.memory_space<semaphore_mem>>) src(%arg12 : memref<80x128xf32, #tpu.memory_space<vmem>>) dst(%arg6 : memref<80x128xf32, #tpu.memory_space<hbm>>)
            tpu.yield
          }) : () -> ()
        } else {
        }
        %dma_start3A_71 = arith.constant 0 : i32
        %dma_start3A_72 = arith.constant 0 : i32
        %dma_start3A_73 = tpu.memref_slice %arg7[%dma_start3A_71, %dma_start3A_72] : memref<10000x128xf32, #tpu.memory_space<vmem_shared>> -> memref<10000x128xf32, #tpu.memory_space<vmem_shared>>
        tpu.enqueue_indirect_dma source(%arg12 : memref<80x128xf32, #tpu.memory_space<vmem>>) target(%dma_start3A_73 : memref<10000x128xf32, #tpu.memory_space<vmem_shared>>) offsets(%arg11 : memref<80xi32, #tpu.memory_space<vmem>>) semaphore(%arg13 : memref<!tpu.dma_semaphore, #tpu.memory_space<semaphore_mem>>) {add = true}
        %dma_wait3A_74 = arith.constant 0 : i32
        %dma_wait3A_75 = arith.constant 0 : i32
        %dma_wait3A_76 = tpu.memref_slice %arg7[%dma_wait3A_74, %dma_wait3A_75] : memref<10000x128xf32, #tpu.memory_space<vmem_shared>> -> memref<10000x128xf32, #tpu.memory_space<vmem_shared>>
        tpu.wait_indirect_dma semaphore(%arg13 : memref<!tpu.dma_semaphore, #tpu.memory_space<semaphore_mem>>) src(%arg12 : memref<80x128xf32, #tpu.memory_space<vmem>>) dst(%dma_wait3A_76 : memref<10000x128xf32, #tpu.memory_space<vmem_shared>>)
      }
      %scan3A_40 = arith.constant 25 : i32
    }
    %scan3A_19 = arith.constant 5 : i32
    %barrier3A_20 = arith.constant 0 : index
    tpu.barrier barrier_id(%barrier3A_20)
    %scan3A_21 = arith.constant 0 : i32
    %scan3A_22 = arith.constant 8 : i32
    %scan3A_23 = arith.addi %scan3A_21, %scan3A_22 : i32
    %scan3A_24 = arith.constant 1 : i32
    scf.for %scan3A_26 = %scan3A_21 to %scan3A_23 step %scan3A_24  : i32 {
      %mul3A_27 = arith.constant 1 : i32
      %mul3A_28 = arith.muli %scan3A_26, %mul3A_27 : i32
      %add3A_29 = arith.constant 0 : i32
      %add3A_30 = arith.addi %add3A_29, %mul3A_28 : i32
      %mul3A_31 = arith.constant 80 : i32
      %mul3A_32 = arith.muli %add3A_30, %mul3A_31 : i32
      %add3A_33 = arith.addi %mul3A_9, %mul3A_32 : i32
      "tpu.region"() ({
        %run_scoped3A = tpu.sem_alloc : memref<!tpu.dma_semaphore, #tpu.memory_space<semaphore_mem>>
        %dma_start3A = arith.constant 0 : i32
        %dma_start3A_37 = tpu.memref_slice %arg7[%add3A_33, %dma_start3A] : memref<10000x128xf32, #tpu.memory_space<vmem_shared>> -> memref<80x128xf32, #tpu.memory_space<vmem_shared>>
        %dma_start3A_38 = arith.constant 0 : i32
        %dma_start3A_39 = tpu.memref_slice %arg7[%add3A_33, %dma_start3A_38] : memref<10000x128xf32, #tpu.memory_space<vmem_shared>> -> memref<80x128xf32, #tpu.memory_space<vmem_shared>>
        tpu.enqueue_dma source(%dma_start3A_39 : memref<80x128xf32, #tpu.memory_space<vmem_shared>>) target(%arg12 : memref<80x128xf32, #tpu.memory_space<vmem>>) target_semaphore(%run_scoped3A : memref<!tpu.dma_semaphore, #tpu.memory_space<semaphore_mem>>)
        %dma_wait3A = arith.constant 0 : i32
        %dma_wait3A_40 = tpu.memref_slice %arg7[%add3A_33, %dma_wait3A] : memref<10000x128xf32, #tpu.memory_space<vmem_shared>> -> memref<80x128xf32, #tpu.memory_space<vmem_shared>>
        %dma_wait3A_41 = arith.constant 0 : i32
        %dma_wait3A_42 = tpu.memref_slice %arg7[%add3A_33, %dma_wait3A_41] : memref<10000x128xf32, #tpu.memory_space<vmem_shared>> -> memref<80x128xf32, #tpu.memory_space<vmem_shared>>
        tpu.wait_dma2 semaphore(%run_scoped3A : memref<!tpu.dma_semaphore, #tpu.memory_space<semaphore_mem>>) src(%dma_wait3A_42 : memref<80x128xf32, #tpu.memory_space<vmem_shared>>) dst(%arg12 : memref<80x128xf32, #tpu.memory_space<vmem>>)
        tpu.yield
      }) : () -> ()
      %mul3A_34 = arith.constant 10000 : i32
      %mul3A_35 = arith.muli %arg0, %mul3A_34 : i32
      %add3A_36 = arith.addi %mul3A_35, %add3A_33 : i32
      "tpu.region"() ({
        %run_scoped3A = tpu.sem_alloc : memref<!tpu.dma_semaphore, #tpu.memory_space<semaphore_mem>>
        %dma_start3A = arith.constant 0 : i32
        %dma_start3A_37 = tpu.memref_slice %arg5[%add3A_36, %dma_start3A] : memref<20000x128xf32, #tpu.memory_space<hbm>> -> memref<80x128xf32, #tpu.memory_space<hbm>>
        %dma_start3A_38 = arith.constant 0 : i32
        %dma_start3A_39 = tpu.memref_slice %arg5[%add3A_36, %dma_start3A_38] : memref<20000x128xf32, #tpu.memory_space<hbm>> -> memref<80x128xf32, #tpu.memory_space<hbm>>
        tpu.enqueue_dma source(%arg12 : memref<80x128xf32, #tpu.memory_space<vmem>>) target(%dma_start3A_39 : memref<80x128xf32, #tpu.memory_space<hbm>>) target_semaphore(%run_scoped3A : memref<!tpu.dma_semaphore, #tpu.memory_space<semaphore_mem>>)
        %dma_wait3A = arith.constant 0 : i32
        %dma_wait3A_40 = tpu.memref_slice %arg5[%add3A_36, %dma_wait3A] : memref<20000x128xf32, #tpu.memory_space<hbm>> -> memref<80x128xf32, #tpu.memory_space<hbm>>
        %dma_wait3A_41 = arith.constant 0 : i32
        %dma_wait3A_42 = tpu.memref_slice %arg5[%add3A_36, %dma_wait3A_41] : memref<20000x128xf32, #tpu.memory_space<hbm>> -> memref<80x128xf32, #tpu.memory_space<hbm>>
        tpu.wait_dma2 semaphore(%run_scoped3A : memref<!tpu.dma_semaphore, #tpu.memory_space<semaphore_mem>>) src(%arg12 : memref<80x128xf32, #tpu.memory_space<vmem>>) dst(%dma_wait3A_42 : memref<80x128xf32, #tpu.memory_space<hbm>>)
        tpu.yield
      }) : () -> ()
    }
    %scan3A_25 = arith.constant 8 : i32
    return
  }
}

module attributes {stable_mosaic.version = 14 : i64} {
  func.func @_tc_prepass(%arg0: i32, %arg1: memref<1000x128xf32, #tpu.memory_space<vmem>>, %arg2: memref<128x1024xf32, #tpu.memory_space<vmem>>, %arg3: memref<128x1024xf32, #tpu.memory_space<vmem>>, %arg4: memref<128x128xf32, #tpu.memory_space<vmem>>, %arg5: memref<8x128xf32, #tpu.memory_space<vmem>>, %arg6: memref<8x128xf32, #tpu.memory_space<vmem>>, %arg7: memref<1000x128xf32, #tpu.memory_space<vmem>>, %arg8: memref<8x1024xf32, #tpu.memory_space<vmem>>) attributes {dimension_semantics = [#tpu.dimension_semantics<arbitrary>], iteration_bounds = array<i64: 10>, scalar_prefetch = 0 : i64, scratch_operands = 0 : i64, tpu.core_type = #tpu.core_type<tc>, window_params = [{transform_indices = @transform_0, window_bounds = array<i64: 1000, 128>}, {transform_indices = @transform_1, window_bounds = array<i64: 128, 1024>}, {transform_indices = @transform_2, window_bounds = array<i64: 128, 1024>}, {pipeline_mode = #tpu.pipeline_mode<synchronous>, transform_indices = @transform_3, window_bounds = array<i64: 128, 128>}, {pipeline_mode = #tpu.pipeline_mode<synchronous>, transform_indices = @transform_4, window_bounds = array<i64: 8, 128>}, {pipeline_mode = #tpu.pipeline_mode<synchronous>, transform_indices = @transform_5, window_bounds = array<i64: 8, 128>}, {transform_indices = @transform_6, window_bounds = array<i64: 1000, 128>}, {transform_indices = @transform_7, window_bounds = array<i64: 8, 1024>}]} {
    %get3A = arith.constant 0 : index
    %get3A_0 = arith.constant 0 : index
    %get3A_1 = vector.load %arg1[%get3A, %get3A_0] : memref<1000x128xf32, #tpu.memory_space<vmem>>, vector<1000x128xf32>
    %get3A_2 = arith.constant 0 : index
    %get3A_3 = arith.constant 0 : index
    %get3A_4 = vector.load %arg4[%get3A_2, %get3A_3] : memref<128x128xf32, #tpu.memory_space<vmem>>, vector<128x128xf32>
    %dot_general3A = arith.constant dense<0.000000e+00> : vector<1000x128xf32>
    %dot_general3A_5 = tpu.matmul %get3A_1, %get3A_4, %dot_general3A {dimension_numbers = #tpu.dot_dimension_numbers<[1], [0], [0], [1], [0, 0, 1, 1], [], []>, transpose_lhs_hint = false} : vector<1000x128xf32>, vector<128x128xf32>, vector<1000x128xf32> -> vector<1000x128xf32>
    %iota3A = tpu.iota {dimensions = array<i32: 1>} : vector<1000x128xi32>
    %eq3A = arith.constant 50 : i32
    %eq3A_6 = vector.broadcast %eq3A : i32 to vector<1000x128xi32>
    %eq3A_7 = arith.cmpi eq, %iota3A, %eq3A_6 : vector<1000x128xi32>
    %eq3A_8 = arith.constant 114 : i32
    %eq3A_9 = vector.broadcast %eq3A_8 : i32 to vector<1000x128xi32>
    %eq3A_10 = arith.cmpi eq, %iota3A, %eq3A_9 : vector<1000x128xi32>
    %or3A = arith.ori %eq3A_7, %eq3A_10 : vector<1000x128xi1>
    %jit3A = arith.constant 1.000000e+00 : f32
    %broadcast_in_dim3A = vector.broadcast %jit3A : f32 to vector<1000x128xf32>
    %select_n3A = arith.select %or3A, %broadcast_in_dim3A, %dot_general3A_5 : vector<1000x128xi1>, vector<1000x128xf32>
    %swap3A = arith.constant 0 : index
    %swap3A_11 = arith.constant 0 : index
    %swap3A_12 = vector.load %arg7[%swap3A, %swap3A_11] : memref<1000x128xf32, #tpu.memory_space<vmem>>, vector<1000x128xf32>
    tpu.vector_store %arg7[%swap3A, %swap3A_11], %select_n3A {strides = array<i32>} : memref<1000x128xf32, #tpu.memory_space<vmem>>, vector<1000x128xf32>,
    %get3A_13 = arith.constant 0 : index
    %get3A_14 = arith.constant 0 : index
    %get3A_15 = vector.load %arg5[%get3A_13, %get3A_14] : memref<8x128xf32, #tpu.memory_space<vmem>>, vector<8x128xf32>
    %get3A_16 = arith.constant 0 : index
    %get3A_17 = arith.constant 0 : index
    %get3A_18 = vector.load %arg2[%get3A_16, %get3A_17] : memref<128x1024xf32, #tpu.memory_space<vmem>>, vector<128x1024xf32>
    %dot_general3A_19 = arith.constant dense<0.000000e+00> : vector<8x1024xf32>
    %dot_general3A_20 = tpu.matmul %get3A_15, %get3A_18, %dot_general3A_19 {dimension_numbers = #tpu.dot_dimension_numbers<[1], [0], [0], [1], [0, 0, 1, 1], [], []>, transpose_lhs_hint = false} : vector<8x128xf32>, vector<128x1024xf32>, vector<8x1024xf32> -> vector<8x1024xf32>
    %get3A_21 = arith.constant 0 : index
    %get3A_22 = arith.constant 0 : index
    %get3A_23 = vector.load %arg6[%get3A_21, %get3A_22] : memref<8x128xf32, #tpu.memory_space<vmem>>, vector<8x128xf32>
    %get3A_24 = arith.constant 0 : index
    %get3A_25 = arith.constant 0 : index
    %get3A_26 = vector.load %arg3[%get3A_24, %get3A_25] : memref<128x1024xf32, #tpu.memory_space<vmem>>, vector<128x1024xf32>
    %dot_general3A_27 = arith.constant dense<0.000000e+00> : vector<8x1024xf32>
    %dot_general3A_28 = tpu.matmul %get3A_23, %get3A_26, %dot_general3A_27 {dimension_numbers = #tpu.dot_dimension_numbers<[1], [0], [0], [1], [0, 0, 1, 1], [], []>, transpose_lhs_hint = false} : vector<8x128xf32>, vector<128x1024xf32>, vector<8x1024xf32> -> vector<8x1024xf32>
    %add3A = arith.addf %dot_general3A_20, %dot_general3A_28 : vector<8x1024xf32>
    %swap3A_29 = arith.constant 0 : index
    %swap3A_30 = arith.constant 0 : index
    %swap3A_31 = vector.load %arg8[%swap3A_29, %swap3A_30] : memref<8x1024xf32, #tpu.memory_space<vmem>>, vector<8x1024xf32>
    tpu.vector_store %arg8[%swap3A_29, %swap3A_30], %add3A {strides = array<i32>} : memref<8x1024xf32, #tpu.memory_space<vmem>>, vector<8x1024xf32>,
    return
  }
  func.func @transform_0(%arg0: i32) -> (i32, i32) {
    %c0_i32 = arith.constant 0 : i32
    %c0_i32_0 = arith.constant 0 : i32
    return %arg0, %c0_i32 : i32, i32
  }
  func.func @transform_1(%arg0: i32) -> (i32, i32) {
    %c0_i32 = arith.constant 0 : i32
    %c0_i32_0 = arith.constant 0 : i32
    return %c0_i32, %arg0 : i32, i32
  }
  func.func @transform_2(%arg0: i32) -> (i32, i32) {
    %c0_i32 = arith.constant 0 : i32
    %c0_i32_0 = arith.constant 0 : i32
    return %c0_i32, %arg0 : i32, i32
  }
  func.func @transform_3(%arg0: i32) -> (i32, i32) {
    %c0_i32 = arith.constant 0 : i32
    %c0_i32_0 = arith.constant 0 : i32
    %c0_i32_1 = arith.constant 0 : i32
    return %c0_i32, %c0_i32_0 : i32, i32
  }
  func.func @transform_4(%arg0: i32) -> (i32, i32) {
    %c0_i32 = arith.constant 0 : i32
    %c0_i32_0 = arith.constant 0 : i32
    %c0_i32_1 = arith.constant 0 : i32
    return %c0_i32, %c0_i32_0 : i32, i32
  }
  func.func @transform_5(%arg0: i32) -> (i32, i32) {
    %c0_i32 = arith.constant 0 : i32
    %c0_i32_0 = arith.constant 0 : i32
    %c0_i32_1 = arith.constant 0 : i32
    return %c0_i32, %c0_i32_0 : i32, i32
  }
  func.func @transform_6(%arg0: i32) -> (i32, i32) {
    %c0_i32 = arith.constant 0 : i32
    %c0_i32_0 = arith.constant 0 : i32
    return %arg0, %c0_i32 : i32, i32
  }
  func.func @transform_7(%arg0: i32) -> (i32, i32) {
    %c0_i32 = arith.constant 0 : i32
    %c0_i32_0 = arith.constant 0 : i32
    return %c0_i32, %arg0 : i32, i32
  }
}

</mosaic_0001>

<sc_bundles>
// kernel: kernel_gat_sc_r9.5.cloned.1.call-start
scs
__scs_entry_jumppad:
0x0: {  	(pc) =	sbr.rel $0x88, $3  }
0x1: {  	(tag) =	ssettag $0x0;
	lr =	simm.s32 $0x1  }
0x2: {  	[smem:$0x3F93] =	sst lr;
	_ =	strace $0xD0000000  }
0x3: {  	_ = 	snop  }
0x4: {  	_ = 	snop  }
0x5: {  	_ = 	snop  }
0x6: {  	_ = 	snop  }
0x7: {  	_ = 	snop  }
__scs_overlays_trampoline_lowered:
0x8: {  	[smem:$0x3FA2] =	sst s0  }
0x9: {  	[smem:$0x3FA3] =	sst s1  }
0xa: {  	[smem:$0x3FA4] =	sst s2  }
0xb: {  	[smem:$0x3FA5] =	sst s3  }
0xc: {  	[smem:$0x3FA6] =	sst s4  }
0xd: {  	[smem:$0x3FA7] =	sst s5  }
0xe: {  	[smem:$0x3FA8] =	sst s6  }
0xf: {  	[smem:$0x3FA9] =	sst s7  }
0x10: {  	[smem:$0x3FAA] =	sst s8  }
0x11: {  	[smem:$0x3FAB] =	sst s9;
	s0 =	simm.s32 @!p0 $0x0  }
0x12: {  	s1 =	sld [smem:$0x3F91];
	s0 =	simm.s32 @p0 $0x1  }
0x13: {  	[smem:$0x3FAC] =	sst s0;
	s0 =	simm.s32 @!p1 $0x0  }
0x14: {  	s2 =	sld [smem:$0x3F90];
	s0 =	simm.s32 @p1 $0x1  }
0x15: {  	[smem:$0x3FAD] =	sst s0;
	s0 =	simm.s32 @!p2 $0x0  }
0x16: {  	s3 =	sld [smem:$0x3FDB];
	s0 =	simm.s32 @p2 $0x1  }
0x17: {  	s4 =	simm.s32 $0x1BF5;
	[smem:$0x3FAF] =	sst s0  }
0x18: {  	s0 =	sld [smem:$0x3F92];
	_ =	swait.ge [sflag:s4], $0x0  }
0x19: {  	s7 =	sld [smem:$0x3F93]  }
0x1a: {  	s8 =	sadd.s32 $0xFFFFE003, lr  }
0x1b: {  	s9 =	sadd.s32 $0xFFFFFEF7, lr;
	s5 =	simm.s32 $0xFFFFFFFF;
	p2 =	slt.u32 s8, $0xFFFFF086  }
0x1c: {  	p1 =	slt.u32 s9, $0xF7A;
	s5 =	simm.s32 @!p2 $0x0  }
0x1d: {  	s5 =	simm.s32 @p1 $0x1;
	p0 =	seq.s32 s7, s2  }
0x1e: {  	s7 =	smul.u32 @!p0 $0xF7A, s2;
	p2 =	seq.s32 @!p0 s5, $0x0  }
0x1f: {  	s9 =	smul.u32 $0xF7A, s1;
	s8 =	simm.s32 @!p0 $0x1BF5;
	p2 =	por !p2, p0  }
0x20: {  	[sflag:s8] =	ssyncset.s32 @!p0 $0xFFFFF086;
	s6 =	sadd.s32 @!p0 s3, s7;
	s7 =	simm.s32 @!p0 $0x108  }
0x21: {  	s3 =	sadd.s32 s3, s9;
	s6 =	sadd.s32 @!p0 $0x88, s6;
	s7 =	simm.s32 @p2 $0x1082  }
0x22: {  	[simem:s7], [sflag:s8] =	dma.local @!p0 [hbm:s6], $0xF7A  }
0x23: {  	s9 =	sor.u32 $0xD0000000, s2;
	s6 =	simm.s32 $0x108;
	_ =	swait.ge @!p0 [sflag:s8], $0x0  }
0x24: {  	s3 =	sadd.s32 $0x88, s3;
	s6 =	simm.s32 @!p1 $0x1082;
	[sflag:s4] =	ssyncset.s32 $0xFFFFF086  }
0x25: {  	[simem:s6], [sflag:s4] =	dma.local [hbm:s3], $0xF7A  }
0x26: {  	[smem:$0x3F93] =	sst s1;
	(tag) =	ssettag s2;
	_ =	strace s9  }
0x27: {  	s1 =	sld [smem:$0x3FA3]  }
0x28: {  	s2 =	sld [smem:$0x3FA4]  }
0x29: {  	s4 =	sld [smem:$0x3FA6]  }
0x2a: {  	p0 =	seq.s32 s5, $0x0;
	s5 =	sld [smem:$0x3FA7]  }
0x2b: {  	s6 =	sld [smem:$0x3FA8]  }
0x2c: {  	s7 =	sld [smem:$0x3FA9]  }
0x2d: {  	s3 =	simm.s32 $0x108;
	s8 =	sld [smem:$0x3FAA]  }
0x2e: {  	s3 =	simm.s32 @!p0 $0x1082;
	s9 =	sld [smem:$0x3FAB]  }
0x2f: {  	lr =	sadd.s32 s0, s3;
	s0 =	sld [smem:$0x3FA2]  }
0x30: {  	s3 =	sld [smem:$0x3FA5]  }
0x31: {  	[smem:$0x3FAE] =	sst s10  }
0x32: {  	s10 =	sld [smem:$0x3FAC];
	_ =	sdelay $0x3  }
0x33: {  	p0 =	seq.s32 s10, $0x1;
	s10 =	sld [smem:$0x3FAE];
	_ =	sdelay $0x3  }
0x34: {  	[smem:$0x3FAE] =	sst s10  }
0x35: {  	s10 =	sld [smem:$0x3FAD];
	_ =	sdelay $0x3  }
0x36: {  	p1 =	seq.s32 s10, $0x1;
	s10 =	sld [smem:$0x3FAE];
	_ =	sdelay $0x3  }
0x37: {  	[smem:$0x3FAE] =	sst s10  }
0x38: {  	s10 =	sld [smem:$0x3FAF]  }
0x39: {  	_ = 	snop;
	(pc) =	sbr.ind lr, $3  }
0x3a: {  	_ = 	snop  }
0x3b: {  	_ = 	snop  }
0x3c: {  	p2 =	seq.s32 s10, $0x1;
	s10 =	sld [smem:$0x3FAE]  }
0x3d: {  	_ =	shalt  }
0x3e: {  	_ =	shalt  }
0x3f: {  	_ =	shalt  }
0x40: {  	_ =	shalt  }
0x41: {  	_ =	shalt  }
0x42: {  	_ =	shalt  }
0x43: {  	_ =	shalt  }
0x44: {  	_ =	shalt  }
0x45: {  	_ =	shalt  }
0x46: {  	_ =	shalt  }
0x47: {  	_ =	shalt  }
0x48: {  	_ =	shalt  }
0x49: {  	_ =	shalt  }
0x4a: {  	_ =	shalt  }
0x4b: {  	_ =	shalt  }
0x4c: {  	_ =	shalt  }
0x4d: {  	_ =	shalt  }
0x4e: {  	_ =	shalt  }
0x4f: {  	_ =	shalt  }
0x50: {  	_ =	shalt  }
0x51: {  	_ =	shalt  }
0x52: {  	_ =	shalt  }
0x53: {  	_ =	shalt  }
0x54: {  	_ =	shalt  }
0x55: {  	_ =	shalt  }
0x56: {  	_ =	shalt  }
0x57: {  	_ =	shalt  }
0x58: {  	_ =	shalt  }
0x59: {  	_ =	shalt  }
0x5a: {  	_ =	shalt  }
0x5b: {  	_ =	shalt  }
0x5c: {  	_ =	shalt  }
0x5d: {  	_ =	shalt  }
0x5e: {  	_ =	shalt  }
0x5f: {  	_ =	shalt  }
0x60: {  	_ =	shalt  }
0x61: {  	_ =	shalt  }
0x62: {  	_ =	shalt  }
0x63: {  	_ =	shalt  }
0x64: {  	_ =	shalt  }
0x65: {  	_ =	shalt  }
0x66: {  	_ =	shalt  }
0x67: {  	_ =	shalt  }
0x68: {  	_ =	shalt  }
0x69: {  	_ =	shalt  }
0x6a: {  	_ =	shalt  }
0x6b: {  	_ =	shalt  }
0x6c: {  	_ =	shalt  }
0x6d: {  	_ =	shalt  }
0x6e: {  	_ =	shalt  }
0x6f: {  	_ =	shalt  }
0x70: {  	_ =	shalt  }
0x71: {  	_ =	shalt  }
0x72: {  	_ =	shalt  }
0x73: {  	_ =	shalt  }
0x74: {  	_ =	shalt  }
0x75: {  	_ =	shalt  }
0x76: {  	_ =	shalt  }
0x77: {  	_ =	shalt  }
0x78: {  	_ =	shalt  }
0x79: {  	_ =	shalt  }
0x7a: {  	_ =	shalt  }
0x7b: {  	_ =	shalt  }
0x7c: {  	_ =	shalt  }
0x7d: {  	_ =	shalt  }
0x7e: {  	_ =	shalt  }
0x7f: {  	_ =	shalt  }
0x80: {  	_ =	shalt  }
0x81: {  	_ =	shalt  }
0x82: {  	_ =	shalt  }
0x83: {  	_ =	shalt  }
0x84: {  	_ =	shalt  }
0x85: {  	_ =	shalt  }
0x86: {  	_ =	shalt  }
0x87: {  	_ =	shalt  }
.Lfunc_end0:
.L_simem_size_0:
called_computation_lowered:
.L_overlay_start_0:
0x88: {  	s2 =	sld [smem:$0x3FD9]  }
0x89: {  	s3 =	sld [smem:$0x3FFE];
	_ =	sdelay $0x1  }
0x8a: {  	s1 =	srdreg.scid  }
0x8b: {  	s0 =	sand.u32 $0x1, s1  }
0x8c: {  	s16 =	sshll.u32 s0, $0xA;
	s2 =	sadd.s32 s3, s2  }
0x8d: {  	s2 =	sadd.s32 s2, s16  }
0x8e: {  	[smem:$0x3FBA] =	sst s2  }
0x8f: {  	_ = 	snop  }
0x90: {  	(tm) =	ssettm $0x1  }
0x91: {  	s17 =	sld [smem:$0x3FFB];
	_ =	sdelay $0x3  }
0x92: {  	_ =	strace s17  }
0x93: {  	s2 =	sld [smem:$0x3FFC];
	_ =	sdelay $0x3  }
0x94: {  	_ =	strace s2  }
0x95: {  	s2 =	sld [smem:$0x3FFD];
	_ =	sdelay $0x3  }
0x96: {  	_ =	strace s2  }
0x97: {  	_ =	strace $0x8FFFFFFF  }
0x98: {  	s18 =	sld [smem:$0x3FDB];
	_ =	sdelay $0x1  }
0x99: {  	s19 =	simm.s32 $_scs_section_size  }
0x9a: {  	s4 =	simm.s32 $_size__tile_overlayer_lowered;
	s5 =	simm.s32 $_tile_overlayer_lowered  }
0x9b: {  	s22 =	simm.s32 $0x1BFF;
	s21 =	sshll.u32 s5, $0x1;
	s2 =	sadd.s32 s19, s18  }
0x9c: {  	s6 =	simm.s32 $0x0;
	s20 =	sshll.u32 s4, $0x1;
	s4 =	sadd.s32 s21, s2  }
0x9d: {  	[timem:s6], [sflag:s22] =	dma.local [hbm:s4], s20  }
0x9e: {  	_ =	swait.ge [sflag:s22], s20  }
0x9f: {  	s3 =	ssub.s32 $0x0, s20;
	[sflag:s22] =	ssyncset.done $0x0  }
0xa0: {  	[sflag:s22] =	ssyncadd.s32 s3;
	_ =	sdelay $0x1  }
0xa1: {  	s23 =	simm.s32 $0x1B8B  }
0xa2: {  	_ =	swait.ge [sflag:s23], $0x1  }
0xa3: {  	[sflag:s23] =	ssyncset.done $0x0  }
0xa4: {  	s25 =	simm.s32 $0x1B8E;
	s24 =	sld [smem:$0x3FFE];
	[sflag:s23] =	ssyncadd.s32 $0xFFFFFFFF  }
0xa5: {  	s26 =	simm.s32 $execute0_lowered;
	[smem:$0x3FD2] =	sst s25  }
0xa6: {  	s4 =	sshll.u32 s26, $0x1;
	_ =	strace $0x80000046;
	[dreg:$0x1] =	wrdreg $0xFFFFFFFF  }
0xa7: {  	s28 =	simm.s32 $_size_execute0_lowered;
	s2 =	sadd.s32 s2, s4;
	[dreg:$0x0] =	wrdreg $0x0  }
0xa8: {  	s4 =	sshll.u32 s28, $0x1;
	[dreg:$0x2] =	wrdreg s2  }
0xa9: {  	[dreg:$0x3] =	wrdreg s4  }
0xaa: {  	[dreg:$0x4] =	wrdreg $0xC0  }
0xab: {  	_ =	task [dreg:s6], $0x5FFFF  }
0xac: {  	[dreg:$0x1] =	wrdreg $0xFFFFFFFF  }
0xad: {  	[dreg:$0x0] =	wrdreg $0x60  }
0xae: {  	[dreg:$0x2] =	wrdreg s24  }
0xaf: {  	[dreg:$0x3] =	wrdreg $0x9  }
0xb0: {  	_ =	task.clear_ibuf [dreg:s6], $0x4FFFF;
	_ =	strace $0x90000046  }
0xb1: {  	s29 =	simm.s32 $0x9;
	_ =	strace $0x80000048  }
0xb2: {  	_ =	swait.ge [sflag:s29], $0x1  }
0xb3: {  	[sflag:s29] =	ssyncadd.s32 $0xFFFFFFFF  }
0xb4: {  	_ =	strace $0x90000048  }
0xb5: {  	_ =	sfence  }
0xb6: {  	s30 =	sld [smem:$0x0];
	_ =	sdelay $0x2  }
0xb7: {  	s31 =	sshll.u32 s1, $0xD;
	s1 =	sshrl.u32 s1, $0x2  }
0xb8: {  	s3 =	sand.u32 $0x4000, s31;
	s1 =	sadd.s32 s1, s30  }
0xb9: {  	s0 =	sor.u32 s3, s0;
	s1 =	sshll.u32 s1, $0x11  }
0xba: {  	s0 =	sor.u32 s1, s0  }
0xbb: {  	s0 =	sadd.s32 $0x8F2B, s0  }
0xbc: {  	[sflag:s0] =	ssyncadd.remote.s32 $0x1  }
0xbd: {  	_ =	sfence.sel $0xFFFF  }
0xbe: {  	[dreg:$0x0] =	wrdreg $0xFFFFFFFF;
	(pc) =	sbr.abs _section_cstart, $3  }
0xbf: {  	[dreg:$0x1] =	wrdreg $0xFFFFFFFF  }
0xc0: {  	_ =	task.clear_ibuf [dreg:s6], $0x2FFFF;
	_ =	strace $0x9FFFFFFF  }
0xc1: {  	(tm) =	ssettm $0x7FFFFFFF  }
tec
execute0_lowered:
.L_overlay_start_1:
0x0: {  	(tag) =	ssettag $0x1  }
0x1: {  	s0 =	rddreg [dreg:$0x0];
	s2 =	simm.s32 $0x0;
	s3 =	srdreg.scid  }
0x2: {  	s1 =	stileid.u32;
	s18 =	simm.s32 $0x2780;
	s19 =	simm.s32 $0x4F00  }
0x3: {  	s20 =	simm.s32 $0x7680;
	s21 =	simm.s32 $0x9E00;
	s22 =	simm.s32 $0x9E80  }
0x4: {  	s23 =	simm.s32 $0xA080;
	s24 =	simm.s32 $0xA280;
	s28 =	simm.s32 $0xA880  }
0x5: {  	s29 =	simm.s32 $0xAA80;
	s30 =	simm.s32 $0xAC80;
	s31 =	simm.s32 $0x0  }
0x6: {  	[smem:$0x7FF] =	sst s2;
	s16 =	sadd.s32 $0x29C00, s0;
	s3 =	sand.u32 $0x1, s3  }
0x7: {  	s5 =	smul.u32 $0x4E20, s1;
	s15 =	sadd.s32 $0x3D600, s0;
	s4 =	sadd.s32 $0x29A00, s0  }
0x8: {  	s14 =	sadd.s32 $0x64800, s0;
	s6 =	ssub.s32 $0x2, s3;
	s7 =	smul.u32 $0x2710, s3  }
0x9: {  	_ =	strace $0x80000047;
	s3 =	sadd.s32 $0x27200, s0;
	s8 =	sshrl.u32 s6, $0x1  }
0xa: {  	s8 =	ssub.s32 s6, s8;
	s12 =	sadd.s32 s7, s5;
	s5 =	sadd.s32 $0x27700, s0  }
0xb: {  	s6 =	sadd.s32 $0x27C00, s0;
	s7 =	sadd.s32 $0x28100, s0;
	s11 =	sshrl.u32 s12, $0x3  }
0xc: {  	s8 =	smax.u32 s8, $0x1;
	s25 =	sadd.s32 $0xEA600, s12;
	s13 =	sadd.s32 $0x9C400, s12  }
0xd: {  	s17 =	sadd.s32 $0x4E200, s12;
	s9 =	sadd.s32 s11, s14;
	s10 =	sadd.s32 s11, s15  }
0xe: {  	s11 =	sadd.s32 s11, s16;
	s0 =	sshrl.u32 s25, $0x3;
	s26 =	sshrl.u32 s13, $0x3  }
0xf: {  	s17 =	sshrl.u32 s17, $0x3;
	s25 =	simm.s32 $0xA480;
	s12 =	sadd.s32 s0, s15  }
0x10: {  	s13 =	sadd.s32 s26, s15;
	s14 =	sadd.s32 s17, s14;
	s15 =	sadd.s32 s17, s15  }
0x11: {  	s16 =	sadd.s32 s17, s16;
	s17 =	simm.s32 $0x1;
	s26 =	simm.s32 $0xA680  }
.LBB2_1:
0x12: {  	[tilespmem:s2], [sflag:$0x1] =	stream.linear.gather [hbm4b:s3+s2], $0x2710, $0x38;
	[tilespmem:$0xAE80] =	vst v63  }
0x13: {  	_ =	swait.ge [sflag:s17], $0x2710  }
0x14: {  	[sflag:s17] =	ssyncset.done $0x0  }
0x15: {  	[sflag:s17] =	ssyncadd.s32 $0xFFFFD8F0  }
0x16: {  	[tilespmem:s18], [sflag:$0x1] =	stream.linear.gather [hbm4b:s5+s2], $0x2710, $0x38;
	[tilespmem:$0xAE80] =	vst v63  }
0x17: {  	_ =	swait.ge [sflag:s17], $0x2710  }
0x18: {  	[sflag:s17] =	ssyncset.done $0x0  }
0x19: {  	[sflag:s17] =	ssyncadd.s32 $0xFFFFD8F0  }
0x1a: {  	[tilespmem:s19], [sflag:$0x1] =	stream.linear.gather [hbm4b:s6+s2], $0x2710, $0x38;
	[tilespmem:$0xAE80] =	vst v63  }
0x1b: {  	_ =	swait.ge [sflag:s17], $0x2710  }
0x1c: {  	[sflag:s17] =	ssyncset.done $0x0  }
0x1d: {  	[sflag:s17] =	ssyncadd.s32 $0xFFFFD8F0  }
0x1e: {  	[tilespmem:s20], [sflag:$0x1] =	stream.linear.gather [hbm4b:s7+s2], $0x2710, $0x38;
	[tilespmem:$0xAE80] =	vst v63  }
0x1f: {  	_ =	swait.ge [sflag:s17], $0x2710  }
0x20: {  	[sflag:s17] =	ssyncset.done $0x0  }
0x21: {  	[sflag:s17] =	ssyncadd.s32 $0xFFFFD8F0  }
0x22: {  	[tilespmem:s21], [sflag:$0x1] =	stream.linear.gather [hbm4b:s4+s2], $0x80, $0x38;
	[tilespmem:$0xAE80] =	vst v63  }
0x23: {  	_ =	swait.ge [sflag:s17], $0x80  }
0x24: {  	[sflag:s17] =	ssyncset.done $0x0  }
0x25: {  	[sflag:s17] =	ssyncadd.s32 $0xFFFFFF80  }
0x26: {  	v7 =	vld [tilespmem:$0x9E00];
	_ =	sdelay $0x4  }
0x27: {  	v0 =	vbroadcast v7, $0x0;
	v1 =	vbroadcast v7, $0x1  }
0x28: {  	v2 =	vbroadcast v7, $0x2;
	v3 =	vbroadcast v7, $0x3  }
0x29: {  	v4 =	vbroadcast v7, $0x4;
	v5 =	vbroadcast v7, $0x5  }
0x2a: {  	s0 =	simm.s32 $0x0;
	v6 =	vbroadcast v7, $0x6;
	v7 =	vbroadcast v7, $0x7  }
.LBB2_2:
0x2b: {  	s1 =	sadd.s32 s0, s11  }
0x2c: {  	[tilespmem:s22], [sflag:$0x1] =	stream.linear.gather [hbm4b:s1+s2], $0x190, $0x38;
	[tilespmem:$0xAE80] =	vst v63  }
0x2d: {  	_ =	swait.ge [sflag:s17], $0x190  }
0x2e: {  	[sflag:s17] =	ssyncset.done $0x0  }
0x2f: {  	s1 =	sadd.s32 s0, s16;
	[sflag:s17] =	ssyncadd.s32 $0xFFFFFE70  }
0x30: {  	[tilespmem:s23], [sflag:$0x1] =	stream.linear.gather [hbm4b:s1+s2], $0x190, $0x38;
	[tilespmem:$0xAE80] =	vst v63  }
0x31: {  	_ =	swait.ge [sflag:s17], $0x190  }
0x32: {  	[sflag:s17] =	ssyncset.done $0x0  }
0x33: {  	s1 =	sadd.s32 s0, s10;
	[sflag:s17] =	ssyncadd.s32 $0xFFFFFE70  }
0x34: {  	[tilespmem:s24], [sflag:$0x1] =	stream.linear.gather [hbm4b:s1+s2], $0x190, $0x38;
	[tilespmem:$0xAE80] =	vst v63  }
0x35: {  	_ =	swait.ge [sflag:s17], $0x190  }
0x36: {  	[sflag:s17] =	ssyncset.done $0x0  }
0x37: {  	s1 =	sadd.s32 s0, s15;
	[sflag:s17] =	ssyncadd.s32 $0xFFFFFE70  }
0x38: {  	[tilespmem:s25], [sflag:$0x1] =	stream.linear.gather [hbm4b:s1+s2], $0x190, $0x38;
	[tilespmem:$0xAE80] =	vst v63  }
0x39: {  	_ =	swait.ge [sflag:s17], $0x190  }
0x3a: {  	[sflag:s17] =	ssyncset.done $0x0  }
0x3b: {  	s1 =	sadd.s32 s0, s13;
	[sflag:s17] =	ssyncadd.s32 $0xFFFFFE70  }
0x3c: {  	[tilespmem:s26], [sflag:$0x1] =	stream.linear.gather [hbm4b:s1+s2], $0x190, $0x38;
	[tilespmem:$0xAE80] =	vst v63  }
0x3d: {  	_ =	swait.ge [sflag:s17], $0x190  }
0x3e: {  	[sflag:s17] =	ssyncset.done $0x0  }
0x3f: {  	s1 =	sadd.s32 s0, s12;
	[sflag:s17] =	ssyncadd.s32 $0xFFFFFE70  }
0x40: {  	[tilespmem:s28], [sflag:$0x1] =	stream.linear.gather [hbm4b:s1+s2], $0x190, $0x38;
	[tilespmem:$0xAE80] =	vst v63  }
0x41: {  	_ =	swait.ge [sflag:s17], $0x190  }
0x42: {  	[sflag:s17] =	ssyncset.done $0x0  }
0x43: {  	[sflag:s17] =	ssyncadd.s32 $0xFFFFFE70  }
0x44: {  	v8 =	vld [tilespmem:$0x9E80];
	_ =	sdelay $0x1  }
0x45: {  	v9 =	vld [tilespmem:$0xA080]  }
0x46: {  	v10 =	vld [tilespmem:$0xA280]  }
0x47: {  	v11 =	vld [tilespmem:$0xA480];
	_ =	sdelay $0x1  }
0x48: {  	v12 =	vld [tilespmem:$0xA680]  }
0x49: {  	v14 =	vld [tilespmem:$0xA880]  }
0x4a: {  	v13 =	vld.idx.msk [tilespmem:v8+s2+$0x0], $0xffff  }
0x4b: {  	v15 =	vmul.f32 v10, v0;
	v16 =	vmul.f32 v11, v1;
	v8 =	vld.idx.msk [tilespmem:v8+s18+$0x0], $0xffff  }
0x4c: {  	v10 =	vmul.f32 v10, v4;
	v11 =	vmul.f32 v11, v5;
	v17 =	vld.idx.msk [tilespmem:v9+s19+$0x0], $0xffff  }
0x4d: {  	v49 =	vmul.f32 v12, v2;
	v15 =	vadd.f32 v16, v15;
	v9 =	vld.idx.msk [tilespmem:v9+s20+$0x0], $0xffff  }
0x4e: {  	v50 =	vmul.f32 v12, v6;
	v10 =	vadd.f32 v11, v10  }
0x4f: {  	v52 =	vmul.f32 v14, v3;
	v51 =	vadd.f32 v49, v15  }
0x50: {  	v53 =	vmul.f32 v14, v7;
	v10 =	vadd.f32 v50, v10  }
0x51: {  	v12 =	vadd.f32 v52, v51;
	v13 =	vadd.f32 v17, v13  }
0x52: {  	v54 =	vadd.f32 v53, v10;
	v8 =	vadd.f32 v9, v8  }
0x53: {  	v55 =	vadd.f32 v12, v13  }
0x54: {  	v8 =	vadd.f32 v54, v8  }
0x55: {  	v56 =	vmul.f32 $2.000000030e-01, v55  }
0x56: {  	vm0 =	vge.f32 v55, $0.0e+00;
	v57 =	vmul.f32 $2.000000030e-01, v8  }
0x57: {  	vm15 =	vge.f32 v8, $0.0e+00;
	v9 =	vsel vm0, v55, v56  }
0x58: {  	v8 =	vsel vm15, v8, v57;
	v9 =	vmul.f32 $1.442695020e+00, v9  }
0x59: {  	v8 =	vmul.f32 $1.442695020e+00, v8  }
0x5a: {  	(erf) = vpow2.f32 v9  }
0x5b: {  	(erf) = vpow2.f32 v8;
	_ =	sdelay $0x2  }
0x5c: {  	v8 =	vld [tilespmem:$0x9E90];
	_ =	sdelay $0x1  }
0x5d: {  	v58 =	vld [tilespmem:$0xA090]  }
0x5e: {  	v59 =	vld [tilespmem:$0xA290]  }
0x5f: {  	v61 =	vld [tilespmem:$0xA490]  }
0x60: {  	v60 =	vpop (erf)  }
0x61: {  	v63 =	vld [tilespmem:$0xA690];
	[tilespmem:$0xAA80] =	vst v60;
	v62 =	vpop (erf)  }
0x62: {  	v21 =	vld [tilespmem:$0xA890];
	[tilespmem:$0xAC80] =	vst v62  }
0x63: {  	v20 =	vld.idx.msk [tilespmem:v8+s2+$0x0], $0xffff  }
0x64: {  	v22 =	vmul.f32 v59, v0;
	v23 =	vmul.f32 v61, v1;
	v8 =	vld.idx.msk [tilespmem:v8+s18+$0x0], $0xffff  }
0x65: {  	v10 =	vmul.f32 v59, v4;
	v12 =	vmul.f32 v61, v5;
	v24 =	vld.idx.msk [tilespmem:v58+s19+$0x0], $0xffff  }
0x66: {  	v25 =	vmul.f32 v63, v2;
	v15 =	vadd.f32 v23, v22;
	v9 =	vld.idx.msk [tilespmem:v58+s20+$0x0], $0xffff  }
0x67: {  	v11 =	vmul.f32 v63, v6;
	v10 =	vadd.f32 v12, v10  }
0x68: {  	v27 =	vmul.f32 v21, v3;
	v26 =	vadd.f32 v25, v15  }
0x69: {  	v28 =	vmul.f32 v21, v7;
	v10 =	vadd.f32 v11, v10  }
0x6a: {  	v12 =	vadd.f32 v27, v26;
	v13 =	vadd.f32 v24, v20  }
0x6b: {  	v29 =	vadd.f32 v28, v10;
	v8 =	vadd.f32 v9, v8  }
0x6c: {  	v30 =	vadd.f32 v12, v13  }
0x6d: {  	v8 =	vadd.f32 v29, v8  }
0x6e: {  	v31 =	vmul.f32 $2.000000030e-01, v30  }
0x6f: {  	vm4 =	vge.f32 v30, $0.0e+00;
	v32 =	vmul.f32 $2.000000030e-01, v8  }
0x70: {  	vm5 =	vge.f32 v8, $0.0e+00;
	v9 =	vsel vm4, v30, v31  }
0x71: {  	v8 =	vsel vm5, v8, v32;
	v9 =	vmul.f32 $1.442695020e+00, v9  }
0x72: {  	v8 =	vmul.f32 $1.442695020e+00, v8  }
0x73: {  	(erf) = vpow2.f32 v9  }
0x74: {  	(erf) = vpow2.f32 v8;
	_ =	sdelay $0x2  }
0x75: {  	v8 =	vld [tilespmem:$0x9EA0];
	_ =	sdelay $0x1  }
0x76: {  	v33 =	vld [tilespmem:$0xA0A0]  }
0x77: {  	v34 =	vld [tilespmem:$0xA2A0]  }
0x78: {  	v36 =	vld [tilespmem:$0xA4A0]  }
0x79: {  	v35 =	vpop (erf)  }
0x7a: {  	v38 =	vld [tilespmem:$0xA6A0];
	[tilespmem:$0xAA90] =	vst v35;
	v37 =	vpop (erf)  }
0x7b: {  	v40 =	vld [tilespmem:$0xA8A0];
	[tilespmem:$0xAC90] =	vst v37  }
0x7c: {  	v39 =	vld.idx.msk [tilespmem:v8+s2+$0x0], $0xffff  }
0x7d: {  	v41 =	vmul.f32 v34, v0;
	v42 =	vmul.f32 v36, v1;
	v8 =	vld.idx.msk [tilespmem:v8+s18+$0x0], $0xffff  }
0x7e: {  	v10 =	vmul.f32 v34, v4;
	v12 =	vmul.f32 v36, v5;
	v43 =	vld.idx.msk [tilespmem:v33+s19+$0x0], $0xffff  }
0x7f: {  	v44 =	vmul.f32 v38, v2;
	v15 =	vadd.f32 v42, v41;
	v9 =	vld.idx.msk [tilespmem:v33+s20+$0x0], $0xffff  }
0x80: {  	v11 =	vmul.f32 v38, v6;
	v10 =	vadd.f32 v12, v10  }
0x81: {  	v46 =	vmul.f32 v40, v3;
	v45 =	vadd.f32 v44, v15  }
0x82: {  	v47 =	vmul.f32 v40, v7;
	v10 =	vadd.f32 v11, v10  }
0x83: {  	v12 =	vadd.f32 v46, v45;
	v13 =	vadd.f32 v43, v39  }
0x84: {  	v48 =	vadd.f32 v47, v10;
	v8 =	vadd.f32 v9, v8  }
0x85: {  	v49 =	vadd.f32 v12, v13  }
0x86: {  	v8 =	vadd.f32 v48, v8  }
0x87: {  	v50 =	vmul.f32 $2.000000030e-01, v49  }
0x88: {  	vm6 =	vge.f32 v49, $0.0e+00;
	v51 =	vmul.f32 $2.000000030e-01, v8  }
0x89: {  	vm7 =	vge.f32 v8, $0.0e+00;
	v9 =	vsel vm6, v49, v50  }
0x8a: {  	v8 =	vsel vm7, v8, v51;
	v9 =	vmul.f32 $1.442695020e+00, v9  }
0x8b: {  	v8 =	vmul.f32 $1.442695020e+00, v8  }
0x8c: {  	(erf) = vpow2.f32 v9  }
0x8d: {  	(erf) = vpow2.f32 v8;
	_ =	sdelay $0x2  }
0x8e: {  	v8 =	vld [tilespmem:$0x9EB0];
	_ =	sdelay $0x1  }
0x8f: {  	v52 =	vld [tilespmem:$0xA0B0]  }
0x90: {  	v53 =	vld [tilespmem:$0xA2B0]  }
0x91: {  	v55 =	vld [tilespmem:$0xA4B0]  }
0x92: {  	v54 =	vpop (erf)  }
0x93: {  	v57 =	vld [tilespmem:$0xA6B0];
	[tilespmem:$0xAAA0] =	vst v54;
	v56 =	vpop (erf)  }
0x94: {  	v59 =	vld [tilespmem:$0xA8B0];
	[tilespmem:$0xACA0] =	vst v56  }
0x95: {  	v58 =	vld.idx.msk [tilespmem:v8+s2+$0x0], $0xffff  }
0x96: {  	v61 =	vmul.f32 v55, v1;
	v60 =	vmul.f32 v53, v0;
	v8 =	vld.idx.msk [tilespmem:v8+s18+$0x0], $0xffff  }
0x97: {  	v10 =	vmul.f32 v53, v4;
	v12 =	vmul.f32 v55, v5;
	v62 =	vld.idx.msk [tilespmem:v52+s19+$0x0], $0xffff  }
0x98: {  	v63 =	vmul.f32 v57, v2;
	v15 =	vadd.f32 v61, v60;
	v9 =	vld.idx.msk [tilespmem:v52+s20+$0x0], $0xffff  }
0x99: {  	v11 =	vmul.f32 v57, v6;
	v10 =	vadd.f32 v12, v10  }
0x9a: {  	v19 =	vmul.f32 v59, v3;
	v18 =	vadd.f32 v63, v15  }
0x9b: {  	v20 =	vmul.f32 v59, v7;
	v10 =	vadd.f32 v11, v10  }
0x9c: {  	v12 =	vadd.f32 v19, v18;
	v13 =	vadd.f32 v62, v58  }
0x9d: {  	v21 =	vadd.f32 v20, v10;
	v8 =	vadd.f32 v9, v8  }
0x9e: {  	v22 =	vadd.f32 v12, v13  }
0x9f: {  	v8 =	vadd.f32 v21, v8  }
0xa0: {  	v23 =	vmul.f32 $2.000000030e-01, v22  }
0xa1: {  	vm8 =	vge.f32 v22, $0.0e+00;
	v24 =	vmul.f32 $2.000000030e-01, v8  }
0xa2: {  	vm9 =	vge.f32 v8, $0.0e+00;
	v9 =	vsel vm8, v22, v23  }
0xa3: {  	v8 =	vsel vm9, v8, v24;
	v9 =	vmul.f32 $1.442695020e+00, v9  }
0xa4: {  	v8 =	vmul.f32 $1.442695020e+00, v8  }
0xa5: {  	(erf) = vpow2.f32 v9  }
0xa6: {  	(erf) = vpow2.f32 v8;
	_ =	sdelay $0x2  }
0xa7: {  	v8 =	vld [tilespmem:$0x9EC0];
	_ =	sdelay $0x1  }
0xa8: {  	v25 =	vld [tilespmem:$0xA0C0]  }
0xa9: {  	v26 =	vld [tilespmem:$0xA2C0]  }
0xaa: {  	v28 =	vld [tilespmem:$0xA4C0]  }
0xab: {  	v27 =	vpop (erf)  }
0xac: {  	v30 =	vld [tilespmem:$0xA6C0];
	[tilespmem:$0xAAB0] =	vst v27;
	v29 =	vpop (erf)  }
0xad: {  	v32 =	vld [tilespmem:$0xA8C0];
	[tilespmem:$0xACB0] =	vst v29  }
0xae: {  	v31 =	vld.idx.msk [tilespmem:v8+s2+$0x0], $0xffff  }
0xaf: {  	v34 =	vmul.f32 v28, v1;
	v33 =	vmul.f32 v26, v0;
	v8 =	vld.idx.msk [tilespmem:v8+s18+$0x0], $0xffff  }
0xb0: {  	v10 =	vmul.f32 v26, v4;
	v12 =	vmul.f32 v28, v5;
	v35 =	vld.idx.msk [tilespmem:v25+s19+$0x0], $0xffff  }
0xb1: {  	v36 =	vmul.f32 v30, v2;
	v15 =	vadd.f32 v34, v33;
	v9 =	vld.idx.msk [tilespmem:v25+s20+$0x0], $0xffff  }
0xb2: {  	v11 =	vmul.f32 v30, v6;
	v10 =	vadd.f32 v12, v10  }
0xb3: {  	v38 =	vmul.f32 v32, v3;
	v37 =	vadd.f32 v36, v15  }
0xb4: {  	v39 =	vmul.f32 v32, v7;
	v10 =	vadd.f32 v11, v10  }
0xb5: {  	v12 =	vadd.f32 v38, v37;
	v13 =	vadd.f32 v35, v31  }
0xb6: {  	v40 =	vadd.f32 v39, v10;
	v8 =	vadd.f32 v9, v8  }
0xb7: {  	v41 =	vadd.f32 v12, v13  }
0xb8: {  	v8 =	vadd.f32 v40, v8  }
0xb9: {  	v42 =	vmul.f32 $2.000000030e-01, v41  }
0xba: {  	vm10 =	vge.f32 v41, $0.0e+00;
	v43 =	vmul.f32 $2.000000030e-01, v8  }
0xbb: {  	vm11 =	vge.f32 v8, $0.0e+00;
	v9 =	vsel vm10, v41, v42  }
0xbc: {  	v8 =	vsel vm11, v8, v43;
	v9 =	vmul.f32 $1.442695020e+00, v9  }
0xbd: {  	v8 =	vmul.f32 $1.442695020e+00, v8  }
0xbe: {  	(erf) = vpow2.f32 v9  }
0xbf: {  	(erf) = vpow2.f32 v8;
	_ =	sdelay $0x2  }
0xc0: {  	v8 =	vld [tilespmem:$0x9ED0];
	_ =	sdelay $0x1  }
0xc1: {  	v44 =	vld [tilespmem:$0xA0D0]  }
0xc2: {  	v45 =	vld [tilespmem:$0xA2D0]  }
0xc3: {  	v47 =	vld [tilespmem:$0xA4D0]  }
0xc4: {  	v46 =	vpop (erf)  }
0xc5: {  	v49 =	vld [tilespmem:$0xA6D0];
	[tilespmem:$0xAAC0] =	vst v46;
	v48 =	vpop (erf)  }
0xc6: {  	v51 =	vld [tilespmem:$0xA8D0];
	[tilespmem:$0xACC0] =	vst v48  }
0xc7: {  	v50 =	vld.idx.msk [tilespmem:v8+s2+$0x0], $0xffff  }
0xc8: {  	v53 =	vmul.f32 v47, v1;
	v52 =	vmul.f32 v45, v0;
	v8 =	vld.idx.msk [tilespmem:v8+s18+$0x0], $0xffff  }
0xc9: {  	v10 =	vmul.f32 v45, v4;
	v12 =	vmul.f32 v47, v5;
	v54 =	vld.idx.msk [tilespmem:v44+s19+$0x0], $0xffff  }
0xca: {  	v55 =	vmul.f32 v49, v2;
	v15 =	vadd.f32 v53, v52;
	v9 =	vld.idx.msk [tilespmem:v44+s20+$0x0], $0xffff  }
0xcb: {  	v11 =	vmul.f32 v49, v6;
	v10 =	vadd.f32 v12, v10  }
0xcc: {  	v57 =	vmul.f32 v51, v3;
	v56 =	vadd.f32 v55, v15  }
0xcd: {  	v58 =	vmul.f32 v51, v7;
	v10 =	vadd.f32 v11, v10  }
0xce: {  	v12 =	vadd.f32 v57, v56;
	v13 =	vadd.f32 v54, v50  }
0xcf: {  	v59 =	vadd.f32 v58, v10;
	v8 =	vadd.f32 v9, v8  }
0xd0: {  	v60 =	vadd.f32 v12, v13  }
0xd1: {  	v8 =	vadd.f32 v59, v8  }
0xd2: {  	v61 =	vmul.f32 $2.000000030e-01, v60  }
0xd3: {  	vm12 =	vge.f32 v60, $0.0e+00;
	v62 =	vmul.f32 $2.000000030e-01, v8  }
0xd4: {  	vm13 =	vge.f32 v8, $0.0e+00;
	v9 =	vsel vm12, v60, v61  }
0xd5: {  	v8 =	vsel vm13, v8, v62;
	v9 =	vmul.f32 $1.442695020e+00, v9  }
0xd6: {  	v8 =	vmul.f32 $1.442695020e+00, v8  }
0xd7: {  	(erf) = vpow2.f32 v9  }
0xd8: {  	(erf) = vpow2.f32 v8;
	_ =	sdelay $0x2  }
0xd9: {  	v8 =	vld [tilespmem:$0x9EE0];
	_ =	sdelay $0x1  }
0xda: {  	v63 =	vld [tilespmem:$0xA0E0]  }
0xdb: {  	v20 =	vld [tilespmem:$0xA2E0]  }
0xdc: {  	v22 =	vld [tilespmem:$0xA4E0]  }
0xdd: {  	v21 =	vpop (erf)  }
0xde: {  	v24 =	vld [tilespmem:$0xA6E0];
	[tilespmem:$0xAAD0] =	vst v21;
	v23 =	vpop (erf)  }
0xdf: {  	v26 =	vld [tilespmem:$0xA8E0];
	[tilespmem:$0xACD0] =	vst v23  }
0xe0: {  	v25 =	vld.idx.msk [tilespmem:v8+s2+$0x0], $0xffff  }
0xe1: {  	v28 =	vmul.f32 v22, v1;
	v27 =	vmul.f32 v20, v0;
	v8 =	vld.idx.msk [tilespmem:v8+s18+$0x0], $0xffff  }
0xe2: {  	v10 =	vmul.f32 v20, v4;
	v12 =	vmul.f32 v22, v5;
	v29 =	vld.idx.msk [tilespmem:v63+s19+$0x0], $0xffff  }
0xe3: {  	v30 =	vmul.f32 v24, v2;
	v15 =	vadd.f32 v28, v27;
	v9 =	vld.idx.msk [tilespmem:v63+s20+$0x0], $0xffff  }
0xe4: {  	v11 =	vmul.f32 v24, v6;
	v10 =	vadd.f32 v12, v10  }
0xe5: {  	v32 =	vmul.f32 v26, v3;
	v31 =	vadd.f32 v30, v15  }
0xe6: {  	v33 =	vmul.f32 v26, v7;
	v10 =	vadd.f32 v11, v10  }
0xe7: {  	v12 =	vadd.f32 v32, v31;
	v13 =	vadd.f32 v29, v25  }
0xe8: {  	v34 =	vadd.f32 v33, v10;
	v8 =	vadd.f32 v9, v8  }
0xe9: {  	v35 =	vadd.f32 v12, v13  }
0xea: {  	v8 =	vadd.f32 v34, v8  }
0xeb: {  	v36 =	vmul.f32 $2.000000030e-01, v35  }
0xec: {  	vm14 =	vge.f32 v35, $0.0e+00;
	v37 =	vmul.f32 $2.000000030e-01, v8  }
0xed: {  	vm15 =	vge.f32 v8, $0.0e+00;
	v9 =	vsel vm14, v35, v36  }
0xee: {  	v8 =	vsel vm15, v8, v37;
	v9 =	vmul.f32 $1.442695020e+00, v9  }
0xef: {  	v8 =	vmul.f32 $1.442695020e+00, v8  }
0xf0: {  	(erf) = vpow2.f32 v9  }
0xf1: {  	(erf) = vpow2.f32 v8;
	_ =	sdelay $0x2  }
0xf2: {  	v8 =	vld [tilespmem:$0x9EF0];
	_ =	sdelay $0x1  }
0xf3: {  	v38 =	vld [tilespmem:$0xA0F0]  }
0xf4: {  	v39 =	vld [tilespmem:$0xA2F0]  }
0xf5: {  	v41 =	vld [tilespmem:$0xA4F0]  }
0xf6: {  	v40 =	vpop (erf)  }
0xf7: {  	v43 =	vld [tilespmem:$0xA6F0];
	[tilespmem:$0xAAE0] =	vst v40;
	v42 =	vpop (erf)  }
0xf8: {  	v45 =	vld [tilespmem:$0xA8F0];
	[tilespmem:$0xACE0] =	vst v42  }
0xf9: {  	v44 =	vld.idx.msk [tilespmem:v8+s2+$0x0], $0xffff  }
0xfa: {  	v47 =	vmul.f32 v41, v1;
	v46 =	vmul.f32 v39, v0;
	v8 =	vld.idx.msk [tilespmem:v8+s18+$0x0], $0xffff  }
0xfb: {  	v10 =	vmul.f32 v39, v4;
	v12 =	vmul.f32 v41, v5;
	v48 =	vld.idx.msk [tilespmem:v38+s19+$0x0], $0xffff  }
0xfc: {  	v49 =	vmul.f32 v43, v2;
	v15 =	vadd.f32 v47, v46;
	v9 =	vld.idx.msk [tilespmem:v38+s20+$0x0], $0xffff  }
0xfd: {  	v11 =	vmul.f32 v43, v6;
	v10 =	vadd.f32 v12, v10  }
0xfe: {  	v51 =	vmul.f32 v45, v3;
	v50 =	vadd.f32 v49, v15  }
0xff: {  	v52 =	vmul.f32 v45, v7;
	v10 =	vadd.f32 v11, v10  }
0x100: {  	v12 =	vadd.f32 v51, v50;
	v13 =	vadd.f32 v48, v44  }
0x101: {  	v53 =	vadd.f32 v52, v10;
	v8 =	vadd.f32 v9, v8  }
0x102: {  	v54 =	vadd.f32 v12, v13  }
0x103: {  	v8 =	vadd.f32 v53, v8  }
0x104: {  	v55 =	vmul.f32 $2.000000030e-01, v54  }
0x105: {  	vm4 =	vge.f32 v54, $0.0e+00;
	v56 =	vmul.f32 $2.000000030e-01, v8  }
0x106: {  	vm5 =	vge.f32 v8, $0.0e+00;
	v9 =	vsel vm4, v54, v55  }
0x107: {  	v8 =	vsel vm5, v8, v56;
	v9 =	vmul.f32 $1.442695020e+00, v9  }
0x108: {  	v8 =	vmul.f32 $1.442695020e+00, v8  }
0x109: {  	(erf) = vpow2.f32 v9  }
0x10a: {  	(erf) = vpow2.f32 v8;
	_ =	sdelay $0x2  }
0x10b: {  	v8 =	vld [tilespmem:$0x9F00];
	_ =	sdelay $0x1  }
0x10c: {  	v57 =	vld [tilespmem:$0xA100]  }
0x10d: {  	v58 =	vld [tilespmem:$0xA300]  }
0x10e: {  	v60 =	vld [tilespmem:$0xA500]  }
0x10f: {  	v59 =	vpop (erf)  }
0x110: {  	v62 =	vld [tilespmem:$0xA700];
	[tilespmem:$0xAAF0] =	vst v59;
	v61 =	vpop (erf)  }
0x111: {  	v20 =	vld [tilespmem:$0xA900];
	[tilespmem:$0xACF0] =	vst v61  }
0x112: {  	v63 =	vld.idx.msk [tilespmem:v8+s2+$0x0], $0xffff  }
0x113: {  	v22 =	vmul.f32 v60, v1;
	v21 =	vmul.f32 v58, v0;
	v8 =	vld.idx.msk [tilespmem:v8+s18+$0x0], $0xffff  }
0x114: {  	v10 =	vmul.f32 v58, v4;
	v12 =	vmul.f32 v60, v5;
	v23 =	vld.idx.msk [tilespmem:v57+s19+$0x0], $0xffff  }
0x115: {  	v24 =	vmul.f32 v62, v2;
	v15 =	vadd.f32 v22, v21;
	v9 =	vld.idx.msk [tilespmem:v57+s20+$0x0], $0xffff  }
0x116: {  	v11 =	vmul.f32 v62, v6;
	v10 =	vadd.f32 v12, v10  }
0x117: {  	v26 =	vmul.f32 v20, v3;
	v25 =	vadd.f32 v24, v15  }
0x118: {  	v27 =	vmul.f32 v20, v7;
	v10 =	vadd.f32 v11, v10  }
0x119: {  	v12 =	vadd.f32 v26, v25;
	v13 =	vadd.f32 v23, v63  }
0x11a: {  	v28 =	vadd.f32 v27, v10;
	v8 =	vadd.f32 v9, v8  }
0x11b: {  	v29 =	vadd.f32 v12, v13  }
0x11c: {  	v8 =	vadd.f32 v28, v8  }
0x11d: {  	v30 =	vmul.f32 $2.000000030e-01, v29  }
0x11e: {  	vm6 =	vge.f32 v29, $0.0e+00;
	v31 =	vmul.f32 $2.000000030e-01, v8  }
0x11f: {  	vm7 =	vge.f32 v8, $0.0e+00;
	v9 =	vsel vm6, v29, v30  }
0x120: {  	v8 =	vsel vm7, v8, v31;
	v9 =	vmul.f32 $1.442695020e+00, v9  }
0x121: {  	v8 =	vmul.f32 $1.442695020e+00, v8  }
0x122: {  	(erf) = vpow2.f32 v9  }
0x123: {  	(erf) = vpow2.f32 v8;
	_ =	sdelay $0x2  }
0x124: {  	v8 =	vld [tilespmem:$0x9F10];
	_ =	sdelay $0x1  }
0x125: {  	v32 =	vld [tilespmem:$0xA110]  }
0x126: {  	v33 =	vld [tilespmem:$0xA310]  }
0x127: {  	v35 =	vld [tilespmem:$0xA510]  }
0x128: {  	v34 =	vpop (erf)  }
0x129: {  	v37 =	vld [tilespmem:$0xA710];
	[tilespmem:$0xAB00] =	vst v34;
	v36 =	vpop (erf)  }
0x12a: {  	v39 =	vld [tilespmem:$0xA910];
	[tilespmem:$0xAD00] =	vst v36  }
0x12b: {  	v38 =	vld.idx.msk [tilespmem:v8+s2+$0x0], $0xffff  }
0x12c: {  	v41 =	vmul.f32 v35, v1;
	v40 =	vmul.f32 v33, v0;
	v8 =	vld.idx.msk [tilespmem:v8+s18+$0x0], $0xffff  }
0x12d: {  	v10 =	vmul.f32 v33, v4;
	v12 =	vmul.f32 v35, v5;
	v42 =	vld.idx.msk [tilespmem:v32+s19+$0x0], $0xffff  }
0x12e: {  	v43 =	vmul.f32 v37, v2;
	v15 =	vadd.f32 v41, v40;
	v9 =	vld.idx.msk [tilespmem:v32+s20+$0x0], $0xffff  }
0x12f: {  	v11 =	vmul.f32 v37, v6;
	v10 =	vadd.f32 v12, v10  }
0x130: {  	v45 =	vmul.f32 v39, v3;
	v44 =	vadd.f32 v43, v15  }
0x131: {  	v46 =	vmul.f32 v39, v7;
	v10 =	vadd.f32 v11, v10  }
0x132: {  	v12 =	vadd.f32 v45, v44;
	v13 =	vadd.f32 v42, v38  }
0x133: {  	v47 =	vadd.f32 v46, v10;
	v8 =	vadd.f32 v9, v8  }
0x134: {  	v48 =	vadd.f32 v12, v13  }
0x135: {  	v8 =	vadd.f32 v47, v8  }
0x136: {  	v49 =	vmul.f32 $2.000000030e-01, v48  }
0x137: {  	vm8 =	vge.f32 v48, $0.0e+00;
	v50 =	vmul.f32 $2.000000030e-01, v8  }
0x138: {  	vm9 =	vge.f32 v8, $0.0e+00;
	v9 =	vsel vm8, v48, v49  }
0x139: {  	v8 =	vsel vm9, v8, v50;
	v9 =	vmul.f32 $1.442695020e+00, v9  }
0x13a: {  	v8 =	vmul.f32 $1.442695020e+00, v8  }
0x13b: {  	(erf) = vpow2.f32 v9  }
0x13c: {  	(erf) = vpow2.f32 v8;
	_ =	sdelay $0x2  }
0x13d: {  	v8 =	vld [tilespmem:$0x9F20];
	_ =	sdelay $0x1  }
0x13e: {  	v51 =	vld [tilespmem:$0xA120]  }
0x13f: {  	v52 =	vld [tilespmem:$0xA320]  }
0x140: {  	v54 =	vld [tilespmem:$0xA520]  }
0x141: {  	v53 =	vpop (erf)  }
0x142: {  	v56 =	vld [tilespmem:$0xA720];
	[tilespmem:$0xAB10] =	vst v53;
	v55 =	vpop (erf)  }
0x143: {  	v58 =	vld [tilespmem:$0xA920];
	[tilespmem:$0xAD10] =	vst v55  }
0x144: {  	v57 =	vld.idx.msk [tilespmem:v8+s2+$0x0], $0xffff  }
0x145: {  	v60 =	vmul.f32 v54, v1;
	v59 =	vmul.f32 v52, v0;
	v8 =	vld.idx.msk [tilespmem:v8+s18+$0x0], $0xffff  }
0x146: {  	v10 =	vmul.f32 v52, v4;
	v12 =	vmul.f32 v54, v5;
	v61 =	vld.idx.msk [tilespmem:v51+s19+$0x0], $0xffff  }
0x147: {  	v62 =	vmul.f32 v56, v2;
	v15 =	vadd.f32 v60, v59;
	v9 =	vld.idx.msk [tilespmem:v51+s20+$0x0], $0xffff  }
0x148: {  	v11 =	vmul.f32 v56, v6;
	v10 =	vadd.f32 v12, v10  }
0x149: {  	v18 =	vmul.f32 v58, v3;
	v63 =	vadd.f32 v62, v15  }
0x14a: {  	v19 =	vmul.f32 v58, v7;
	v10 =	vadd.f32 v11, v10  }
0x14b: {  	v12 =	vadd.f32 v18, v63;
	v13 =	vadd.f32 v61, v57  }
0x14c: {  	v20 =	vadd.f32 v19, v10;
	v8 =	vadd.f32 v9, v8  }
0x14d: {  	v21 =	vadd.f32 v12, v13  }
0x14e: {  	v8 =	vadd.f32 v20, v8  }
0x14f: {  	v22 =	vmul.f32 $2.000000030e-01, v21  }
0x150: {  	vm10 =	vge.f32 v21, $0.0e+00;
	v23 =	vmul.f32 $2.000000030e-01, v8  }
0x151: {  	vm11 =	vge.f32 v8, $0.0e+00;
	v9 =	vsel vm10, v21, v22  }
0x152: {  	v8 =	vsel vm11, v8, v23;
	v9 =	vmul.f32 $1.442695020e+00, v9  }
0x153: {  	v8 =	vmul.f32 $1.442695020e+00, v8  }
0x154: {  	(erf) = vpow2.f32 v9  }
0x155: {  	(erf) = vpow2.f32 v8;
	_ =	sdelay $0x2  }
0x156: {  	v8 =	vld [tilespmem:$0x9F30];
	_ =	sdelay $0x1  }
0x157: {  	v24 =	vld [tilespmem:$0xA130]  }
0x158: {  	v25 =	vld [tilespmem:$0xA330]  }
0x159: {  	v27 =	vld [tilespmem:$0xA530]  }
0x15a: {  	v26 =	vpop (erf)  }
0x15b: {  	v29 =	vld [tilespmem:$0xA730];
	[tilespmem:$0xAB20] =	vst v26;
	v28 =	vpop (erf)  }
0x15c: {  	v31 =	vld [tilespmem:$0xA930];
	[tilespmem:$0xAD20] =	vst v28  }
0x15d: {  	v30 =	vld.idx.msk [tilespmem:v8+s2+$0x0], $0xffff  }
0x15e: {  	v33 =	vmul.f32 v27, v1;
	v32 =	vmul.f32 v25, v0;
	v8 =	vld.idx.msk [tilespmem:v8+s18+$0x0], $0xffff  }
0x15f: {  	v10 =	vmul.f32 v25, v4;
	v12 =	vmul.f32 v27, v5;
	v34 =	vld.idx.msk [tilespmem:v24+s19+$0x0], $0xffff  }
0x160: {  	v35 =	vmul.f32 v29, v2;
	v15 =	vadd.f32 v33, v32;
	v9 =	vld.idx.msk [tilespmem:v24+s20+$0x0], $0xffff  }
0x161: {  	v11 =	vmul.f32 v29, v6;
	v10 =	vadd.f32 v12, v10  }
0x162: {  	v37 =	vmul.f32 v31, v3;
	v36 =	vadd.f32 v35, v15  }
0x163: {  	v38 =	vmul.f32 v31, v7;
	v10 =	vadd.f32 v11, v10  }
0x164: {  	v12 =	vadd.f32 v37, v36;
	v13 =	vadd.f32 v34, v30  }
0x165: {  	v39 =	vadd.f32 v38, v10;
	v8 =	vadd.f32 v9, v8  }
0x166: {  	v40 =	vadd.f32 v12, v13  }
0x167: {  	v8 =	vadd.f32 v39, v8  }
0x168: {  	v41 =	vmul.f32 $2.000000030e-01, v40  }
0x169: {  	vm12 =	vge.f32 v40, $0.0e+00;
	v42 =	vmul.f32 $2.000000030e-01, v8  }
0x16a: {  	vm13 =	vge.f32 v8, $0.0e+00;
	v9 =	vsel vm12, v40, v41  }
0x16b: {  	v8 =	vsel vm13, v8, v42;
	v9 =	vmul.f32 $1.442695020e+00, v9  }
0x16c: {  	v8 =	vmul.f32 $1.442695020e+00, v8  }
0x16d: {  	(erf) = vpow2.f32 v9  }
0x16e: {  	(erf) = vpow2.f32 v8;
	_ =	sdelay $0x2  }
0x16f: {  	v8 =	vld [tilespmem:$0x9F40];
	_ =	sdelay $0x1  }
0x170: {  	v43 =	vld [tilespmem:$0xA140]  }
0x171: {  	v44 =	vld [tilespmem:$0xA340]  }
0x172: {  	v46 =	vld [tilespmem:$0xA540]  }
0x173: {  	v45 =	vpop (erf)  }
0x174: {  	v48 =	vld [tilespmem:$0xA740];
	[tilespmem:$0xAB30] =	vst v45;
	v47 =	vpop (erf)  }
0x175: {  	v50 =	vld [tilespmem:$0xA940];
	[tilespmem:$0xAD30] =	vst v47  }
0x176: {  	v49 =	vld.idx.msk [tilespmem:v8+s2+$0x0], $0xffff  }
0x177: {  	v52 =	vmul.f32 v46, v1;
	v51 =	vmul.f32 v44, v0;
	v8 =	vld.idx.msk [tilespmem:v8+s18+$0x0], $0xffff  }
0x178: {  	v10 =	vmul.f32 v44, v4;
	v12 =	vmul.f32 v46, v5;
	v53 =	vld.idx.msk [tilespmem:v43+s19+$0x0], $0xffff  }
0x179: {  	v54 =	vmul.f32 v48, v2;
	v15 =	vadd.f32 v52, v51;
	v9 =	vld.idx.msk [tilespmem:v43+s20+$0x0], $0xffff  }
0x17a: {  	v11 =	vmul.f32 v48, v6;
	v10 =	vadd.f32 v12, v10  }
0x17b: {  	v56 =	vmul.f32 v50, v3;
	v55 =	vadd.f32 v54, v15  }
0x17c: {  	v57 =	vmul.f32 v50, v7;
	v10 =	vadd.f32 v11, v10  }
0x17d: {  	v12 =	vadd.f32 v56, v55;
	v13 =	vadd.f32 v53, v49  }
0x17e: {  	v58 =	vadd.f32 v57, v10;
	v8 =	vadd.f32 v9, v8  }
0x17f: {  	v59 =	vadd.f32 v12, v13  }
0x180: {  	v8 =	vadd.f32 v58, v8  }
0x181: {  	v60 =	vmul.f32 $2.000000030e-01, v59  }
0x182: {  	vm14 =	vge.f32 v59, $0.0e+00;
	v61 =	vmul.f32 $2.000000030e-01, v8  }
0x183: {  	vm15 =	vge.f32 v8, $0.0e+00;
	v9 =	vsel vm14, v59, v60  }
0x184: {  	v8 =	vsel vm15, v8, v61;
	v9 =	vmul.f32 $1.442695020e+00, v9  }
0x185: {  	v8 =	vmul.f32 $1.442695020e+00, v8  }
0x186: {  	(erf) = vpow2.f32 v9  }
0x187: {  	(erf) = vpow2.f32 v8;
	_ =	sdelay $0x2  }
0x188: {  	v8 =	vld [tilespmem:$0x9F50];
	_ =	sdelay $0x1  }
0x189: {  	v62 =	vld [tilespmem:$0xA150]  }
0x18a: {  	v63 =	vld [tilespmem:$0xA350]  }
0x18b: {  	v20 =	vld [tilespmem:$0xA550]  }
0x18c: {  	v19 =	vpop (erf)  }
0x18d: {  	v22 =	vld [tilespmem:$0xA750];
	[tilespmem:$0xAB40] =	vst v19;
	v21 =	vpop (erf)  }
0x18e: {  	v24 =	vld [tilespmem:$0xA950];
	[tilespmem:$0xAD40] =	vst v21  }
0x18f: {  	v23 =	vld.idx.msk [tilespmem:v8+s2+$0x0], $0xffff  }
0x190: {  	v25 =	vmul.f32 v63, v0;
	v26 =	vmul.f32 v20, v1;
	v8 =	vld.idx.msk [tilespmem:v8+s18+$0x0], $0xffff  }
0x191: {  	v10 =	vmul.f32 v63, v4;
	v12 =	vmul.f32 v20, v5;
	v27 =	vld.idx.msk [tilespmem:v62+s19+$0x0], $0xffff  }
0x192: {  	v28 =	vmul.f32 v22, v2;
	v15 =	vadd.f32 v26, v25;
	v9 =	vld.idx.msk [tilespmem:v62+s20+$0x0], $0xffff  }
0x193: {  	v11 =	vmul.f32 v22, v6;
	v10 =	vadd.f32 v12, v10  }
0x194: {  	v29 =	vadd.f32 v28, v15;
	v30 =	vmul.f32 v24, v3  }
0x195: {  	v31 =	vmul.f32 v24, v7;
	v10 =	vadd.f32 v11, v10  }
0x196: {  	v12 =	vadd.f32 v30, v29;
	v13 =	vadd.f32 v27, v23  }
0x197: {  	v32 =	vadd.f32 v31, v10;
	v8 =	vadd.f32 v9, v8  }
0x198: {  	v33 =	vadd.f32 v12, v13  }
0x199: {  	v8 =	vadd.f32 v32, v8  }
0x19a: {  	v34 =	vmul.f32 $2.000000030e-01, v33  }
0x19b: {  	vm4 =	vge.f32 v33, $0.0e+00;
	v35 =	vmul.f32 $2.000000030e-01, v8  }
0x19c: {  	vm5 =	vge.f32 v8, $0.0e+00;
	v9 =	vsel vm4, v33, v34  }
0x19d: {  	v8 =	vsel vm5, v8, v35;
	v9 =	vmul.f32 $1.442695020e+00, v9  }
0x19e: {  	v8 =	vmul.f32 $1.442695020e+00, v8  }
0x19f: {  	(erf) = vpow2.f32 v9  }
0x1a0: {  	(erf) = vpow2.f32 v8;
	_ =	sdelay $0x2  }
0x1a1: {  	v8 =	vld [tilespmem:$0x9F60];
	_ =	sdelay $0x1  }
0x1a2: {  	v36 =	vld [tilespmem:$0xA160]  }
0x1a3: {  	v37 =	vld [tilespmem:$0xA360]  }
0x1a4: {  	v39 =	vld [tilespmem:$0xA560]  }
0x1a5: {  	v38 =	vpop (erf)  }
0x1a6: {  	v41 =	vld [tilespmem:$0xA760];
	[tilespmem:$0xAB50] =	vst v38;
	v40 =	vpop (erf)  }
0x1a7: {  	v43 =	vld [tilespmem:$0xA960];
	[tilespmem:$0xAD50] =	vst v40  }
0x1a8: {  	v42 =	vld.idx.msk [tilespmem:v8+s2+$0x0], $0xffff  }
0x1a9: {  	v44 =	vmul.f32 v37, v0;
	v45 =	vmul.f32 v39, v1;
	v8 =	vld.idx.msk [tilespmem:v8+s18+$0x0], $0xffff  }
0x1aa: {  	v10 =	vmul.f32 v37, v4;
	v12 =	vmul.f32 v39, v5;
	v46 =	vld.idx.msk [tilespmem:v36+s19+$0x0], $0xffff  }
0x1ab: {  	v47 =	vmul.f32 v41, v2;
	v15 =	vadd.f32 v45, v44;
	v9 =	vld.idx.msk [tilespmem:v36+s20+$0x0], $0xffff  }
0x1ac: {  	v11 =	vmul.f32 v41, v6;
	v10 =	vadd.f32 v12, v10  }
0x1ad: {  	v48 =	vadd.f32 v47, v15;
	v49 =	vmul.f32 v43, v3  }
0x1ae: {  	v50 =	vmul.f32 v43, v7;
	v10 =	vadd.f32 v11, v10  }
0x1af: {  	v12 =	vadd.f32 v49, v48;
	v13 =	vadd.f32 v46, v42  }
0x1b0: {  	v51 =	vadd.f32 v50, v10;
	v8 =	vadd.f32 v9, v8  }
0x1b1: {  	v52 =	vadd.f32 v12, v13  }
0x1b2: {  	v8 =	vadd.f32 v51, v8  }
0x1b3: {  	v53 =	vmul.f32 $2.000000030e-01, v52  }
0x1b4: {  	vm6 =	vge.f32 v52, $0.0e+00;
	v54 =	vmul.f32 $2.000000030e-01, v8  }
0x1b5: {  	vm7 =	vge.f32 v8, $0.0e+00;
	v9 =	vsel vm6, v52, v53  }
0x1b6: {  	v8 =	vsel vm7, v8, v54;
	v9 =	vmul.f32 $1.442695020e+00, v9  }
0x1b7: {  	v8 =	vmul.f32 $1.442695020e+00, v8  }
0x1b8: {  	(erf) = vpow2.f32 v9  }
0x1b9: {  	(erf) = vpow2.f32 v8;
	_ =	sdelay $0x2  }
0x1ba: {  	v8 =	vld [tilespmem:$0x9F70];
	_ =	sdelay $0x1  }
0x1bb: {  	v55 =	vld [tilespmem:$0xA170]  }
0x1bc: {  	v56 =	vld [tilespmem:$0xA370]  }
0x1bd: {  	v58 =	vld [tilespmem:$0xA570]  }
0x1be: {  	v57 =	vpop (erf)  }
0x1bf: {  	v60 =	vld [tilespmem:$0xA770];
	[tilespmem:$0xAB60] =	vst v57;
	v59 =	vpop (erf)  }
0x1c0: {  	v62 =	vld [tilespmem:$0xA970];
	[tilespmem:$0xAD60] =	vst v59  }
0x1c1: {  	v61 =	vld.idx.msk [tilespmem:v8+s2+$0x0], $0xffff  }
0x1c2: {  	v63 =	vmul.f32 v56, v0;
	v20 =	vmul.f32 v58, v1;
	v8 =	vld.idx.msk [tilespmem:v8+s18+$0x0], $0xffff  }
0x1c3: {  	v10 =	vmul.f32 v56, v4;
	v12 =	vmul.f32 v58, v5;
	v21 =	vld.idx.msk [tilespmem:v55+s19+$0x0], $0xffff  }
0x1c4: {  	v15 =	vadd.f32 v20, v63;
	v22 =	vmul.f32 v60, v2;
	v9 =	vld.idx.msk [tilespmem:v55+s20+$0x0], $0xffff  }
0x1c5: {  	v11 =	vmul.f32 v60, v6;
	v10 =	vadd.f32 v12, v10  }
0x1c6: {  	v23 =	vadd.f32 v22, v15;
	v24 =	vmul.f32 v62, v3  }
0x1c7: {  	v25 =	vmul.f32 v62, v7;
	v10 =	vadd.f32 v11, v10  }
0x1c8: {  	v12 =	vadd.f32 v24, v23;
	v13 =	vadd.f32 v21, v61  }
0x1c9: {  	v26 =	vadd.f32 v25, v10;
	v8 =	vadd.f32 v9, v8  }
0x1ca: {  	v27 =	vadd.f32 v12, v13  }
0x1cb: {  	v8 =	vadd.f32 v26, v8  }
0x1cc: {  	v28 =	vmul.f32 $2.000000030e-01, v27  }
0x1cd: {  	vm8 =	vge.f32 v27, $0.0e+00;
	v29 =	vmul.f32 $2.000000030e-01, v8  }
0x1ce: {  	vm9 =	vge.f32 v8, $0.0e+00;
	v9 =	vsel vm8, v27, v28  }
0x1cf: {  	v8 =	vsel vm9, v8, v29;
	v9 =	vmul.f32 $1.442695020e+00, v9  }
0x1d0: {  	v8 =	vmul.f32 $1.442695020e+00, v8  }
0x1d1: {  	(erf) = vpow2.f32 v9  }
0x1d2: {  	(erf) = vpow2.f32 v8;
	_ =	sdelay $0x2  }
0x1d3: {  	v8 =	vld [tilespmem:$0x9F80];
	_ =	sdelay $0x1  }
0x1d4: {  	v30 =	vld [tilespmem:$0xA180]  }
0x1d5: {  	v31 =	vld [tilespmem:$0xA380]  }
0x1d6: {  	v33 =	vld [tilespmem:$0xA580]  }
0x1d7: {  	v32 =	vpop (erf)  }
0x1d8: {  	v35 =	vld [tilespmem:$0xA780];
	[tilespmem:$0xAB70] =	vst v32;
	v34 =	vpop (erf)  }
0x1d9: {  	v37 =	vld [tilespmem:$0xA980];
	[tilespmem:$0xAD70] =	vst v34  }
0x1da: {  	v36 =	vld.idx.msk [tilespmem:v8+s2+$0x0], $0xffff  }
0x1db: {  	v39 =	vmul.f32 v33, v1;
	v38 =	vmul.f32 v31, v0;
	v8 =	vld.idx.msk [tilespmem:v8+s18+$0x0], $0xffff  }
0x1dc: {  	v10 =	vmul.f32 v31, v4;
	v12 =	vmul.f32 v33, v5;
	v40 =	vld.idx.msk [tilespmem:v30+s19+$0x0], $0xffff  }
0x1dd: {  	v41 =	vmul.f32 v35, v2;
	v15 =	vadd.f32 v39, v38;
	v9 =	vld.idx.msk [tilespmem:v30+s20+$0x0], $0xffff  }
0x1de: {  	v11 =	vmul.f32 v35, v6;
	v10 =	vadd.f32 v12, v10  }
0x1df: {  	v43 =	vmul.f32 v37, v3;
	v42 =	vadd.f32 v41, v15  }
0x1e0: {  	v44 =	vmul.f32 v37, v7;
	v10 =	vadd.f32 v11, v10  }
0x1e1: {  	v12 =	vadd.f32 v43, v42;
	v13 =	vadd.f32 v40, v36  }
0x1e2: {  	v45 =	vadd.f32 v44, v10;
	v8 =	vadd.f32 v9, v8  }
0x1e3: {  	v46 =	vadd.f32 v12, v13  }
0x1e4: {  	v8 =	vadd.f32 v45, v8  }
0x1e5: {  	v47 =	vmul.f32 $2.000000030e-01, v46  }
0x1e6: {  	vm10 =	vge.f32 v46, $0.0e+00;
	v48 =	vmul.f32 $2.000000030e-01, v8  }
0x1e7: {  	vm11 =	vge.f32 v8, $0.0e+00;
	v9 =	vsel vm10, v46, v47  }
0x1e8: {  	v8 =	vsel vm11, v8, v48;
	v9 =	vmul.f32 $1.442695020e+00, v9  }
0x1e9: {  	v8 =	vmul.f32 $1.442695020e+00, v8  }
0x1ea: {  	(erf) = vpow2.f32 v9  }
0x1eb: {  	(erf) = vpow2.f32 v8;
	_ =	sdelay $0x2  }
0x1ec: {  	v8 =	vld [tilespmem:$0x9F90];
	_ =	sdelay $0x1  }
0x1ed: {  	v49 =	vld [tilespmem:$0xA190]  }
0x1ee: {  	v50 =	vld [tilespmem:$0xA390]  }
0x1ef: {  	v52 =	vld [tilespmem:$0xA590]  }
0x1f0: {  	v51 =	vpop (erf)  }
0x1f1: {  	v54 =	vld [tilespmem:$0xA790];
	[tilespmem:$0xAB80] =	vst v51;
	v53 =	vpop (erf)  }
0x1f2: {  	v56 =	vld [tilespmem:$0xA990];
	[tilespmem:$0xAD80] =	vst v53  }
0x1f3: {  	v55 =	vld.idx.msk [tilespmem:v8+s2+$0x0], $0xffff  }
0x1f4: {  	v58 =	vmul.f32 v52, v1;
	v57 =	vmul.f32 v50, v0;
	v8 =	vld.idx.msk [tilespmem:v8+s18+$0x0], $0xffff  }
0x1f5: {  	v10 =	vmul.f32 v50, v4;
	v12 =	vmul.f32 v52, v5;
	v59 =	vld.idx.msk [tilespmem:v49+s19+$0x0], $0xffff  }
0x1f6: {  	v60 =	vmul.f32 v54, v2;
	v15 =	vadd.f32 v58, v57;
	v9 =	vld.idx.msk [tilespmem:v49+s20+$0x0], $0xffff  }
0x1f7: {  	v11 =	vmul.f32 v54, v6;
	v10 =	vadd.f32 v12, v10  }
0x1f8: {  	v62 =	vmul.f32 v56, v3;
	v61 =	vadd.f32 v60, v15  }
0x1f9: {  	v63 =	vmul.f32 v56, v7;
	v10 =	vadd.f32 v11, v10  }
0x1fa: {  	v12 =	vadd.f32 v62, v61;
	v13 =	vadd.f32 v59, v55  }
0x1fb: {  	v16 =	vadd.f32 v63, v10;
	v8 =	vadd.f32 v9, v8  }
0x1fc: {  	v17 =	vadd.f32 v12, v13  }
0x1fd: {  	v8 =	vadd.f32 v16, v8  }
0x1fe: {  	v18 =	vmul.f32 $2.000000030e-01, v17  }
0x1ff: {  	vm12 =	vge.f32 v17, $0.0e+00;
	v19 =	vmul.f32 $2.000000030e-01, v8  }
0x200: {  	vm13 =	vge.f32 v8, $0.0e+00;
	v9 =	vsel vm12, v17, v18  }
0x201: {  	v8 =	vsel vm13, v8, v19;
	v9 =	vmul.f32 $1.442695020e+00, v9  }
0x202: {  	v8 =	vmul.f32 $1.442695020e+00, v8  }
0x203: {  	(erf) = vpow2.f32 v9  }
0x204: {  	(erf) = vpow2.f32 v8;
	_ =	sdelay $0x2  }
0x205: {  	v8 =	vld [tilespmem:$0x9FA0];
	_ =	sdelay $0x1  }
0x206: {  	v20 =	vld [tilespmem:$0xA1A0]  }
0x207: {  	v23 =	vld [tilespmem:$0xA5A0]  }
0x208: {  	v21 =	vld [tilespmem:$0xA3A0]  }
0x209: {  	v22 =	vpop (erf)  }
0x20a: {  	v25 =	vld [tilespmem:$0xA7A0];
	[tilespmem:$0xAB90] =	vst v22;
	v24 =	vpop (erf)  }
0x20b: {  	v27 =	vld [tilespmem:$0xA9A0];
	[tilespmem:$0xAD90] =	vst v24  }
0x20c: {  	v26 =	vld.idx.msk [tilespmem:v8+s2+$0x0], $0xffff  }
0x20d: {  	v28 =	vmul.f32 v21, v0;
	v29 =	vmul.f32 v23, v1;
	v8 =	vld.idx.msk [tilespmem:v8+s18+$0x0], $0xffff  }
0x20e: {  	v10 =	vmul.f32 v21, v4;
	v12 =	vmul.f32 v23, v5;
	v30 =	vld.idx.msk [tilespmem:v20+s19+$0x0], $0xffff  }
0x20f: {  	v31 =	vmul.f32 v25, v2;
	v15 =	vadd.f32 v29, v28;
	v9 =	vld.idx.msk [tilespmem:v20+s20+$0x0], $0xffff  }
0x210: {  	v11 =	vmul.f32 v25, v6;
	v10 =	vadd.f32 v12, v10  }
0x211: {  	v33 =	vmul.f32 v27, v3;
	v32 =	vadd.f32 v31, v15  }
0x212: {  	v34 =	vmul.f32 v27, v7;
	v10 =	vadd.f32 v11, v10  }
0x213: {  	v12 =	vadd.f32 v33, v32;
	v13 =	vadd.f32 v30, v26  }
0x214: {  	v35 =	vadd.f32 v34, v10;
	v8 =	vadd.f32 v9, v8  }
0x215: {  	v36 =	vadd.f32 v12, v13  }
0x216: {  	v8 =	vadd.f32 v35, v8  }
0x217: {  	v37 =	vmul.f32 $2.000000030e-01, v36  }
0x218: {  	vm14 =	vge.f32 v36, $0.0e+00;
	v38 =	vmul.f32 $2.000000030e-01, v8  }
0x219: {  	vm15 =	vge.f32 v8, $0.0e+00;
	v9 =	vsel vm14, v36, v37  }
0x21a: {  	v8 =	vsel vm15, v8, v38;
	v9 =	vmul.f32 $1.442695020e+00, v9  }
0x21b: {  	v8 =	vmul.f32 $1.442695020e+00, v8  }
0x21c: {  	(erf) = vpow2.f32 v9  }
0x21d: {  	(erf) = vpow2.f32 v8;
	_ =	sdelay $0x2  }
0x21e: {  	v8 =	vld [tilespmem:$0x9FB0];
	_ =	sdelay $0x1  }
0x21f: {  	v39 =	vld [tilespmem:$0xA1B0]  }
0x220: {  	v42 =	vld [tilespmem:$0xA5B0]  }
0x221: {  	v40 =	vld [tilespmem:$0xA3B0]  }
0x222: {  	v41 =	vpop (erf)  }
0x223: {  	v44 =	vld [tilespmem:$0xA7B0];
	[tilespmem:$0xABA0] =	vst v41;
	v43 =	vpop (erf)  }
0x224: {  	v46 =	vld [tilespmem:$0xA9B0];
	[tilespmem:$0xADA0] =	vst v43  }
0x225: {  	v45 =	vld.idx.msk [tilespmem:v8+s2+$0x0], $0xffff  }
0x226: {  	v47 =	vmul.f32 v40, v0;
	v48 =	vmul.f32 v42, v1;
	v8 =	vld.idx.msk [tilespmem:v8+s18+$0x0], $0xffff  }
0x227: {  	v10 =	vmul.f32 v40, v4;
	v12 =	vmul.f32 v42, v5;
	v49 =	vld.idx.msk [tilespmem:v39+s19+$0x0], $0xffff  }
0x228: {  	v50 =	vmul.f32 v44, v2;
	v15 =	vadd.f32 v48, v47;
	v9 =	vld.idx.msk [tilespmem:v39+s20+$0x0], $0xffff  }
0x229: {  	v11 =	vmul.f32 v44, v6;
	v10 =	vadd.f32 v12, v10  }
0x22a: {  	v52 =	vmul.f32 v46, v3;
	v51 =	vadd.f32 v50, v15  }
0x22b: {  	v53 =	vmul.f32 v46, v7;
	v10 =	vadd.f32 v11, v10  }
0x22c: {  	v12 =	vadd.f32 v52, v51;
	v13 =	vadd.f32 v49, v45  }
0x22d: {  	v54 =	vadd.f32 v53, v10;
	v8 =	vadd.f32 v9, v8  }
0x22e: {  	v55 =	vadd.f32 v12, v13  }
0x22f: {  	v8 =	vadd.f32 v54, v8  }
0x230: {  	v56 =	vmul.f32 $2.000000030e-01, v55  }
0x231: {  	vm4 =	vge.f32 v55, $0.0e+00;
	v57 =	vmul.f32 $2.000000030e-01, v8  }
0x232: {  	vm5 =	vge.f32 v8, $0.0e+00;
	v9 =	vsel vm4, v55, v56  }
0x233: {  	v8 =	vsel vm5, v8, v57;
	v9 =	vmul.f32 $1.442695020e+00, v9  }
0x234: {  	v8 =	vmul.f32 $1.442695020e+00, v8  }
0x235: {  	(erf) = vpow2.f32 v9  }
0x236: {  	(erf) = vpow2.f32 v8;
	_ =	sdelay $0x2  }
0x237: {  	v8 =	vld [tilespmem:$0x9FC0];
	_ =	sdelay $0x1  }
0x238: {  	v58 =	vld [tilespmem:$0xA1C0]  }
0x239: {  	v61 =	vld [tilespmem:$0xA5C0]  }
0x23a: {  	v59 =	vld [tilespmem:$0xA3C0]  }
0x23b: {  	v60 =	vpop (erf)  }
0x23c: {  	v63 =	vld [tilespmem:$0xA7C0];
	[tilespmem:$0xABB0] =	vst v60;
	v62 =	vpop (erf)  }
0x23d: {  	v21 =	vld [tilespmem:$0xA9C0];
	[tilespmem:$0xADB0] =	vst v62  }
0x23e: {  	v20 =	vld.idx.msk [tilespmem:v8+s2+$0x0], $0xffff  }
0x23f: {  	v23 =	vmul.f32 v61, v1;
	v22 =	vmul.f32 v59, v0;
	v8 =	vld.idx.msk [tilespmem:v8+s18+$0x0], $0xffff  }
0x240: {  	v10 =	vmul.f32 v59, v4;
	v12 =	vmul.f32 v61, v5;
	v24 =	vld.idx.msk [tilespmem:v58+s19+$0x0], $0xffff  }
0x241: {  	v25 =	vmul.f32 v63, v2;
	v15 =	vadd.f32 v23, v22;
	v9 =	vld.idx.msk [tilespmem:v58+s20+$0x0], $0xffff  }
0x242: {  	v11 =	vmul.f32 v63, v6;
	v10 =	vadd.f32 v12, v10  }
0x243: {  	v27 =	vmul.f32 v21, v3;
	v26 =	vadd.f32 v25, v15  }
0x244: {  	v28 =	vmul.f32 v21, v7;
	v10 =	vadd.f32 v11, v10  }
0x245: {  	v12 =	vadd.f32 v27, v26;
	v13 =	vadd.f32 v24, v20  }
0x246: {  	v29 =	vadd.f32 v28, v10;
	v8 =	vadd.f32 v9, v8  }
0x247: {  	v30 =	vadd.f32 v12, v13  }
0x248: {  	v8 =	vadd.f32 v29, v8  }
0x249: {  	v31 =	vmul.f32 $2.000000030e-01, v30  }
0x24a: {  	vm6 =	vge.f32 v30, $0.0e+00;
	v32 =	vmul.f32 $2.000000030e-01, v8  }
0x24b: {  	vm7 =	vge.f32 v8, $0.0e+00;
	v9 =	vsel vm6, v30, v31  }
0x24c: {  	v8 =	vsel vm7, v8, v32;
	v9 =	vmul.f32 $1.442695020e+00, v9  }
0x24d: {  	v8 =	vmul.f32 $1.442695020e+00, v8  }
0x24e: {  	(erf) = vpow2.f32 v9  }
0x24f: {  	(erf) = vpow2.f32 v8;
	_ =	sdelay $0x2  }
0x250: {  	v8 =	vld [tilespmem:$0x9FD0];
	_ =	sdelay $0x1  }
0x251: {  	v33 =	vld [tilespmem:$0xA1D0]  }
0x252: {  	v34 =	vld [tilespmem:$0xA3D0]  }
0x253: {  	v36 =	vld [tilespmem:$0xA5D0]  }
0x254: {  	v35 =	vpop (erf)  }
0x255: {  	v38 =	vld [tilespmem:$0xA7D0];
	[tilespmem:$0xABC0] =	vst v35;
	v37 =	vpop (erf)  }
0x256: {  	v40 =	vld [tilespmem:$0xA9D0];
	[tilespmem:$0xADC0] =	vst v37  }
0x257: {  	v39 =	vld.idx.msk [tilespmem:v8+s2+$0x0], $0xffff  }
0x258: {  	v42 =	vmul.f32 v36, v1;
	v41 =	vmul.f32 v34, v0;
	v8 =	vld.idx.msk [tilespmem:v8+s18+$0x0], $0xffff  }
0x259: {  	v10 =	vmul.f32 v34, v4;
	v12 =	vmul.f32 v36, v5;
	v43 =	vld.idx.msk [tilespmem:v33+s19+$0x0], $0xffff  }
0x25a: {  	v44 =	vmul.f32 v38, v2;
	v15 =	vadd.f32 v42, v41;
	v9 =	vld.idx.msk [tilespmem:v33+s20+$0x0], $0xffff  }
0x25b: {  	v11 =	vmul.f32 v38, v6;
	v10 =	vadd.f32 v12, v10  }
0x25c: {  	v46 =	vmul.f32 v40, v3;
	v45 =	vadd.f32 v44, v15  }
0x25d: {  	v47 =	vmul.f32 v40, v7;
	v10 =	vadd.f32 v11, v10  }
0x25e: {  	v12 =	vadd.f32 v46, v45;
	v13 =	vadd.f32 v43, v39  }
0x25f: {  	v48 =	vadd.f32 v47, v10;
	v8 =	vadd.f32 v9, v8  }
0x260: {  	v49 =	vadd.f32 v12, v13  }
0x261: {  	v8 =	vadd.f32 v48, v8  }
0x262: {  	v50 =	vmul.f32 $2.000000030e-01, v49  }
0x263: {  	vm8 =	vge.f32 v49, $0.0e+00;
	v51 =	vmul.f32 $2.000000030e-01, v8  }
0x264: {  	vm9 =	vge.f32 v8, $0.0e+00;
	v9 =	vsel vm8, v49, v50  }
0x265: {  	v8 =	vsel vm9, v8, v51;
	v9 =	vmul.f32 $1.442695020e+00, v9  }
0x266: {  	v8 =	vmul.f32 $1.442695020e+00, v8  }
0x267: {  	(erf) = vpow2.f32 v9  }
0x268: {  	(erf) = vpow2.f32 v8;
	_ =	sdelay $0x2  }
0x269: {  	v8 =	vld [tilespmem:$0x9FE0];
	_ =	sdelay $0x1  }
0x26a: {  	v52 =	vld [tilespmem:$0xA1E0]  }
0x26b: {  	v53 =	vld [tilespmem:$0xA3E0]  }
0x26c: {  	v55 =	vld [tilespmem:$0xA5E0]  }
0x26d: {  	v54 =	vpop (erf)  }
0x26e: {  	v57 =	vld [tilespmem:$0xA7E0];
	[tilespmem:$0xABD0] =	vst v54;
	v56 =	vpop (erf)  }
0x26f: {  	v59 =	vld [tilespmem:$0xA9E0];
	[tilespmem:$0xADD0] =	vst v56  }
0x270: {  	v58 =	vld.idx.msk [tilespmem:v8+s2+$0x0], $0xffff  }
0x271: {  	v61 =	vmul.f32 v55, v1;
	v60 =	vmul.f32 v53, v0;
	v8 =	vld.idx.msk [tilespmem:v8+s18+$0x0], $0xffff  }
0x272: {  	v10 =	vmul.f32 v53, v4;
	v12 =	vmul.f32 v55, v5;
	v62 =	vld.idx.msk [tilespmem:v52+s19+$0x0], $0xffff  }
0x273: {  	v63 =	vmul.f32 v57, v2;
	v15 =	vadd.f32 v61, v60;
	v9 =	vld.idx.msk [tilespmem:v52+s20+$0x0], $0xffff  }
0x274: {  	v11 =	vmul.f32 v57, v6;
	v10 =	vadd.f32 v12, v10  }
0x275: {  	v19 =	vadd.f32 v63, v15;
	v20 =	vmul.f32 v59, v3  }
0x276: {  	v21 =	vmul.f32 v59, v7;
	v10 =	vadd.f32 v11, v10  }
0x277: {  	v12 =	vadd.f32 v20, v19;
	v13 =	vadd.f32 v62, v58  }
0x278: {  	v22 =	vadd.f32 v21, v10;
	v8 =	vadd.f32 v9, v8  }
0x279: {  	v23 =	vadd.f32 v12, v13  }
0x27a: {  	v8 =	vadd.f32 v22, v8  }
0x27b: {  	v24 =	vmul.f32 $2.000000030e-01, v23  }
0x27c: {  	vm10 =	vge.f32 v23, $0.0e+00;
	v25 =	vmul.f32 $2.000000030e-01, v8  }
0x27d: {  	vm11 =	vge.f32 v8, $0.0e+00;
	v9 =	vsel vm10, v23, v24  }
0x27e: {  	v8 =	vsel vm11, v8, v25;
	v9 =	vmul.f32 $1.442695020e+00, v9  }
0x27f: {  	v8 =	vmul.f32 $1.442695020e+00, v8  }
0x280: {  	(erf) = vpow2.f32 v9  }
0x281: {  	(erf) = vpow2.f32 v8;
	_ =	sdelay $0x2  }
0x282: {  	v8 =	vld [tilespmem:$0x9FF0];
	_ =	sdelay $0x1  }
0x283: {  	v26 =	vld [tilespmem:$0xA1F0]  }
0x284: {  	v27 =	vld [tilespmem:$0xA3F0]  }
0x285: {  	v29 =	vld [tilespmem:$0xA5F0]  }
0x286: {  	v28 =	vpop (erf)  }
0x287: {  	v31 =	vld [tilespmem:$0xA7F0];
	[tilespmem:$0xABE0] =	vst v28;
	v30 =	vpop (erf)  }
0x288: {  	v33 =	vld [tilespmem:$0xA9F0];
	[tilespmem:$0xADE0] =	vst v30  }
0x289: {  	v32 =	vld.idx.msk [tilespmem:v8+s2+$0x0], $0xffff  }
0x28a: {  	v34 =	vmul.f32 v27, v0;
	v35 =	vmul.f32 v29, v1;
	v8 =	vld.idx.msk [tilespmem:v8+s18+$0x0], $0xffff  }
0x28b: {  	v10 =	vmul.f32 v27, v4;
	v12 =	vmul.f32 v29, v5;
	v36 =	vld.idx.msk [tilespmem:v26+s19+$0x0], $0xffff  }
0x28c: {  	v37 =	vmul.f32 v31, v2;
	v15 =	vadd.f32 v35, v34;
	v9 =	vld.idx.msk [tilespmem:v26+s20+$0x0], $0xffff  }
0x28d: {  	v11 =	vmul.f32 v31, v6;
	v10 =	vadd.f32 v12, v10  }
0x28e: {  	v38 =	vadd.f32 v37, v15;
	v39 =	vmul.f32 v33, v3  }
0x28f: {  	v40 =	vmul.f32 v33, v7;
	v10 =	vadd.f32 v11, v10  }
0x290: {  	v12 =	vadd.f32 v39, v38;
	v13 =	vadd.f32 v36, v32  }
0x291: {  	v41 =	vadd.f32 v40, v10;
	v8 =	vadd.f32 v9, v8  }
0x292: {  	v42 =	vadd.f32 v12, v13  }
0x293: {  	v8 =	vadd.f32 v41, v8  }
0x294: {  	v43 =	vmul.f32 $2.000000030e-01, v42  }
0x295: {  	vm12 =	vge.f32 v42, $0.0e+00;
	v44 =	vmul.f32 $2.000000030e-01, v8  }
0x296: {  	vm13 =	vge.f32 v8, $0.0e+00;
	v9 =	vsel vm12, v42, v43  }
0x297: {  	v8 =	vsel vm13, v8, v44;
	v9 =	vmul.f32 $1.442695020e+00, v9  }
0x298: {  	v8 =	vmul.f32 $1.442695020e+00, v8  }
0x299: {  	(erf) = vpow2.f32 v9  }
0x29a: {  	(erf) = vpow2.f32 v8;
	_ =	sdelay $0x2  }
0x29b: {  	v8 =	vld [tilespmem:$0xA000];
	_ =	sdelay $0x1  }
0x29c: {  	v45 =	vld [tilespmem:$0xA200]  }
0x29d: {  	v46 =	vld [tilespmem:$0xA400]  }
0x29e: {  	v48 =	vld [tilespmem:$0xA600]  }
0x29f: {  	v47 =	vpop (erf)  }
0x2a0: {  	v50 =	vld [tilespmem:$0xA800];
	[tilespmem:$0xABF0] =	vst v47;
	v49 =	vpop (erf)  }
0x2a1: {  	v52 =	vld [tilespmem:$0xAA00];
	[tilespmem:$0xADF0] =	vst v49  }
0x2a2: {  	v51 =	vld.idx.msk [tilespmem:v8+s2+$0x0], $0xffff  }
0x2a3: {  	v53 =	vmul.f32 v46, v0;
	v54 =	vmul.f32 v48, v1;
	v8 =	vld.idx.msk [tilespmem:v8+s18+$0x0], $0xffff  }
0x2a4: {  	v10 =	vmul.f32 v46, v4;
	v12 =	vmul.f32 v48, v5;
	v55 =	vld.idx.msk [tilespmem:v45+s19+$0x0], $0xffff  }
0x2a5: {  	v56 =	vmul.f32 v50, v2;
	v15 =	vadd.f32 v54, v53;
	v9 =	vld.idx.msk [tilespmem:v45+s20+$0x0], $0xffff  }
0x2a6: {  	v11 =	vmul.f32 v50, v6;
	v10 =	vadd.f32 v12, v10  }
0x2a7: {  	v57 =	vadd.f32 v56, v15;
	v58 =	vmul.f32 v52, v3  }
0x2a8: {  	v59 =	vmul.f32 v52, v7;
	v10 =	vadd.f32 v11, v10  }
0x2a9: {  	v12 =	vadd.f32 v58, v57;
	v13 =	vadd.f32 v55, v51  }
0x2aa: {  	v60 =	vadd.f32 v59, v10;
	v8 =	vadd.f32 v9, v8  }
0x2ab: {  	v61 =	vadd.f32 v12, v13  }
0x2ac: {  	v8 =	vadd.f32 v60, v8  }
0x2ad: {  	v62 =	vmul.f32 $2.000000030e-01, v61  }
0x2ae: {  	vm14 =	vge.f32 v61, $0.0e+00;
	v63 =	vmul.f32 $2.000000030e-01, v8  }
0x2af: {  	vm15 =	vge.f32 v8, $0.0e+00;
	v9 =	vsel vm14, v61, v62  }
0x2b0: {  	v8 =	vsel vm15, v8, v63;
	v9 =	vmul.f32 $1.442695020e+00, v9  }
0x2b1: {  	v8 =	vmul.f32 $1.442695020e+00, v8  }
0x2b2: {  	(erf) = vpow2.f32 v9  }
0x2b3: {  	(erf) = vpow2.f32 v8;
	_ =	sdelay $0x7  }
0x2b4: {  	v8 =	vpop (erf)  }
0x2b5: {  	[tilespmem:$0xAC00] =	vst v8;
	v8 =	vpop (erf)  }
0x2b6: {  	s1 =	sadd.s32 s0, s9;
	[tilespmem:$0xAE00] =	vst v8  }
0x2b7: {  	[hbm4b:s1+s2] =	stream.linear.scatter [tilespmem:s29], [sflag:$0x1], $0x190, $0x38;
	[tilespmem:$0xAE80] =	vst v63  }
0x2b8: {  	_ =	swait.ge [sflag:s17], $0x190  }
0x2b9: {  	p0 =	sne.s32 s0, $0x4B0;
	[sflag:s17] =	ssyncset.done $0x0  }
.Ltmp0:
0x2ba: {  	s1 =	sadd.s32 s0, s14;
	[sflag:s17] =	ssyncadd.s32 $0xFFFFFE70;
	(pc) =	sbr.rel @p0 .LBB2_2-.Ltmp0, $4  }
0x2bb: {  	[hbm4b:s1+s2] =	stream.linear.scatter [tilespmem:s30], [sflag:$0x1], $0x190, $0x38;
	[tilespmem:$0xAE80] =	vst v63  }
0x2bc: {  	_ =	swait.ge [sflag:s17], $0x190  }
0x2bd: {  	[sflag:s17] =	ssyncset.done $0x0  }
0x2be: {  	s0 =	sadd.s32 $0x32, s0;
	[sflag:s17] =	ssyncadd.s32 $0xFFFFFE70  }
0x2bf: {  	s31 =	sadd.s32 $0x1, s31  }
0x2c0: {  	p0 =	sne.s32 s31, s8  }
.Ltmp1:
0x2c1: {  	_ = 	snop;
	(pc) =	sbr.rel @p0 .LBB2_1-.Ltmp1, $1  }
0x2c2: {  	_ =	sdelay $0x3  }
0x2c3: {  	_ =	sfence.sel $0x180000  }
0x2c4: {  	[bflag:$0x0] =	sbarrier.arrive $0xFFFF  }
0x2c5: {  	_ =	strace $0x90000047  }
0x2c6: {  	s0 =	stileid.u32;
	[bflag:$0x2] =	sbarrier.arrive $0xFFFF  }
0x2c7: {  	p0 =	sne.s32 s0, $0x0;
	s0 =	rddreg [dreg:$0x1]  }
0x2c8: {  	s0 =	sadd.s32 @!p0 $0x100000, s0  }
0x2c9: {  	[sflag:s0] =	ssyncadd.tile.s32 @!p0 $0x1;
	_ =	shalt  }
.Lfunc_end2:
_tile_overlayer_lowered:
.L_overlay_start_2:
0x2ca: {  	(tag) =	ssettag $0x2  }
0x2cb: {  	s0 =	rddreg [dreg:$0x0];
	s2 =	stileid.u32  }
0x2cc: {  	s1 =	rddreg [dreg:$0x1];
	p0 =	sne.s32 s2, $0x0  }
0x2cd: {  	s3 =	rddreg [dreg:$0x2];
	[bflag:$0x3] =	sbarrier.arrive $0xFFFF;
	s2 =	simm.s32 @!p0 $0x1C01  }
0x2ce: {  	[timem:s3], [sflag:s2] =	dma.local @!p0 [hbm:s0], s1  }
0x2cf: {  	s0 =	simm.s32 @!p0 $0x1  }
0x2d0: {  	_ =	swait.ge @!p0 [sflag:s0], s1  }
0x2d1: {  	s1 =	ssub.s32 @!p0 $0x0, s1;
	[sflag:s0] =	ssyncset.done @!p0 $0x0  }
0x2d2: {  	[sflag:s0] =	ssyncadd.s32 @!p0 s1  }
0x2d3: {  	[bflag:$0x3] =	sbarrier.arrive $0xFFFF  }
0x2d4: {  	_ =	shalt  }

// kernel: kernel_gat_sc_r9.8.cloned.1.call-start
scs
__scs_entry_jumppad:
0x0: {  	(pc) =	sbr.rel $0x88, $3  }
0x1: {  	(tag) =	ssettag $0x0;
	lr =	simm.s32 $0x1  }
0x2: {  	[smem:$0x3F93] =	sst lr;
	_ =	strace $0xD0000000  }
0x3: {  	_ = 	snop  }
0x4: {  	_ = 	snop  }
0x5: {  	_ = 	snop  }
0x6: {  	_ = 	snop  }
0x7: {  	_ = 	snop  }
__scs_overlays_trampoline_lowered:
0x8: {  	[smem:$0x3FA2] =	sst s0  }
0x9: {  	[smem:$0x3FA3] =	sst s1  }
0xa: {  	[smem:$0x3FA4] =	sst s2  }
0xb: {  	[smem:$0x3FA5] =	sst s3  }
0xc: {  	[smem:$0x3FA6] =	sst s4  }
0xd: {  	[smem:$0x3FA7] =	sst s5  }
0xe: {  	[smem:$0x3FA8] =	sst s6  }
0xf: {  	[smem:$0x3FA9] =	sst s7  }
0x10: {  	[smem:$0x3FAA] =	sst s8  }
0x11: {  	[smem:$0x3FAB] =	sst s9;
	s0 =	simm.s32 @!p0 $0x0  }
0x12: {  	s1 =	sld [smem:$0x3F91];
	s0 =	simm.s32 @p0 $0x1  }
0x13: {  	[smem:$0x3FAC] =	sst s0;
	s0 =	simm.s32 @!p1 $0x0  }
0x14: {  	s2 =	sld [smem:$0x3F90];
	s0 =	simm.s32 @p1 $0x1  }
0x15: {  	[smem:$0x3FAD] =	sst s0;
	s0 =	simm.s32 @!p2 $0x0  }
0x16: {  	s3 =	sld [smem:$0x3FDB];
	s0 =	simm.s32 @p2 $0x1  }
0x17: {  	s4 =	simm.s32 $0x1BF5;
	[smem:$0x3FAF] =	sst s0  }
0x18: {  	s0 =	sld [smem:$0x3F92];
	_ =	swait.ge [sflag:s4], $0x0  }
0x19: {  	s7 =	sld [smem:$0x3F93]  }
0x1a: {  	s8 =	sadd.s32 $0xFFFFE003, lr  }
0x1b: {  	s9 =	sadd.s32 $0xFFFFFEF7, lr;
	s5 =	simm.s32 $0xFFFFFFFF;
	p2 =	slt.u32 s8, $0xFFFFF086  }
0x1c: {  	p1 =	slt.u32 s9, $0xF7A;
	s5 =	simm.s32 @!p2 $0x0  }
0x1d: {  	s5 =	simm.s32 @p1 $0x1;
	p0 =	seq.s32 s7, s2  }
0x1e: {  	s7 =	smul.u32 @!p0 $0xF7A, s2;
	p2 =	seq.s32 @!p0 s5, $0x0  }
0x1f: {  	s9 =	smul.u32 $0xF7A, s1;
	s8 =	simm.s32 @!p0 $0x1BF5;
	p2 =	por !p2, p0  }
0x20: {  	[sflag:s8] =	ssyncset.s32 @!p0 $0xFFFFF086;
	s6 =	sadd.s32 @!p0 s3, s7;
	s7 =	simm.s32 @!p0 $0x108  }
0x21: {  	s3 =	sadd.s32 s3, s9;
	s6 =	sadd.s32 @!p0 $0x88, s6;
	s7 =	simm.s32 @p2 $0x1082  }
0x22: {  	[simem:s7], [sflag:s8] =	dma.local @!p0 [hbm:s6], $0xF7A  }
0x23: {  	s9 =	sor.u32 $0xD0000000, s2;
	s6 =	simm.s32 $0x108;
	_ =	swait.ge @!p0 [sflag:s8], $0x0  }
0x24: {  	s3 =	sadd.s32 $0x88, s3;
	s6 =	simm.s32 @!p1 $0x1082;
	[sflag:s4] =	ssyncset.s32 $0xFFFFF086  }
0x25: {  	[simem:s6], [sflag:s4] =	dma.local [hbm:s3], $0xF7A  }
0x26: {  	[smem:$0x3F93] =	sst s1;
	(tag) =	ssettag s2;
	_ =	strace s9  }
0x27: {  	s1 =	sld [smem:$0x3FA3]  }
0x28: {  	s2 =	sld [smem:$0x3FA4]  }
0x29: {  	s4 =	sld [smem:$0x3FA6]  }
0x2a: {  	p0 =	seq.s32 s5, $0x0;
	s5 =	sld [smem:$0x3FA7]  }
0x2b: {  	s6 =	sld [smem:$0x3FA8]  }
0x2c: {  	s7 =	sld [smem:$0x3FA9]  }
0x2d: {  	s3 =	simm.s32 $0x108;
	s8 =	sld [smem:$0x3FAA]  }
0x2e: {  	s3 =	simm.s32 @!p0 $0x1082;
	s9 =	sld [smem:$0x3FAB]  }
0x2f: {  	lr =	sadd.s32 s0, s3;
	s0 =	sld [smem:$0x3FA2]  }
0x30: {  	s3 =	sld [smem:$0x3FA5]  }
0x31: {  	[smem:$0x3FAE] =	sst s10  }
0x32: {  	s10 =	sld [smem:$0x3FAC];
	_ =	sdelay $0x3  }
0x33: {  	p0 =	seq.s32 s10, $0x1;
	s10 =	sld [smem:$0x3FAE];
	_ =	sdelay $0x3  }
0x34: {  	[smem:$0x3FAE] =	sst s10  }
0x35: {  	s10 =	sld [smem:$0x3FAD];
	_ =	sdelay $0x3  }
0x36: {  	p1 =	seq.s32 s10, $0x1;
	s10 =	sld [smem:$0x3FAE];
	_ =	sdelay $0x3  }
0x37: {  	[smem:$0x3FAE] =	sst s10  }
0x38: {  	s10 =	sld [smem:$0x3FAF]  }
0x39: {  	_ = 	snop;
	(pc) =	sbr.ind lr, $3  }
0x3a: {  	_ = 	snop  }
0x3b: {  	_ = 	snop  }
0x3c: {  	p2 =	seq.s32 s10, $0x1;
	s10 =	sld [smem:$0x3FAE]  }
0x3d: {  	_ =	shalt  }
0x3e: {  	_ =	shalt  }
0x3f: {  	_ =	shalt  }
0x40: {  	_ =	shalt  }
0x41: {  	_ =	shalt  }
0x42: {  	_ =	shalt  }
0x43: {  	_ =	shalt  }
0x44: {  	_ =	shalt  }
0x45: {  	_ =	shalt  }
0x46: {  	_ =	shalt  }
0x47: {  	_ =	shalt  }
0x48: {  	_ =	shalt  }
0x49: {  	_ =	shalt  }
0x4a: {  	_ =	shalt  }
0x4b: {  	_ =	shalt  }
0x4c: {  	_ =	shalt  }
0x4d: {  	_ =	shalt  }
0x4e: {  	_ =	shalt  }
0x4f: {  	_ =	shalt  }
0x50: {  	_ =	shalt  }
0x51: {  	_ =	shalt  }
0x52: {  	_ =	shalt  }
0x53: {  	_ =	shalt  }
0x54: {  	_ =	shalt  }
0x55: {  	_ =	shalt  }
0x56: {  	_ =	shalt  }
0x57: {  	_ =	shalt  }
0x58: {  	_ =	shalt  }
0x59: {  	_ =	shalt  }
0x5a: {  	_ =	shalt  }
0x5b: {  	_ =	shalt  }
0x5c: {  	_ =	shalt  }
0x5d: {  	_ =	shalt  }
0x5e: {  	_ =	shalt  }
0x5f: {  	_ =	shalt  }
0x60: {  	_ =	shalt  }
0x61: {  	_ =	shalt  }
0x62: {  	_ =	shalt  }
0x63: {  	_ =	shalt  }
0x64: {  	_ =	shalt  }
0x65: {  	_ =	shalt  }
0x66: {  	_ =	shalt  }
0x67: {  	_ =	shalt  }
0x68: {  	_ =	shalt  }
0x69: {  	_ =	shalt  }
0x6a: {  	_ =	shalt  }
0x6b: {  	_ =	shalt  }
0x6c: {  	_ =	shalt  }
0x6d: {  	_ =	shalt  }
0x6e: {  	_ =	shalt  }
0x6f: {  	_ =	shalt  }
0x70: {  	_ =	shalt  }
0x71: {  	_ =	shalt  }
0x72: {  	_ =	shalt  }
0x73: {  	_ =	shalt  }
0x74: {  	_ =	shalt  }
0x75: {  	_ =	shalt  }
0x76: {  	_ =	shalt  }
0x77: {  	_ =	shalt  }
0x78: {  	_ =	shalt  }
0x79: {  	_ =	shalt  }
0x7a: {  	_ =	shalt  }
0x7b: {  	_ =	shalt  }
0x7c: {  	_ =	shalt  }
0x7d: {  	_ =	shalt  }
0x7e: {  	_ =	shalt  }
0x7f: {  	_ =	shalt  }
0x80: {  	_ =	shalt  }
0x81: {  	_ =	shalt  }
0x82: {  	_ =	shalt  }
0x83: {  	_ =	shalt  }
0x84: {  	_ =	shalt  }
0x85: {  	_ =	shalt  }
0x86: {  	_ =	shalt  }
0x87: {  	_ =	shalt  }
.Lfunc_end0:
.L_simem_size_0:
called_computation.1_lowered:
.L_overlay_start_0:
0x88: {  	s2 =	sld [smem:$0x3FD9]  }
0x89: {  	s3 =	sld [smem:$0x3FFE];
	_ =	sdelay $0x1  }
0x8a: {  	s1 =	srdreg.scid  }
0x8b: {  	s0 =	sand.u32 $0x1, s1  }
0x8c: {  	s16 =	sshll.u32 s0, $0xA;
	s2 =	sadd.s32 s3, s2  }
0x8d: {  	s2 =	sadd.s32 s2, s16  }
0x8e: {  	[smem:$0x3FBA] =	sst s2  }
0x8f: {  	_ = 	snop  }
0x90: {  	(tm) =	ssettm $0x1  }
0x91: {  	s17 =	sld [smem:$0x3FFB];
	_ =	sdelay $0x3  }
0x92: {  	_ =	strace s17  }
0x93: {  	s2 =	sld [smem:$0x3FFC];
	_ =	sdelay $0x3  }
0x94: {  	_ =	strace s2  }
0x95: {  	s2 =	sld [smem:$0x3FFD];
	_ =	sdelay $0x3  }
0x96: {  	_ =	strace s2  }
0x97: {  	_ =	strace $0x8FFFFFFF  }
0x98: {  	s18 =	sld [smem:$0x3FDB];
	_ =	sdelay $0x1  }
0x99: {  	s19 =	simm.s32 $_scs_section_size  }
0x9a: {  	s4 =	simm.s32 $_size__tile_overlayer_lowered;
	s5 =	simm.s32 $_tile_overlayer_lowered  }
0x9b: {  	s22 =	simm.s32 $0x1BFF;
	s21 =	sshll.u32 s5, $0x1;
	s2 =	sadd.s32 s19, s18  }
0x9c: {  	s6 =	simm.s32 $0x0;
	s20 =	sshll.u32 s4, $0x1;
	s4 =	sadd.s32 s21, s2  }
0x9d: {  	[timem:s6], [sflag:s22] =	dma.local [hbm:s4], s20  }
0x9e: {  	_ =	swait.ge [sflag:s22], s20  }
0x9f: {  	s3 =	ssub.s32 $0x0, s20;
	[sflag:s22] =	ssyncset.done $0x0  }
0xa0: {  	[sflag:s22] =	ssyncadd.s32 s3;
	_ =	sdelay $0x1  }
0xa1: {  	s23 =	simm.s32 $0x1B8B  }
0xa2: {  	_ =	swait.ge [sflag:s23], $0x1  }
0xa3: {  	[sflag:s23] =	ssyncset.done $0x0  }
0xa4: {  	s25 =	simm.s32 $0x1B8E;
	s24 =	sld [smem:$0x3FFE];
	[sflag:s23] =	ssyncadd.s32 $0xFFFFFFFF  }
0xa5: {  	s26 =	simm.s32 $execute0_lowered;
	[smem:$0x3FD2] =	sst s25  }
0xa6: {  	s4 =	sshll.u32 s26, $0x1;
	_ =	strace $0x80000049;
	[dreg:$0x1] =	wrdreg $0xFFFFFFFF  }
0xa7: {  	s28 =	simm.s32 $_size_execute0_lowered;
	s2 =	sadd.s32 s2, s4;
	[dreg:$0x0] =	wrdreg $0x0  }
0xa8: {  	s4 =	sshll.u32 s28, $0x1;
	[dreg:$0x2] =	wrdreg s2  }
0xa9: {  	[dreg:$0x3] =	wrdreg s4  }
0xaa: {  	[dreg:$0x4] =	wrdreg $0xC0  }
0xab: {  	_ =	task [dreg:s6], $0x5FFFF  }
0xac: {  	[dreg:$0x1] =	wrdreg $0xFFFFFFFF  }
0xad: {  	[dreg:$0x0] =	wrdreg $0x60  }
0xae: {  	[dreg:$0x2] =	wrdreg s24  }
0xaf: {  	[dreg:$0x3] =	wrdreg $0x0  }
0xb0: {  	[dreg:$0x4] =	wrdreg $0x9  }
0xb1: {  	_ =	task.clear_ibuf [dreg:s6], $0x5FFFF;
	_ =	strace $0x90000049  }
0xb2: {  	s29 =	simm.s32 $0x9;
	_ =	strace $0x8000004B  }
0xb3: {  	_ =	swait.ge [sflag:s29], $0x1  }
0xb4: {  	[sflag:s29] =	ssyncadd.s32 $0xFFFFFFFF  }
0xb5: {  	_ =	strace $0x9000004B  }
0xb6: {  	_ =	sfence  }
0xb7: {  	s30 =	sld [smem:$0x0];
	_ =	sdelay $0x2  }
0xb8: {  	s31 =	sshll.u32 s1, $0xD;
	s1 =	sshrl.u32 s1, $0x2  }
0xb9: {  	s3 =	sand.u32 $0x4000, s31;
	s1 =	sadd.s32 s1, s30  }
0xba: {  	s0 =	sor.u32 s3, s0;
	s1 =	sshll.u32 s1, $0x11  }
0xbb: {  	s0 =	sor.u32 s1, s0  }
0xbc: {  	s0 =	sadd.s32 $0x8F2B, s0  }
0xbd: {  	[sflag:s0] =	ssyncadd.remote.s32 $0x1  }
0xbe: {  	_ =	sfence.sel $0xFFFF  }
0xbf: {  	[dreg:$0x0] =	wrdreg $0xFFFFFFFF;
	(pc) =	sbr.abs _section_cstart, $3  }
0xc0: {  	[dreg:$0x1] =	wrdreg $0xFFFFFFFF  }
0xc1: {  	_ =	task.clear_ibuf [dreg:s6], $0x2FFFF;
	_ =	strace $0x9FFFFFFF  }
0xc2: {  	(tm) =	ssettm $0x7FFFFFFF  }
0xc3: {  	_ =	shalt  }
tec
execute0_lowered:
.L_overlay_start_1:
0x0: {  	(tag) =	ssettag $0x1  }
0x1: {  	s1 =	rddreg [dreg:$0x0]  }
0x2: {  	s2 =	rddreg [dreg:$0x1]  }
0x3: {  	s3 =	simm.s32 $0x0;
	s0 =	srdreg.scid;
	s10 =	stileid.u32  }
0x4: {  	s28 =	simm.s32 $0x15100;
	s29 =	simm.s32 $0x2;
	s30 =	simm.s32 $0x13880  }
0x5: {  	s31 =	simm.s32 $0x14080;
	[smem:$0x7FF] =	sst s3;
	s5 =	sadd.s32 $0x29C00, s1  }
0x6: {  	s0 =	sand.u32 $0x1, s0;
	s6 =	sadd.s32 $0x64800, s1;
	s8 =	smul.u32 $0x270, s10  }
0x7: {  	s9 =	sshll.u32 s10, $0x1;
	s10 =	smul.u32 $0x4E000, s10;
	s4 =	ssub.s32 $0x2, s0  }
0x8: {  	s11 =	sadd.s32 $0x78200, s1;
	_ =	strace $0x8000004A;
	s7 =	sshrl.u32 s4, $0x1  }
0x9: {  	s12 =	sadd.s32 $0xA0, s8;
	s13 =	sadd.s32 $0xF0, s8;
	s14 =	sadd.s32 $0x140, s8  }
0xa: {  	s4 =	ssub.s32 s4, s7;
	s7 =	sor.u32 s0, s9;
	s0 =	smul.u32 $0x2710, s0  }
0xb: {  	s15 =	sadd.s32 $0x190, s8;
	s18 =	sadd.s32 $0x1E0, s8;
	s9 =	sshrl.u32 s10, $0x2  }
0xc: {  	s10 =	sadd.s32 $0x50, s8;
	s4 =	smax.u32 s4, $0x1;
	s16 =	sadd.s32 s0, s8  }
0xd: {  	s17 =	sadd.s32 s0, s10;
	s8 =	sadd.s32 $0x230, s8;
	s21 =	sadd.s32 s0, s12  }
0xe: {  	s22 =	sadd.s32 s0, s13;
	s19 =	sadd.s32 s0, s14;
	s25 =	sadd.s32 s0, s15  }
0xf: {  	s26 =	sadd.s32 s0, s18;
	[dreg:$0xb] =	wrdreg s4;
	s4 =	simm.s32 $0x15080  }
0x10: {  	s16 =	sshll.u32 s16, $0x4;
	s17 =	sshll.u32 s17, $0x4;
	s19 =	sshll.u32 s19, $0x4  }
0x11: {  	s0 =	sadd.s32 s0, s8;
	s16 =	sadd.s32 s11, s16;
	s20 =	sadd.s32 s11, s17  }
0x12: {  	s17 =	sshll.u32 s22, $0x4;
	s24 =	sadd.s32 s11, s19;
	s0 =	sshll.u32 s0, $0x4  }
0x13: {  	s19 =	sshll.u32 s10, $0x7;
	s22 =	sshll.u32 s14, $0x7;
	[dreg:$0x3] =	wrdreg s16  }
0x14: {  	s10 =	simm.s32 $0x0;
	[dreg:$0x4] =	wrdreg s20;
	s16 =	sshll.u32 s21, $0x4  }
0x15: {  	s23 =	sadd.s32 s11, s17;
	[dreg:$0x7] =	wrdreg s24;
	s17 =	sshll.u32 s26, $0x4  }
0x16: {  	s0 =	sadd.s32 s11, s0;
	s19 =	sadd.s32 s19, s2;
	s20 =	sshll.u32 s12, $0x7  }
0x17: {  	s21 =	sshll.u32 s13, $0x7;
	s14 =	sadd.s32 s22, s2;
	s24 =	sshll.u32 s18, $0x7  }
0x18: {  	s16 =	sadd.s32 s11, s16;
	[dreg:$0x6] =	wrdreg s23;
	s17 =	sadd.s32 s11, s17  }
0x19: {  	[dreg:$0xa] =	wrdreg s0;
	s0 =	sadd.s32 s20, s2;
	s13 =	sadd.s32 s21, s2  }
0x1a: {  	s23 =	sshll.u32 s15, $0x7;
	s18 =	sadd.s32 s24, s2;
	[dreg:$0x5] =	wrdreg s16  }
0x1b: {  	s16 =	sshll.u32 s25, $0x4;
	[dreg:$0x9] =	wrdreg s17;
	s17 =	sadd.s32 s9, s2  }
0x1c: {  	[dreg:$0xc] =	wrdreg s0;
	s15 =	sadd.s32 s23, s2;
	s25 =	sshll.u32 s8, $0x7  }
0x1d: {  	s0 =	simm.s32 $0x14880;
	s8 =	simm.s32 $0x50;
	s16 =	sadd.s32 s11, s16  }
0x1e: {  	s9 =	simm.s32 $0x1;
	s26 =	sadd.s32 s25, s2;
	[dreg:$0x8] =	wrdreg s16  }
0x1f: {  	v0 =	vimm.f32 $0.0e+00;
	s16 =	sadd.s32 $0x27200, s1;
	[dreg:$0xd] =	wrdreg s26;
	s26 =	smul.u32 $0x2710, s7  }
.LBB2_1:
0x20: {  	s11 =	simm.s32 $0x0;
	s12 =	simm.s32 $0x200  }
.LBB2_2:
0x21: {  	p0 =	sne.s32 s12, $0x9E00;
	[tilespmem:s11+$0x15170] =	vst v0  }
0x22: {  	[tilespmem:s11+$0x15100] =	vst v0  }
0x23: {  	[tilespmem:s11+$0x15110] =	vst v0  }
.Ltmp0:
0x24: {  	[tilespmem:s11+$0x15120] =	vst v0;
	(pc) =	sbr.rel @p0 .LBB2_2-.Ltmp0, $4  }
0x25: {  	[tilespmem:s11+$0x15130] =	vst v0  }
0x26: {  	[tilespmem:s11+$0x15140] =	vst v0  }
0x27: {  	[tilespmem:s11+$0x15150] =	vst v0  }
0x28: {  	[tilespmem:s11+$0x15160] =	vst v0;
	s11 =	sshra.s32 s12, $0x2;
	s12 =	sadd.s32 $0x200, s12  }
0x29: {  	[tilespmem:s11+$0x15170] =	vst v0  }
0x2a: {  	[tilespmem:s11+$0x15100] =	vst v0  }
0x2b: {  	[tilespmem:s11+$0x15110] =	vst v0  }
0x2c: {  	[tilespmem:s11+$0x15120] =	vst v0  }
0x2d: {  	[tilespmem:s11+$0x15130] =	vst v0  }
0x2e: {  	[tilespmem:s11+$0x15140] =	vst v0  }
0x2f: {  	[tilespmem:s11+$0x15150] =	vst v0  }
0x30: {  	[tilespmem:s11+$0x15160] =	vst v0  }
0x31: {  	[spmem:s17] =	stream.linear.scatter [tilespmem:s28], [sflag:$0x2], $0x2800, $0x38;
	[tilespmem:$0x17900] =	vst v63  }
0x32: {  	_ =	swait.ge [sflag:s29], $0x2800  }
0x33: {  	[sflag:s29] =	ssyncset.done $0x0  }
0x34: {  	[sflag:s29] =	ssyncadd.s32 $0xFFFFD800  }
0x35: {  	[spmem:s19] =	stream.linear.scatter [tilespmem:s28], [sflag:$0x2], $0x2800, $0x38;
	[tilespmem:$0x17900] =	vst v63  }
0x36: {  	_ =	swait.ge [sflag:s29], $0x2800  }
0x37: {  	[sflag:s29] =	ssyncset.done $0x0  }
0x38: {  	s20 =	smov.u32 s17;
	s17 =	rddreg [dreg:$0xc];
	[sflag:s29] =	ssyncadd.s32 $0xFFFFD800  }
0x39: {  	[spmem:s17] =	stream.linear.scatter [tilespmem:s28], [sflag:$0x2], $0x2800, $0x38;
	[tilespmem:$0x17900] =	vst v63  }
0x3a: {  	_ =	swait.ge [sflag:s29], $0x2800  }
0x3b: {  	[sflag:s29] =	ssyncset.done $0x0  }
0x3c: {  	[sflag:s29] =	ssyncadd.s32 $0xFFFFD800  }
0x3d: {  	[spmem:s13] =	stream.linear.scatter [tilespmem:s28], [sflag:$0x2], $0x2800, $0x38;
	[tilespmem:$0x17900] =	vst v63  }
0x3e: {  	_ =	swait.ge [sflag:s29], $0x2800  }
0x3f: {  	[sflag:s29] =	ssyncset.done $0x0  }
0x40: {  	[sflag:s29] =	ssyncadd.s32 $0xFFFFD800  }
0x41: {  	[spmem:s14] =	stream.linear.scatter [tilespmem:s28], [sflag:$0x2], $0x2800, $0x38;
	[tilespmem:$0x17900] =	vst v63  }
0x42: {  	_ =	swait.ge [sflag:s29], $0x2800  }
0x43: {  	[sflag:s29] =	ssyncset.done $0x0  }
0x44: {  	[sflag:s29] =	ssyncadd.s32 $0xFFFFD800  }
0x45: {  	[spmem:s15] =	stream.linear.scatter [tilespmem:s28], [sflag:$0x2], $0x2800, $0x38;
	[tilespmem:$0x17900] =	vst v63  }
0x46: {  	_ =	swait.ge [sflag:s29], $0x2800  }
0x47: {  	[sflag:s29] =	ssyncset.done $0x0  }
0x48: {  	[sflag:s29] =	ssyncadd.s32 $0xFFFFD800  }
0x49: {  	[spmem:s18] =	stream.linear.scatter [tilespmem:s28], [sflag:$0x2], $0x2800, $0x38;
	[tilespmem:$0x17900] =	vst v63  }
0x4a: {  	_ =	swait.ge [sflag:s29], $0x2800  }
0x4b: {  	[sflag:s29] =	ssyncset.done $0x0  }
0x4c: {  	s21 =	smov.u32 s19;
	s19 =	rddreg [dreg:$0xd];
	[sflag:s29] =	ssyncadd.s32 $0xFFFFD800  }
0x4d: {  	[spmem:s19] =	stream.linear.scatter [tilespmem:s28], [sflag:$0x2], $0x2800, $0x38;
	[tilespmem:$0x17900] =	vst v63  }
0x4e: {  	_ =	swait.ge [sflag:s29], $0x2800  }
0x4f: {  	s22 =	smov.u32 s13;
	s23 =	smov.u32 s14;
	[sflag:s29] =	ssyncset.done $0x0  }
0x50: {  	s24 =	smov.u32 s15;
	s25 =	smov.u32 s18;
	[sflag:s29] =	ssyncadd.s32 $0xFFFFD800  }
0x51: {  	s11 =	simm.s32 $0x0;
	s12 =	simm.s32 $0x0;
	[bflag:$0x0] =	sbarrier.arrive $0xFFFF  }
.LBB2_4:
0x52: {  	s13 =	smul.u32 $0x7D0, s12;
	_ =	sdelay $0x1  }
0x53: {  	s13 =	sadd.s32 s26, s13  }
0x54: {  	s14 =	sshrl.u32 s13, $0x3  }
0x55: {  	s15 =	sadd.s32 s5, s14  }
0x56: {  	[tilespmem:s30], [sflag:$0x2] =	stream.linear.gather [hbm4b:s15+s11], $0x7D0, $0x38;
	[tilespmem:$0x17900] =	vst v63  }
0x57: {  	_ =	swait.ge [sflag:s29], $0x7D0  }
0x58: {  	[sflag:s29] =	ssyncset.done $0x0  }
0x59: {  	s14 =	sadd.s32 s6, s14;
	[sflag:s29] =	ssyncadd.s32 $0xFFFFF830  }
0x5a: {  	[tilespmem:s31], [sflag:$0x2] =	stream.linear.gather [hbm4b:s14+s11], $0x7D0, $0x38;
	[tilespmem:$0x17900] =	vst v63  }
0x5b: {  	s13 =	sadd.s32 $0x4E200, s13;
	_ =	swait.ge [sflag:s29], $0x7D0  }
0x5c: {  	s19 =	sshrl.u32 s13, $0x3;
	[sflag:s29] =	ssyncset.done $0x0  }
0x5d: {  	s14 =	sadd.s32 s6, s19;
	[sflag:s29] =	ssyncadd.s32 $0xFFFFF830  }
0x5e: {  	[tilespmem:s0], [sflag:$0x2] =	stream.linear.gather [hbm4b:s14+s11], $0x7D0, $0x38;
	[tilespmem:$0x17900] =	vst v63  }
0x5f: {  	_ =	swait.ge [sflag:s29], $0x7D0  }
0x60: {  	[sflag:s29] =	ssyncset.done $0x0  }
0x61: {  	s15 =	simm.s32 $0x0;
	s14 =	sor.u32 s7, s12;
	[sflag:s29] =	ssyncadd.s32 $0xFFFFF830  }
.LBB2_5:
0x62: {  	s17 =	smul.u32 $0x50, s15;
	_ =	sdelay $0x1  }
0x63: {  	s18 =	sadd.s32 s13, s17  }
0x64: {  	s18 =	sshrl.u32 s18, $0x3  }
0x65: {  	s19 =	simm.s32 $0x0;
	s18 =	sadd.s32 s5, s18  }
0x66: {  	[tilespmem:s4], [sflag:$0x2] =	stream.linear.gather [hbm4b:s18+s19], $0x50, $0x38;
	[tilespmem:$0x17900] =	vst v63  }
0x67: {  	_ =	swait.ge [sflag:s29], $0x50  }
0x68: {  	[sflag:s29] =	ssyncset.done $0x0  }
0x69: {  	v1 =	vmov s17;
	s19 =	sadd.s32 $0x13880, s17;
	[sflag:s29] =	ssyncadd.s32 $0xFFFFFFB0  }
0x6a: {  	[tilespmem:s28], [sflag:$0x1] =	stream.indirect.gather [hbm4b:s1+s8], $0x80, s19, s8, $0xb8;
	[tilespmem:$0x17900] =	vst v63  }
0x6b: {  	_ =	swait.ge [sflag:s9], $0x2800  }
0x6c: {  	[sflag:s9] =	ssyncset.done $0x0  }
0x6d: {  	s18 =	simm.s32 $0x0;
	[sflag:s9] =	ssyncadd.s32 $0xFFFFD800  }
0x6e: {  	s19 =	simm.s32 $0x0;
	v3 =	vld.idx.msk [tilespmem:v1+s18+$0x14080 ss:$0x1], $0xffff  }
0x6f: {  	v2 =	vld.idx.msk [tilespmem:v1+s18+$0x14880 ss:$0x1], $0xffff;
	s18 =	sand.u32 $0x3FFFF800, s19  }
0x70: {  	v4 =	vld [tilespmem:s18+$0x15100]  }
0x71: {  	v5 =	vld [tilespmem:s18+$0x15110]  }
0x72: {  	v6 =	vld [tilespmem:s18+$0x15120]  }
0x73: {  	v8 =	vld [tilespmem:s18+$0x15130]  }
0x74: {  	v9 =	vld [tilespmem:s18+$0x15140];
	v7 =	vbroadcast v3, $0x0  }
0x75: {  	v10 =	vld [tilespmem:s18+$0x15150]  }
0x76: {  	v11 =	vld [tilespmem:s18+$0x15160];
	v4 =	vmul.f32 v4, v7  }
0x77: {  	v49 =	vld [tilespmem:s18+$0x15170];
	v5 =	vmul.f32 v5, v7  }
0x78: {  	v55 =	vld [tilespmem:s18+$0x151B0];
	v12 =	vbroadcast v2, $0x0;
	v6 =	vmul.f32 v6, v7;
	[tilespmem:s18+$0x15100] =	vst v4  }
0x79: {  	v57 =	vld [tilespmem:s18+$0x151C0];
	v7 =	vmul.f32 v8, v7;
	[tilespmem:s18+$0x15110] =	vst v5  }
0x7a: {  	v59 =	vld [tilespmem:s18+$0x151D0];
	v52 =	vmul.f32 v9, v12;
	[tilespmem:s18+$0x15120] =	vst v6  }
0x7b: {  	v50 =	vld [tilespmem:s18+$0x15180];
	v58 =	vbroadcast v3, $0x1;
	v54 =	vmul.f32 v10, v12;
	[tilespmem:s18+$0x15130] =	vst v7  }
0x7c: {  	v51 =	vld [tilespmem:s18+$0x15190];
	v63 =	vbroadcast v2, $0x1;
	v56 =	vmul.f32 v11, v12;
	[tilespmem:s18+$0x15140] =	vst v52  }
0x7d: {  	v53 =	vld [tilespmem:s18+$0x151A0];
	v8 =	vmul.f32 v55, v58;
	[tilespmem:s18+$0x15150] =	vst v54  }
0x7e: {  	v60 =	vld [tilespmem:s18+$0x151E0];
	v9 =	vmul.f32 v57, v63;
	[tilespmem:s18+$0x15160] =	vst v56  }
0x7f: {  	v15 =	vld [tilespmem:s18+$0x15220];
	v10 =	vmul.f32 v59, v63;
	[tilespmem:s18+$0x151B0] =	vst v8  }
0x80: {  	v16 =	vld [tilespmem:s18+$0x15230];
	v4 =	vmul.f32 v49, v12;
	[tilespmem:s18+$0x151C0] =	vst v9  }
0x81: {  	v17 =	vld [tilespmem:s18+$0x15240];
	v5 =	vmul.f32 v50, v58;
	[tilespmem:s18+$0x151D0] =	vst v10  }
0x82: {  	v61 =	vld [tilespmem:s18+$0x151F0];
	v18 =	vbroadcast v3, $0x2;
	v6 =	vmul.f32 v51, v58;
	[tilespmem:s18+$0x15170] =	vst v4  }
0x83: {  	v62 =	vld [tilespmem:s18+$0x15200];
	v7 =	vmul.f32 v53, v58;
	[tilespmem:s18+$0x15180] =	vst v5  }
0x84: {  	v14 =	vld [tilespmem:s18+$0x15210];
	v23 =	vbroadcast v2, $0x2;
	v8 =	vmul.f32 v15, v18;
	[tilespmem:s18+$0x15190] =	vst v6  }
0x85: {  	v19 =	vld [tilespmem:s18+$0x15250];
	v9 =	vmul.f32 v16, v18;
	[tilespmem:s18+$0x151A0] =	vst v7  }
0x86: {  	v24 =	vld [tilespmem:s18+$0x15290];
	v10 =	vmul.f32 v17, v23;
	[tilespmem:s18+$0x15220] =	vst v8  }
0x87: {  	v25 =	vld [tilespmem:s18+$0x152A0];
	v4 =	vmul.f32 v60, v63;
	[tilespmem:s18+$0x15230] =	vst v9  }
0x88: {  	v26 =	vld [tilespmem:s18+$0x152B0];
	v5 =	vmul.f32 v61, v63;
	[tilespmem:s18+$0x15240] =	vst v10  }
0x89: {  	v20 =	vld [tilespmem:s18+$0x15260];
	v28 =	vbroadcast v3, $0x3;
	v6 =	vmul.f32 v62, v18;
	[tilespmem:s18+$0x151E0] =	vst v4  }
0x8a: {  	v21 =	vld [tilespmem:s18+$0x15270];
	v7 =	vmul.f32 v14, v18;
	[tilespmem:s18+$0x151F0] =	vst v5  }
0x8b: {  	v22 =	vld [tilespmem:s18+$0x15280];
	v8 =	vmul.f32 v24, v28;
	[tilespmem:s18+$0x15200] =	vst v6  }
0x8c: {  	v27 =	vld [tilespmem:s18+$0x152C0];
	v9 =	vmul.f32 v25, v28;
	[tilespmem:s18+$0x15210] =	vst v7  }
0x8d: {  	v32 =	vld [tilespmem:s18+$0x15300];
	v10 =	vmul.f32 v26, v28;
	[tilespmem:s18+$0x15290] =	vst v8  }
0x8e: {  	v34 =	vld [tilespmem:s18+$0x15310];
	v4 =	vmul.f32 v19, v23;
	[tilespmem:s18+$0x152A0] =	vst v9  }
0x8f: {  	v35 =	vld [tilespmem:s18+$0x15320];
	v5 =	vmul.f32 v20, v23;
	[tilespmem:s18+$0x152B0] =	vst v10  }
0x90: {  	v29 =	vld [tilespmem:s18+$0x152D0];
	v38 =	vbroadcast v3, $0x4;
	v6 =	vmul.f32 v21, v23;
	[tilespmem:s18+$0x15250] =	vst v4  }
0x91: {  	v30 =	vld [tilespmem:s18+$0x152E0];
	v7 =	vmul.f32 v22, v28;
	[tilespmem:s18+$0x15260] =	vst v5  }
0x92: {  	v31 =	vld [tilespmem:s18+$0x152F0];
	v8 =	vmul.f32 v32, v38;
	[tilespmem:s18+$0x15270] =	vst v6  }
0x93: {  	v36 =	vld [tilespmem:s18+$0x15330];
	v33 =	vbroadcast v2, $0x3;
	v9 =	vmul.f32 v34, v38;
	[tilespmem:s18+$0x15280] =	vst v7  }
0x94: {  	v41 =	vld [tilespmem:s18+$0x15370];
	v10 =	vmul.f32 v35, v38;
	[tilespmem:s18+$0x15300] =	vst v8  }
0x95: {  	v42 =	vld [tilespmem:s18+$0x15380];
	v4 =	vmul.f32 v27, v33;
	[tilespmem:s18+$0x15310] =	vst v9  }
0x96: {  	v44 =	vld [tilespmem:s18+$0x15390];
	v5 =	vmul.f32 v29, v33;
	[tilespmem:s18+$0x15320] =	vst v10  }
0x97: {  	v37 =	vld [tilespmem:s18+$0x15340];
	v43 =	vbroadcast v2, $0x4;
	v6 =	vmul.f32 v30, v33;
	[tilespmem:s18+$0x152C0] =	vst v4  }
0x98: {  	v39 =	vld [tilespmem:s18+$0x15350];
	v48 =	vbroadcast v3, $0x5;
	v7 =	vmul.f32 v31, v33;
	[tilespmem:s18+$0x152D0] =	vst v5  }
0x99: {  	v40 =	vld [tilespmem:s18+$0x15360];
	v8 =	vmul.f32 v41, v43;
	[tilespmem:s18+$0x152E0] =	vst v6  }
0x9a: {  	v45 =	vld [tilespmem:s18+$0x153A0];
	v9 =	vmul.f32 v42, v48;
	[tilespmem:s18+$0x152F0] =	vst v7  }
0x9b: {  	v50 =	vld [tilespmem:s18+$0x153E0];
	v10 =	vmul.f32 v44, v48;
	[tilespmem:s18+$0x15370] =	vst v8  }
0x9c: {  	v51 =	vld [tilespmem:s18+$0x153F0];
	v4 =	vmul.f32 v36, v38;
	[tilespmem:s18+$0x15380] =	vst v9  }
0x9d: {  	v52 =	vld [tilespmem:s18+$0x15400];
	v5 =	vmul.f32 v37, v43;
	[tilespmem:s18+$0x15390] =	vst v10  }
0x9e: {  	v46 =	vld [tilespmem:s18+$0x153B0];
	v53 =	vbroadcast v2, $0x5;
	v6 =	vmul.f32 v39, v43;
	[tilespmem:s18+$0x15330] =	vst v4  }
0x9f: {  	v47 =	vld [tilespmem:s18+$0x153C0];
	v7 =	vmul.f32 v40, v43;
	[tilespmem:s18+$0x15340] =	vst v5  }
0xa0: {  	v55 =	vld [tilespmem:s18+$0x15420];
	v58 =	vbroadcast v3, $0x6;
	v8 =	vmul.f32 v50, v53;
	[tilespmem:s18+$0x15350] =	vst v6  }
0xa1: {  	v49 =	vld [tilespmem:s18+$0x153D0];
	v9 =	vmul.f32 v51, v53;
	[tilespmem:s18+$0x15360] =	vst v7  }
0xa2: {  	v59 =	vld [tilespmem:s18+$0x15450];
	v10 =	vmul.f32 v52, v58;
	[tilespmem:s18+$0x153E0] =	vst v8  }
0xa3: {  	v60 =	vld [tilespmem:s18+$0x15460];
	v4 =	vmul.f32 v45, v48;
	[tilespmem:s18+$0x153F0] =	vst v9  }
0xa4: {  	v61 =	vld [tilespmem:s18+$0x15470];
	v5 =	vmul.f32 v46, v48;
	[tilespmem:s18+$0x15400] =	vst v10  }
0xa5: {  	v54 =	vld [tilespmem:s18+$0x15410];
	v63 =	vbroadcast v2, $0x6;
	v6 =	vmul.f32 v47, v53;
	[tilespmem:s18+$0x153A0] =	vst v4  }
0xa6: {  	v57 =	vld [tilespmem:s18+$0x15440];
	v7 =	vmul.f32 v49, v53;
	[tilespmem:s18+$0x153B0] =	vst v5  }
0xa7: {  	v56 =	vld [tilespmem:s18+$0x15430];
	v8 =	vmul.f32 v59, v63;
	[tilespmem:s18+$0x153C0] =	vst v6  }
0xa8: {  	v15 =	vld [tilespmem:s18+$0x154A0];
	v9 =	vmul.f32 v60, v63;
	[tilespmem:s18+$0x153D0] =	vst v7  }
0xa9: {  	v17 =	vld [tilespmem:s18+$0x154C0];
	v10 =	vmul.f32 v61, v63;
	[tilespmem:s18+$0x15450] =	vst v8  }
0xaa: {  	v19 =	vld [tilespmem:s18+$0x154D0];
	v4 =	vmul.f32 v54, v58;
	[tilespmem:s18+$0x15460] =	vst v9  }
0xab: {  	v20 =	vld [tilespmem:s18+$0x154E0];
	v5 =	vmul.f32 v55, v58;
	[tilespmem:s18+$0x15470] =	vst v10  }
0xac: {  	v62 =	vld [tilespmem:s18+$0x15480];
	v23 =	vbroadcast v2, $0x7;
	v6 =	vmul.f32 v56, v58;
	[tilespmem:s18+$0x15410] =	vst v4  }
0xad: {  	v14 =	vld [tilespmem:s18+$0x15490];
	v7 =	vmul.f32 v57, v63;
	[tilespmem:s18+$0x15420] =	vst v5  }
0xae: {  	v16 =	vld [tilespmem:s18+$0x154B0];
	v8 =	vmul.f32 v17, v23;
	[tilespmem:s18+$0x15430] =	vst v6  }
0xaf: {  	v18 =	vbroadcast v3, $0x7;
	v24 =	vld [tilespmem:s18+$0x15510];
	v9 =	vmul.f32 v19, v23;
	[tilespmem:s18+$0x15440] =	vst v7  }
0xb0: {  	v26 =	vld [tilespmem:s18+$0x15530];
	v10 =	vmul.f32 v20, v23;
	[tilespmem:s18+$0x154C0] =	vst v8  }
0xb1: {  	v27 =	vld [tilespmem:s18+$0x15540];
	v4 =	vmul.f32 v62, v18;
	[tilespmem:s18+$0x154D0] =	vst v9  }
0xb2: {  	v29 =	vld [tilespmem:s18+$0x15550];
	v5 =	vmul.f32 v14, v18;
	[tilespmem:s18+$0x154E0] =	vst v10  }
0xb3: {  	v21 =	vld [tilespmem:s18+$0x154F0];
	v28 =	vbroadcast v3, $0x8;
	v6 =	vmul.f32 v15, v18;
	[tilespmem:s18+$0x15480] =	vst v4  }
0xb4: {  	v22 =	vld [tilespmem:s18+$0x15500];
	v33 =	vbroadcast v2, $0x8;
	v7 =	vmul.f32 v16, v18;
	[tilespmem:s18+$0x15490] =	vst v5  }
0xb5: {  	v25 =	vld [tilespmem:s18+$0x15520];
	v8 =	vmul.f32 v26, v28;
	[tilespmem:s18+$0x154A0] =	vst v6  }
0xb6: {  	v32 =	vld [tilespmem:s18+$0x15580];
	v9 =	vmul.f32 v27, v33;
	[tilespmem:s18+$0x154B0] =	vst v7  }
0xb7: {  	v35 =	vld [tilespmem:s18+$0x155A0];
	v10 =	vmul.f32 v29, v33;
	[tilespmem:s18+$0x15530] =	vst v8  }
0xb8: {  	v36 =	vld [tilespmem:s18+$0x155C0];
	v4 =	vmul.f32 v21, v23;
	[tilespmem:s18+$0x15540] =	vst v9  }
0xb9: {  	v37 =	vld [tilespmem:s18+$0x155D0];
	v5 =	vmul.f32 v22, v28;
	[tilespmem:s18+$0x15550] =	vst v10  }
0xba: {  	v38 =	vbroadcast v3, $0x9;
	v61 =	vld [tilespmem:s18+$0x156A0];
	v6 =	vmul.f32 v24, v28;
	[tilespmem:s18+$0x154F0] =	vst v4  }
0xbb: {  	v42 =	vbroadcast v2, $0x9;
	v56 =	vld [tilespmem:s18+$0x15710];
	v7 =	vmul.f32 v25, v28;
	[tilespmem:s18+$0x15500] =	vst v5  }
0xbc: {  	v30 =	vld [tilespmem:s18+$0x15560];
	v8 =	vmul.f32 v35, v38;
	[tilespmem:s18+$0x15510] =	vst v6  }
0xbd: {  	v31 =	vld [tilespmem:s18+$0x15570];
	v14 =	vbroadcast v3, $0xB;
	v9 =	vmul.f32 v36, v42;
	[tilespmem:s18+$0x15520] =	vst v7  }
0xbe: {  	v34 =	vld [tilespmem:s18+$0x15590];
	v16 =	vbroadcast v3, $0xC;
	v10 =	vmul.f32 v37, v42;
	[tilespmem:s18+$0x155A0] =	vst v8  }
0xbf: {  	v41 =	vld [tilespmem:s18+$0x15600];
	v25 =	vmul.f32 v61, v14;
	[tilespmem:s18+$0x155C0] =	vst v9  }
0xc0: {  	v44 =	vld [tilespmem:s18+$0x15620];
	v62 =	vmul.f32 v56, v16;
	[tilespmem:s18+$0x155D0] =	vst v10  }
0xc1: {  	v45 =	vld [tilespmem:s18+$0x15640];
	v4 =	vmul.f32 v30, v33;
	[tilespmem:s18+$0x156A0] =	vst v25  }
0xc2: {  	v46 =	vld [tilespmem:s18+$0x15650];
	v5 =	vmul.f32 v31, v33;
	[tilespmem:s18+$0x15710] =	vst v62  }
0xc3: {  	v13 =	vbroadcast v3, $0xA;
	v27 =	vld [tilespmem:s18+$0x155B0];
	v6 =	vmul.f32 v32, v38;
	[tilespmem:s18+$0x15560] =	vst v4  }
0xc4: {  	v12 =	vbroadcast v2, $0xA;
	v39 =	vld [tilespmem:s18+$0x155E0];
	v7 =	vmul.f32 v34, v38;
	[tilespmem:s18+$0x15570] =	vst v5  }
0xc5: {  	v40 =	vld [tilespmem:s18+$0x155F0];
	v8 =	vmul.f32 v44, v13;
	[tilespmem:s18+$0x15580] =	vst v6  }
0xc6: {  	v43 =	vld [tilespmem:s18+$0x15610];
	v9 =	vmul.f32 v45, v12;
	[tilespmem:s18+$0x15590] =	vst v7  }
0xc7: {  	v50 =	vld [tilespmem:s18+$0x156B0];
	v10 =	vmul.f32 v46, v12;
	[tilespmem:s18+$0x15620] =	vst v8  }
0xc8: {  	v51 =	vld [tilespmem:s18+$0x156C0];
	v35 =	vmul.f32 v27, v38;
	[tilespmem:s18+$0x15640] =	vst v9  }
0xc9: {  	v52 =	vld [tilespmem:s18+$0x156D0];
	v4 =	vmul.f32 v39, v42;
	[tilespmem:s18+$0x15650] =	vst v10  }
0xca: {  	v53 =	vld [tilespmem:s18+$0x156E0];
	v5 =	vmul.f32 v40, v42;
	[tilespmem:s18+$0x155B0] =	vst v35  }
0xcb: {  	v15 =	vbroadcast v2, $0xB;
	v24 =	vld [tilespmem:s18+$0x157D0];
	v6 =	vmul.f32 v41, v13;
	[tilespmem:s18+$0x155E0] =	vst v4  }
0xcc: {  	v36 =	vld [tilespmem:s18+$0x15740];
	v7 =	vmul.f32 v43, v13;
	[tilespmem:s18+$0x155F0] =	vst v5  }
0xcd: {  	v47 =	vld [tilespmem:s18+$0x15660];
	v8 =	vmul.f32 v51, v15;
	[tilespmem:s18+$0x15600] =	vst v6  }
0xce: {  	v48 =	vld [tilespmem:s18+$0x15680];
	v29 =	vbroadcast v2, $0xD;
	v9 =	vmul.f32 v52, v15;
	[tilespmem:s18+$0x15610] =	vst v7  }
0xcf: {  	v49 =	vld [tilespmem:s18+$0x15690];
	v20 =	vbroadcast v2, $0xC;
	v10 =	vmul.f32 v53, v15;
	[tilespmem:s18+$0x156C0] =	vst v8  }
0xd0: {  	v59 =	vld [tilespmem:s18+$0x15760];
	v32 =	vmul.f32 v24, v29;
	[tilespmem:s18+$0x156D0] =	vst v9  }
0xd1: {  	v58 =	vld [tilespmem:s18+$0x15750];
	v46 =	vmul.f32 v36, v20;
	[tilespmem:s18+$0x156E0] =	vst v10  }
0xd2: {  	v60 =	vld [tilespmem:s18+$0x15780];
	v4 =	vmul.f32 v47, v12;
	[tilespmem:s18+$0x157D0] =	vst v32  }
0xd3: {  	v54 =	vld [tilespmem:s18+$0x156F0];
	v5 =	vmul.f32 v48, v14;
	[tilespmem:s18+$0x15740] =	vst v46  }
0xd4: {  	v26 =	vld [tilespmem:s18+$0x157F0];
	v6 =	vmul.f32 v49, v14;
	[tilespmem:s18+$0x15660] =	vst v4  }
0xd5: {  	v31 =	vld [tilespmem:s18+$0x157E0];
	v7 =	vmul.f32 v50, v14;
	[tilespmem:s18+$0x15680] =	vst v5  }
0xd6: {  	v17 =	vbroadcast v3, $0xD;
	v33 =	vld [tilespmem:s18+$0x15820];
	v8 =	vmul.f32 v58, v20;
	[tilespmem:s18+$0x15690] =	vst v6  }
0xd7: {  	v34 =	vld [tilespmem:s18+$0x15720];
	v9 =	vmul.f32 v59, v20;
	[tilespmem:s18+$0x156B0] =	vst v7  }
0xd8: {  	v55 =	vld [tilespmem:s18+$0x15700];
	v10 =	vmul.f32 v60, v17;
	[tilespmem:s18+$0x15750] =	vst v8  }
0xd9: {  	v57 =	vld [tilespmem:s18+$0x15730];
	v37 =	vbroadcast v3, $0xE;
	v14 =	vmul.f32 v26, v29;
	[tilespmem:s18+$0x15760] =	vst v9  }
0xda: {  	v63 =	vld [tilespmem:s18+$0x15790];
	v40 =	vmul.f32 v31, v29;
	[tilespmem:s18+$0x15780] =	vst v10  }
0xdb: {  	v23 =	vld [tilespmem:s18+$0x157C0];
	v42 =	vmul.f32 v33, v37;
	[tilespmem:s18+$0x157F0] =	vst v14  }
0xdc: {  	v39 =	vld [tilespmem:s18+$0x15630];
	v44 =	vmul.f32 v34, v16;
	[tilespmem:s18+$0x157E0] =	vst v40  }
0xdd: {  	v41 =	vld [tilespmem:s18+$0x15770];
	v4 =	vmul.f32 v54, v15;
	[tilespmem:s18+$0x15820] =	vst v42  }
0xde: {  	v21 =	vld [tilespmem:s18+$0x157A0];
	v5 =	vmul.f32 v55, v16;
	[tilespmem:s18+$0x15720] =	vst v44  }
0xdf: {  	v22 =	vld [tilespmem:s18+$0x157B0];
	v7 =	vmul.f32 v57, v16;
	[tilespmem:s18+$0x156F0] =	vst v4  }
0xe0: {  	v28 =	vld [tilespmem:s18+$0x15800];
	v8 =	vmul.f32 v23, v29;
	[tilespmem:s18+$0x15700] =	vst v5  }
0xe1: {  	v38 =	vld [tilespmem:s18+$0x15830];
	v49 =	vmul.f32 v39, v13;
	[tilespmem:s18+$0x15730] =	vst v7  }
0xe2: {  	v47 =	vld [tilespmem:s18+$0x15860];
	v6 =	vmul.f32 v41, v20;
	[tilespmem:s18+$0x157C0] =	vst v8  }
0xe3: {  	v48 =	vld [tilespmem:s18+$0x15670];
	v5 =	vmul.f32 v63, v17;
	[tilespmem:s18+$0x15630] =	vst v49  }
0xe4: {  	v53 =	vld [tilespmem:s18+$0x15890];
	v4 =	vmul.f32 v21, v17;
	[tilespmem:s18+$0x15770] =	vst v6  }
0xe5: {  	v51 =	vbroadcast v2, $0xE;
	v58 =	vld [tilespmem:s18+$0x158C0];
	v7 =	vmul.f32 v22, v17;
	[tilespmem:s18+$0x15790] =	vst v5  }
0xe6: {  	v60 =	vld [tilespmem:s18+$0x158E0];
	v8 =	vmul.f32 v38, v37;
	[tilespmem:s18+$0x157A0] =	vst v4  }
0xe7: {  	v3 =	vbroadcast v3, $0xF;
	v56 =	vld [tilespmem:s18+$0x158B0];
	v55 =	vmul.f32 v47, v51;
	[tilespmem:s18+$0x157B0] =	vst v7  }
0xe8: {  	v30 =	vld [tilespmem:s18+$0x15810];
	v2 =	vbroadcast v2, $0xF;
	v57 =	vmul.f32 v48, v12;
	[tilespmem:s18+$0x15830] =	vst v8  }
0xe9: {  	v50 =	vld [tilespmem:s18+$0x15870];
	v6 =	vmul.f32 v53, v3;
	[tilespmem:s18+$0x15860] =	vst v55  }
0xea: {  	v52 =	vld [tilespmem:s18+$0x15880];
	v62 =	vmul.f32 v58, v2;
	[tilespmem:s18+$0x15670] =	vst v57  }
0xeb: {  	v43 =	vld [tilespmem:s18+$0x15840];
	v63 =	vmul.f32 v60, v2;
	[tilespmem:s18+$0x15890] =	vst v6  }
0xec: {  	v45 =	vld [tilespmem:s18+$0x15850];
	v5 =	vmul.f32 v28, v37;
	[tilespmem:s18+$0x158C0] =	vst v62  }
0xed: {  	v54 =	vld [tilespmem:s18+$0x158A0];
	v4 =	vmul.f32 v30, v37;
	[tilespmem:s18+$0x158E0] =	vst v63  }
0xee: {  	v8 =	vmul.f32 v50, v51;
	[tilespmem:s18+$0x15800] =	vst v5  }
0xef: {  	v59 =	vld [tilespmem:s18+$0x158D0];
	v7 =	vmul.f32 v52, v3;
	[tilespmem:s18+$0x15810] =	vst v4  }
0xf0: {  	v5 =	vmul.f32 v43, v51;
	[tilespmem:s18+$0x15870] =	vst v8  }
0xf1: {  	v61 =	vld [tilespmem:s18+$0x158F0];
	v4 =	vmul.f32 v45, v51;
	[tilespmem:s18+$0x15880] =	vst v7  }
0xf2: {  	[tilespmem:s18+$0x15840] =	vst v5;
	v5 =	vmul.f32 v54, v3;
	v3 =	vmul.f32 v56, v3  }
0xf3: {  	[tilespmem:s18+$0x15850] =	vst v4  }
0xf4: {  	[tilespmem:s18+$0x158B0] =	vst v3;
	v3 =	vmul.f32 v59, v2  }
0xf5: {  	[tilespmem:s18+$0x158A0] =	vst v5  }
0xf6: {  	s17 =	simm.s32 $0x1;
	v2 =	vmul.f32 v61, v2;
	[tilespmem:s18+$0x158D0] =	vst v3  }
.LBB2_6:
0xf7: {  	s19 =	sshll.u32 s17, $0x4  }
0xf8: {  	p0 =	sne.s32 s17, $0x4;
	[tilespmem:s18+$0x158F0] =	vst v2;
	s18 =	smov.u32 s17;
	s17 =	sadd.s32 $0x1, s17  }
0xf9: {  	v3 =	vld.idx.msk [tilespmem:v1+s19+$0x14080 ss:$0x1], $0xffff  }
0xfa: {  	s18 =	sshll.u32 s18, $0xB;
	v2 =	vld.idx.msk [tilespmem:v1+s19+$0x14880 ss:$0x1], $0xffff  }
0xfb: {  	s18 =	sand.u32 $0x3FFFF800, s18  }
0xfc: {  	v5 =	vld [tilespmem:s18+$0x15100]  }
0xfd: {  	v6 =	vld [tilespmem:s18+$0x15110]  }
0xfe: {  	v7 =	vld [tilespmem:s18+$0x15120]  }
0xff: {  	v8 =	vbroadcast v3, $0x0;
	v4 =	vbroadcast v3, $0x4;
	v9 =	vld [tilespmem:s18+$0x15130]  }
0x100: {  	v10 =	vld [tilespmem:s18+$0x15140]  }
0x101: {  	v5 =	vmul.f32 v5, v8;
	v11 =	vld [tilespmem:s18+$0x15150]  }
0x102: {  	v6 =	vmul.f32 v6, v8;
	v12 =	vld [tilespmem:s18+$0x15160]  }
0x103: {  	[tilespmem:s18+$0x15100] =	vst v5;
	v5 =	vmul.f32 v7, v8;
	v7 =	vbroadcast v2, $0x0;
	v13 =	vld [tilespmem:s18+$0x15170]  }
0x104: {  	[tilespmem:s18+$0x15110] =	vst v6;
	v6 =	vmul.f32 v9, v8;
	v8 =	vld [tilespmem:s18+$0x15180]  }
0x105: {  	[tilespmem:s18+$0x15120] =	vst v5;
	v5 =	vmul.f32 v10, v7;
	v9 =	vld [tilespmem:s18+$0x15190]  }
0x106: {  	[tilespmem:s18+$0x15130] =	vst v6;
	v6 =	vmul.f32 v11, v7;
	v10 =	vld [tilespmem:s18+$0x151A0]  }
0x107: {  	v11 =	vbroadcast v3, $0x1;
	[tilespmem:s18+$0x15140] =	vst v5;
	v5 =	vmul.f32 v12, v7;
	v12 =	vld [tilespmem:s18+$0x151B0]  }
0x108: {  	[tilespmem:s18+$0x15150] =	vst v6;
	v6 =	vmul.f32 v13, v7;
	v7 =	vld [tilespmem:s18+$0x151C0]  }
0x109: {  	[tilespmem:s18+$0x15160] =	vst v5;
	v5 =	vmul.f32 v8, v11;
	v8 =	vld [tilespmem:s18+$0x151D0]  }
0x10a: {  	[tilespmem:s18+$0x15170] =	vst v6;
	v6 =	vmul.f32 v9, v11;
	v9 =	vld [tilespmem:s18+$0x151E0]  }
0x10b: {  	[tilespmem:s18+$0x15180] =	vst v5;
	v5 =	vmul.f32 v10, v11;
	v10 =	vbroadcast v2, $0x1;
	v13 =	vld [tilespmem:s18+$0x151F0]  }
0x10c: {  	[tilespmem:s18+$0x15190] =	vst v6;
	v6 =	vmul.f32 v12, v11;
	v11 =	vld [tilespmem:s18+$0x15200]  }
0x10d: {  	[tilespmem:s18+$0x151A0] =	vst v5;
	v5 =	vmul.f32 v7, v10;
	v7 =	vld [tilespmem:s18+$0x15210]  }
0x10e: {  	[tilespmem:s18+$0x151B0] =	vst v6;
	v6 =	vmul.f32 v8, v10;
	v8 =	vld [tilespmem:s18+$0x15220]  }
0x10f: {  	[tilespmem:s18+$0x151C0] =	vst v5;
	v5 =	vmul.f32 v9, v10;
	v9 =	vbroadcast v3, $0x2;
	v12 =	vld [tilespmem:s18+$0x15230]  }
0x110: {  	[tilespmem:s18+$0x151D0] =	vst v6;
	v6 =	vmul.f32 v13, v10;
	v10 =	vld [tilespmem:s18+$0x15240]  }
0x111: {  	[tilespmem:s18+$0x151E0] =	vst v5;
	v5 =	vmul.f32 v11, v9;
	v11 =	vld [tilespmem:s18+$0x15250]  }
0x112: {  	[tilespmem:s18+$0x151F0] =	vst v6;
	v6 =	vmul.f32 v7, v9;
	v7 =	vld [tilespmem:s18+$0x15260]  }
0x113: {  	[tilespmem:s18+$0x15200] =	vst v5;
	v5 =	vmul.f32 v8, v9;
	v8 =	vbroadcast v2, $0x2;
	v13 =	vld [tilespmem:s18+$0x15270]  }
0x114: {  	[tilespmem:s18+$0x15210] =	vst v6;
	v6 =	vmul.f32 v12, v9;
	v9 =	vld [tilespmem:s18+$0x15280]  }
0x115: {  	[tilespmem:s18+$0x15220] =	vst v5;
	v5 =	vmul.f32 v10, v8;
	v10 =	vld [tilespmem:s18+$0x15290]  }
0x116: {  	[tilespmem:s18+$0x15230] =	vst v6;
	v6 =	vmul.f32 v11, v8;
	v11 =	vld [tilespmem:s18+$0x152A0]  }
0x117: {  	[tilespmem:s18+$0x15240] =	vst v5;
	v5 =	vmul.f32 v7, v8;
	v7 =	vbroadcast v3, $0x3;
	v12 =	vld [tilespmem:s18+$0x152B0]  }
0x118: {  	[tilespmem:s18+$0x15250] =	vst v6;
	v6 =	vmul.f32 v13, v8;
	v8 =	vld [tilespmem:s18+$0x152C0]  }
0x119: {  	[tilespmem:s18+$0x15260] =	vst v5;
	v5 =	vmul.f32 v9, v7;
	v9 =	vld [tilespmem:s18+$0x152D0]  }
0x11a: {  	[tilespmem:s18+$0x15270] =	vst v6;
	v6 =	vmul.f32 v10, v7;
	v10 =	vld [tilespmem:s18+$0x152E0]  }
0x11b: {  	[tilespmem:s18+$0x15280] =	vst v5;
	v5 =	vmul.f32 v11, v7;
	v11 =	vbroadcast v2, $0x3;
	v13 =	vld [tilespmem:s18+$0x152F0]  }
0x11c: {  	[tilespmem:s18+$0x15290] =	vst v6;
	v6 =	vmul.f32 v12, v7;
	v7 =	vld [tilespmem:s18+$0x15300]  }
0x11d: {  	[tilespmem:s18+$0x152A0] =	vst v5;
	v5 =	vmul.f32 v8, v11;
	v8 =	vld [tilespmem:s18+$0x15310]  }
0x11e: {  	[tilespmem:s18+$0x152B0] =	vst v6;
	v6 =	vmul.f32 v9, v11;
	v9 =	vld [tilespmem:s18+$0x15320]  }
0x11f: {  	[tilespmem:s18+$0x152C0] =	vst v5;
	v5 =	vmul.f32 v10, v11;
	v10 =	vld [tilespmem:s18+$0x15330]  }
0x120: {  	[tilespmem:s18+$0x152D0] =	vst v6;
	v6 =	vmul.f32 v13, v11;
	v11 =	vld [tilespmem:s18+$0x15340]  }
0x121: {  	[tilespmem:s18+$0x152E0] =	vst v5;
	v5 =	vmul.f32 v7, v4;
	v7 =	vld [tilespmem:s18+$0x15350]  }
0x122: {  	[tilespmem:s18+$0x152F0] =	vst v6;
	v6 =	vmul.f32 v8, v4;
	v8 =	vld [tilespmem:s18+$0x15360]  }
0x123: {  	[tilespmem:s18+$0x15300] =	vst v5;
	v5 =	vmul.f32 v9, v4;
	v9 =	vbroadcast v2, $0x4;
	v12 =	vld [tilespmem:s18+$0x15370]  }
0x124: {  	[tilespmem:s18+$0x15310] =	vst v6;
	v4 =	vmul.f32 v10, v4;
	v6 =	vld [tilespmem:s18+$0x15380]  }
0x125: {  	[tilespmem:s18+$0x15320] =	vst v5;
	v5 =	vmul.f32 v11, v9;
	v10 =	vld [tilespmem:s18+$0x15390]  }
0x126: {  	[tilespmem:s18+$0x15330] =	vst v4;
	v4 =	vmul.f32 v7, v9;
	v7 =	vld [tilespmem:s18+$0x153A0]  }
0x127: {  	[tilespmem:s18+$0x15340] =	vst v5;
	v5 =	vmul.f32 v8, v9;
	v8 =	vbroadcast v3, $0x5;
	v11 =	vld [tilespmem:s18+$0x153B0]  }
0x128: {  	[tilespmem:s18+$0x15350] =	vst v4;
	v4 =	vmul.f32 v12, v9;
	v9 =	vld [tilespmem:s18+$0x153C0]  }
0x129: {  	[tilespmem:s18+$0x15360] =	vst v5;
	v5 =	vmul.f32 v6, v8;
	v6 =	vld [tilespmem:s18+$0x153D0]  }
0x12a: {  	[tilespmem:s18+$0x15370] =	vst v4;
	v4 =	vmul.f32 v10, v8;
	v10 =	vld [tilespmem:s18+$0x153E0]  }
0x12b: {  	[tilespmem:s18+$0x15380] =	vst v5;
	v5 =	vmul.f32 v7, v8;
	v7 =	vbroadcast v2, $0x5;
	v12 =	vld [tilespmem:s18+$0x153F0]  }
0x12c: {  	[tilespmem:s18+$0x15390] =	vst v4;
	v4 =	vmul.f32 v11, v8;
	v8 =	vld [tilespmem:s18+$0x15400]  }
0x12d: {  	[tilespmem:s18+$0x153A0] =	vst v5;
	v5 =	vmul.f32 v9, v7;
	v9 =	vld [tilespmem:s18+$0x15410]  }
0x12e: {  	[tilespmem:s18+$0x153B0] =	vst v4;
	v4 =	vmul.f32 v6, v7;
	v6 =	vld [tilespmem:s18+$0x15420]  }
0x12f: {  	[tilespmem:s18+$0x153C0] =	vst v5;
	v5 =	vmul.f32 v10, v7;
	v10 =	vbroadcast v3, $0x6;
	v11 =	vld [tilespmem:s18+$0x15430]  }
0x130: {  	[tilespmem:s18+$0x153D0] =	vst v4;
	v4 =	vmul.f32 v12, v7;
	v7 =	vld [tilespmem:s18+$0x15440]  }
0x131: {  	[tilespmem:s18+$0x153E0] =	vst v5;
	v5 =	vmul.f32 v8, v10;
	v8 =	vld [tilespmem:s18+$0x15450]  }
0x132: {  	[tilespmem:s18+$0x153F0] =	vst v4;
	v4 =	vmul.f32 v9, v10;
	v9 =	vld [tilespmem:s18+$0x15460]  }
0x133: {  	[tilespmem:s18+$0x15400] =	vst v5;
	v5 =	vmul.f32 v6, v10;
	v6 =	vbroadcast v2, $0x6;
	v12 =	vld [tilespmem:s18+$0x15470]  }
0x134: {  	[tilespmem:s18+$0x15410] =	vst v4;
	v4 =	vmul.f32 v11, v10;
	v10 =	vld [tilespmem:s18+$0x15480]  }
0x135: {  	[tilespmem:s18+$0x15420] =	vst v5;
	v5 =	vmul.f32 v7, v6;
	v7 =	vld [tilespmem:s18+$0x15490]  }
0x136: {  	[tilespmem:s18+$0x15430] =	vst v4;
	v4 =	vmul.f32 v8, v6;
	v8 =	vld [tilespmem:s18+$0x154A0]  }
0x137: {  	[tilespmem:s18+$0x15440] =	vst v5;
	v5 =	vmul.f32 v9, v6;
	v9 =	vbroadcast v3, $0x7;
	v11 =	vld [tilespmem:s18+$0x154B0]  }
0x138: {  	[tilespmem:s18+$0x15450] =	vst v4;
	v4 =	vmul.f32 v12, v6;
	v6 =	vld [tilespmem:s18+$0x154C0]  }
0x139: {  	[tilespmem:s18+$0x15460] =	vst v5;
	v5 =	vmul.f32 v10, v9;
	v10 =	vld [tilespmem:s18+$0x154D0]  }
0x13a: {  	[tilespmem:s18+$0x15470] =	vst v4;
	v4 =	vmul.f32 v7, v9;
	v7 =	vld [tilespmem:s18+$0x154E0]  }
0x13b: {  	[tilespmem:s18+$0x15480] =	vst v5;
	v5 =	vmul.f32 v8, v9;
	v8 =	vbroadcast v2, $0x7;
	v12 =	vld [tilespmem:s18+$0x154F0]  }
0x13c: {  	[tilespmem:s18+$0x15490] =	vst v4;
	v4 =	vmul.f32 v11, v9;
	v9 =	vld [tilespmem:s18+$0x15500]  }
0x13d: {  	[tilespmem:s18+$0x154A0] =	vst v5;
	v5 =	vmul.f32 v6, v8;
	v6 =	vld [tilespmem:s18+$0x15510]  }
0x13e: {  	[tilespmem:s18+$0x154B0] =	vst v4;
	v4 =	vmul.f32 v10, v8;
	v10 =	vld [tilespmem:s18+$0x15520]  }
0x13f: {  	[tilespmem:s18+$0x154C0] =	vst v5;
	v5 =	vmul.f32 v7, v8;
	v7 =	vbroadcast v3, $0x8;
	v11 =	vld [tilespmem:s18+$0x15530]  }
0x140: {  	[tilespmem:s18+$0x154D0] =	vst v4;
	v4 =	vmul.f32 v12, v8;
	v8 =	vld [tilespmem:s18+$0x15540]  }
0x141: {  	[tilespmem:s18+$0x154E0] =	vst v5;
	v5 =	vmul.f32 v9, v7;
	v9 =	vld [tilespmem:s18+$0x15550]  }
0x142: {  	[tilespmem:s18+$0x154F0] =	vst v4;
	v4 =	vmul.f32 v6, v7;
	v6 =	vld [tilespmem:s18+$0x15560]  }
0x143: {  	[tilespmem:s18+$0x15500] =	vst v5;
	v5 =	vmul.f32 v10, v7;
	v10 =	vbroadcast v2, $0x8;
	v12 =	vld [tilespmem:s18+$0x15570]  }
0x144: {  	[tilespmem:s18+$0x15510] =	vst v4;
	v4 =	vmul.f32 v11, v7;
	v7 =	vld [tilespmem:s18+$0x15580]  }
0x145: {  	[tilespmem:s18+$0x15520] =	vst v5;
	v5 =	vmul.f32 v8, v10;
	v8 =	vld [tilespmem:s18+$0x15590]  }
0x146: {  	[tilespmem:s18+$0x15530] =	vst v4;
	v4 =	vmul.f32 v9, v10;
	v9 =	vld [tilespmem:s18+$0x155A0]  }
0x147: {  	[tilespmem:s18+$0x15540] =	vst v5;
	v5 =	vmul.f32 v6, v10;
	v6 =	vbroadcast v3, $0x9;
	v11 =	vld [tilespmem:s18+$0x155C0]  }
0x148: {  	[tilespmem:s18+$0x15550] =	vst v4;
	v4 =	vmul.f32 v12, v10;
	v10 =	vld [tilespmem:s18+$0x155D0]  }
0x149: {  	[tilespmem:s18+$0x15560] =	vst v5;
	v5 =	vmul.f32 v7, v6;
	v7 =	vld [tilespmem:s18+$0x155E0]  }
0x14a: {  	[tilespmem:s18+$0x15570] =	vst v4;
	v4 =	vmul.f32 v8, v6;
	v8 =	vbroadcast v2, $0x9;
	v12 =	vld [tilespmem:s18+$0x155F0]  }
0x14b: {  	[tilespmem:s18+$0x15580] =	vst v5;
	v5 =	vmul.f32 v9, v6;
	v9 =	vld [tilespmem:s18+$0x15600]  }
0x14c: {  	[tilespmem:s18+$0x15590] =	vst v4;
	v4 =	vmul.f32 v11, v8;
	v11 =	vld [tilespmem:s18+$0x15610]  }
0x14d: {  	[tilespmem:s18+$0x155A0] =	vst v5;
	v10 =	vmul.f32 v10, v8;
	v13 =	vld [tilespmem:s18+$0x15620]  }
0x14e: {  	v5 =	vbroadcast v3, $0xA;
	[tilespmem:s18+$0x155C0] =	vst v4;
	v4 =	vmul.f32 v7, v8;
	v7 =	vld [tilespmem:s18+$0x15640]  }
0x14f: {  	[tilespmem:s18+$0x155D0] =	vst v10;
	v8 =	vmul.f32 v12, v8;
	v10 =	vld [tilespmem:s18+$0x15650]  }
0x150: {  	[tilespmem:s18+$0x155E0] =	vst v4;
	v9 =	vmul.f32 v9, v5;
	v12 =	vld [tilespmem:s18+$0x15660]  }
0x151: {  	v4 =	vbroadcast v2, $0xA;
	[tilespmem:s18+$0x155F0] =	vst v8;
	v8 =	vmul.f32 v11, v5;
	v11 =	vld [tilespmem:s18+$0x15680]  }
0x152: {  	[tilespmem:s18+$0x15600] =	vst v9;
	v9 =	vmul.f32 v13, v5;
	v13 =	vld [tilespmem:s18+$0x15690]  }
0x153: {  	[tilespmem:s18+$0x15610] =	vst v8;
	v7 =	vmul.f32 v7, v4;
	v8 =	vld [tilespmem:s18+$0x156B0]  }
0x154: {  	[tilespmem:s18+$0x15620] =	vst v9;
	v9 =	vmul.f32 v10, v4;
	v10 =	vbroadcast v3, $0xB;
	v14 =	vld [tilespmem:s18+$0x156C0]  }
0x155: {  	[tilespmem:s18+$0x15640] =	vst v7;
	v7 =	vmul.f32 v12, v4;
	v12 =	vld [tilespmem:s18+$0x156D0]  }
0x156: {  	[tilespmem:s18+$0x15650] =	vst v9;
	v9 =	vmul.f32 v11, v10;
	v11 =	vld [tilespmem:s18+$0x156E0]  }
0x157: {  	[tilespmem:s18+$0x15660] =	vst v7;
	v7 =	vmul.f32 v13, v10;
	v13 =	vbroadcast v2, $0xB;
	v15 =	vld [tilespmem:s18+$0x156F0]  }
0x158: {  	[tilespmem:s18+$0x15680] =	vst v9;
	v8 =	vmul.f32 v8, v10;
	v9 =	vld [tilespmem:s18+$0x15700]  }
0x159: {  	[tilespmem:s18+$0x15690] =	vst v7;
	v7 =	vmul.f32 v14, v13;
	v14 =	vld [tilespmem:s18+$0x15710]  }
0x15a: {  	[tilespmem:s18+$0x156B0] =	vst v8;
	v8 =	vmul.f32 v12, v13;
	v12 =	vld [tilespmem:s18+$0x15730]  }
0x15b: {  	[tilespmem:s18+$0x156C0] =	vst v7;
	v7 =	vmul.f32 v11, v13;
	v11 =	vbroadcast v3, $0xC;
	v16 =	vld [tilespmem:s18+$0x15750]  }
0x15c: {  	[tilespmem:s18+$0x156D0] =	vst v8;
	v8 =	vmul.f32 v15, v13;
	v13 =	vld [tilespmem:s18+$0x15760]  }
0x15d: {  	[tilespmem:s18+$0x156E0] =	vst v7;
	v7 =	vmul.f32 v9, v11;
	v9 =	vld [tilespmem:s18+$0x15780]  }
0x15e: {  	v15 =	vld [tilespmem:s18+$0x156A0];
	[tilespmem:s18+$0x156F0] =	vst v8;
	v8 =	vmul.f32 v14, v11;
	v14 =	vbroadcast v2, $0xC  }
0x15f: {  	[tilespmem:s18+$0x15700] =	vst v7;
	v7 =	vmul.f32 v12, v11;
	v12 =	vld [tilespmem:s18+$0x15790]  }
0x160: {  	[tilespmem:s18+$0x15710] =	vst v8;
	v8 =	vmul.f32 v16, v14;
	v16 =	vbroadcast v3, $0xD;
	v17 =	vld [tilespmem:s18+$0x157A0]  }
0x161: {  	[tilespmem:s18+$0x15730] =	vst v7;
	v7 =	vmul.f32 v13, v14;
	v13 =	vld [tilespmem:s18+$0x157B0]  }
0x162: {  	[tilespmem:s18+$0x15750] =	vst v8;
	v8 =	vmul.f32 v9, v16;
	v9 =	vld [tilespmem:s18+$0x157C0]  }
0x163: {  	v10 =	vmul.f32 v15, v10;
	[tilespmem:s18+$0x15760] =	vst v7;
	v7 =	vld [tilespmem:s18+$0x157D0]  }
0x164: {  	[tilespmem:s18+$0x15780] =	vst v8;
	v8 =	vmul.f32 v12, v16;
	v12 =	vld [tilespmem:s18+$0x157F0]  }
0x165: {  	v15 =	vld [tilespmem:s18+$0x155B0];
	[tilespmem:s18+$0x156A0] =	vst v10;
	v10 =	vmul.f32 v17, v16;
	v17 =	vbroadcast v2, $0xD  }
0x166: {  	[tilespmem:s18+$0x15790] =	vst v8;
	v8 =	vmul.f32 v13, v16;
	v13 =	vld [tilespmem:s18+$0x15800]  }
0x167: {  	[tilespmem:s18+$0x157A0] =	vst v10;
	v9 =	vmul.f32 v9, v17;
	v10 =	vld [tilespmem:s18+$0x15810]  }
0x168: {  	[tilespmem:s18+$0x157B0] =	vst v8;
	v7 =	vmul.f32 v7, v17;
	v8 =	vld [tilespmem:s18+$0x157E0]  }
0x169: {  	[tilespmem:s18+$0x157C0] =	vst v9;
	v9 =	vmul.f32 v12, v17;
	v12 =	vbroadcast v3, $0xE;
	v16 =	vld [tilespmem:s18+$0x15820]  }
0x16a: {  	v6 =	vmul.f32 v15, v6;
	v15 =	vld [tilespmem:s18+$0x15720];
	[tilespmem:s18+$0x157D0] =	vst v7  }
0x16b: {  	v7 =	vld [tilespmem:s18+$0x15740];
	[tilespmem:s18+$0x157F0] =	vst v9;
	v9 =	vmul.f32 v13, v12  }
0x16c: {  	[tilespmem:s18+$0x155B0] =	vst v6;
	v6 =	vmul.f32 v10, v12;
	v10 =	vld [tilespmem:s18+$0x15830]  }
0x16d: {  	v13 =	vld [tilespmem:s18+$0x15630];
	v8 =	vmul.f32 v8, v17;
	[tilespmem:s18+$0x15800] =	vst v9  }
0x16e: {  	v9 =	vld [tilespmem:s18+$0x15770];
	[tilespmem:s18+$0x15810] =	vst v6;
	v6 =	vmul.f32 v16, v12  }
0x16f: {  	v11 =	vmul.f32 v15, v11;
	[tilespmem:s18+$0x157E0] =	vst v8;
	v8 =	vld [tilespmem:s18+$0x15840]  }
0x170: {  	v7 =	vmul.f32 v7, v14;
	[tilespmem:s18+$0x15820] =	vst v6;
	v6 =	vld [tilespmem:s18+$0x15850]  }
0x171: {  	[tilespmem:s18+$0x15720] =	vst v11;
	v10 =	vmul.f32 v10, v12;
	v11 =	vld [tilespmem:s18+$0x15860]  }
0x172: {  	v5 =	vmul.f32 v13, v5;
	v12 =	vld [tilespmem:s18+$0x15670];
	[tilespmem:s18+$0x15740] =	vst v7;
	v7 =	vbroadcast v2, $0xE  }
0x173: {  	v9 =	vmul.f32 v9, v14;
	[tilespmem:s18+$0x15830] =	vst v10;
	v10 =	vld [tilespmem:s18+$0x15870]  }
0x174: {  	[tilespmem:s18+$0x15630] =	vst v5;
	v5 =	vmul.f32 v8, v7;
	v8 =	vld [tilespmem:s18+$0x15880]  }
0x175: {  	[tilespmem:s18+$0x15770] =	vst v9;
	v6 =	vmul.f32 v6, v7;
	v9 =	vld [tilespmem:s18+$0x15890]  }
0x176: {  	[tilespmem:s18+$0x15840] =	vst v5;
	v5 =	vmul.f32 v11, v7;
	v11 =	vld [tilespmem:s18+$0x158A0]  }
0x177: {  	v3 =	vbroadcast v3, $0xF;
	v4 =	vmul.f32 v12, v4;
	[tilespmem:s18+$0x15850] =	vst v6;
	v6 =	vld [tilespmem:s18+$0x158B0]  }
0x178: {  	[tilespmem:s18+$0x15860] =	vst v5;
	v5 =	vmul.f32 v10, v7;
	v7 =	vld [tilespmem:s18+$0x158C0]  }
0x179: {  	[tilespmem:s18+$0x15670] =	vst v4;
	v4 =	vmul.f32 v8, v3;
	v8 =	vld [tilespmem:s18+$0x158D0]  }
0x17a: {  	[tilespmem:s18+$0x15870] =	vst v5;
	v5 =	vmul.f32 v9, v3;
	v9 =	vld [tilespmem:s18+$0x158E0]  }
0x17b: {  	v2 =	vbroadcast v2, $0xF;
	[tilespmem:s18+$0x15880] =	vst v4;
	v4 =	vmul.f32 v11, v3;
	v10 =	vld [tilespmem:s18+$0x158F0]  }
0x17c: {  	[tilespmem:s18+$0x15890] =	vst v5;
	v3 =	vmul.f32 v6, v3  }
.Ltmp1:
0x17d: {  	[tilespmem:s18+$0x158A0] =	vst v4;
	v4 =	vmul.f32 v7, v2;
	(pc) =	sbr.rel @p0 .LBB2_6-.Ltmp1, $4  }
0x17e: {  	[tilespmem:s18+$0x158B0] =	vst v3;
	v3 =	vmul.f32 v8, v2  }
0x17f: {  	[tilespmem:s18+$0x158C0] =	vst v4;
	v4 =	vmul.f32 v9, v2  }
0x180: {  	[tilespmem:s18+$0x158D0] =	vst v3;
	v2 =	vmul.f32 v10, v2  }
0x181: {  	[tilespmem:s18+$0x158E0] =	vst v4  }
0x182: {  	s17 =	sor.u32 s15, s14  }
0x183: {  	p0 =	sne.s32 s17, $0x0  }
0x184: {  	[tilespmem:s18+$0x158F0] =	vst v2;
	s17 =	simm.s32 @!p0 $0x0;
	s18 =	simm.s32 @!p0 $0x15100  }
0x185: {  	[hbm4b:s16+s17] =	stream.linear.scatter @!p0 [tilespmem:s18], [sflag:$0x2], $0x2800, $0x38;
	[tilespmem:$0x17900] =	vst v63  }
0x186: {  	s17 =	simm.s32 @!p0 $0x2  }
0x187: {  	_ =	swait.ge @!p0 [sflag:s17], $0x2800  }
0x188: {  	s15 =	sadd.s32 $0x1, s15;
	[sflag:s17] =	ssyncset.done @!p0 $0x0  }
0x189: {  	[sflag:s17] =	ssyncadd.s32 @!p0 $0xFFFFD800;
	p0 =	sne.s32 s15, $0x19  }
.Ltmp2:
0x18a: {  	_ = 	snop;
	(pc) =	sbr.rel @p0 .LBB2_5-.Ltmp2, $4  }
0x18b: {  	[spmem:s2] =	stream.indirect.scatter.add.f32 [tilespmem:s28], [sflag:$0x1], $0x80, s4, s8, $0xb8;
	[tilespmem:$0x17900] =	vst v63  }
0x18c: {  	_ =	swait.ge [sflag:s9], $0x2800  }
0x18d: {  	[sflag:s9] =	ssyncset.done $0x0  }
0x18e: {  	[sflag:s9] =	ssyncadd.s32 $0xFFFFD800  }
0x18f: {  	s12 =	sadd.s32 $0x1, s12  }
0x190: {  	p0 =	sne.s32 s12, $0x5  }
.Ltmp3:
0x191: {  	_ = 	snop;
	(pc) =	sbr.rel @p0 .LBB2_4-.Ltmp3, $1  }
0x192: {  	_ =	sdelay $0x3  }
0x193: {  	[bflag:$0x0] =	sbarrier.arrive $0xFFFF  }
0x194: {  	[tilespmem:s28], [sflag:$0x2] =	stream.linear.gather [spmem:s20], $0x2800, $0x38;
	[tilespmem:$0x17900] =	vst v63  }
0x195: {  	_ =	swait.ge [sflag:s29], $0x2800  }
0x196: {  	[sflag:s29] =	ssyncset.done $0x0  }
0x197: {  	s11 =	rddreg [dreg:$0x3];
	[sflag:s29] =	ssyncadd.s32 $0xFFFFD800  }
0x198: {  	[hbm4b:s11+s3] =	stream.linear.scatter [tilespmem:s28], [sflag:$0x2], $0x2800, $0x38;
	[tilespmem:$0x17900] =	vst v63  }
0x199: {  	_ =	swait.ge [sflag:s29], $0x2800  }
0x19a: {  	[sflag:s29] =	ssyncset.done $0x0  }
0x19b: {  	[sflag:s29] =	ssyncadd.s32 $0xFFFFD800  }
0x19c: {  	[tilespmem:s28], [sflag:$0x2] =	stream.linear.gather [spmem:s21], $0x2800, $0x38;
	[tilespmem:$0x17900] =	vst v63  }
0x19d: {  	_ =	swait.ge [sflag:s29], $0x2800  }
0x19e: {  	[sflag:s29] =	ssyncset.done $0x0  }
0x19f: {  	s13 =	rddreg [dreg:$0x4];
	[sflag:s29] =	ssyncadd.s32 $0xFFFFD800  }
0x1a0: {  	[hbm4b:s13+s3] =	stream.linear.scatter [tilespmem:s28], [sflag:$0x2], $0x2800, $0x38;
	[tilespmem:$0x17900] =	vst v63  }
0x1a1: {  	_ =	swait.ge [sflag:s29], $0x2800  }
0x1a2: {  	[sflag:s29] =	ssyncset.done $0x0  }
0x1a3: {  	s14 =	rddreg [dreg:$0xc];
	[sflag:s29] =	ssyncadd.s32 $0xFFFFD800  }
0x1a4: {  	[tilespmem:s28], [sflag:$0x2] =	stream.linear.gather [spmem:s14], $0x2800, $0x38;
	[tilespmem:$0x17900] =	vst v63  }
0x1a5: {  	_ =	swait.ge [sflag:s29], $0x2800  }
0x1a6: {  	[sflag:s29] =	ssyncset.done $0x0  }
0x1a7: {  	s15 =	rddreg [dreg:$0x5];
	[sflag:s29] =	ssyncadd.s32 $0xFFFFD800  }
0x1a8: {  	[hbm4b:s15+s3] =	stream.linear.scatter [tilespmem:s28], [sflag:$0x2], $0x2800, $0x38;
	[tilespmem:$0x17900] =	vst v63  }
0x1a9: {  	_ =	swait.ge [sflag:s29], $0x2800  }
0x1aa: {  	[sflag:s29] =	ssyncset.done $0x0  }
0x1ab: {  	[sflag:s29] =	ssyncadd.s32 $0xFFFFD800  }
0x1ac: {  	[tilespmem:s28], [sflag:$0x2] =	stream.linear.gather [spmem:s22], $0x2800, $0x38;
	[tilespmem:$0x17900] =	vst v63  }
0x1ad: {  	_ =	swait.ge [sflag:s29], $0x2800  }
0x1ae: {  	[sflag:s29] =	ssyncset.done $0x0  }
0x1af: {  	s18 =	rddreg [dreg:$0x6];
	[sflag:s29] =	ssyncadd.s32 $0xFFFFD800  }
0x1b0: {  	[hbm4b:s18+s3] =	stream.linear.scatter [tilespmem:s28], [sflag:$0x2], $0x2800, $0x38;
	[tilespmem:$0x17900] =	vst v63  }
0x1b1: {  	_ =	swait.ge [sflag:s29], $0x2800  }
0x1b2: {  	[sflag:s29] =	ssyncset.done $0x0  }
0x1b3: {  	[sflag:s29] =	ssyncadd.s32 $0xFFFFD800  }
0x1b4: {  	[tilespmem:s28], [sflag:$0x2] =	stream.linear.gather [spmem:s23], $0x2800, $0x38;
	[tilespmem:$0x17900] =	vst v63  }
0x1b5: {  	_ =	swait.ge [sflag:s29], $0x2800  }
0x1b6: {  	[sflag:s29] =	ssyncset.done $0x0  }
0x1b7: {  	s17 =	smov.u32 s20;
	s20 =	rddreg [dreg:$0x7];
	[sflag:s29] =	ssyncadd.s32 $0xFFFFD800  }
0x1b8: {  	[hbm4b:s20+s3] =	stream.linear.scatter [tilespmem:s28], [sflag:$0x2], $0x2800, $0x38;
	[tilespmem:$0x17900] =	vst v63  }
0x1b9: {  	_ =	swait.ge [sflag:s29], $0x2800  }
0x1ba: {  	[sflag:s29] =	ssyncset.done $0x0  }
0x1bb: {  	[sflag:s29] =	ssyncadd.s32 $0xFFFFD800  }
0x1bc: {  	[tilespmem:s28], [sflag:$0x2] =	stream.linear.gather [spmem:s24], $0x2800, $0x38;
	[tilespmem:$0x17900] =	vst v63  }
0x1bd: {  	_ =	swait.ge [sflag:s29], $0x2800  }
0x1be: {  	[sflag:s29] =	ssyncset.done $0x0  }
0x1bf: {  	s19 =	smov.u32 s21;
	s21 =	rddreg [dreg:$0x8];
	[sflag:s29] =	ssyncadd.s32 $0xFFFFD800  }
0x1c0: {  	[hbm4b:s21+s3] =	stream.linear.scatter [tilespmem:s28], [sflag:$0x2], $0x2800, $0x38;
	[tilespmem:$0x17900] =	vst v63  }
0x1c1: {  	_ =	swait.ge [sflag:s29], $0x2800  }
0x1c2: {  	[sflag:s29] =	ssyncset.done $0x0  }
0x1c3: {  	[sflag:s29] =	ssyncadd.s32 $0xFFFFD800  }
0x1c4: {  	[tilespmem:s28], [sflag:$0x2] =	stream.linear.gather [spmem:s25], $0x2800, $0x38;
	[tilespmem:$0x17900] =	vst v63  }
0x1c5: {  	_ =	swait.ge [sflag:s29], $0x2800  }
0x1c6: {  	[sflag:s29] =	ssyncset.done $0x0  }
0x1c7: {  	s13 =	smov.u32 s22;
	s22 =	rddreg [dreg:$0x9];
	[sflag:s29] =	ssyncadd.s32 $0xFFFFD800  }
0x1c8: {  	[hbm4b:s22+s3] =	stream.linear.scatter [tilespmem:s28], [sflag:$0x2], $0x2800, $0x38;
	[tilespmem:$0x17900] =	vst v63  }
0x1c9: {  	_ =	swait.ge [sflag:s29], $0x2800  }
0x1ca: {  	[sflag:s29] =	ssyncset.done $0x0  }
0x1cb: {  	s14 =	smov.u32 s23;
	s23 =	rddreg [dreg:$0xd];
	[sflag:s29] =	ssyncadd.s32 $0xFFFFD800  }
0x1cc: {  	[tilespmem:s28], [sflag:$0x2] =	stream.linear.gather [spmem:s23], $0x2800, $0x38;
	[tilespmem:$0x17900] =	vst v63  }
0x1cd: {  	_ =	swait.ge [sflag:s29], $0x2800  }
0x1ce: {  	[sflag:s29] =	ssyncset.done $0x0  }
0x1cf: {  	s15 =	smov.u32 s24;
	s24 =	rddreg [dreg:$0xa];
	[sflag:s29] =	ssyncadd.s32 $0xFFFFD800  }
0x1d0: {  	[hbm4b:s24+s3] =	stream.linear.scatter [tilespmem:s28], [sflag:$0x2], $0x2800, $0x38;
	[tilespmem:$0x17900] =	vst v63  }
0x1d1: {  	_ =	swait.ge [sflag:s29], $0x2800  }
0x1d2: {  	s10 =	sadd.s32 $0x1, s10;
	s18 =	smov.u32 s25;
	s25 =	rddreg [dreg:$0xb]  }
0x1d3: {  	p0 =	sne.s32 s10, s25  }
.Ltmp4:
0x1d4: {  	_ = 	snop;
	(pc) =	sbr.rel @p0 .LBB2_1-.Ltmp4, $3  }
0x1d5: {  	_ =	sdelay $0x1  }
0x1d6: {  	[sflag:s29] =	ssyncset.done $0x0  }
0x1d7: {  	[sflag:s29] =	ssyncadd.s32 $0xFFFFD800  }
0x1d8: {  	_ =	sfence.sel $0x180000  }
0x1d9: {  	[bflag:$0x0] =	sbarrier.arrive $0xFFFF  }
0x1da: {  	_ =	strace $0x9000004A  }
0x1db: {  	s0 =	stileid.u32;
	[bflag:$0x2] =	sbarrier.arrive $0xFFFF  }
0x1dc: {  	p0 =	sne.s32 s0, $0x0;
	s0 =	rddreg [dreg:$0x2]  }
0x1dd: {  	s0 =	sadd.s32 @!p0 $0x100000, s0  }
0x1de: {  	[sflag:s0] =	ssyncadd.tile.s32 @!p0 $0x1;
	_ =	shalt  }
.Lfunc_end2:
_tile_overlayer_lowered:
.L_overlay_start_2:
0x1df: {  	(tag) =	ssettag $0x2  }
0x1e0: {  	s0 =	rddreg [dreg:$0x0];
	s2 =	stileid.u32  }
0x1e1: {  	s1 =	rddreg [dreg:$0x1];
	p0 =	sne.s32 s2, $0x0  }
0x1e2: {  	s3 =	rddreg [dreg:$0x2];
	[bflag:$0x3] =	sbarrier.arrive $0xFFFF;
	s2 =	simm.s32 @!p0 $0x1C02  }
0x1e3: {  	[timem:s3], [sflag:s2] =	dma.local @!p0 [hbm:s0], s1  }
0x1e4: {  	s0 =	simm.s32 @!p0 $0x2  }
0x1e5: {  	_ =	swait.ge @!p0 [sflag:s0], s1  }
0x1e6: {  	s1 =	ssub.s32 @!p0 $0x0, s1;
	[sflag:s0] =	ssyncset.done @!p0 $0x0  }
0x1e7: {  	[sflag:s0] =	ssyncadd.s32 @!p0 s1  }
0x1e8: {  	[bflag:$0x3] =	sbarrier.arrive $0xFFFF  }
0x1e9: {  	_ =	shalt  }

</sc_bundles>
